<compile_context>
chip_gen: v7x
topology: tpu7x:2x2x1
jax: 0.10.2.dev20260603
libtpu: 0.0.44.dev20260713+nightly
codegen_flags: <defaults>
</compile_context>

<pallas_src>
import functools

import jax
import jax.numpy as jnp
from jax import lax
from jax.experimental import pallas as pl
from jax.experimental.pallas import tpu as pltpu
from jax.experimental.pallas import tpu_sc as plsc

BATCH = 16384
D = 64
PADW = 128
NC = 2
NS = 16
L = 16
NW = NC * NS
BPW = BATCH // NW
HALF = BPW // 2
NU = 1000000
NG = 100000
ITU = (NU + 127) // 128
ITG = (NG + 127) // 128
IPC = 2
SLOTW = IPC * 128
CPW_U = ITU // NW
CPW_G = ITG // NW
CPWC_U = CPW_U // IPC
CPWC_G = CPW_G // IPC
FULLC_U = 124
FULLC_G = 18
TAIL_LO_U = 7812 * 128
TAIL_LO_G = 780 * 128
NEMB = BATCH + L


def _splat(i):
    return jnp.zeros((L,), jnp.int32) + i


def _rd(ref, i):
    return plsc.load_gather(ref, [_splat(i)])[0]


def _sweep(tab, tailref, emb, sidb, pbb, stb, slots, rowbuf, semA, semB,
           semC, semsc, wid, cpwc, fullc31, tail_lo):
    base_c = wid * cpwc
    nfull = lax.select(wid == NW - 1, jnp.int32(fullc31), jnp.int32(cpwc))
    my_end = _rd(stb, wid + 1)
    p0 = _rd(stb, wid)

    jvecs = [jnp.arange(c * L, (c + 1) * L, dtype=jnp.int32)
             for c in range(D // L)]
    iota = lax.iota(jnp.int32, L)
    dump = BATCH + iota

    def fire(k, parity, sem):
        @pl.when(k < nfull)
        def _():
            col = pl.multiple_of((base_c + k) * SLOTW, 128)
            pltpu.async_copy(tab.at[:, pl.ds(col, SLOTW)],
                             slots.at[parity], sem)

    def drain_chunk(sem):
        pltpu.make_async_copy(tab.at[:, pl.ds(0, SLOTW)],
                              slots.at[0], sem).wait()

    fire(jnp.int32(0), 0, semA)
    fire(jnp.int32(1), 1, semB)

    def extract(carry, lo, slot_idx):
        hi = lo + SLOTW

        def cond(c):
            p, r, pbv, nf = c
            return jnp.logical_and(p < my_end, _rd(sidb, p) < hi)

        def body(c):
            p, r, pbv, nf = c
            sid = _rd(sidb, p)
            lane = sid - lo
            row = lax.rem(nf, 2) * L + r
            for cc in range(D // L):
                vals = plsc.load_gather(
                    slots, [_splat(slot_idx), jvecs[cc], _splat(lane)])
                rowbuf[row, pl.ds(cc * L, L)] = vals
            pbv = jnp.where(iota == r, _splat(_rd(pbb, p)), pbv)

            def flush(args):
                pbv_, nf_ = args
                @pl.when(nf_ > 0)
                def _():
                    pltpu.make_async_copy(
                        emb.at[pl.ds(0, L)], rowbuf.at[pl.ds(0, L)],
                        semsc).wait()
                half = pl.multiple_of(lax.rem(nf_, 2) * L, 8)
                pltpu.async_copy(rowbuf.at[pl.ds(half, L)],
                                 emb.at[pbv_], semsc)
                return dump, nf_ + 1

            pbv, nf = lax.cond(r == L - 1, flush,
                               lambda a: (a[0], a[1]), (pbv, nf))
            r = lax.rem(r + 1, L)
            return p + 1, r, pbv, nf

        return lax.while_loop(cond, body, carry)

    def triple(j, carry):
        k0 = j * 3
        for d, (par, sem) in enumerate([(0, semA), (1, semB), (2, semC)]):
            def live(c, k=k0 + d, par=par, sem=sem):
                fire(k + 2, (par + 2) % 3, [semA, semB, semC][(par + 2) % 3])
                drain_chunk(sem)
                return extract(c, (base_c + k) * SLOTW, jnp.int32(par))
            carry = lax.cond(k0 + d < nfull, live, lambda c: c, carry)
        return carry

    carry = (p0, jnp.int32(0), dump, jnp.int32(0))
    carry = lax.fori_loop(0, (fullc31 + 2) // 3, triple, carry)

    def tail(c):
        pltpu.sync_copy(tailref, slots.at[0])
        return extract(c, jnp.int32(tail_lo), jnp.int32(0))

    carry = lax.cond(wid == NW - 1, tail, lambda c: c, carry)

    p, r, pbv, nf = carry

    def final_flush(args):
        pbv_, nf_ = args
        @pl.when(nf_ > 0)
        def _():
            pltpu.make_async_copy(emb.at[pl.ds(0, L)],
                                  rowbuf.at[pl.ds(0, L)], semsc).wait()
        half = pl.multiple_of(lax.rem(nf_, 2) * L, 8)
        pltpu.async_copy(rowbuf.at[pl.ds(half, L)], emb.at[pbv_], semsc)
        return pbv_, nf_ + 1

    pbv, nf = lax.cond(r > 0, final_flush, lambda a: (a[0], a[1]), (pbv, nf))

    @pl.when(nf > 0)
    def _():
        pltpu.make_async_copy(emb.at[pl.ds(0, L)],
                              rowbuf.at[pl.ds(0, L)], semsc).wait()


def _k1_body(sid_u, pb_u, st_u, sid_g, pb_g, st_g, utab, gtab, utail, gtail,
             uemb, gemb, sidb, pbb, stb, slots, rowbuf, semA, semB, semC,
             semsc):
    wid = lax.axis_index("s") * NC + lax.axis_index("c")

    pltpu.sync_copy(sid_u, sidb)
    pltpu.sync_copy(pb_u, pbb)
    pltpu.sync_copy(st_u, stb)
    _sweep(utab, utail, uemb, sidb, pbb, stb, slots, rowbuf, semA, semB,
           semC, semsc, wid, CPWC_U, FULLC_U, TAIL_LO_U)

    pltpu.sync_copy(sid_g, sidb)
    pltpu.sync_copy(pb_g, pbb)
    pltpu.sync_copy(st_g, stb)
    _sweep(gtab, gtail, gemb, sidb, pbb, stb, slots, rowbuf, semA, semB,
           semC, semsc, wid, CPWC_G, FULLC_G, TAIL_LO_G)


def _k2_body(uemb, gemb, out, rows_u, rows_g, tbuf, out_v, sem):
    wid = lax.axis_index("s") * NC + lax.axis_index("c")
    base = wid * BPW
    lanes16 = lax.iota(jnp.int32, L) * L

    for half in range(2):
        hbase = base + half * HALF
        pltpu.sync_copy(uemb.at[pl.ds(hbase, HALF)], rows_u)
        pltpu.sync_copy(gemb.at[pl.ds(hbase, HALF)], rows_g)

        def group(g, carry):
            rbase = g * L
            for r in range(L):
                row = rbase + r
                acc = rows_u[row, pl.ds(0, L)] * rows_g[row, pl.ds(0, L)]
                for c in range(1, D // L):
                    acc = acc + (rows_u[row, pl.ds(c * L, L)] *
                                 rows_g[row, pl.ds(c * L, L)])
                tbuf[pl.ds(r * L, L)] = acc
            tot = plsc.load_gather(tbuf, [lanes16])
            for c in range(1, L):
                tot = tot + plsc.load_gather(tbuf, [lanes16 + c])
            sig = 1.0 / (1.0 + jnp.exp(-tot))
            out_v[pl.ds(half * HALF + rbase, L)] = sig
            return carry

        lax.fori_loop(0, HALF // L, group, 0)

    pltpu.sync_copy(out_v, out.at[pl.ds(base, BPW)])


@jax.jit
def _two_tower(user_ids, game_ids, user_t, game_t):
    iota = lax.iota(jnp.int32, BATCH)
    sid_u, pb_u = lax.sort_key_val(user_ids, iota)
    sid_g, pb_g = lax.sort_key_val(game_ids, iota)
    bnd_u = jnp.concatenate([jnp.arange(NW, dtype=jnp.int32) * (CPW_U * 128),
                             jnp.array([NU], jnp.int32)])
    bnd_g = jnp.concatenate([jnp.arange(NW, dtype=jnp.int32) * (CPW_G * 128),
                             jnp.array([NG], jnp.int32)])
    st_u = jnp.sum(sid_u[None, :] < bnd_u[:, None], axis=1,
                   dtype=jnp.int32)
    st_g = jnp.sum(sid_g[None, :] < bnd_g[:, None], axis=1,
                   dtype=jnp.int32)
    st_u = jnp.concatenate([st_u, jnp.zeros((7,), jnp.int32)])
    st_g = jnp.concatenate([st_g, jnp.zeros((7,), jnp.int32)])

    mesh = plsc.VectorSubcoreMesh(core_axis_name="c", subcore_axis_name="s")
    k1 = pl.kernel(
        _k1_body,
        out_type=(jax.ShapeDtypeStruct((NEMB, PADW), jnp.float32),
                  jax.ShapeDtypeStruct((NEMB, PADW), jnp.float32)),
        mesh=mesh,
        scratch_types=[
            pltpu.VMEM((BATCH,), jnp.int32),
            pltpu.VMEM((BATCH,), jnp.int32),
            pltpu.VMEM((NW + 8,), jnp.int32),
            pltpu.VMEM((3, D, SLOTW), jnp.float32),
            pltpu.VMEM((2 * L, PADW), jnp.float32),
            pltpu.SemaphoreType.DMA,
            pltpu.SemaphoreType.DMA,
            pltpu.SemaphoreType.DMA,
            pltpu.SemaphoreType.DMA,
        ],
        compiler_params=pltpu.CompilerParams(needs_layout_passes=False),
    )
    utail = jnp.pad(user_t[:, TAIL_LO_U:],
                    ((0, 0), (0, SLOTW - (NU - TAIL_LO_U))))
    gtail = jnp.pad(game_t[:, TAIL_LO_G:],
                    ((0, 0), (0, SLOTW - (NG - TAIL_LO_G))))
    uemb, gemb = k1(sid_u, pb_u, st_u, sid_g, pb_g, st_g, user_t, game_t,
                    utail, gtail)

    k2 = pl.kernel(
        _k2_body,
        out_type=jax.ShapeDtypeStruct((BATCH,), jnp.float32),
        mesh=mesh,
        scratch_types=[
            pltpu.VMEM((HALF, PADW), jnp.float32),
            pltpu.VMEM((HALF, PADW), jnp.float32),
            pltpu.VMEM((L * L,), jnp.float32),
            pltpu.VMEM((BPW,), jnp.float32),
            pltpu.SemaphoreType.DMA,
        ],
        compiler_params=pltpu.CompilerParams(needs_layout_passes=False),
    )
    return k2(uemb, gemb)


def kernel(user_ids, game_ids, user_table, game_table):
    user_ids = user_ids.astype(jnp.int32)
    game_ids = game_ids.astype(jnp.int32)
    return _two_tower(user_ids, game_ids, user_table.T, game_table.T)

# --- scband reference (transcript-rebuilt; emitter-appended) ---
"""Pipeline reference for scband-two-tower-model-75522704933213 (READ-ONLY COPY).

The authoritative reference and input builder live on the scoring server;
editing this copy changes nothing except your own understanding.
"""

import jax, jax.numpy as jnp
import numpy as np

NUM_USERS = 1000000
NUM_GAMES = 100000
EMBED_DIM = 64
BATCH = 16384

def setup_inputs(seed: int = 0) -> dict:
    key = jax.random.key(seed)
    k1, k2, k3, k4 = jax.random.split(key, 4)
    user_ids = jax.random.randint(k1, (BATCH,), 0, NUM_USERS, dtype=jnp.int64) if jax.config.jax_enable_x64 else jax.random.randint(k1, (BATCH,), 0, NUM_USERS, dtype=jnp.int32)
    game_ids = jax.random.randint(k2, (BATCH,), 0, NUM_GAMES, dtype=jnp.int32)
    user_table = jax.random.normal(k3, (NUM_USERS, EMBED_DIM), dtype=jnp.float32)
    game_table = jax.random.normal(k4, (NUM_GAMES, EMBED_DIM), dtype=jnp.float32)
    return {"user_ids": user_ids, "game_ids": game_ids, "user_table": user_table, "game_table": game_table}

def reference(user_ids, game_ids, user_table, game_table):
    user_embeds = jnp.take(user_table, user_ids, axis=0)
    game_embeds = jnp.take(game_table, game_ids, axis=0)
    scores = jnp.sum(user_embeds * game_embeds, axis=1)
    return jax.nn.sigmoid(scores)

if __name__ == "__main__":
    import jax
    _d = setup_inputs()
    print(jax.jit(kernel)(*tuple(_d.values())))

</pallas_src>

<mosaic_0001>
#map = affine_map<(d0, d1) -> (0)>
#map1 = affine_map<(d0, d1) -> (0, 0)>
module attributes {stable_mosaic.version = 14 : i64} {
  func.func @_k1_body(%arg0: i32, %arg1: i32, %arg2: memref<16384xi32, #tpu.memory_space<hbm>>, %arg3: memref<16384xi32, #tpu.memory_space<hbm>>, %arg4: memref<40xi32, #tpu.memory_space<hbm>>, %arg5: memref<16384xi32, #tpu.memory_space<hbm>>, %arg6: memref<16384xi32, #tpu.memory_space<hbm>>, %arg7: memref<40xi32, #tpu.memory_space<hbm>>, %arg8: memref<64x1000000xf32, #tpu.memory_space<hbm>>, %arg9: memref<64x100000xf32, #tpu.memory_space<hbm>>, %arg10: memref<64x256xf32, #tpu.memory_space<hbm>>, %arg11: memref<64x256xf32, #tpu.memory_space<hbm>>, %arg12: memref<16400x128xf32, #tpu.memory_space<hbm>>, %arg13: memref<16400x128xf32, #tpu.memory_space<hbm>>, %arg14: memref<16384xi32, #tpu.memory_space<vmem>>, %arg15: memref<16384xi32, #tpu.memory_space<vmem>>, %arg16: memref<40xi32, #tpu.memory_space<vmem>>, %arg17: memref<3x64x256xf32, #tpu.memory_space<vmem>>, %arg18: memref<32x128xf32, #tpu.memory_space<vmem>>, %arg19: memref<!tpu.dma_semaphore, #tpu.memory_space<semaphore_mem>>, %arg20: memref<!tpu.dma_semaphore, #tpu.memory_space<semaphore_mem>>, %arg21: memref<!tpu.dma_semaphore, #tpu.memory_space<semaphore_mem>>, %arg22: memref<!tpu.dma_semaphore, #tpu.memory_space<semaphore_mem>>) attributes {dimension_semantics = [#tpu.dimension_semantics<core_parallel>, #tpu.dimension_semantics<subcore_parallel>], iteration_bounds = array<i64: 2, 16>, scalar_prefetch = 0 : i64, scratch_operands = 9 : i64, tpu.core_type = #tpu.core_type<sc_vector_subcore>, window_params = [{transform_indices = #map}, {transform_indices = #map}, {transform_indices = #map}, {transform_indices = #map}, {transform_indices = #map}, {transform_indices = #map}, {transform_indices = #map1}, {transform_indices = #map1}, {transform_indices = #map1}, {transform_indices = #map1}, {transform_indices = #map1}, {transform_indices = #map1}]} {
    %mul3A = arith.constant 2 : i32
    %mul3A_0 = arith.muli %arg1, %mul3A : i32
    %add3A = arith.addi %mul3A_0, %arg0 : i32
    "tpu.region"() ({
      %run_scoped3A = tpu.sem_alloc : memref<!tpu.dma_semaphore, #tpu.memory_space<semaphore_mem>>
      tpu.enqueue_dma source(%arg2 : memref<16384xi32, #tpu.memory_space<hbm>>) target(%arg14 : memref<16384xi32, #tpu.memory_space<vmem>>) target_semaphore(%run_scoped3A : memref<!tpu.dma_semaphore, #tpu.memory_space<semaphore_mem>>)
      tpu.wait_dma2 semaphore(%run_scoped3A : memref<!tpu.dma_semaphore, #tpu.memory_space<semaphore_mem>>) src(%arg2 : memref<16384xi32, #tpu.memory_space<hbm>>) dst(%arg14 : memref<16384xi32, #tpu.memory_space<vmem>>)
      tpu.yield
    }) : () -> ()
    "tpu.region"() ({
      %run_scoped3A = tpu.sem_alloc : memref<!tpu.dma_semaphore, #tpu.memory_space<semaphore_mem>>
      tpu.enqueue_dma source(%arg3 : memref<16384xi32, #tpu.memory_space<hbm>>) target(%arg15 : memref<16384xi32, #tpu.memory_space<vmem>>) target_semaphore(%run_scoped3A : memref<!tpu.dma_semaphore, #tpu.memory_space<semaphore_mem>>)
      tpu.wait_dma2 semaphore(%run_scoped3A : memref<!tpu.dma_semaphore, #tpu.memory_space<semaphore_mem>>) src(%arg3 : memref<16384xi32, #tpu.memory_space<hbm>>) dst(%arg15 : memref<16384xi32, #tpu.memory_space<vmem>>)
      tpu.yield
    }) : () -> ()
    "tpu.region"() ({
      %run_scoped3A = tpu.sem_alloc : memref<!tpu.dma_semaphore, #tpu.memory_space<semaphore_mem>>
      tpu.enqueue_dma source(%arg4 : memref<40xi32, #tpu.memory_space<hbm>>) target(%arg16 : memref<40xi32, #tpu.memory_space<vmem>>) target_semaphore(%run_scoped3A : memref<!tpu.dma_semaphore, #tpu.memory_space<semaphore_mem>>)
      tpu.wait_dma2 semaphore(%run_scoped3A : memref<!tpu.dma_semaphore, #tpu.memory_space<semaphore_mem>>) src(%arg4 : memref<40xi32, #tpu.memory_space<hbm>>) dst(%arg16 : memref<40xi32, #tpu.memory_space<vmem>>)
      tpu.yield
    }) : () -> ()
    %mul3A_1 = arith.constant 122 : i32
    %mul3A_2 = arith.muli %add3A, %mul3A_1 : i32
    %eq3A = arith.constant 31 : i32
    %eq3A_3 = arith.cmpi eq, %add3A, %eq3A : i32
    %select_n3A = arith.constant 122 : i32
    %select_n3A_4 = arith.constant 124 : i32
    %select_n3A_5 = arith.select %eq3A_3, %select_n3A_4, %select_n3A : i32
    %add3A_6 = arith.constant 1 : i32
    %add3A_7 = arith.addi %add3A, %add3A_6 : i32
    %broadcast_in_dim3A = arith.constant 0 : i32
    %broadcast_in_dim3A_8 = vector.broadcast %broadcast_in_dim3A : i32 to vector<16xi32>
    %add3A_9 = vector.broadcast %add3A_7 : i32 to vector<16xi32>
    %add3A_10 = arith.addi %broadcast_in_dim3A_8, %add3A_9 : vector<16xi32>
    %gather3A = tpu.vector_load_idx %arg16[%add3A_10] : memref<40xi32, #tpu.memory_space<vmem>>[vector<16xi32>], vector<16xi32>,
    %slice3A = vector.extract_strided_slice %gather3A {offsets = [0], sizes = [1], strides = [1]} : vector<16xi32> to vector<1xi32>
    %squeeze3A = vector.extract %slice3A[0] : i32 from vector<1xi32>
    %broadcast_in_dim3A_11 = arith.constant 0 : i32
    %broadcast_in_dim3A_12 = vector.broadcast %broadcast_in_dim3A_11 : i32 to vector<16xi32>
    %add3A_13 = vector.broadcast %add3A : i32 to vector<16xi32>
    %add3A_14 = arith.addi %broadcast_in_dim3A_12, %add3A_13 : vector<16xi32>
    %gather3A_15 = tpu.vector_load_idx %arg16[%add3A_14] : memref<40xi32, #tpu.memory_space<vmem>>[vector<16xi32>], vector<16xi32>,
    %slice3A_16 = vector.extract_strided_slice %gather3A_15 {offsets = [0], sizes = [1], strides = [1]} : vector<16xi32> to vector<1xi32>
    %squeeze3A_17 = vector.extract %slice3A_16[0] : i32 from vector<1xi32>
    %iota3A = tpu.iota {dimensions = array<i32: 0>} : vector<16xi32>
    %iota3A_18 = tpu.iota {dimensions = array<i32: 0>} : vector<16xi32>
    %add3A_19 = arith.constant 16 : i32
    %add3A_20 = vector.broadcast %add3A_19 : i32 to vector<16xi32>
    %add3A_21 = arith.addi %add3A_20, %iota3A_18 : vector<16xi32>
    %iota3A_22 = tpu.iota {dimensions = array<i32: 0>} : vector<16xi32>
    %add3A_23 = arith.constant 32 : i32
    %add3A_24 = vector.broadcast %add3A_23 : i32 to vector<16xi32>
    %add3A_25 = arith.addi %add3A_24, %iota3A_22 : vector<16xi32>
    %iota3A_26 = tpu.iota {dimensions = array<i32: 0>} : vector<16xi32>
    %add3A_27 = arith.constant 48 : i32
    %add3A_28 = vector.broadcast %add3A_27 : i32 to vector<16xi32>
    %add3A_29 = arith.addi %add3A_28, %iota3A_26 : vector<16xi32>
    %iota3A_30 = tpu.iota {dimensions = array<i32: 0>} : vector<16xi32>
    %add3A_31 = arith.constant 16384 : i32
    %add3A_32 = vector.broadcast %add3A_31 : i32 to vector<16xi32>
    %add3A_33 = arith.addi %add3A_32, %iota3A_30 : vector<16xi32>
    %lt3A = arith.constant 0 : i32
    %lt3A_34 = arith.cmpi slt, %lt3A, %select_n3A_5 : i32
    %convert_element_type3A = arith.extui %lt3A_34 : i1 to i32
    %cond3A = arith.constant 0 : i32
    %cond3A_35 = arith.constant 0 : i32
    %cond3A_36 = arith.cmpi ne, %convert_element_type3A, %cond3A_35 : i32
    scf.if %cond3A_36 {
      %add3A_143 = arith.addi %mul3A_2, %cond3A : i32
      %mul3A_144 = arith.constant 256 : i32
      %mul3A_145 = arith.muli %add3A_143, %mul3A_144 : i32
      %multiple_of3A = tpu.assume_multiple %mul3A_145, 128 : i32
      %dma_start3A = arith.constant 0 : i32
      %dma_start3A_146 = arith.constant 0 : i32
      %dma_start3A_147 = arith.constant 0 : i32
      %dma_start3A_148 = tpu.memref_slice %arg17[%dma_start3A, %dma_start3A_146, %dma_start3A_147] : memref<3x64x256xf32, #tpu.memory_space<vmem>> -> memref<1x64x256xf32, #tpu.memory_space<vmem>>
      %dma_start3A_149 = tpu.memref_squeeze %dma_start3A_148 : memref<1x64x256xf32, #tpu.memory_space<vmem>> -> memref<64x256xf32, #tpu.memory_space<vmem>>
      %dma_start3A_150 = arith.constant 0 : i32
      %dma_start3A_151 = tpu.memref_slice %arg8[%dma_start3A_150, %multiple_of3A] : memref<64x1000000xf32, #tpu.memory_space<hbm>> -> memref<64x256xf32, #tpu.memory_space<hbm>>
      %dma_start3A_152 = arith.constant 0 : i32
      %dma_start3A_153 = arith.constant 0 : i32
      %dma_start3A_154 = tpu.memref_slice %arg17[%dma_start3A, %dma_start3A_152, %dma_start3A_153] : memref<3x64x256xf32, #tpu.memory_space<vmem>> -> memref<1x64x256xf32, #tpu.memory_space<vmem>>
      %dma_start3A_155 = tpu.memref_squeeze %dma_start3A_154 : memref<1x64x256xf32, #tpu.memory_space<vmem>> -> memref<64x256xf32, #tpu.memory_space<vmem>>
      %dma_start3A_156 = arith.constant 0 : i32
      %dma_start3A_157 = tpu.memref_slice %arg8[%dma_start3A_156, %multiple_of3A] : memref<64x1000000xf32, #tpu.memory_space<hbm>> -> memref<64x256xf32, #tpu.memory_space<hbm>>
      tpu.enqueue_dma source(%dma_start3A_157 : memref<64x256xf32, #tpu.memory_space<hbm>>) target(%dma_start3A_155 : memref<64x256xf32, #tpu.memory_space<vmem>>) target_semaphore(%arg19 : memref<!tpu.dma_semaphore, #tpu.memory_space<semaphore_mem>>)
    } else {
    }
    %lt3A_37 = arith.constant 1 : i32
    %lt3A_38 = arith.cmpi slt, %lt3A_37, %select_n3A_5 : i32
    %convert_element_type3A_39 = arith.extui %lt3A_38 : i1 to i32
    %cond3A_40 = arith.constant 1 : i32
    %cond3A_41 = arith.constant 0 : i32
    %cond3A_42 = arith.cmpi ne, %convert_element_type3A_39, %cond3A_41 : i32
    scf.if %cond3A_42 {
      %add3A_143 = arith.addi %mul3A_2, %cond3A_40 : i32
      %mul3A_144 = arith.constant 256 : i32
      %mul3A_145 = arith.muli %add3A_143, %mul3A_144 : i32
      %multiple_of3A = tpu.assume_multiple %mul3A_145, 128 : i32
      %dma_start3A = arith.constant 1 : i32
      %dma_start3A_146 = arith.constant 0 : i32
      %dma_start3A_147 = arith.constant 0 : i32
      %dma_start3A_148 = tpu.memref_slice %arg17[%dma_start3A, %dma_start3A_146, %dma_start3A_147] : memref<3x64x256xf32, #tpu.memory_space<vmem>> -> memref<1x64x256xf32, #tpu.memory_space<vmem>>
      %dma_start3A_149 = tpu.memref_squeeze %dma_start3A_148 : memref<1x64x256xf32, #tpu.memory_space<vmem>> -> memref<64x256xf32, #tpu.memory_space<vmem>>
      %dma_start3A_150 = arith.constant 0 : i32
      %dma_start3A_151 = tpu.memref_slice %arg8[%dma_start3A_150, %multiple_of3A] : memref<64x1000000xf32, #tpu.memory_space<hbm>> -> memref<64x256xf32, #tpu.memory_space<hbm>>
      %dma_start3A_152 = arith.constant 0 : i32
      %dma_start3A_153 = arith.constant 0 : i32
      %dma_start3A_154 = tpu.memref_slice %arg17[%dma_start3A, %dma_start3A_152, %dma_start3A_153] : memref<3x64x256xf32, #tpu.memory_space<vmem>> -> memref<1x64x256xf32, #tpu.memory_space<vmem>>
      %dma_start3A_155 = tpu.memref_squeeze %dma_start3A_154 : memref<1x64x256xf32, #tpu.memory_space<vmem>> -> memref<64x256xf32, #tpu.memory_space<vmem>>
      %dma_start3A_156 = arith.constant 0 : i32
      %dma_start3A_157 = tpu.memref_slice %arg8[%dma_start3A_156, %multiple_of3A] : memref<64x1000000xf32, #tpu.memory_space<hbm>> -> memref<64x256xf32, #tpu.memory_space<hbm>>
      tpu.enqueue_dma source(%dma_start3A_157 : memref<64x256xf32, #tpu.memory_space<hbm>>) target(%dma_start3A_155 : memref<64x256xf32, #tpu.memory_space<vmem>>) target_semaphore(%arg20 : memref<!tpu.dma_semaphore, #tpu.memory_space<semaphore_mem>>)
    } else {
    }
    %scan3A = arith.constant 0 : i32
    %scan3A_43 = arith.constant 0 : i32
    %scan3A_44 = arith.constant 0 : i32
    %scan3A_45 = arith.constant 42 : i32
    %scan3A_46 = arith.addi %scan3A_44, %scan3A_45 : i32
    %scan3A_47 = arith.constant 1 : i32
    %scan3A_48:4 = scf.for %scan3A_143 = %scan3A_44 to %scan3A_46 step %scan3A_47 iter_args(%scan3A_144 = %squeeze3A_17, %scan3A_145 = %scan3A, %scan3A_146 = %add3A_33, %scan3A_147 = %scan3A_43) -> (i32, i32, vector<16xi32>, i32)  : i32 {
      %mul3A_148 = arith.constant 3 : i32
      %mul3A_149 = arith.muli %scan3A_143, %mul3A_148 : i32
      %add3A_150 = arith.constant 0 : i32
      %add3A_151 = arith.addi %mul3A_149, %add3A_150 : i32
      %add3A_152 = arith.constant 0 : i32
      %add3A_153 = arith.addi %mul3A_149, %add3A_152 : i32
      %lt3A_154 = arith.cmpi slt, %add3A_153, %select_n3A_5 : i32
      %convert_element_type3A_155 = arith.extui %lt3A_154 : i1 to i32
      %cond3A_156 = arith.constant 0 : i32
      %cond3A_157 = arith.cmpi ne, %convert_element_type3A_155, %cond3A_156 : i32
      %cond3A_158:4 = scf.if %cond3A_157 -> (i32, i32, vector<16xi32>, i32) {
        %add3A_177 = arith.constant 2 : i32
        %add3A_178 = arith.addi %add3A_151, %add3A_177 : i32
        %lt3A_179 = arith.cmpi slt, %add3A_178, %select_n3A_5 : i32
        %convert_element_type3A_180 = arith.extui %lt3A_179 : i1 to i32
        %cond3A_181 = arith.constant 0 : i32
        %cond3A_182 = arith.cmpi ne, %convert_element_type3A_180, %cond3A_181 : i32
        scf.if %cond3A_182 {
          %add3A_203 = arith.addi %mul3A_2, %add3A_178 : i32
          %mul3A_204 = arith.constant 256 : i32
          %mul3A_205 = arith.muli %add3A_203, %mul3A_204 : i32
          %multiple_of3A = tpu.assume_multiple %mul3A_205, 128 : i32
          %dma_start3A = arith.constant 2 : i32
          %dma_start3A_206 = arith.constant 0 : i32
          %dma_start3A_207 = arith.constant 0 : i32
          %dma_start3A_208 = tpu.memref_slice %arg17[%dma_start3A, %dma_start3A_206, %dma_start3A_207] : memref<3x64x256xf32, #tpu.memory_space<vmem>> -> memref<1x64x256xf32, #tpu.memory_space<vmem>>
          %dma_start3A_209 = tpu.memref_squeeze %dma_start3A_208 : memref<1x64x256xf32, #tpu.memory_space<vmem>> -> memref<64x256xf32, #tpu.memory_space<vmem>>
          %dma_start3A_210 = arith.constant 0 : i32
          %dma_start3A_211 = tpu.memref_slice %arg8[%dma_start3A_210, %multiple_of3A] : memref<64x1000000xf32, #tpu.memory_space<hbm>> -> memref<64x256xf32, #tpu.memory_space<hbm>>
          %dma_start3A_212 = arith.constant 0 : i32
          %dma_start3A_213 = arith.constant 0 : i32
          %dma_start3A_214 = tpu.memref_slice %arg17[%dma_start3A, %dma_start3A_212, %dma_start3A_213] : memref<3x64x256xf32, #tpu.memory_space<vmem>> -> memref<1x64x256xf32, #tpu.memory_space<vmem>>
          %dma_start3A_215 = tpu.memref_squeeze %dma_start3A_214 : memref<1x64x256xf32, #tpu.memory_space<vmem>> -> memref<64x256xf32, #tpu.memory_space<vmem>>
          %dma_start3A_216 = arith.constant 0 : i32
          %dma_start3A_217 = tpu.memref_slice %arg8[%dma_start3A_216, %multiple_of3A] : memref<64x1000000xf32, #tpu.memory_space<hbm>> -> memref<64x256xf32, #tpu.memory_space<hbm>>
          tpu.enqueue_dma source(%dma_start3A_217 : memref<64x256xf32, #tpu.memory_space<hbm>>) target(%dma_start3A_215 : memref<64x256xf32, #tpu.memory_space<vmem>>) target_semaphore(%arg21 : memref<!tpu.dma_semaphore, #tpu.memory_space<semaphore_mem>>)
        } else {
        }
        %dma_wait3A = arith.constant 0 : i32
        %dma_wait3A_183 = arith.constant 0 : i32
        %dma_wait3A_184 = arith.constant 0 : i32
        %dma_wait3A_185 = tpu.memref_slice %arg17[%dma_wait3A, %dma_wait3A_183, %dma_wait3A_184] : memref<3x64x256xf32, #tpu.memory_space<vmem>> -> memref<1x64x256xf32, #tpu.memory_space<vmem>>
        %dma_wait3A_186 = tpu.memref_squeeze %dma_wait3A_185 : memref<1x64x256xf32, #tpu.memory_space<vmem>> -> memref<64x256xf32, #tpu.memory_space<vmem>>
        %dma_wait3A_187 = arith.constant 0 : i32
        %dma_wait3A_188 = arith.constant 0 : i32
        %dma_wait3A_189 = tpu.memref_slice %arg8[%dma_wait3A_187, %dma_wait3A_188] : memref<64x1000000xf32, #tpu.memory_space<hbm>> -> memref<64x256xf32, #tpu.memory_space<hbm>>
        %dma_wait3A_190 = arith.constant 0 : i32
        %dma_wait3A_191 = arith.constant 0 : i32
        %dma_wait3A_192 = tpu.memref_slice %arg17[%dma_wait3A, %dma_wait3A_190, %dma_wait3A_191] : memref<3x64x256xf32, #tpu.memory_space<vmem>> -> memref<1x64x256xf32, #tpu.memory_space<vmem>>
        %dma_wait3A_193 = tpu.memref_squeeze %dma_wait3A_192 : memref<1x64x256xf32, #tpu.memory_space<vmem>> -> memref<64x256xf32, #tpu.memory_space<vmem>>
        %dma_wait3A_194 = arith.constant 0 : i32
        %dma_wait3A_195 = arith.constant 0 : i32
        %dma_wait3A_196 = tpu.memref_slice %arg8[%dma_wait3A_194, %dma_wait3A_195] : memref<64x1000000xf32, #tpu.memory_space<hbm>> -> memref<64x256xf32, #tpu.memory_space<hbm>>
        tpu.wait_dma2 semaphore(%arg19 : memref<!tpu.dma_semaphore, #tpu.memory_space<semaphore_mem>>) src(%dma_wait3A_196 : memref<64x256xf32, #tpu.memory_space<hbm>>) dst(%dma_wait3A_193 : memref<64x256xf32, #tpu.memory_space<vmem>>)
        %add3A_197 = arith.addi %mul3A_2, %add3A_151 : i32
        %mul3A_198 = arith.constant 256 : i32
        %mul3A_199 = arith.muli %add3A_197, %mul3A_198 : i32
        %add3A_200 = arith.constant 256 : i32
        %add3A_201 = arith.addi %mul3A_199, %add3A_200 : i32
        %while3A = arith.constant 0 : i32
        %while3A_202:4 = scf.while (%while3A_203 = %scan3A_144, %while3A_204 = %scan3A_145, %while3A_205 = %scan3A_146, %while3A_206 = %scan3A_147) : (i32, i32, vector<16xi32>, i32) -> (i32, i32, vector<16xi32>, i32) {
          %lt3A_207 = arith.cmpi slt, %while3A_203, %squeeze3A : i32
          %broadcast_in_dim3A_208 = arith.constant 0 : i32
          %broadcast_in_dim3A_209 = vector.broadcast %broadcast_in_dim3A_208 : i32 to vector<16xi32>
          %add3A_210 = vector.broadcast %while3A_203 : i32 to vector<16xi32>
          %add3A_211 = arith.addi %broadcast_in_dim3A_209, %add3A_210 : vector<16xi32>
          %gather3A_212 = tpu.vector_load_idx %arg14[%add3A_211] : memref<16384xi32, #tpu.memory_space<vmem>>[vector<16xi32>], vector<16xi32>,
          %slice3A_213 = vector.extract_strided_slice %gather3A_212 {offsets = [0], sizes = [1], strides = [1]} : vector<16xi32> to vector<1xi32>
          %squeeze3A_214 = vector.extract %slice3A_213[0] : i32 from vector<1xi32>
          %lt3A_215 = arith.cmpi slt, %squeeze3A_214, %add3A_201 : i32
          %and3A = arith.andi %lt3A_207, %lt3A_215 : i1
          scf.condition(%and3A) %while3A_203, %while3A_204, %while3A_205, %while3A_206 : i32, i32, vector<16xi32>, i32
        } do {
        ^bb0(%while3A_203: i32, %while3A_204: i32, %while3A_205: vector<16xi32>, %while3A_206: i32):
          %broadcast_in_dim3A_207 = arith.constant 0 : i32
          %broadcast_in_dim3A_208 = vector.broadcast %broadcast_in_dim3A_207 : i32 to vector<16xi32>
          %add3A_209 = vector.broadcast %while3A_203 : i32 to vector<16xi32>
          %add3A_210 = arith.addi %broadcast_in_dim3A_208, %add3A_209 : vector<16xi32>
          %gather3A_211 = tpu.vector_load_idx %arg14[%add3A_210] : memref<16384xi32, #tpu.memory_space<vmem>>[vector<16xi32>], vector<16xi32>,
          %slice3A_212 = vector.extract_strided_slice %gather3A_211 {offsets = [0], sizes = [1], strides = [1]} : vector<16xi32> to vector<1xi32>
          %squeeze3A_213 = vector.extract %slice3A_212[0] : i32 from vector<1xi32>
          %sub3A = arith.subi %squeeze3A_213, %mul3A_199 : i32
          %rem3A = arith.constant 2 : i32
          %rem3A_214 = arith.remsi %while3A_206, %rem3A : i32
          %mul3A_215 = arith.constant 16 : i32
          %mul3A_216 = arith.muli %rem3A_214, %mul3A_215 : i32
          %add3A_217 = arith.addi %mul3A_216, %while3A_204 : i32
          %broadcast_in_dim3A_218 = arith.constant 0 : i32
          %broadcast_in_dim3A_219 = vector.broadcast %broadcast_in_dim3A_218 : i32 to vector<16xi32>
          %add3A_220 = vector.broadcast %while3A : i32 to vector<16xi32>
          %add3A_221 = arith.addi %broadcast_in_dim3A_219, %add3A_220 : vector<16xi32>
          %broadcast_in_dim3A_222 = arith.constant 0 : i32
          %broadcast_in_dim3A_223 = vector.broadcast %broadcast_in_dim3A_222 : i32 to vector<16xi32>
          %add3A_224 = vector.broadcast %sub3A : i32 to vector<16xi32>
          %add3A_225 = arith.addi %broadcast_in_dim3A_223, %add3A_224 : vector<16xi32>
          %gather3A_226 = tpu.vector_load_idx %arg17[%add3A_221, %iota3A, %add3A_225] : memref<3x64x256xf32, #tpu.memory_space<vmem>>[vector<16xi32>, vector<16xi32>, vector<16xi32>], vector<16xf32>,
          %swap3A = arith.index_cast %add3A_217 : i32 to index
          %swap3A_227 = arith.constant 0 : index
          %swap3A_228 = tpu.vector_load %arg18[%swap3A, %swap3A_227] {strides = array<i32>} : memref<32x128xf32, #tpu.memory_space<vmem>>, vector<16xf32>,
          tpu.vector_store %arg18[%swap3A, %swap3A_227], %gather3A_226 {strides = array<i32>} : memref<32x128xf32, #tpu.memory_space<vmem>>, vector<16xf32>,
          %broadcast_in_dim3A_229 = arith.constant 0 : i32
          %broadcast_in_dim3A_230 = vector.broadcast %broadcast_in_dim3A_229 : i32 to vector<16xi32>
          %add3A_231 = vector.broadcast %while3A : i32 to vector<16xi32>
          %add3A_232 = arith.addi %broadcast_in_dim3A_230, %add3A_231 : vector<16xi32>
          %broadcast_in_dim3A_233 = arith.constant 0 : i32
          %broadcast_in_dim3A_234 = vector.broadcast %broadcast_in_dim3A_233 : i32 to vector<16xi32>
          %add3A_235 = vector.broadcast %sub3A : i32 to vector<16xi32>
          %add3A_236 = arith.addi %broadcast_in_dim3A_234, %add3A_235 : vector<16xi32>
          %gather3A_237 = tpu.vector_load_idx %arg17[%add3A_232, %add3A_21, %add3A_236] : memref<3x64x256xf32, #tpu.memory_space<vmem>>[vector<16xi32>, vector<16xi32>, vector<16xi32>], vector<16xf32>,
          %swap3A_238 = arith.index_cast %add3A_217 : i32 to index
          %swap3A_239 = arith.constant 16 : index
          %swap3A_240 = tpu.vector_load %arg18[%swap3A_238, %swap3A_239] {strides = array<i32>} : memref<32x128xf32, #tpu.memory_space<vmem>>, vector<16xf32>,
          tpu.vector_store %arg18[%swap3A_238, %swap3A_239], %gather3A_237 {strides = array<i32>} : memref<32x128xf32, #tpu.memory_space<vmem>>, vector<16xf32>,
          %broadcast_in_dim3A_241 = arith.constant 0 : i32
          %broadcast_in_dim3A_242 = vector.broadcast %broadcast_in_dim3A_241 : i32 to vector<16xi32>
          %add3A_243 = vector.broadcast %while3A : i32 to vector<16xi32>
          %add3A_244 = arith.addi %broadcast_in_dim3A_242, %add3A_243 : vector<16xi32>
          %broadcast_in_dim3A_245 = arith.constant 0 : i32
          %broadcast_in_dim3A_246 = vector.broadcast %broadcast_in_dim3A_245 : i32 to vector<16xi32>
          %add3A_247 = vector.broadcast %sub3A : i32 to vector<16xi32>
          %add3A_248 = arith.addi %broadcast_in_dim3A_246, %add3A_247 : vector<16xi32>
          %gather3A_249 = tpu.vector_load_idx %arg17[%add3A_244, %add3A_25, %add3A_248] : memref<3x64x256xf32, #tpu.memory_space<vmem>>[vector<16xi32>, vector<16xi32>, vector<16xi32>], vector<16xf32>,
          %swap3A_250 = arith.index_cast %add3A_217 : i32 to index
          %swap3A_251 = arith.constant 32 : index
          %swap3A_252 = tpu.vector_load %arg18[%swap3A_250, %swap3A_251] {strides = array<i32>} : memref<32x128xf32, #tpu.memory_space<vmem>>, vector<16xf32>,
          tpu.vector_store %arg18[%swap3A_250, %swap3A_251], %gather3A_249 {strides = array<i32>} : memref<32x128xf32, #tpu.memory_space<vmem>>, vector<16xf32>,
          %broadcast_in_dim3A_253 = arith.constant 0 : i32
          %broadcast_in_dim3A_254 = vector.broadcast %broadcast_in_dim3A_253 : i32 to vector<16xi32>
          %add3A_255 = vector.broadcast %while3A : i32 to vector<16xi32>
          %add3A_256 = arith.addi %broadcast_in_dim3A_254, %add3A_255 : vector<16xi32>
          %broadcast_in_dim3A_257 = arith.constant 0 : i32
          %broadcast_in_dim3A_258 = vector.broadcast %broadcast_in_dim3A_257 : i32 to vector<16xi32>
          %add3A_259 = vector.broadcast %sub3A : i32 to vector<16xi32>
          %add3A_260 = arith.addi %broadcast_in_dim3A_258, %add3A_259 : vector<16xi32>
          %gather3A_261 = tpu.vector_load_idx %arg17[%add3A_256, %add3A_29, %add3A_260] : memref<3x64x256xf32, #tpu.memory_space<vmem>>[vector<16xi32>, vector<16xi32>, vector<16xi32>], vector<16xf32>,
          %swap3A_262 = arith.index_cast %add3A_217 : i32 to index
          %swap3A_263 = arith.constant 48 : index
          %swap3A_264 = tpu.vector_load %arg18[%swap3A_262, %swap3A_263] {strides = array<i32>} : memref<32x128xf32, #tpu.memory_space<vmem>>, vector<16xf32>,
          tpu.vector_store %arg18[%swap3A_262, %swap3A_263], %gather3A_261 {strides = array<i32>} : memref<32x128xf32, #tpu.memory_space<vmem>>, vector<16xf32>,
          %eq3A_265 = vector.broadcast %while3A_204 : i32 to vector<16xi32>
          %eq3A_266 = arith.cmpi eq, %iota3A_30, %eq3A_265 : vector<16xi32>
          %broadcast_in_dim3A_267 = arith.constant 0 : i32
          %broadcast_in_dim3A_268 = vector.broadcast %broadcast_in_dim3A_267 : i32 to vector<16xi32>
          %add3A_269 = vector.broadcast %while3A_203 : i32 to vector<16xi32>
          %add3A_270 = arith.addi %broadcast_in_dim3A_268, %add3A_269 : vector<16xi32>
          %gather3A_271 = tpu.vector_load_idx %arg15[%add3A_270] : memref<16384xi32, #tpu.memory_space<vmem>>[vector<16xi32>], vector<16xi32>,
          %slice3A_272 = vector.extract_strided_slice %gather3A_271 {offsets = [0], sizes = [1], strides = [1]} : vector<16xi32> to vector<1xi32>
          %squeeze3A_273 = vector.extract %slice3A_272[0] : i32 from vector<1xi32>
          %broadcast_in_dim3A_274 = arith.constant 0 : i32
          %broadcast_in_dim3A_275 = vector.broadcast %broadcast_in_dim3A_274 : i32 to vector<16xi32>
          %add3A_276 = vector.broadcast %squeeze3A_273 : i32 to vector<16xi32>
          %add3A_277 = arith.addi %broadcast_in_dim3A_275, %add3A_276 : vector<16xi32>
          %select_n3A_278 = arith.select %eq3A_266, %add3A_277, %while3A_205 : vector<16xi1>, vector<16xi32>
          %eq3A_279 = arith.constant 15 : i32
          %eq3A_280 = arith.cmpi eq, %while3A_204, %eq3A_279 : i32
          %convert_element_type3A_281 = arith.extui %eq3A_280 : i1 to i32
          %cond3A_282 = arith.constant 0 : i32
          %cond3A_283 = arith.cmpi ne, %convert_element_type3A_281, %cond3A_282 : i32
          %cond3A_284:2 = scf.if %cond3A_283 -> (vector<16xi32>, i32) {
            %gt3A_291 = arith.constant 0 : i32
            %gt3A_292 = arith.cmpi sgt, %while3A_206, %gt3A_291 : i32
            %convert_element_type3A_293 = arith.extui %gt3A_292 : i1 to i32
            %cond3A_294 = arith.constant 0 : i32
            %cond3A_295 = arith.cmpi ne, %convert_element_type3A_293, %cond3A_294 : i32
            scf.if %cond3A_295 {
              %dma_wait3A_306 = arith.constant 0 : i32
              %dma_wait3A_307 = arith.constant 0 : i32
              %dma_wait3A_308 = tpu.memref_slice %arg18[%dma_wait3A_306, %dma_wait3A_307] : memref<32x128xf32, #tpu.memory_space<vmem>> -> memref<16x128xf32, #tpu.memory_space<vmem>>
              %dma_wait3A_309 = arith.constant 0 : i32
              %dma_wait3A_310 = arith.constant 0 : i32
              %dma_wait3A_311 = tpu.memref_slice %arg12[%dma_wait3A_309, %dma_wait3A_310] : memref<16400x128xf32, #tpu.memory_space<hbm>> -> memref<16x128xf32, #tpu.memory_space<hbm>>
              %dma_wait3A_312 = arith.constant 0 : i32
              %dma_wait3A_313 = arith.constant 0 : i32
              %dma_wait3A_314 = tpu.memref_slice %arg18[%dma_wait3A_312, %dma_wait3A_313] : memref<32x128xf32, #tpu.memory_space<vmem>> -> memref<16x128xf32, #tpu.memory_space<vmem>>
              %dma_wait3A_315 = arith.constant 0 : i32
              %dma_wait3A_316 = arith.constant 0 : i32
              %dma_wait3A_317 = tpu.memref_slice %arg12[%dma_wait3A_315, %dma_wait3A_316] : memref<16400x128xf32, #tpu.memory_space<hbm>> -> memref<16x128xf32, #tpu.memory_space<hbm>>
              tpu.wait_dma2 semaphore(%arg22 : memref<!tpu.dma_semaphore, #tpu.memory_space<semaphore_mem>>) src(%dma_wait3A_317 : memref<16x128xf32, #tpu.memory_space<hbm>>) dst(%dma_wait3A_314 : memref<16x128xf32, #tpu.memory_space<vmem>>)
            } else {
            }
            %rem3A_296 = arith.constant 2 : i32
            %rem3A_297 = arith.remsi %while3A_206, %rem3A_296 : i32
            %mul3A_298 = arith.constant 16 : i32
            %mul3A_299 = arith.muli %rem3A_297, %mul3A_298 : i32
            %multiple_of3A = tpu.assume_multiple %mul3A_299, 8 : i32
            %dma_start3A = arith.constant 0 : i32
            %dma_start3A_300 = tpu.memref_slice %arg18[%multiple_of3A, %dma_start3A] : memref<32x128xf32, #tpu.memory_space<vmem>> -> memref<16x128xf32, #tpu.memory_space<vmem>>
            %dma_start3A_301 = arith.constant 0 : i32
            %dma_start3A_302 = arith.constant 0 : i32
            %dma_start3A_303 = tpu.memref_slice %arg12[%dma_start3A_301, %dma_start3A_302] : memref<16400x128xf32, #tpu.memory_space<hbm>> -> memref<16400x128xf32, #tpu.memory_space<hbm>>
            tpu.enqueue_indirect_dma source(%dma_start3A_300 : memref<16x128xf32, #tpu.memory_space<vmem>>) target(%dma_start3A_303 : memref<16400x128xf32, #tpu.memory_space<hbm>>) offsets(%select_n3A_278 : vector<16xi32>) semaphore(%arg22 : memref<!tpu.dma_semaphore, #tpu.memory_space<semaphore_mem>>)
            %add3A_304 = arith.constant 1 : i32
            %add3A_305 = arith.addi %while3A_206, %add3A_304 : i32
            scf.yield %add3A_33, %add3A_305 : vector<16xi32>, i32
          } else {
            scf.yield %select_n3A_278, %while3A_206 : vector<16xi32>, i32
          }
          %add3A_285 = arith.constant 1 : i32
          %add3A_286 = arith.addi %while3A_204, %add3A_285 : i32
          %rem3A_287 = arith.constant 16 : i32
          %rem3A_288 = arith.remsi %add3A_286, %rem3A_287 : i32
          %add3A_289 = arith.constant 1 : i32
          %add3A_290 = arith.addi %while3A_203, %add3A_289 : i32
          scf.yield %add3A_290, %rem3A_288, %cond3A_284#0, %cond3A_284#1 : i32, i32, vector<16xi32>, i32
        }
        scf.yield %while3A_202#0, %while3A_202#1, %while3A_202#2, %while3A_202#3 : i32, i32, vector<16xi32>, i32
      } else {
        scf.yield %scan3A_144, %scan3A_145, %scan3A_146, %scan3A_147 : i32, i32, vector<16xi32>, i32
      }
      %add3A_159 = arith.constant 1 : i32
      %add3A_160 = arith.addi %mul3A_149, %add3A_159 : i32
      %add3A_161 = arith.constant 1 : i32
      %add3A_162 = arith.addi %mul3A_149, %add3A_161 : i32
      %lt3A_163 = arith.cmpi slt, %add3A_162, %select_n3A_5 : i32
      %convert_element_type3A_164 = arith.extui %lt3A_163 : i1 to i32
      %cond3A_165 = arith.constant 0 : i32
      %cond3A_166 = arith.cmpi ne, %convert_element_type3A_164, %cond3A_165 : i32
      %cond3A_167:4 = scf.if %cond3A_166 -> (i32, i32, vector<16xi32>, i32) {
        %add3A_177 = arith.constant 2 : i32
        %add3A_178 = arith.addi %add3A_160, %add3A_177 : i32
        %lt3A_179 = arith.cmpi slt, %add3A_178, %select_n3A_5 : i32
        %convert_element_type3A_180 = arith.extui %lt3A_179 : i1 to i32
        %cond3A_181 = arith.constant 0 : i32
        %cond3A_182 = arith.cmpi ne, %convert_element_type3A_180, %cond3A_181 : i32
        scf.if %cond3A_182 {
          %add3A_203 = arith.addi %mul3A_2, %add3A_178 : i32
          %mul3A_204 = arith.constant 256 : i32
          %mul3A_205 = arith.muli %add3A_203, %mul3A_204 : i32
          %multiple_of3A = tpu.assume_multiple %mul3A_205, 128 : i32
          %dma_start3A = arith.constant 0 : i32
          %dma_start3A_206 = arith.constant 0 : i32
          %dma_start3A_207 = arith.constant 0 : i32
          %dma_start3A_208 = tpu.memref_slice %arg17[%dma_start3A, %dma_start3A_206, %dma_start3A_207] : memref<3x64x256xf32, #tpu.memory_space<vmem>> -> memref<1x64x256xf32, #tpu.memory_space<vmem>>
          %dma_start3A_209 = tpu.memref_squeeze %dma_start3A_208 : memref<1x64x256xf32, #tpu.memory_space<vmem>> -> memref<64x256xf32, #tpu.memory_space<vmem>>
          %dma_start3A_210 = arith.constant 0 : i32
          %dma_start3A_211 = tpu.memref_slice %arg8[%dma_start3A_210, %multiple_of3A] : memref<64x1000000xf32, #tpu.memory_space<hbm>> -> memref<64x256xf32, #tpu.memory_space<hbm>>
          %dma_start3A_212 = arith.constant 0 : i32
          %dma_start3A_213 = arith.constant 0 : i32
          %dma_start3A_214 = tpu.memref_slice %arg17[%dma_start3A, %dma_start3A_212, %dma_start3A_213] : memref<3x64x256xf32, #tpu.memory_space<vmem>> -> memref<1x64x256xf32, #tpu.memory_space<vmem>>
          %dma_start3A_215 = tpu.memref_squeeze %dma_start3A_214 : memref<1x64x256xf32, #tpu.memory_space<vmem>> -> memref<64x256xf32, #tpu.memory_space<vmem>>
          %dma_start3A_216 = arith.constant 0 : i32
          %dma_start3A_217 = tpu.memref_slice %arg8[%dma_start3A_216, %multiple_of3A] : memref<64x1000000xf32, #tpu.memory_space<hbm>> -> memref<64x256xf32, #tpu.memory_space<hbm>>
          tpu.enqueue_dma source(%dma_start3A_217 : memref<64x256xf32, #tpu.memory_space<hbm>>) target(%dma_start3A_215 : memref<64x256xf32, #tpu.memory_space<vmem>>) target_semaphore(%arg19 : memref<!tpu.dma_semaphore, #tpu.memory_space<semaphore_mem>>)
        } else {
        }
        %dma_wait3A = arith.constant 0 : i32
        %dma_wait3A_183 = arith.constant 0 : i32
        %dma_wait3A_184 = arith.constant 0 : i32
        %dma_wait3A_185 = tpu.memref_slice %arg17[%dma_wait3A, %dma_wait3A_183, %dma_wait3A_184] : memref<3x64x256xf32, #tpu.memory_space<vmem>> -> memref<1x64x256xf32, #tpu.memory_space<vmem>>
        %dma_wait3A_186 = tpu.memref_squeeze %dma_wait3A_185 : memref<1x64x256xf32, #tpu.memory_space<vmem>> -> memref<64x256xf32, #tpu.memory_space<vmem>>
        %dma_wait3A_187 = arith.constant 0 : i32
        %dma_wait3A_188 = arith.constant 0 : i32
        %dma_wait3A_189 = tpu.memref_slice %arg8[%dma_wait3A_187, %dma_wait3A_188] : memref<64x1000000xf32, #tpu.memory_space<hbm>> -> memref<64x256xf32, #tpu.memory_space<hbm>>
        %dma_wait3A_190 = arith.constant 0 : i32
        %dma_wait3A_191 = arith.constant 0 : i32
        %dma_wait3A_192 = tpu.memref_slice %arg17[%dma_wait3A, %dma_wait3A_190, %dma_wait3A_191] : memref<3x64x256xf32, #tpu.memory_space<vmem>> -> memref<1x64x256xf32, #tpu.memory_space<vmem>>
        %dma_wait3A_193 = tpu.memref_squeeze %dma_wait3A_192 : memref<1x64x256xf32, #tpu.memory_space<vmem>> -> memref<64x256xf32, #tpu.memory_space<vmem>>
        %dma_wait3A_194 = arith.constant 0 : i32
        %dma_wait3A_195 = arith.constant 0 : i32
        %dma_wait3A_196 = tpu.memref_slice %arg8[%dma_wait3A_194, %dma_wait3A_195] : memref<64x1000000xf32, #tpu.memory_space<hbm>> -> memref<64x256xf32, #tpu.memory_space<hbm>>
        tpu.wait_dma2 semaphore(%arg20 : memref<!tpu.dma_semaphore, #tpu.memory_space<semaphore_mem>>) src(%dma_wait3A_196 : memref<64x256xf32, #tpu.memory_space<hbm>>) dst(%dma_wait3A_193 : memref<64x256xf32, #tpu.memory_space<vmem>>)
        %add3A_197 = arith.addi %mul3A_2, %add3A_160 : i32
        %mul3A_198 = arith.constant 256 : i32
        %mul3A_199 = arith.muli %add3A_197, %mul3A_198 : i32
        %add3A_200 = arith.constant 256 : i32
        %add3A_201 = arith.addi %mul3A_199, %add3A_200 : i32
        %while3A = arith.constant 1 : i32
        %while3A_202:4 = scf.while (%while3A_203 = %cond3A_158#0, %while3A_204 = %cond3A_158#1, %while3A_205 = %cond3A_158#2, %while3A_206 = %cond3A_158#3) : (i32, i32, vector<16xi32>, i32) -> (i32, i32, vector<16xi32>, i32) {
          %lt3A_207 = arith.cmpi slt, %while3A_203, %squeeze3A : i32
          %broadcast_in_dim3A_208 = arith.constant 0 : i32
          %broadcast_in_dim3A_209 = vector.broadcast %broadcast_in_dim3A_208 : i32 to vector<16xi32>
          %add3A_210 = vector.broadcast %while3A_203 : i32 to vector<16xi32>
          %add3A_211 = arith.addi %broadcast_in_dim3A_209, %add3A_210 : vector<16xi32>
          %gather3A_212 = tpu.vector_load_idx %arg14[%add3A_211] : memref<16384xi32, #tpu.memory_space<vmem>>[vector<16xi32>], vector<16xi32>,
          %slice3A_213 = vector.extract_strided_slice %gather3A_212 {offsets = [0], sizes = [1], strides = [1]} : vector<16xi32> to vector<1xi32>
          %squeeze3A_214 = vector.extract %slice3A_213[0] : i32 from vector<1xi32>
          %lt3A_215 = arith.cmpi slt, %squeeze3A_214, %add3A_201 : i32
          %and3A = arith.andi %lt3A_207, %lt3A_215 : i1
          scf.condition(%and3A) %while3A_203, %while3A_204, %while3A_205, %while3A_206 : i32, i32, vector<16xi32>, i32
        } do {
        ^bb0(%while3A_203: i32, %while3A_204: i32, %while3A_205: vector<16xi32>, %while3A_206: i32):
          %broadcast_in_dim3A_207 = arith.constant 0 : i32
          %broadcast_in_dim3A_208 = vector.broadcast %broadcast_in_dim3A_207 : i32 to vector<16xi32>
          %add3A_209 = vector.broadcast %while3A_203 : i32 to vector<16xi32>
          %add3A_210 = arith.addi %broadcast_in_dim3A_208, %add3A_209 : vector<16xi32>
          %gather3A_211 = tpu.vector_load_idx %arg14[%add3A_210] : memref<16384xi32, #tpu.memory_space<vmem>>[vector<16xi32>], vector<16xi32>,
          %slice3A_212 = vector.extract_strided_slice %gather3A_211 {offsets = [0], sizes = [1], strides = [1]} : vector<16xi32> to vector<1xi32>
          %squeeze3A_213 = vector.extract %slice3A_212[0] : i32 from vector<1xi32>
          %sub3A = arith.subi %squeeze3A_213, %mul3A_199 : i32
          %rem3A = arith.constant 2 : i32
          %rem3A_214 = arith.remsi %while3A_206, %rem3A : i32
          %mul3A_215 = arith.constant 16 : i32
          %mul3A_216 = arith.muli %rem3A_214, %mul3A_215 : i32
          %add3A_217 = arith.addi %mul3A_216, %while3A_204 : i32
          %broadcast_in_dim3A_218 = arith.constant 0 : i32
          %broadcast_in_dim3A_219 = vector.broadcast %broadcast_in_dim3A_218 : i32 to vector<16xi32>
          %add3A_220 = vector.broadcast %while3A : i32 to vector<16xi32>
          %add3A_221 = arith.addi %broadcast_in_dim3A_219, %add3A_220 : vector<16xi32>
          %broadcast_in_dim3A_222 = arith.constant 0 : i32
          %broadcast_in_dim3A_223 = vector.broadcast %broadcast_in_dim3A_222 : i32 to vector<16xi32>
          %add3A_224 = vector.broadcast %sub3A : i32 to vector<16xi32>
          %add3A_225 = arith.addi %broadcast_in_dim3A_223, %add3A_224 : vector<16xi32>
          %gather3A_226 = tpu.vector_load_idx %arg17[%add3A_221, %iota3A, %add3A_225] : memref<3x64x256xf32, #tpu.memory_space<vmem>>[vector<16xi32>, vector<16xi32>, vector<16xi32>], vector<16xf32>,
          %swap3A = arith.index_cast %add3A_217 : i32 to index
          %swap3A_227 = arith.constant 0 : index
          %swap3A_228 = tpu.vector_load %arg18[%swap3A, %swap3A_227] {strides = array<i32>} : memref<32x128xf32, #tpu.memory_space<vmem>>, vector<16xf32>,
          tpu.vector_store %arg18[%swap3A, %swap3A_227], %gather3A_226 {strides = array<i32>} : memref<32x128xf32, #tpu.memory_space<vmem>>, vector<16xf32>,
          %broadcast_in_dim3A_229 = arith.constant 0 : i32
          %broadcast_in_dim3A_230 = vector.broadcast %broadcast_in_dim3A_229 : i32 to vector<16xi32>
          %add3A_231 = vector.broadcast %while3A : i32 to vector<16xi32>
          %add3A_232 = arith.addi %broadcast_in_dim3A_230, %add3A_231 : vector<16xi32>
          %broadcast_in_dim3A_233 = arith.constant 0 : i32
          %broadcast_in_dim3A_234 = vector.broadcast %broadcast_in_dim3A_233 : i32 to vector<16xi32>
          %add3A_235 = vector.broadcast %sub3A : i32 to vector<16xi32>
          %add3A_236 = arith.addi %broadcast_in_dim3A_234, %add3A_235 : vector<16xi32>
          %gather3A_237 = tpu.vector_load_idx %arg17[%add3A_232, %add3A_21, %add3A_236] : memref<3x64x256xf32, #tpu.memory_space<vmem>>[vector<16xi32>, vector<16xi32>, vector<16xi32>], vector<16xf32>,
          %swap3A_238 = arith.index_cast %add3A_217 : i32 to index
          %swap3A_239 = arith.constant 16 : index
          %swap3A_240 = tpu.vector_load %arg18[%swap3A_238, %swap3A_239] {strides = array<i32>} : memref<32x128xf32, #tpu.memory_space<vmem>>, vector<16xf32>,
          tpu.vector_store %arg18[%swap3A_238, %swap3A_239], %gather3A_237 {strides = array<i32>} : memref<32x128xf32, #tpu.memory_space<vmem>>, vector<16xf32>,
          %broadcast_in_dim3A_241 = arith.constant 0 : i32
          %broadcast_in_dim3A_242 = vector.broadcast %broadcast_in_dim3A_241 : i32 to vector<16xi32>
          %add3A_243 = vector.broadcast %while3A : i32 to vector<16xi32>
          %add3A_244 = arith.addi %broadcast_in_dim3A_242, %add3A_243 : vector<16xi32>
          %broadcast_in_dim3A_245 = arith.constant 0 : i32
          %broadcast_in_dim3A_246 = vector.broadcast %broadcast_in_dim3A_245 : i32 to vector<16xi32>
          %add3A_247 = vector.broadcast %sub3A : i32 to vector<16xi32>
          %add3A_248 = arith.addi %broadcast_in_dim3A_246, %add3A_247 : vector<16xi32>
          %gather3A_249 = tpu.vector_load_idx %arg17[%add3A_244, %add3A_25, %add3A_248] : memref<3x64x256xf32, #tpu.memory_space<vmem>>[vector<16xi32>, vector<16xi32>, vector<16xi32>], vector<16xf32>,
          %swap3A_250 = arith.index_cast %add3A_217 : i32 to index
          %swap3A_251 = arith.constant 32 : index
          %swap3A_252 = tpu.vector_load %arg18[%swap3A_250, %swap3A_251] {strides = array<i32>} : memref<32x128xf32, #tpu.memory_space<vmem>>, vector<16xf32>,
          tpu.vector_store %arg18[%swap3A_250, %swap3A_251], %gather3A_249 {strides = array<i32>} : memref<32x128xf32, #tpu.memory_space<vmem>>, vector<16xf32>,
          %broadcast_in_dim3A_253 = arith.constant 0 : i32
          %broadcast_in_dim3A_254 = vector.broadcast %broadcast_in_dim3A_253 : i32 to vector<16xi32>
          %add3A_255 = vector.broadcast %while3A : i32 to vector<16xi32>
          %add3A_256 = arith.addi %broadcast_in_dim3A_254, %add3A_255 : vector<16xi32>
          %broadcast_in_dim3A_257 = arith.constant 0 : i32
          %broadcast_in_dim3A_258 = vector.broadcast %broadcast_in_dim3A_257 : i32 to vector<16xi32>
          %add3A_259 = vector.broadcast %sub3A : i32 to vector<16xi32>
          %add3A_260 = arith.addi %broadcast_in_dim3A_258, %add3A_259 : vector<16xi32>
          %gather3A_261 = tpu.vector_load_idx %arg17[%add3A_256, %add3A_29, %add3A_260] : memref<3x64x256xf32, #tpu.memory_space<vmem>>[vector<16xi32>, vector<16xi32>, vector<16xi32>], vector<16xf32>,
          %swap3A_262 = arith.index_cast %add3A_217 : i32 to index
          %swap3A_263 = arith.constant 48 : index
          %swap3A_264 = tpu.vector_load %arg18[%swap3A_262, %swap3A_263] {strides = array<i32>} : memref<32x128xf32, #tpu.memory_space<vmem>>, vector<16xf32>,
          tpu.vector_store %arg18[%swap3A_262, %swap3A_263], %gather3A_261 {strides = array<i32>} : memref<32x128xf32, #tpu.memory_space<vmem>>, vector<16xf32>,
          %eq3A_265 = vector.broadcast %while3A_204 : i32 to vector<16xi32>
          %eq3A_266 = arith.cmpi eq, %iota3A_30, %eq3A_265 : vector<16xi32>
          %broadcast_in_dim3A_267 = arith.constant 0 : i32
          %broadcast_in_dim3A_268 = vector.broadcast %broadcast_in_dim3A_267 : i32 to vector<16xi32>
          %add3A_269 = vector.broadcast %while3A_203 : i32 to vector<16xi32>
          %add3A_270 = arith.addi %broadcast_in_dim3A_268, %add3A_269 : vector<16xi32>
          %gather3A_271 = tpu.vector_load_idx %arg15[%add3A_270] : memref<16384xi32, #tpu.memory_space<vmem>>[vector<16xi32>], vector<16xi32>,
          %slice3A_272 = vector.extract_strided_slice %gather3A_271 {offsets = [0], sizes = [1], strides = [1]} : vector<16xi32> to vector<1xi32>
          %squeeze3A_273 = vector.extract %slice3A_272[0] : i32 from vector<1xi32>
          %broadcast_in_dim3A_274 = arith.constant 0 : i32
          %broadcast_in_dim3A_275 = vector.broadcast %broadcast_in_dim3A_274 : i32 to vector<16xi32>
          %add3A_276 = vector.broadcast %squeeze3A_273 : i32 to vector<16xi32>
          %add3A_277 = arith.addi %broadcast_in_dim3A_275, %add3A_276 : vector<16xi32>
          %select_n3A_278 = arith.select %eq3A_266, %add3A_277, %while3A_205 : vector<16xi1>, vector<16xi32>
          %eq3A_279 = arith.constant 15 : i32
          %eq3A_280 = arith.cmpi eq, %while3A_204, %eq3A_279 : i32
          %convert_element_type3A_281 = arith.extui %eq3A_280 : i1 to i32
          %cond3A_282 = arith.constant 0 : i32
          %cond3A_283 = arith.cmpi ne, %convert_element_type3A_281, %cond3A_282 : i32
          %cond3A_284:2 = scf.if %cond3A_283 -> (vector<16xi32>, i32) {
            %gt3A_291 = arith.constant 0 : i32
            %gt3A_292 = arith.cmpi sgt, %while3A_206, %gt3A_291 : i32
            %convert_element_type3A_293 = arith.extui %gt3A_292 : i1 to i32
            %cond3A_294 = arith.constant 0 : i32
            %cond3A_295 = arith.cmpi ne, %convert_element_type3A_293, %cond3A_294 : i32
            scf.if %cond3A_295 {
              %dma_wait3A_306 = arith.constant 0 : i32
              %dma_wait3A_307 = arith.constant 0 : i32
              %dma_wait3A_308 = tpu.memref_slice %arg18[%dma_wait3A_306, %dma_wait3A_307] : memref<32x128xf32, #tpu.memory_space<vmem>> -> memref<16x128xf32, #tpu.memory_space<vmem>>
              %dma_wait3A_309 = arith.constant 0 : i32
              %dma_wait3A_310 = arith.constant 0 : i32
              %dma_wait3A_311 = tpu.memref_slice %arg12[%dma_wait3A_309, %dma_wait3A_310] : memref<16400x128xf32, #tpu.memory_space<hbm>> -> memref<16x128xf32, #tpu.memory_space<hbm>>
              %dma_wait3A_312 = arith.constant 0 : i32
              %dma_wait3A_313 = arith.constant 0 : i32
              %dma_wait3A_314 = tpu.memref_slice %arg18[%dma_wait3A_312, %dma_wait3A_313] : memref<32x128xf32, #tpu.memory_space<vmem>> -> memref<16x128xf32, #tpu.memory_space<vmem>>
              %dma_wait3A_315 = arith.constant 0 : i32
              %dma_wait3A_316 = arith.constant 0 : i32
              %dma_wait3A_317 = tpu.memref_slice %arg12[%dma_wait3A_315, %dma_wait3A_316] : memref<16400x128xf32, #tpu.memory_space<hbm>> -> memref<16x128xf32, #tpu.memory_space<hbm>>
              tpu.wait_dma2 semaphore(%arg22 : memref<!tpu.dma_semaphore, #tpu.memory_space<semaphore_mem>>) src(%dma_wait3A_317 : memref<16x128xf32, #tpu.memory_space<hbm>>) dst(%dma_wait3A_314 : memref<16x128xf32, #tpu.memory_space<vmem>>)
            } else {
            }
            %rem3A_296 = arith.constant 2 : i32
            %rem3A_297 = arith.remsi %while3A_206, %rem3A_296 : i32
            %mul3A_298 = arith.constant 16 : i32
            %mul3A_299 = arith.muli %rem3A_297, %mul3A_298 : i32
            %multiple_of3A = tpu.assume_multiple %mul3A_299, 8 : i32
            %dma_start3A = arith.constant 0 : i32
            %dma_start3A_300 = tpu.memref_slice %arg18[%multiple_of3A, %dma_start3A] : memref<32x128xf32, #tpu.memory_space<vmem>> -> memref<16x128xf32, #tpu.memory_space<vmem>>
            %dma_start3A_301 = arith.constant 0 : i32
            %dma_start3A_302 = arith.constant 0 : i32
            %dma_start3A_303 = tpu.memref_slice %arg12[%dma_start3A_301, %dma_start3A_302] : memref<16400x128xf32, #tpu.memory_space<hbm>> -> memref<16400x128xf32, #tpu.memory_space<hbm>>
            tpu.enqueue_indirect_dma source(%dma_start3A_300 : memref<16x128xf32, #tpu.memory_space<vmem>>) target(%dma_start3A_303 : memref<16400x128xf32, #tpu.memory_space<hbm>>) offsets(%select_n3A_278 : vector<16xi32>) semaphore(%arg22 : memref<!tpu.dma_semaphore, #tpu.memory_space<semaphore_mem>>)
            %add3A_304 = arith.constant 1 : i32
            %add3A_305 = arith.addi %while3A_206, %add3A_304 : i32
            scf.yield %add3A_33, %add3A_305 : vector<16xi32>, i32
          } else {
            scf.yield %select_n3A_278, %while3A_206 : vector<16xi32>, i32
          }
          %add3A_285 = arith.constant 1 : i32
          %add3A_286 = arith.addi %while3A_204, %add3A_285 : i32
          %rem3A_287 = arith.constant 16 : i32
          %rem3A_288 = arith.remsi %add3A_286, %rem3A_287 : i32
          %add3A_289 = arith.constant 1 : i32
          %add3A_290 = arith.addi %while3A_203, %add3A_289 : i32
          scf.yield %add3A_290, %rem3A_288, %cond3A_284#0, %cond3A_284#1 : i32, i32, vector<16xi32>, i32
        }
        scf.yield %while3A_202#0, %while3A_202#1, %while3A_202#2, %while3A_202#3 : i32, i32, vector<16xi32>, i32
      } else {
        scf.yield %cond3A_158#0, %cond3A_158#1, %cond3A_158#2, %cond3A_158#3 : i32, i32, vector<16xi32>, i32
      }
      %add3A_168 = arith.constant 2 : i32
      %add3A_169 = arith.addi %mul3A_149, %add3A_168 : i32
      %add3A_170 = arith.constant 2 : i32
      %add3A_171 = arith.addi %mul3A_149, %add3A_170 : i32
      %lt3A_172 = arith.cmpi slt, %add3A_171, %select_n3A_5 : i32
      %convert_element_type3A_173 = arith.extui %lt3A_172 : i1 to i32
      %cond3A_174 = arith.constant 0 : i32
      %cond3A_175 = arith.cmpi ne, %convert_element_type3A_173, %cond3A_174 : i32
      %cond3A_176:4 = scf.if %cond3A_175 -> (i32, i32, vector<16xi32>, i32) {
        %add3A_177 = arith.constant 2 : i32
        %add3A_178 = arith.addi %add3A_169, %add3A_177 : i32
        %lt3A_179 = arith.cmpi slt, %add3A_178, %select_n3A_5 : i32
        %convert_element_type3A_180 = arith.extui %lt3A_179 : i1 to i32
        %cond3A_181 = arith.constant 0 : i32
        %cond3A_182 = arith.cmpi ne, %convert_element_type3A_180, %cond3A_181 : i32
        scf.if %cond3A_182 {
          %add3A_203 = arith.addi %mul3A_2, %add3A_178 : i32
          %mul3A_204 = arith.constant 256 : i32
          %mul3A_205 = arith.muli %add3A_203, %mul3A_204 : i32
          %multiple_of3A = tpu.assume_multiple %mul3A_205, 128 : i32
          %dma_start3A = arith.constant 1 : i32
          %dma_start3A_206 = arith.constant 0 : i32
          %dma_start3A_207 = arith.constant 0 : i32
          %dma_start3A_208 = tpu.memref_slice %arg17[%dma_start3A, %dma_start3A_206, %dma_start3A_207] : memref<3x64x256xf32, #tpu.memory_space<vmem>> -> memref<1x64x256xf32, #tpu.memory_space<vmem>>
          %dma_start3A_209 = tpu.memref_squeeze %dma_start3A_208 : memref<1x64x256xf32, #tpu.memory_space<vmem>> -> memref<64x256xf32, #tpu.memory_space<vmem>>
          %dma_start3A_210 = arith.constant 0 : i32
          %dma_start3A_211 = tpu.memref_slice %arg8[%dma_start3A_210, %multiple_of3A] : memref<64x1000000xf32, #tpu.memory_space<hbm>> -> memref<64x256xf32, #tpu.memory_space<hbm>>
          %dma_start3A_212 = arith.constant 0 : i32
          %dma_start3A_213 = arith.constant 0 : i32
          %dma_start3A_214 = tpu.memref_slice %arg17[%dma_start3A, %dma_start3A_212, %dma_start3A_213] : memref<3x64x256xf32, #tpu.memory_space<vmem>> -> memref<1x64x256xf32, #tpu.memory_space<vmem>>
          %dma_start3A_215 = tpu.memref_squeeze %dma_start3A_214 : memref<1x64x256xf32, #tpu.memory_space<vmem>> -> memref<64x256xf32, #tpu.memory_space<vmem>>
          %dma_start3A_216 = arith.constant 0 : i32
          %dma_start3A_217 = tpu.memref_slice %arg8[%dma_start3A_216, %multiple_of3A] : memref<64x1000000xf32, #tpu.memory_space<hbm>> -> memref<64x256xf32, #tpu.memory_space<hbm>>
          tpu.enqueue_dma source(%dma_start3A_217 : memref<64x256xf32, #tpu.memory_space<hbm>>) target(%dma_start3A_215 : memref<64x256xf32, #tpu.memory_space<vmem>>) target_semaphore(%arg20 : memref<!tpu.dma_semaphore, #tpu.memory_space<semaphore_mem>>)
        } else {
        }
        %dma_wait3A = arith.constant 0 : i32
        %dma_wait3A_183 = arith.constant 0 : i32
        %dma_wait3A_184 = arith.constant 0 : i32
        %dma_wait3A_185 = tpu.memref_slice %arg17[%dma_wait3A, %dma_wait3A_183, %dma_wait3A_184] : memref<3x64x256xf32, #tpu.memory_space<vmem>> -> memref<1x64x256xf32, #tpu.memory_space<vmem>>
        %dma_wait3A_186 = tpu.memref_squeeze %dma_wait3A_185 : memref<1x64x256xf32, #tpu.memory_space<vmem>> -> memref<64x256xf32, #tpu.memory_space<vmem>>
        %dma_wait3A_187 = arith.constant 0 : i32
        %dma_wait3A_188 = arith.constant 0 : i32
        %dma_wait3A_189 = tpu.memref_slice %arg8[%dma_wait3A_187, %dma_wait3A_188] : memref<64x1000000xf32, #tpu.memory_space<hbm>> -> memref<64x256xf32, #tpu.memory_space<hbm>>
        %dma_wait3A_190 = arith.constant 0 : i32
        %dma_wait3A_191 = arith.constant 0 : i32
        %dma_wait3A_192 = tpu.memref_slice %arg17[%dma_wait3A, %dma_wait3A_190, %dma_wait3A_191] : memref<3x64x256xf32, #tpu.memory_space<vmem>> -> memref<1x64x256xf32, #tpu.memory_space<vmem>>
        %dma_wait3A_193 = tpu.memref_squeeze %dma_wait3A_192 : memref<1x64x256xf32, #tpu.memory_space<vmem>> -> memref<64x256xf32, #tpu.memory_space<vmem>>
        %dma_wait3A_194 = arith.constant 0 : i32
        %dma_wait3A_195 = arith.constant 0 : i32
        %dma_wait3A_196 = tpu.memref_slice %arg8[%dma_wait3A_194, %dma_wait3A_195] : memref<64x1000000xf32, #tpu.memory_space<hbm>> -> memref<64x256xf32, #tpu.memory_space<hbm>>
        tpu.wait_dma2 semaphore(%arg21 : memref<!tpu.dma_semaphore, #tpu.memory_space<semaphore_mem>>) src(%dma_wait3A_196 : memref<64x256xf32, #tpu.memory_space<hbm>>) dst(%dma_wait3A_193 : memref<64x256xf32, #tpu.memory_space<vmem>>)
        %add3A_197 = arith.addi %mul3A_2, %add3A_169 : i32
        %mul3A_198 = arith.constant 256 : i32
        %mul3A_199 = arith.muli %add3A_197, %mul3A_198 : i32
        %add3A_200 = arith.constant 256 : i32
        %add3A_201 = arith.addi %mul3A_199, %add3A_200 : i32
        %while3A = arith.constant 2 : i32
        %while3A_202:4 = scf.while (%while3A_203 = %cond3A_167#0, %while3A_204 = %cond3A_167#1, %while3A_205 = %cond3A_167#2, %while3A_206 = %cond3A_167#3) : (i32, i32, vector<16xi32>, i32) -> (i32, i32, vector<16xi32>, i32) {
          %lt3A_207 = arith.cmpi slt, %while3A_203, %squeeze3A : i32
          %broadcast_in_dim3A_208 = arith.constant 0 : i32
          %broadcast_in_dim3A_209 = vector.broadcast %broadcast_in_dim3A_208 : i32 to vector<16xi32>
          %add3A_210 = vector.broadcast %while3A_203 : i32 to vector<16xi32>
          %add3A_211 = arith.addi %broadcast_in_dim3A_209, %add3A_210 : vector<16xi32>
          %gather3A_212 = tpu.vector_load_idx %arg14[%add3A_211] : memref<16384xi32, #tpu.memory_space<vmem>>[vector<16xi32>], vector<16xi32>,
          %slice3A_213 = vector.extract_strided_slice %gather3A_212 {offsets = [0], sizes = [1], strides = [1]} : vector<16xi32> to vector<1xi32>
          %squeeze3A_214 = vector.extract %slice3A_213[0] : i32 from vector<1xi32>
          %lt3A_215 = arith.cmpi slt, %squeeze3A_214, %add3A_201 : i32
          %and3A = arith.andi %lt3A_207, %lt3A_215 : i1
          scf.condition(%and3A) %while3A_203, %while3A_204, %while3A_205, %while3A_206 : i32, i32, vector<16xi32>, i32
        } do {
        ^bb0(%while3A_203: i32, %while3A_204: i32, %while3A_205: vector<16xi32>, %while3A_206: i32):
          %broadcast_in_dim3A_207 = arith.constant 0 : i32
          %broadcast_in_dim3A_208 = vector.broadcast %broadcast_in_dim3A_207 : i32 to vector<16xi32>
          %add3A_209 = vector.broadcast %while3A_203 : i32 to vector<16xi32>
          %add3A_210 = arith.addi %broadcast_in_dim3A_208, %add3A_209 : vector<16xi32>
          %gather3A_211 = tpu.vector_load_idx %arg14[%add3A_210] : memref<16384xi32, #tpu.memory_space<vmem>>[vector<16xi32>], vector<16xi32>,
          %slice3A_212 = vector.extract_strided_slice %gather3A_211 {offsets = [0], sizes = [1], strides = [1]} : vector<16xi32> to vector<1xi32>
          %squeeze3A_213 = vector.extract %slice3A_212[0] : i32 from vector<1xi32>
          %sub3A = arith.subi %squeeze3A_213, %mul3A_199 : i32
          %rem3A = arith.constant 2 : i32
          %rem3A_214 = arith.remsi %while3A_206, %rem3A : i32
          %mul3A_215 = arith.constant 16 : i32
          %mul3A_216 = arith.muli %rem3A_214, %mul3A_215 : i32
          %add3A_217 = arith.addi %mul3A_216, %while3A_204 : i32
          %broadcast_in_dim3A_218 = arith.constant 0 : i32
          %broadcast_in_dim3A_219 = vector.broadcast %broadcast_in_dim3A_218 : i32 to vector<16xi32>
          %add3A_220 = vector.broadcast %while3A : i32 to vector<16xi32>
          %add3A_221 = arith.addi %broadcast_in_dim3A_219, %add3A_220 : vector<16xi32>
          %broadcast_in_dim3A_222 = arith.constant 0 : i32
          %broadcast_in_dim3A_223 = vector.broadcast %broadcast_in_dim3A_222 : i32 to vector<16xi32>
          %add3A_224 = vector.broadcast %sub3A : i32 to vector<16xi32>
          %add3A_225 = arith.addi %broadcast_in_dim3A_223, %add3A_224 : vector<16xi32>
          %gather3A_226 = tpu.vector_load_idx %arg17[%add3A_221, %iota3A, %add3A_225] : memref<3x64x256xf32, #tpu.memory_space<vmem>>[vector<16xi32>, vector<16xi32>, vector<16xi32>], vector<16xf32>,
          %swap3A = arith.index_cast %add3A_217 : i32 to index
          %swap3A_227 = arith.constant 0 : index
          %swap3A_228 = tpu.vector_load %arg18[%swap3A, %swap3A_227] {strides = array<i32>} : memref<32x128xf32, #tpu.memory_space<vmem>>, vector<16xf32>,
          tpu.vector_store %arg18[%swap3A, %swap3A_227], %gather3A_226 {strides = array<i32>} : memref<32x128xf32, #tpu.memory_space<vmem>>, vector<16xf32>,
          %broadcast_in_dim3A_229 = arith.constant 0 : i32
          %broadcast_in_dim3A_230 = vector.broadcast %broadcast_in_dim3A_229 : i32 to vector<16xi32>
          %add3A_231 = vector.broadcast %while3A : i32 to vector<16xi32>
          %add3A_232 = arith.addi %broadcast_in_dim3A_230, %add3A_231 : vector<16xi32>
          %broadcast_in_dim3A_233 = arith.constant 0 : i32
          %broadcast_in_dim3A_234 = vector.broadcast %broadcast_in_dim3A_233 : i32 to vector<16xi32>
          %add3A_235 = vector.broadcast %sub3A : i32 to vector<16xi32>
          %add3A_236 = arith.addi %broadcast_in_dim3A_234, %add3A_235 : vector<16xi32>
          %gather3A_237 = tpu.vector_load_idx %arg17[%add3A_232, %add3A_21, %add3A_236] : memref<3x64x256xf32, #tpu.memory_space<vmem>>[vector<16xi32>, vector<16xi32>, vector<16xi32>], vector<16xf32>,
          %swap3A_238 = arith.index_cast %add3A_217 : i32 to index
          %swap3A_239 = arith.constant 16 : index
          %swap3A_240 = tpu.vector_load %arg18[%swap3A_238, %swap3A_239] {strides = array<i32>} : memref<32x128xf32, #tpu.memory_space<vmem>>, vector<16xf32>,
          tpu.vector_store %arg18[%swap3A_238, %swap3A_239], %gather3A_237 {strides = array<i32>} : memref<32x128xf32, #tpu.memory_space<vmem>>, vector<16xf32>,
          %broadcast_in_dim3A_241 = arith.constant 0 : i32
          %broadcast_in_dim3A_242 = vector.broadcast %broadcast_in_dim3A_241 : i32 to vector<16xi32>
          %add3A_243 = vector.broadcast %while3A : i32 to vector<16xi32>
          %add3A_244 = arith.addi %broadcast_in_dim3A_242, %add3A_243 : vector<16xi32>
          %broadcast_in_dim3A_245 = arith.constant 0 : i32
          %broadcast_in_dim3A_246 = vector.broadcast %broadcast_in_dim3A_245 : i32 to vector<16xi32>
          %add3A_247 = vector.broadcast %sub3A : i32 to vector<16xi32>
          %add3A_248 = arith.addi %broadcast_in_dim3A_246, %add3A_247 : vector<16xi32>
          %gather3A_249 = tpu.vector_load_idx %arg17[%add3A_244, %add3A_25, %add3A_248] : memref<3x64x256xf32, #tpu.memory_space<vmem>>[vector<16xi32>, vector<16xi32>, vector<16xi32>], vector<16xf32>,
          %swap3A_250 = arith.index_cast %add3A_217 : i32 to index
          %swap3A_251 = arith.constant 32 : index
          %swap3A_252 = tpu.vector_load %arg18[%swap3A_250, %swap3A_251] {strides = array<i32>} : memref<32x128xf32, #tpu.memory_space<vmem>>, vector<16xf32>,
          tpu.vector_store %arg18[%swap3A_250, %swap3A_251], %gather3A_249 {strides = array<i32>} : memref<32x128xf32, #tpu.memory_space<vmem>>, vector<16xf32>,
          %broadcast_in_dim3A_253 = arith.constant 0 : i32
          %broadcast_in_dim3A_254 = vector.broadcast %broadcast_in_dim3A_253 : i32 to vector<16xi32>
          %add3A_255 = vector.broadcast %while3A : i32 to vector<16xi32>
          %add3A_256 = arith.addi %broadcast_in_dim3A_254, %add3A_255 : vector<16xi32>
          %broadcast_in_dim3A_257 = arith.constant 0 : i32
          %broadcast_in_dim3A_258 = vector.broadcast %broadcast_in_dim3A_257 : i32 to vector<16xi32>
          %add3A_259 = vector.broadcast %sub3A : i32 to vector<16xi32>
          %add3A_260 = arith.addi %broadcast_in_dim3A_258, %add3A_259 : vector<16xi32>
          %gather3A_261 = tpu.vector_load_idx %arg17[%add3A_256, %add3A_29, %add3A_260] : memref<3x64x256xf32, #tpu.memory_space<vmem>>[vector<16xi32>, vector<16xi32>, vector<16xi32>], vector<16xf32>,
          %swap3A_262 = arith.index_cast %add3A_217 : i32 to index
          %swap3A_263 = arith.constant 48 : index
          %swap3A_264 = tpu.vector_load %arg18[%swap3A_262, %swap3A_263] {strides = array<i32>} : memref<32x128xf32, #tpu.memory_space<vmem>>, vector<16xf32>,
          tpu.vector_store %arg18[%swap3A_262, %swap3A_263], %gather3A_261 {strides = array<i32>} : memref<32x128xf32, #tpu.memory_space<vmem>>, vector<16xf32>,
          %eq3A_265 = vector.broadcast %while3A_204 : i32 to vector<16xi32>
          %eq3A_266 = arith.cmpi eq, %iota3A_30, %eq3A_265 : vector<16xi32>
          %broadcast_in_dim3A_267 = arith.constant 0 : i32
          %broadcast_in_dim3A_268 = vector.broadcast %broadcast_in_dim3A_267 : i32 to vector<16xi32>
          %add3A_269 = vector.broadcast %while3A_203 : i32 to vector<16xi32>
          %add3A_270 = arith.addi %broadcast_in_dim3A_268, %add3A_269 : vector<16xi32>
          %gather3A_271 = tpu.vector_load_idx %arg15[%add3A_270] : memref<16384xi32, #tpu.memory_space<vmem>>[vector<16xi32>], vector<16xi32>,
          %slice3A_272 = vector.extract_strided_slice %gather3A_271 {offsets = [0], sizes = [1], strides = [1]} : vector<16xi32> to vector<1xi32>
          %squeeze3A_273 = vector.extract %slice3A_272[0] : i32 from vector<1xi32>
          %broadcast_in_dim3A_274 = arith.constant 0 : i32
          %broadcast_in_dim3A_275 = vector.broadcast %broadcast_in_dim3A_274 : i32 to vector<16xi32>
          %add3A_276 = vector.broadcast %squeeze3A_273 : i32 to vector<16xi32>
          %add3A_277 = arith.addi %broadcast_in_dim3A_275, %add3A_276 : vector<16xi32>
          %select_n3A_278 = arith.select %eq3A_266, %add3A_277, %while3A_205 : vector<16xi1>, vector<16xi32>
          %eq3A_279 = arith.constant 15 : i32
          %eq3A_280 = arith.cmpi eq, %while3A_204, %eq3A_279 : i32
          %convert_element_type3A_281 = arith.extui %eq3A_280 : i1 to i32
          %cond3A_282 = arith.constant 0 : i32
          %cond3A_283 = arith.cmpi ne, %convert_element_type3A_281, %cond3A_282 : i32
          %cond3A_284:2 = scf.if %cond3A_283 -> (vector<16xi32>, i32) {
            %gt3A_291 = arith.constant 0 : i32
            %gt3A_292 = arith.cmpi sgt, %while3A_206, %gt3A_291 : i32
            %convert_element_type3A_293 = arith.extui %gt3A_292 : i1 to i32
            %cond3A_294 = arith.constant 0 : i32
            %cond3A_295 = arith.cmpi ne, %convert_element_type3A_293, %cond3A_294 : i32
            scf.if %cond3A_295 {
              %dma_wait3A_306 = arith.constant 0 : i32
              %dma_wait3A_307 = arith.constant 0 : i32
              %dma_wait3A_308 = tpu.memref_slice %arg18[%dma_wait3A_306, %dma_wait3A_307] : memref<32x128xf32, #tpu.memory_space<vmem>> -> memref<16x128xf32, #tpu.memory_space<vmem>>
              %dma_wait3A_309 = arith.constant 0 : i32
              %dma_wait3A_310 = arith.constant 0 : i32
              %dma_wait3A_311 = tpu.memref_slice %arg12[%dma_wait3A_309, %dma_wait3A_310] : memref<16400x128xf32, #tpu.memory_space<hbm>> -> memref<16x128xf32, #tpu.memory_space<hbm>>
              %dma_wait3A_312 = arith.constant 0 : i32
              %dma_wait3A_313 = arith.constant 0 : i32
              %dma_wait3A_314 = tpu.memref_slice %arg18[%dma_wait3A_312, %dma_wait3A_313] : memref<32x128xf32, #tpu.memory_space<vmem>> -> memref<16x128xf32, #tpu.memory_space<vmem>>
              %dma_wait3A_315 = arith.constant 0 : i32
              %dma_wait3A_316 = arith.constant 0 : i32
              %dma_wait3A_317 = tpu.memref_slice %arg12[%dma_wait3A_315, %dma_wait3A_316] : memref<16400x128xf32, #tpu.memory_space<hbm>> -> memref<16x128xf32, #tpu.memory_space<hbm>>
              tpu.wait_dma2 semaphore(%arg22 : memref<!tpu.dma_semaphore, #tpu.memory_space<semaphore_mem>>) src(%dma_wait3A_317 : memref<16x128xf32, #tpu.memory_space<hbm>>) dst(%dma_wait3A_314 : memref<16x128xf32, #tpu.memory_space<vmem>>)
            } else {
            }
            %rem3A_296 = arith.constant 2 : i32
            %rem3A_297 = arith.remsi %while3A_206, %rem3A_296 : i32
            %mul3A_298 = arith.constant 16 : i32
            %mul3A_299 = arith.muli %rem3A_297, %mul3A_298 : i32
            %multiple_of3A = tpu.assume_multiple %mul3A_299, 8 : i32
            %dma_start3A = arith.constant 0 : i32
            %dma_start3A_300 = tpu.memref_slice %arg18[%multiple_of3A, %dma_start3A] : memref<32x128xf32, #tpu.memory_space<vmem>> -> memref<16x128xf32, #tpu.memory_space<vmem>>
            %dma_start3A_301 = arith.constant 0 : i32
            %dma_start3A_302 = arith.constant 0 : i32
            %dma_start3A_303 = tpu.memref_slice %arg12[%dma_start3A_301, %dma_start3A_302] : memref<16400x128xf32, #tpu.memory_space<hbm>> -> memref<16400x128xf32, #tpu.memory_space<hbm>>
            tpu.enqueue_indirect_dma source(%dma_start3A_300 : memref<16x128xf32, #tpu.memory_space<vmem>>) target(%dma_start3A_303 : memref<16400x128xf32, #tpu.memory_space<hbm>>) offsets(%select_n3A_278 : vector<16xi32>) semaphore(%arg22 : memref<!tpu.dma_semaphore, #tpu.memory_space<semaphore_mem>>)
            %add3A_304 = arith.constant 1 : i32
            %add3A_305 = arith.addi %while3A_206, %add3A_304 : i32
            scf.yield %add3A_33, %add3A_305 : vector<16xi32>, i32
          } else {
            scf.yield %select_n3A_278, %while3A_206 : vector<16xi32>, i32
          }
          %add3A_285 = arith.constant 1 : i32
          %add3A_286 = arith.addi %while3A_204, %add3A_285 : i32
          %rem3A_287 = arith.constant 16 : i32
          %rem3A_288 = arith.remsi %add3A_286, %rem3A_287 : i32
          %add3A_289 = arith.constant 1 : i32
          %add3A_290 = arith.addi %while3A_203, %add3A_289 : i32
          scf.yield %add3A_290, %rem3A_288, %cond3A_284#0, %cond3A_284#1 : i32, i32, vector<16xi32>, i32
        }
        scf.yield %while3A_202#0, %while3A_202#1, %while3A_202#2, %while3A_202#3 : i32, i32, vector<16xi32>, i32
      } else {
        scf.yield %cond3A_167#0, %cond3A_167#1, %cond3A_167#2, %cond3A_167#3 : i32, i32, vector<16xi32>, i32
      }
      scf.yield %cond3A_176#0, %cond3A_176#1, %cond3A_176#2, %cond3A_176#3 : i32, i32, vector<16xi32>, i32
    }
    %scan3A_49 = arith.constant 42 : i32
    %eq3A_50 = arith.constant 31 : i32
    %eq3A_51 = arith.cmpi eq, %add3A, %eq3A_50 : i32
    %convert_element_type3A_52 = arith.extui %eq3A_51 : i1 to i32
    %cond3A_53 = arith.constant 0 : i32
    %cond3A_54 = arith.cmpi ne, %convert_element_type3A_52, %cond3A_53 : i32
    %cond3A_55:4 = scf.if %cond3A_54 -> (i32, i32, vector<16xi32>, i32) {
      %run_scoped3A = arith.constant 0 : i32
      "tpu.region"() ({
        %run_scoped3A_148 = tpu.sem_alloc : memref<!tpu.dma_semaphore, #tpu.memory_space<semaphore_mem>>
        %dma_start3A = arith.constant 0 : i32
        %dma_start3A_149 = arith.constant 0 : i32
        %dma_start3A_150 = tpu.memref_slice %arg17[%run_scoped3A, %dma_start3A, %dma_start3A_149] : memref<3x64x256xf32, #tpu.memory_space<vmem>> -> memref<1x64x256xf32, #tpu.memory_space<vmem>>
        %dma_start3A_151 = tpu.memref_squeeze %dma_start3A_150 : memref<1x64x256xf32, #tpu.memory_space<vmem>> -> memref<64x256xf32, #tpu.memory_space<vmem>>
        %dma_start3A_152 = arith.constant 0 : i32
        %dma_start3A_153 = arith.constant 0 : i32
        %dma_start3A_154 = tpu.memref_slice %arg17[%run_scoped3A, %dma_start3A_152, %dma_start3A_153] : memref<3x64x256xf32, #tpu.memory_space<vmem>> -> memref<1x64x256xf32, #tpu.memory_space<vmem>>
        %dma_start3A_155 = tpu.memref_squeeze %dma_start3A_154 : memref<1x64x256xf32, #tpu.memory_space<vmem>> -> memref<64x256xf32, #tpu.memory_space<vmem>>
        tpu.enqueue_dma source(%arg10 : memref<64x256xf32, #tpu.memory_space<hbm>>) target(%dma_start3A_155 : memref<64x256xf32, #tpu.memory_space<vmem>>) target_semaphore(%run_scoped3A_148 : memref<!tpu.dma_semaphore, #tpu.memory_space<semaphore_mem>>)
        %dma_wait3A = arith.constant 0 : i32
        %dma_wait3A_156 = arith.constant 0 : i32
        %dma_wait3A_157 = tpu.memref_slice %arg17[%run_scoped3A, %dma_wait3A, %dma_wait3A_156] : memref<3x64x256xf32, #tpu.memory_space<vmem>> -> memref<1x64x256xf32, #tpu.memory_space<vmem>>
        %dma_wait3A_158 = tpu.memref_squeeze %dma_wait3A_157 : memref<1x64x256xf32, #tpu.memory_space<vmem>> -> memref<64x256xf32, #tpu.memory_space<vmem>>
        %dma_wait3A_159 = arith.constant 0 : i32
        %dma_wait3A_160 = arith.constant 0 : i32
        %dma_wait3A_161 = tpu.memref_slice %arg17[%run_scoped3A, %dma_wait3A_159, %dma_wait3A_160] : memref<3x64x256xf32, #tpu.memory_space<vmem>> -> memref<1x64x256xf32, #tpu.memory_space<vmem>>
        %dma_wait3A_162 = tpu.memref_squeeze %dma_wait3A_161 : memref<1x64x256xf32, #tpu.memory_space<vmem>> -> memref<64x256xf32, #tpu.memory_space<vmem>>
        tpu.wait_dma2 semaphore(%run_scoped3A_148 : memref<!tpu.dma_semaphore, #tpu.memory_space<semaphore_mem>>) src(%arg10 : memref<64x256xf32, #tpu.memory_space<hbm>>) dst(%dma_wait3A_162 : memref<64x256xf32, #tpu.memory_space<vmem>>)
        tpu.yield
      }) : () -> ()
      %add3A_143 = arith.constant 999936 : i32
      %add3A_144 = arith.constant 256 : i32
      %add3A_145 = arith.addi %add3A_143, %add3A_144 : i32
      %while3A = arith.constant 999936 : i32
      %while3A_146 = arith.constant 0 : i32
      %while3A_147:4 = scf.while (%while3A_148 = %scan3A_48#0, %while3A_149 = %scan3A_48#1, %while3A_150 = %scan3A_48#2, %while3A_151 = %scan3A_48#3) : (i32, i32, vector<16xi32>, i32) -> (i32, i32, vector<16xi32>, i32) {
        %lt3A_152 = arith.cmpi slt, %while3A_148, %squeeze3A : i32
        %broadcast_in_dim3A_153 = arith.constant 0 : i32
        %broadcast_in_dim3A_154 = vector.broadcast %broadcast_in_dim3A_153 : i32 to vector<16xi32>
        %add3A_155 = vector.broadcast %while3A_148 : i32 to vector<16xi32>
        %add3A_156 = arith.addi %broadcast_in_dim3A_154, %add3A_155 : vector<16xi32>
        %gather3A_157 = tpu.vector_load_idx %arg14[%add3A_156] : memref<16384xi32, #tpu.memory_space<vmem>>[vector<16xi32>], vector<16xi32>,
        %slice3A_158 = vector.extract_strided_slice %gather3A_157 {offsets = [0], sizes = [1], strides = [1]} : vector<16xi32> to vector<1xi32>
        %squeeze3A_159 = vector.extract %slice3A_158[0] : i32 from vector<1xi32>
        %lt3A_160 = arith.cmpi slt, %squeeze3A_159, %add3A_145 : i32
        %and3A = arith.andi %lt3A_152, %lt3A_160 : i1
        scf.condition(%and3A) %while3A_148, %while3A_149, %while3A_150, %while3A_151 : i32, i32, vector<16xi32>, i32
      } do {
      ^bb0(%while3A_148: i32, %while3A_149: i32, %while3A_150: vector<16xi32>, %while3A_151: i32):
        %broadcast_in_dim3A_152 = arith.constant 0 : i32
        %broadcast_in_dim3A_153 = vector.broadcast %broadcast_in_dim3A_152 : i32 to vector<16xi32>
        %add3A_154 = vector.broadcast %while3A_148 : i32 to vector<16xi32>
        %add3A_155 = arith.addi %broadcast_in_dim3A_153, %add3A_154 : vector<16xi32>
        %gather3A_156 = tpu.vector_load_idx %arg14[%add3A_155] : memref<16384xi32, #tpu.memory_space<vmem>>[vector<16xi32>], vector<16xi32>,
        %slice3A_157 = vector.extract_strided_slice %gather3A_156 {offsets = [0], sizes = [1], strides = [1]} : vector<16xi32> to vector<1xi32>
        %squeeze3A_158 = vector.extract %slice3A_157[0] : i32 from vector<1xi32>
        %sub3A = arith.subi %squeeze3A_158, %while3A : i32
        %rem3A = arith.constant 2 : i32
        %rem3A_159 = arith.remsi %while3A_151, %rem3A : i32
        %mul3A_160 = arith.constant 16 : i32
        %mul3A_161 = arith.muli %rem3A_159, %mul3A_160 : i32
        %add3A_162 = arith.addi %mul3A_161, %while3A_149 : i32
        %broadcast_in_dim3A_163 = arith.constant 0 : i32
        %broadcast_in_dim3A_164 = vector.broadcast %broadcast_in_dim3A_163 : i32 to vector<16xi32>
        %add3A_165 = vector.broadcast %while3A_146 : i32 to vector<16xi32>
        %add3A_166 = arith.addi %broadcast_in_dim3A_164, %add3A_165 : vector<16xi32>
        %broadcast_in_dim3A_167 = arith.constant 0 : i32
        %broadcast_in_dim3A_168 = vector.broadcast %broadcast_in_dim3A_167 : i32 to vector<16xi32>
        %add3A_169 = vector.broadcast %sub3A : i32 to vector<16xi32>
        %add3A_170 = arith.addi %broadcast_in_dim3A_168, %add3A_169 : vector<16xi32>
        %gather3A_171 = tpu.vector_load_idx %arg17[%add3A_166, %iota3A, %add3A_170] : memref<3x64x256xf32, #tpu.memory_space<vmem>>[vector<16xi32>, vector<16xi32>, vector<16xi32>], vector<16xf32>,
        %swap3A = arith.index_cast %add3A_162 : i32 to index
        %swap3A_172 = arith.constant 0 : index
        %swap3A_173 = tpu.vector_load %arg18[%swap3A, %swap3A_172] {strides = array<i32>} : memref<32x128xf32, #tpu.memory_space<vmem>>, vector<16xf32>,
        tpu.vector_store %arg18[%swap3A, %swap3A_172], %gather3A_171 {strides = array<i32>} : memref<32x128xf32, #tpu.memory_space<vmem>>, vector<16xf32>,
        %broadcast_in_dim3A_174 = arith.constant 0 : i32
        %broadcast_in_dim3A_175 = vector.broadcast %broadcast_in_dim3A_174 : i32 to vector<16xi32>
        %add3A_176 = vector.broadcast %while3A_146 : i32 to vector<16xi32>
        %add3A_177 = arith.addi %broadcast_in_dim3A_175, %add3A_176 : vector<16xi32>
        %broadcast_in_dim3A_178 = arith.constant 0 : i32
        %broadcast_in_dim3A_179 = vector.broadcast %broadcast_in_dim3A_178 : i32 to vector<16xi32>
        %add3A_180 = vector.broadcast %sub3A : i32 to vector<16xi32>
        %add3A_181 = arith.addi %broadcast_in_dim3A_179, %add3A_180 : vector<16xi32>
        %gather3A_182 = tpu.vector_load_idx %arg17[%add3A_177, %add3A_21, %add3A_181] : memref<3x64x256xf32, #tpu.memory_space<vmem>>[vector<16xi32>, vector<16xi32>, vector<16xi32>], vector<16xf32>,
        %swap3A_183 = arith.index_cast %add3A_162 : i32 to index
        %swap3A_184 = arith.constant 16 : index
        %swap3A_185 = tpu.vector_load %arg18[%swap3A_183, %swap3A_184] {strides = array<i32>} : memref<32x128xf32, #tpu.memory_space<vmem>>, vector<16xf32>,
        tpu.vector_store %arg18[%swap3A_183, %swap3A_184], %gather3A_182 {strides = array<i32>} : memref<32x128xf32, #tpu.memory_space<vmem>>, vector<16xf32>,
        %broadcast_in_dim3A_186 = arith.constant 0 : i32
        %broadcast_in_dim3A_187 = vector.broadcast %broadcast_in_dim3A_186 : i32 to vector<16xi32>
        %add3A_188 = vector.broadcast %while3A_146 : i32 to vector<16xi32>
        %add3A_189 = arith.addi %broadcast_in_dim3A_187, %add3A_188 : vector<16xi32>
        %broadcast_in_dim3A_190 = arith.constant 0 : i32
        %broadcast_in_dim3A_191 = vector.broadcast %broadcast_in_dim3A_190 : i32 to vector<16xi32>
        %add3A_192 = vector.broadcast %sub3A : i32 to vector<16xi32>
        %add3A_193 = arith.addi %broadcast_in_dim3A_191, %add3A_192 : vector<16xi32>
        %gather3A_194 = tpu.vector_load_idx %arg17[%add3A_189, %add3A_25, %add3A_193] : memref<3x64x256xf32, #tpu.memory_space<vmem>>[vector<16xi32>, vector<16xi32>, vector<16xi32>], vector<16xf32>,
        %swap3A_195 = arith.index_cast %add3A_162 : i32 to index
        %swap3A_196 = arith.constant 32 : index
        %swap3A_197 = tpu.vector_load %arg18[%swap3A_195, %swap3A_196] {strides = array<i32>} : memref<32x128xf32, #tpu.memory_space<vmem>>, vector<16xf32>,
        tpu.vector_store %arg18[%swap3A_195, %swap3A_196], %gather3A_194 {strides = array<i32>} : memref<32x128xf32, #tpu.memory_space<vmem>>, vector<16xf32>,
        %broadcast_in_dim3A_198 = arith.constant 0 : i32
        %broadcast_in_dim3A_199 = vector.broadcast %broadcast_in_dim3A_198 : i32 to vector<16xi32>
        %add3A_200 = vector.broadcast %while3A_146 : i32 to vector<16xi32>
        %add3A_201 = arith.addi %broadcast_in_dim3A_199, %add3A_200 : vector<16xi32>
        %broadcast_in_dim3A_202 = arith.constant 0 : i32
        %broadcast_in_dim3A_203 = vector.broadcast %broadcast_in_dim3A_202 : i32 to vector<16xi32>
        %add3A_204 = vector.broadcast %sub3A : i32 to vector<16xi32>
        %add3A_205 = arith.addi %broadcast_in_dim3A_203, %add3A_204 : vector<16xi32>
        %gather3A_206 = tpu.vector_load_idx %arg17[%add3A_201, %add3A_29, %add3A_205] : memref<3x64x256xf32, #tpu.memory_space<vmem>>[vector<16xi32>, vector<16xi32>, vector<16xi32>], vector<16xf32>,
        %swap3A_207 = arith.index_cast %add3A_162 : i32 to index
        %swap3A_208 = arith.constant 48 : index
        %swap3A_209 = tpu.vector_load %arg18[%swap3A_207, %swap3A_208] {strides = array<i32>} : memref<32x128xf32, #tpu.memory_space<vmem>>, vector<16xf32>,
        tpu.vector_store %arg18[%swap3A_207, %swap3A_208], %gather3A_206 {strides = array<i32>} : memref<32x128xf32, #tpu.memory_space<vmem>>, vector<16xf32>,
        %eq3A_210 = vector.broadcast %while3A_149 : i32 to vector<16xi32>
        %eq3A_211 = arith.cmpi eq, %iota3A_30, %eq3A_210 : vector<16xi32>
        %broadcast_in_dim3A_212 = arith.constant 0 : i32
        %broadcast_in_dim3A_213 = vector.broadcast %broadcast_in_dim3A_212 : i32 to vector<16xi32>
        %add3A_214 = vector.broadcast %while3A_148 : i32 to vector<16xi32>
        %add3A_215 = arith.addi %broadcast_in_dim3A_213, %add3A_214 : vector<16xi32>
        %gather3A_216 = tpu.vector_load_idx %arg15[%add3A_215] : memref<16384xi32, #tpu.memory_space<vmem>>[vector<16xi32>], vector<16xi32>,
        %slice3A_217 = vector.extract_strided_slice %gather3A_216 {offsets = [0], sizes = [1], strides = [1]} : vector<16xi32> to vector<1xi32>
        %squeeze3A_218 = vector.extract %slice3A_217[0] : i32 from vector<1xi32>
        %broadcast_in_dim3A_219 = arith.constant 0 : i32
        %broadcast_in_dim3A_220 = vector.broadcast %broadcast_in_dim3A_219 : i32 to vector<16xi32>
        %add3A_221 = vector.broadcast %squeeze3A_218 : i32 to vector<16xi32>
        %add3A_222 = arith.addi %broadcast_in_dim3A_220, %add3A_221 : vector<16xi32>
        %select_n3A_223 = arith.select %eq3A_211, %add3A_222, %while3A_150 : vector<16xi1>, vector<16xi32>
        %eq3A_224 = arith.constant 15 : i32
        %eq3A_225 = arith.cmpi eq, %while3A_149, %eq3A_224 : i32
        %convert_element_type3A_226 = arith.extui %eq3A_225 : i1 to i32
        %cond3A_227 = arith.constant 0 : i32
        %cond3A_228 = arith.cmpi ne, %convert_element_type3A_226, %cond3A_227 : i32
        %cond3A_229:2 = scf.if %cond3A_228 -> (vector<16xi32>, i32) {
          %gt3A_236 = arith.constant 0 : i32
          %gt3A_237 = arith.cmpi sgt, %while3A_151, %gt3A_236 : i32
          %convert_element_type3A_238 = arith.extui %gt3A_237 : i1 to i32
          %cond3A_239 = arith.constant 0 : i32
          %cond3A_240 = arith.cmpi ne, %convert_element_type3A_238, %cond3A_239 : i32
          scf.if %cond3A_240 {
            %dma_wait3A = arith.constant 0 : i32
            %dma_wait3A_251 = arith.constant 0 : i32
            %dma_wait3A_252 = tpu.memref_slice %arg18[%dma_wait3A, %dma_wait3A_251] : memref<32x128xf32, #tpu.memory_space<vmem>> -> memref<16x128xf32, #tpu.memory_space<vmem>>
            %dma_wait3A_253 = arith.constant 0 : i32
            %dma_wait3A_254 = arith.constant 0 : i32
            %dma_wait3A_255 = tpu.memref_slice %arg12[%dma_wait3A_253, %dma_wait3A_254] : memref<16400x128xf32, #tpu.memory_space<hbm>> -> memref<16x128xf32, #tpu.memory_space<hbm>>
            %dma_wait3A_256 = arith.constant 0 : i32
            %dma_wait3A_257 = arith.constant 0 : i32
            %dma_wait3A_258 = tpu.memref_slice %arg18[%dma_wait3A_256, %dma_wait3A_257] : memref<32x128xf32, #tpu.memory_space<vmem>> -> memref<16x128xf32, #tpu.memory_space<vmem>>
            %dma_wait3A_259 = arith.constant 0 : i32
            %dma_wait3A_260 = arith.constant 0 : i32
            %dma_wait3A_261 = tpu.memref_slice %arg12[%dma_wait3A_259, %dma_wait3A_260] : memref<16400x128xf32, #tpu.memory_space<hbm>> -> memref<16x128xf32, #tpu.memory_space<hbm>>
            tpu.wait_dma2 semaphore(%arg22 : memref<!tpu.dma_semaphore, #tpu.memory_space<semaphore_mem>>) src(%dma_wait3A_261 : memref<16x128xf32, #tpu.memory_space<hbm>>) dst(%dma_wait3A_258 : memref<16x128xf32, #tpu.memory_space<vmem>>)
          } else {
          }
          %rem3A_241 = arith.constant 2 : i32
          %rem3A_242 = arith.remsi %while3A_151, %rem3A_241 : i32
          %mul3A_243 = arith.constant 16 : i32
          %mul3A_244 = arith.muli %rem3A_242, %mul3A_243 : i32
          %multiple_of3A = tpu.assume_multiple %mul3A_244, 8 : i32
          %dma_start3A = arith.constant 0 : i32
          %dma_start3A_245 = tpu.memref_slice %arg18[%multiple_of3A, %dma_start3A] : memref<32x128xf32, #tpu.memory_space<vmem>> -> memref<16x128xf32, #tpu.memory_space<vmem>>
          %dma_start3A_246 = arith.constant 0 : i32
          %dma_start3A_247 = arith.constant 0 : i32
          %dma_start3A_248 = tpu.memref_slice %arg12[%dma_start3A_246, %dma_start3A_247] : memref<16400x128xf32, #tpu.memory_space<hbm>> -> memref<16400x128xf32, #tpu.memory_space<hbm>>
          tpu.enqueue_indirect_dma source(%dma_start3A_245 : memref<16x128xf32, #tpu.memory_space<vmem>>) target(%dma_start3A_248 : memref<16400x128xf32, #tpu.memory_space<hbm>>) offsets(%select_n3A_223 : vector<16xi32>) semaphore(%arg22 : memref<!tpu.dma_semaphore, #tpu.memory_space<semaphore_mem>>)
          %add3A_249 = arith.constant 1 : i32
          %add3A_250 = arith.addi %while3A_151, %add3A_249 : i32
          scf.yield %add3A_33, %add3A_250 : vector<16xi32>, i32
        } else {
          scf.yield %select_n3A_223, %while3A_151 : vector<16xi32>, i32
        }
        %add3A_230 = arith.constant 1 : i32
        %add3A_231 = arith.addi %while3A_149, %add3A_230 : i32
        %rem3A_232 = arith.constant 16 : i32
        %rem3A_233 = arith.remsi %add3A_231, %rem3A_232 : i32
        %add3A_234 = arith.constant 1 : i32
        %add3A_235 = arith.addi %while3A_148, %add3A_234 : i32
        scf.yield %add3A_235, %rem3A_233, %cond3A_229#0, %cond3A_229#1 : i32, i32, vector<16xi32>, i32
      }
      scf.yield %while3A_147#0, %while3A_147#1, %while3A_147#2, %while3A_147#3 : i32, i32, vector<16xi32>, i32
    } else {
      scf.yield %scan3A_48#0, %scan3A_48#1, %scan3A_48#2, %scan3A_48#3 : i32, i32, vector<16xi32>, i32
    }
    %gt3A = arith.constant 0 : i32
    %gt3A_56 = arith.cmpi sgt, %cond3A_55#1, %gt3A : i32
    %convert_element_type3A_57 = arith.extui %gt3A_56 : i1 to i32
    %cond3A_58 = arith.constant 0 : i32
    %cond3A_59 = arith.cmpi ne, %convert_element_type3A_57, %cond3A_58 : i32
    %cond3A_60 = scf.if %cond3A_59 -> (i32) {
      %gt3A_143 = arith.constant 0 : i32
      %gt3A_144 = arith.cmpi sgt, %cond3A_55#3, %gt3A_143 : i32
      %convert_element_type3A_145 = arith.extui %gt3A_144 : i1 to i32
      %cond3A_146 = arith.constant 0 : i32
      %cond3A_147 = arith.cmpi ne, %convert_element_type3A_145, %cond3A_146 : i32
      scf.if %cond3A_147 {
        %dma_wait3A = arith.constant 0 : i32
        %dma_wait3A_157 = arith.constant 0 : i32
        %dma_wait3A_158 = tpu.memref_slice %arg18[%dma_wait3A, %dma_wait3A_157] : memref<32x128xf32, #tpu.memory_space<vmem>> -> memref<16x128xf32, #tpu.memory_space<vmem>>
        %dma_wait3A_159 = arith.constant 0 : i32
        %dma_wait3A_160 = arith.constant 0 : i32
        %dma_wait3A_161 = tpu.memref_slice %arg12[%dma_wait3A_159, %dma_wait3A_160] : memref<16400x128xf32, #tpu.memory_space<hbm>> -> memref<16x128xf32, #tpu.memory_space<hbm>>
        %dma_wait3A_162 = arith.constant 0 : i32
        %dma_wait3A_163 = arith.constant 0 : i32
        %dma_wait3A_164 = tpu.memref_slice %arg18[%dma_wait3A_162, %dma_wait3A_163] : memref<32x128xf32, #tpu.memory_space<vmem>> -> memref<16x128xf32, #tpu.memory_space<vmem>>
        %dma_wait3A_165 = arith.constant 0 : i32
        %dma_wait3A_166 = arith.constant 0 : i32
        %dma_wait3A_167 = tpu.memref_slice %arg12[%dma_wait3A_165, %dma_wait3A_166] : memref<16400x128xf32, #tpu.memory_space<hbm>> -> memref<16x128xf32, #tpu.memory_space<hbm>>
        tpu.wait_dma2 semaphore(%arg22 : memref<!tpu.dma_semaphore, #tpu.memory_space<semaphore_mem>>) src(%dma_wait3A_167 : memref<16x128xf32, #tpu.memory_space<hbm>>) dst(%dma_wait3A_164 : memref<16x128xf32, #tpu.memory_space<vmem>>)
      } else {
      }
      %rem3A = arith.constant 2 : i32
      %rem3A_148 = arith.remsi %cond3A_55#3, %rem3A : i32
      %mul3A_149 = arith.constant 16 : i32
      %mul3A_150 = arith.muli %rem3A_148, %mul3A_149 : i32
      %multiple_of3A = tpu.assume_multiple %mul3A_150, 8 : i32
      %dma_start3A = arith.constant 0 : i32
      %dma_start3A_151 = tpu.memref_slice %arg18[%multiple_of3A, %dma_start3A] : memref<32x128xf32, #tpu.memory_space<vmem>> -> memref<16x128xf32, #tpu.memory_space<vmem>>
      %dma_start3A_152 = arith.constant 0 : i32
      %dma_start3A_153 = arith.constant 0 : i32
      %dma_start3A_154 = tpu.memref_slice %arg12[%dma_start3A_152, %dma_start3A_153] : memref<16400x128xf32, #tpu.memory_space<hbm>> -> memref<16400x128xf32, #tpu.memory_space<hbm>>
      tpu.enqueue_indirect_dma source(%dma_start3A_151 : memref<16x128xf32, #tpu.memory_space<vmem>>) target(%dma_start3A_154 : memref<16400x128xf32, #tpu.memory_space<hbm>>) offsets(%cond3A_55#2 : vector<16xi32>) semaphore(%arg22 : memref<!tpu.dma_semaphore, #tpu.memory_space<semaphore_mem>>)
      %add3A_155 = arith.constant 1 : i32
      %add3A_156 = arith.addi %cond3A_55#3, %add3A_155 : i32
      scf.yield %add3A_156 : i32
    } else {
      scf.yield %cond3A_55#3 : i32
    }
    %gt3A_61 = arith.constant 0 : i32
    %gt3A_62 = arith.cmpi sgt, %cond3A_60, %gt3A_61 : i32
    %convert_element_type3A_63 = arith.extui %gt3A_62 : i1 to i32
    %cond3A_64 = arith.constant 0 : i32
    %cond3A_65 = arith.cmpi ne, %convert_element_type3A_63, %cond3A_64 : i32
    scf.if %cond3A_65 {
      %dma_wait3A = arith.constant 0 : i32
      %dma_wait3A_143 = arith.constant 0 : i32
      %dma_wait3A_144 = tpu.memref_slice %arg18[%dma_wait3A, %dma_wait3A_143] : memref<32x128xf32, #tpu.memory_space<vmem>> -> memref<16x128xf32, #tpu.memory_space<vmem>>
      %dma_wait3A_145 = arith.constant 0 : i32
      %dma_wait3A_146 = arith.constant 0 : i32
      %dma_wait3A_147 = tpu.memref_slice %arg12[%dma_wait3A_145, %dma_wait3A_146] : memref<16400x128xf32, #tpu.memory_space<hbm>> -> memref<16x128xf32, #tpu.memory_space<hbm>>
      %dma_wait3A_148 = arith.constant 0 : i32
      %dma_wait3A_149 = arith.constant 0 : i32
      %dma_wait3A_150 = tpu.memref_slice %arg18[%dma_wait3A_148, %dma_wait3A_149] : memref<32x128xf32, #tpu.memory_space<vmem>> -> memref<16x128xf32, #tpu.memory_space<vmem>>
      %dma_wait3A_151 = arith.constant 0 : i32
      %dma_wait3A_152 = arith.constant 0 : i32
      %dma_wait3A_153 = tpu.memref_slice %arg12[%dma_wait3A_151, %dma_wait3A_152] : memref<16400x128xf32, #tpu.memory_space<hbm>> -> memref<16x128xf32, #tpu.memory_space<hbm>>
      tpu.wait_dma2 semaphore(%arg22 : memref<!tpu.dma_semaphore, #tpu.memory_space<semaphore_mem>>) src(%dma_wait3A_153 : memref<16x128xf32, #tpu.memory_space<hbm>>) dst(%dma_wait3A_150 : memref<16x128xf32, #tpu.memory_space<vmem>>)
    } else {
    }
    "tpu.region"() ({
      %run_scoped3A = tpu.sem_alloc : memref<!tpu.dma_semaphore, #tpu.memory_space<semaphore_mem>>
      tpu.enqueue_dma source(%arg5 : memref<16384xi32, #tpu.memory_space<hbm>>) target(%arg14 : memref<16384xi32, #tpu.memory_space<vmem>>) target_semaphore(%run_scoped3A : memref<!tpu.dma_semaphore, #tpu.memory_space<semaphore_mem>>)
      tpu.wait_dma2 semaphore(%run_scoped3A : memref<!tpu.dma_semaphore, #tpu.memory_space<semaphore_mem>>) src(%arg5 : memref<16384xi32, #tpu.memory_space<hbm>>) dst(%arg14 : memref<16384xi32, #tpu.memory_space<vmem>>)
      tpu.yield
    }) : () -> ()
    "tpu.region"() ({
      %run_scoped3A = tpu.sem_alloc : memref<!tpu.dma_semaphore, #tpu.memory_space<semaphore_mem>>
      tpu.enqueue_dma source(%arg6 : memref<16384xi32, #tpu.memory_space<hbm>>) target(%arg15 : memref<16384xi32, #tpu.memory_space<vmem>>) target_semaphore(%run_scoped3A : memref<!tpu.dma_semaphore, #tpu.memory_space<semaphore_mem>>)
      tpu.wait_dma2 semaphore(%run_scoped3A : memref<!tpu.dma_semaphore, #tpu.memory_space<semaphore_mem>>) src(%arg6 : memref<16384xi32, #tpu.memory_space<hbm>>) dst(%arg15 : memref<16384xi32, #tpu.memory_space<vmem>>)
      tpu.yield
    }) : () -> ()
    "tpu.region"() ({
      %run_scoped3A = tpu.sem_alloc : memref<!tpu.dma_semaphore, #tpu.memory_space<semaphore_mem>>
      tpu.enqueue_dma source(%arg7 : memref<40xi32, #tpu.memory_space<hbm>>) target(%arg16 : memref<40xi32, #tpu.memory_space<vmem>>) target_semaphore(%run_scoped3A : memref<!tpu.dma_semaphore, #tpu.memory_space<semaphore_mem>>)
      tpu.wait_dma2 semaphore(%run_scoped3A : memref<!tpu.dma_semaphore, #tpu.memory_space<semaphore_mem>>) src(%arg7 : memref<40xi32, #tpu.memory_space<hbm>>) dst(%arg16 : memref<40xi32, #tpu.memory_space<vmem>>)
      tpu.yield
    }) : () -> ()
    %mul3A_66 = arith.constant 12 : i32
    %mul3A_67 = arith.muli %add3A, %mul3A_66 : i32
    %eq3A_68 = arith.constant 31 : i32
    %eq3A_69 = arith.cmpi eq, %add3A, %eq3A_68 : i32
    %select_n3A_70 = arith.constant 12 : i32
    %select_n3A_71 = arith.constant 18 : i32
    %select_n3A_72 = arith.select %eq3A_69, %select_n3A_71, %select_n3A_70 : i32
    %add3A_73 = arith.constant 1 : i32
    %add3A_74 = arith.addi %add3A, %add3A_73 : i32
    %broadcast_in_dim3A_75 = arith.constant 0 : i32
    %broadcast_in_dim3A_76 = vector.broadcast %broadcast_in_dim3A_75 : i32 to vector<16xi32>
    %add3A_77 = vector.broadcast %add3A_74 : i32 to vector<16xi32>
    %add3A_78 = arith.addi %broadcast_in_dim3A_76, %add3A_77 : vector<16xi32>
    %gather3A_79 = tpu.vector_load_idx %arg16[%add3A_78] : memref<40xi32, #tpu.memory_space<vmem>>[vector<16xi32>], vector<16xi32>,
    %slice3A_80 = vector.extract_strided_slice %gather3A_79 {offsets = [0], sizes = [1], strides = [1]} : vector<16xi32> to vector<1xi32>
    %squeeze3A_81 = vector.extract %slice3A_80[0] : i32 from vector<1xi32>
    %broadcast_in_dim3A_82 = arith.constant 0 : i32
    %broadcast_in_dim3A_83 = vector.broadcast %broadcast_in_dim3A_82 : i32 to vector<16xi32>
    %add3A_84 = vector.broadcast %add3A : i32 to vector<16xi32>
    %add3A_85 = arith.addi %broadcast_in_dim3A_83, %add3A_84 : vector<16xi32>
    %gather3A_86 = tpu.vector_load_idx %arg16[%add3A_85] : memref<40xi32, #tpu.memory_space<vmem>>[vector<16xi32>], vector<16xi32>,
    %slice3A_87 = vector.extract_strided_slice %gather3A_86 {offsets = [0], sizes = [1], strides = [1]} : vector<16xi32> to vector<1xi32>
    %squeeze3A_88 = vector.extract %slice3A_87[0] : i32 from vector<1xi32>
    %iota3A_89 = tpu.iota {dimensions = array<i32: 0>} : vector<16xi32>
    %iota3A_90 = tpu.iota {dimensions = array<i32: 0>} : vector<16xi32>
    %add3A_91 = arith.constant 16 : i32
    %add3A_92 = vector.broadcast %add3A_91 : i32 to vector<16xi32>
    %add3A_93 = arith.addi %add3A_92, %iota3A_90 : vector<16xi32>
    %iota3A_94 = tpu.iota {dimensions = array<i32: 0>} : vector<16xi32>
    %add3A_95 = arith.constant 32 : i32
    %add3A_96 = vector.broadcast %add3A_95 : i32 to vector<16xi32>
    %add3A_97 = arith.addi %add3A_96, %iota3A_94 : vector<16xi32>
    %iota3A_98 = tpu.iota {dimensions = array<i32: 0>} : vector<16xi32>
    %add3A_99 = arith.constant 48 : i32
    %add3A_100 = vector.broadcast %add3A_99 : i32 to vector<16xi32>
    %add3A_101 = arith.addi %add3A_100, %iota3A_98 : vector<16xi32>
    %iota3A_102 = tpu.iota {dimensions = array<i32: 0>} : vector<16xi32>
    %add3A_103 = arith.constant 16384 : i32
    %add3A_104 = vector.broadcast %add3A_103 : i32 to vector<16xi32>
    %add3A_105 = arith.addi %add3A_104, %iota3A_102 : vector<16xi32>
    %lt3A_106 = arith.constant 0 : i32
    %lt3A_107 = arith.cmpi slt, %lt3A_106, %select_n3A_72 : i32
    %convert_element_type3A_108 = arith.extui %lt3A_107 : i1 to i32
    %cond3A_109 = arith.constant 0 : i32
    %cond3A_110 = arith.constant 0 : i32
    %cond3A_111 = arith.cmpi ne, %convert_element_type3A_108, %cond3A_110 : i32
    scf.if %cond3A_111 {
      %add3A_143 = arith.addi %mul3A_67, %cond3A_109 : i32
      %mul3A_144 = arith.constant 256 : i32
      %mul3A_145 = arith.muli %add3A_143, %mul3A_144 : i32
      %multiple_of3A = tpu.assume_multiple %mul3A_145, 128 : i32
      %dma_start3A = arith.constant 0 : i32
      %dma_start3A_146 = arith.constant 0 : i32
      %dma_start3A_147 = arith.constant 0 : i32
      %dma_start3A_148 = tpu.memref_slice %arg17[%dma_start3A, %dma_start3A_146, %dma_start3A_147] : memref<3x64x256xf32, #tpu.memory_space<vmem>> -> memref<1x64x256xf32, #tpu.memory_space<vmem>>
      %dma_start3A_149 = tpu.memref_squeeze %dma_start3A_148 : memref<1x64x256xf32, #tpu.memory_space<vmem>> -> memref<64x256xf32, #tpu.memory_space<vmem>>
      %dma_start3A_150 = arith.constant 0 : i32
      %dma_start3A_151 = tpu.memref_slice %arg9[%dma_start3A_150, %multiple_of3A] : memref<64x100000xf32, #tpu.memory_space<hbm>> -> memref<64x256xf32, #tpu.memory_space<hbm>>
      %dma_start3A_152 = arith.constant 0 : i32
      %dma_start3A_153 = arith.constant 0 : i32
      %dma_start3A_154 = tpu.memref_slice %arg17[%dma_start3A, %dma_start3A_152, %dma_start3A_153] : memref<3x64x256xf32, #tpu.memory_space<vmem>> -> memref<1x64x256xf32, #tpu.memory_space<vmem>>
      %dma_start3A_155 = tpu.memref_squeeze %dma_start3A_154 : memref<1x64x256xf32, #tpu.memory_space<vmem>> -> memref<64x256xf32, #tpu.memory_space<vmem>>
      %dma_start3A_156 = arith.constant 0 : i32
      %dma_start3A_157 = tpu.memref_slice %arg9[%dma_start3A_156, %multiple_of3A] : memref<64x100000xf32, #tpu.memory_space<hbm>> -> memref<64x256xf32, #tpu.memory_space<hbm>>
      tpu.enqueue_dma source(%dma_start3A_157 : memref<64x256xf32, #tpu.memory_space<hbm>>) target(%dma_start3A_155 : memref<64x256xf32, #tpu.memory_space<vmem>>) target_semaphore(%arg19 : memref<!tpu.dma_semaphore, #tpu.memory_space<semaphore_mem>>)
    } else {
    }
    %lt3A_112 = arith.constant 1 : i32
    %lt3A_113 = arith.cmpi slt, %lt3A_112, %select_n3A_72 : i32
    %convert_element_type3A_114 = arith.extui %lt3A_113 : i1 to i32
    %cond3A_115 = arith.constant 1 : i32
    %cond3A_116 = arith.constant 0 : i32
    %cond3A_117 = arith.cmpi ne, %convert_element_type3A_114, %cond3A_116 : i32
    scf.if %cond3A_117 {
      %add3A_143 = arith.addi %mul3A_67, %cond3A_115 : i32
      %mul3A_144 = arith.constant 256 : i32
      %mul3A_145 = arith.muli %add3A_143, %mul3A_144 : i32
      %multiple_of3A = tpu.assume_multiple %mul3A_145, 128 : i32
      %dma_start3A = arith.constant 1 : i32
      %dma_start3A_146 = arith.constant 0 : i32
      %dma_start3A_147 = arith.constant 0 : i32
      %dma_start3A_148 = tpu.memref_slice %arg17[%dma_start3A, %dma_start3A_146, %dma_start3A_147] : memref<3x64x256xf32, #tpu.memory_space<vmem>> -> memref<1x64x256xf32, #tpu.memory_space<vmem>>
      %dma_start3A_149 = tpu.memref_squeeze %dma_start3A_148 : memref<1x64x256xf32, #tpu.memory_space<vmem>> -> memref<64x256xf32, #tpu.memory_space<vmem>>
      %dma_start3A_150 = arith.constant 0 : i32
      %dma_start3A_151 = tpu.memref_slice %arg9[%dma_start3A_150, %multiple_of3A] : memref<64x100000xf32, #tpu.memory_space<hbm>> -> memref<64x256xf32, #tpu.memory_space<hbm>>
      %dma_start3A_152 = arith.constant 0 : i32
      %dma_start3A_153 = arith.constant 0 : i32
      %dma_start3A_154 = tpu.memref_slice %arg17[%dma_start3A, %dma_start3A_152, %dma_start3A_153] : memref<3x64x256xf32, #tpu.memory_space<vmem>> -> memref<1x64x256xf32, #tpu.memory_space<vmem>>
      %dma_start3A_155 = tpu.memref_squeeze %dma_start3A_154 : memref<1x64x256xf32, #tpu.memory_space<vmem>> -> memref<64x256xf32, #tpu.memory_space<vmem>>
      %dma_start3A_156 = arith.constant 0 : i32
      %dma_start3A_157 = tpu.memref_slice %arg9[%dma_start3A_156, %multiple_of3A] : memref<64x100000xf32, #tpu.memory_space<hbm>> -> memref<64x256xf32, #tpu.memory_space<hbm>>
      tpu.enqueue_dma source(%dma_start3A_157 : memref<64x256xf32, #tpu.memory_space<hbm>>) target(%dma_start3A_155 : memref<64x256xf32, #tpu.memory_space<vmem>>) target_semaphore(%arg20 : memref<!tpu.dma_semaphore, #tpu.memory_space<semaphore_mem>>)
    } else {
    }
    %scan3A_118 = arith.constant 0 : i32
    %scan3A_119 = arith.constant 0 : i32
    %scan3A_120 = arith.constant 0 : i32
    %scan3A_121 = arith.constant 6 : i32
    %scan3A_122 = arith.addi %scan3A_120, %scan3A_121 : i32
    %scan3A_123 = arith.constant 1 : i32
    %scan3A_124:4 = scf.for %scan3A_143 = %scan3A_120 to %scan3A_122 step %scan3A_123 iter_args(%scan3A_144 = %squeeze3A_88, %scan3A_145 = %scan3A_118, %scan3A_146 = %add3A_105, %scan3A_147 = %scan3A_119) -> (i32, i32, vector<16xi32>, i32)  : i32 {
      %mul3A_148 = arith.constant 3 : i32
      %mul3A_149 = arith.muli %scan3A_143, %mul3A_148 : i32
      %add3A_150 = arith.constant 0 : i32
      %add3A_151 = arith.addi %mul3A_149, %add3A_150 : i32
      %add3A_152 = arith.constant 0 : i32
      %add3A_153 = arith.addi %mul3A_149, %add3A_152 : i32
      %lt3A_154 = arith.cmpi slt, %add3A_153, %select_n3A_72 : i32
      %convert_element_type3A_155 = arith.extui %lt3A_154 : i1 to i32
      %cond3A_156 = arith.constant 0 : i32
      %cond3A_157 = arith.cmpi ne, %convert_element_type3A_155, %cond3A_156 : i32
      %cond3A_158:4 = scf.if %cond3A_157 -> (i32, i32, vector<16xi32>, i32) {
        %add3A_177 = arith.constant 2 : i32
        %add3A_178 = arith.addi %add3A_151, %add3A_177 : i32
        %lt3A_179 = arith.cmpi slt, %add3A_178, %select_n3A_72 : i32
        %convert_element_type3A_180 = arith.extui %lt3A_179 : i1 to i32
        %cond3A_181 = arith.constant 0 : i32
        %cond3A_182 = arith.cmpi ne, %convert_element_type3A_180, %cond3A_181 : i32
        scf.if %cond3A_182 {
          %add3A_203 = arith.addi %mul3A_67, %add3A_178 : i32
          %mul3A_204 = arith.constant 256 : i32
          %mul3A_205 = arith.muli %add3A_203, %mul3A_204 : i32
          %multiple_of3A = tpu.assume_multiple %mul3A_205, 128 : i32
          %dma_start3A = arith.constant 2 : i32
          %dma_start3A_206 = arith.constant 0 : i32
          %dma_start3A_207 = arith.constant 0 : i32
          %dma_start3A_208 = tpu.memref_slice %arg17[%dma_start3A, %dma_start3A_206, %dma_start3A_207] : memref<3x64x256xf32, #tpu.memory_space<vmem>> -> memref<1x64x256xf32, #tpu.memory_space<vmem>>
          %dma_start3A_209 = tpu.memref_squeeze %dma_start3A_208 : memref<1x64x256xf32, #tpu.memory_space<vmem>> -> memref<64x256xf32, #tpu.memory_space<vmem>>
          %dma_start3A_210 = arith.constant 0 : i32
          %dma_start3A_211 = tpu.memref_slice %arg9[%dma_start3A_210, %multiple_of3A] : memref<64x100000xf32, #tpu.memory_space<hbm>> -> memref<64x256xf32, #tpu.memory_space<hbm>>
          %dma_start3A_212 = arith.constant 0 : i32
          %dma_start3A_213 = arith.constant 0 : i32
          %dma_start3A_214 = tpu.memref_slice %arg17[%dma_start3A, %dma_start3A_212, %dma_start3A_213] : memref<3x64x256xf32, #tpu.memory_space<vmem>> -> memref<1x64x256xf32, #tpu.memory_space<vmem>>
          %dma_start3A_215 = tpu.memref_squeeze %dma_start3A_214 : memref<1x64x256xf32, #tpu.memory_space<vmem>> -> memref<64x256xf32, #tpu.memory_space<vmem>>
          %dma_start3A_216 = arith.constant 0 : i32
          %dma_start3A_217 = tpu.memref_slice %arg9[%dma_start3A_216, %multiple_of3A] : memref<64x100000xf32, #tpu.memory_space<hbm>> -> memref<64x256xf32, #tpu.memory_space<hbm>>
          tpu.enqueue_dma source(%dma_start3A_217 : memref<64x256xf32, #tpu.memory_space<hbm>>) target(%dma_start3A_215 : memref<64x256xf32, #tpu.memory_space<vmem>>) target_semaphore(%arg21 : memref<!tpu.dma_semaphore, #tpu.memory_space<semaphore_mem>>)
        } else {
        }
        %dma_wait3A = arith.constant 0 : i32
        %dma_wait3A_183 = arith.constant 0 : i32
        %dma_wait3A_184 = arith.constant 0 : i32
        %dma_wait3A_185 = tpu.memref_slice %arg17[%dma_wait3A, %dma_wait3A_183, %dma_wait3A_184] : memref<3x64x256xf32, #tpu.memory_space<vmem>> -> memref<1x64x256xf32, #tpu.memory_space<vmem>>
        %dma_wait3A_186 = tpu.memref_squeeze %dma_wait3A_185 : memref<1x64x256xf32, #tpu.memory_space<vmem>> -> memref<64x256xf32, #tpu.memory_space<vmem>>
        %dma_wait3A_187 = arith.constant 0 : i32
        %dma_wait3A_188 = arith.constant 0 : i32
        %dma_wait3A_189 = tpu.memref_slice %arg9[%dma_wait3A_187, %dma_wait3A_188] : memref<64x100000xf32, #tpu.memory_space<hbm>> -> memref<64x256xf32, #tpu.memory_space<hbm>>
        %dma_wait3A_190 = arith.constant 0 : i32
        %dma_wait3A_191 = arith.constant 0 : i32
        %dma_wait3A_192 = tpu.memref_slice %arg17[%dma_wait3A, %dma_wait3A_190, %dma_wait3A_191] : memref<3x64x256xf32, #tpu.memory_space<vmem>> -> memref<1x64x256xf32, #tpu.memory_space<vmem>>
        %dma_wait3A_193 = tpu.memref_squeeze %dma_wait3A_192 : memref<1x64x256xf32, #tpu.memory_space<vmem>> -> memref<64x256xf32, #tpu.memory_space<vmem>>
        %dma_wait3A_194 = arith.constant 0 : i32
        %dma_wait3A_195 = arith.constant 0 : i32
        %dma_wait3A_196 = tpu.memref_slice %arg9[%dma_wait3A_194, %dma_wait3A_195] : memref<64x100000xf32, #tpu.memory_space<hbm>> -> memref<64x256xf32, #tpu.memory_space<hbm>>
        tpu.wait_dma2 semaphore(%arg19 : memref<!tpu.dma_semaphore, #tpu.memory_space<semaphore_mem>>) src(%dma_wait3A_196 : memref<64x256xf32, #tpu.memory_space<hbm>>) dst(%dma_wait3A_193 : memref<64x256xf32, #tpu.memory_space<vmem>>)
        %add3A_197 = arith.addi %mul3A_67, %add3A_151 : i32
        %mul3A_198 = arith.constant 256 : i32
        %mul3A_199 = arith.muli %add3A_197, %mul3A_198 : i32
        %add3A_200 = arith.constant 256 : i32
        %add3A_201 = arith.addi %mul3A_199, %add3A_200 : i32
        %while3A = arith.constant 0 : i32
        %while3A_202:4 = scf.while (%while3A_203 = %scan3A_144, %while3A_204 = %scan3A_145, %while3A_205 = %scan3A_146, %while3A_206 = %scan3A_147) : (i32, i32, vector<16xi32>, i32) -> (i32, i32, vector<16xi32>, i32) {
          %lt3A_207 = arith.cmpi slt, %while3A_203, %squeeze3A_81 : i32
          %broadcast_in_dim3A_208 = arith.constant 0 : i32
          %broadcast_in_dim3A_209 = vector.broadcast %broadcast_in_dim3A_208 : i32 to vector<16xi32>
          %add3A_210 = vector.broadcast %while3A_203 : i32 to vector<16xi32>
          %add3A_211 = arith.addi %broadcast_in_dim3A_209, %add3A_210 : vector<16xi32>
          %gather3A_212 = tpu.vector_load_idx %arg14[%add3A_211] : memref<16384xi32, #tpu.memory_space<vmem>>[vector<16xi32>], vector<16xi32>,
          %slice3A_213 = vector.extract_strided_slice %gather3A_212 {offsets = [0], sizes = [1], strides = [1]} : vector<16xi32> to vector<1xi32>
          %squeeze3A_214 = vector.extract %slice3A_213[0] : i32 from vector<1xi32>
          %lt3A_215 = arith.cmpi slt, %squeeze3A_214, %add3A_201 : i32
          %and3A = arith.andi %lt3A_207, %lt3A_215 : i1
          scf.condition(%and3A) %while3A_203, %while3A_204, %while3A_205, %while3A_206 : i32, i32, vector<16xi32>, i32
        } do {
        ^bb0(%while3A_203: i32, %while3A_204: i32, %while3A_205: vector<16xi32>, %while3A_206: i32):
          %broadcast_in_dim3A_207 = arith.constant 0 : i32
          %broadcast_in_dim3A_208 = vector.broadcast %broadcast_in_dim3A_207 : i32 to vector<16xi32>
          %add3A_209 = vector.broadcast %while3A_203 : i32 to vector<16xi32>
          %add3A_210 = arith.addi %broadcast_in_dim3A_208, %add3A_209 : vector<16xi32>
          %gather3A_211 = tpu.vector_load_idx %arg14[%add3A_210] : memref<16384xi32, #tpu.memory_space<vmem>>[vector<16xi32>], vector<16xi32>,
          %slice3A_212 = vector.extract_strided_slice %gather3A_211 {offsets = [0], sizes = [1], strides = [1]} : vector<16xi32> to vector<1xi32>
          %squeeze3A_213 = vector.extract %slice3A_212[0] : i32 from vector<1xi32>
          %sub3A = arith.subi %squeeze3A_213, %mul3A_199 : i32
          %rem3A = arith.constant 2 : i32
          %rem3A_214 = arith.remsi %while3A_206, %rem3A : i32
          %mul3A_215 = arith.constant 16 : i32
          %mul3A_216 = arith.muli %rem3A_214, %mul3A_215 : i32
          %add3A_217 = arith.addi %mul3A_216, %while3A_204 : i32
          %broadcast_in_dim3A_218 = arith.constant 0 : i32
          %broadcast_in_dim3A_219 = vector.broadcast %broadcast_in_dim3A_218 : i32 to vector<16xi32>
          %add3A_220 = vector.broadcast %while3A : i32 to vector<16xi32>
          %add3A_221 = arith.addi %broadcast_in_dim3A_219, %add3A_220 : vector<16xi32>
          %broadcast_in_dim3A_222 = arith.constant 0 : i32
          %broadcast_in_dim3A_223 = vector.broadcast %broadcast_in_dim3A_222 : i32 to vector<16xi32>
          %add3A_224 = vector.broadcast %sub3A : i32 to vector<16xi32>
          %add3A_225 = arith.addi %broadcast_in_dim3A_223, %add3A_224 : vector<16xi32>
          %gather3A_226 = tpu.vector_load_idx %arg17[%add3A_221, %iota3A_89, %add3A_225] : memref<3x64x256xf32, #tpu.memory_space<vmem>>[vector<16xi32>, vector<16xi32>, vector<16xi32>], vector<16xf32>,
          %swap3A = arith.index_cast %add3A_217 : i32 to index
          %swap3A_227 = arith.constant 0 : index
          %swap3A_228 = tpu.vector_load %arg18[%swap3A, %swap3A_227] {strides = array<i32>} : memref<32x128xf32, #tpu.memory_space<vmem>>, vector<16xf32>,
          tpu.vector_store %arg18[%swap3A, %swap3A_227], %gather3A_226 {strides = array<i32>} : memref<32x128xf32, #tpu.memory_space<vmem>>, vector<16xf32>,
          %broadcast_in_dim3A_229 = arith.constant 0 : i32
          %broadcast_in_dim3A_230 = vector.broadcast %broadcast_in_dim3A_229 : i32 to vector<16xi32>
          %add3A_231 = vector.broadcast %while3A : i32 to vector<16xi32>
          %add3A_232 = arith.addi %broadcast_in_dim3A_230, %add3A_231 : vector<16xi32>
          %broadcast_in_dim3A_233 = arith.constant 0 : i32
          %broadcast_in_dim3A_234 = vector.broadcast %broadcast_in_dim3A_233 : i32 to vector<16xi32>
          %add3A_235 = vector.broadcast %sub3A : i32 to vector<16xi32>
          %add3A_236 = arith.addi %broadcast_in_dim3A_234, %add3A_235 : vector<16xi32>
          %gather3A_237 = tpu.vector_load_idx %arg17[%add3A_232, %add3A_93, %add3A_236] : memref<3x64x256xf32, #tpu.memory_space<vmem>>[vector<16xi32>, vector<16xi32>, vector<16xi32>], vector<16xf32>,
          %swap3A_238 = arith.index_cast %add3A_217 : i32 to index
          %swap3A_239 = arith.constant 16 : index
          %swap3A_240 = tpu.vector_load %arg18[%swap3A_238, %swap3A_239] {strides = array<i32>} : memref<32x128xf32, #tpu.memory_space<vmem>>, vector<16xf32>,
          tpu.vector_store %arg18[%swap3A_238, %swap3A_239], %gather3A_237 {strides = array<i32>} : memref<32x128xf32, #tpu.memory_space<vmem>>, vector<16xf32>,
          %broadcast_in_dim3A_241 = arith.constant 0 : i32
          %broadcast_in_dim3A_242 = vector.broadcast %broadcast_in_dim3A_241 : i32 to vector<16xi32>
          %add3A_243 = vector.broadcast %while3A : i32 to vector<16xi32>
          %add3A_244 = arith.addi %broadcast_in_dim3A_242, %add3A_243 : vector<16xi32>
          %broadcast_in_dim3A_245 = arith.constant 0 : i32
          %broadcast_in_dim3A_246 = vector.broadcast %broadcast_in_dim3A_245 : i32 to vector<16xi32>
          %add3A_247 = vector.broadcast %sub3A : i32 to vector<16xi32>
          %add3A_248 = arith.addi %broadcast_in_dim3A_246, %add3A_247 : vector<16xi32>
          %gather3A_249 = tpu.vector_load_idx %arg17[%add3A_244, %add3A_97, %add3A_248] : memref<3x64x256xf32, #tpu.memory_space<vmem>>[vector<16xi32>, vector<16xi32>, vector<16xi32>], vector<16xf32>,
          %swap3A_250 = arith.index_cast %add3A_217 : i32 to index
          %swap3A_251 = arith.constant 32 : index
          %swap3A_252 = tpu.vector_load %arg18[%swap3A_250, %swap3A_251] {strides = array<i32>} : memref<32x128xf32, #tpu.memory_space<vmem>>, vector<16xf32>,
          tpu.vector_store %arg18[%swap3A_250, %swap3A_251], %gather3A_249 {strides = array<i32>} : memref<32x128xf32, #tpu.memory_space<vmem>>, vector<16xf32>,
          %broadcast_in_dim3A_253 = arith.constant 0 : i32
          %broadcast_in_dim3A_254 = vector.broadcast %broadcast_in_dim3A_253 : i32 to vector<16xi32>
          %add3A_255 = vector.broadcast %while3A : i32 to vector<16xi32>
          %add3A_256 = arith.addi %broadcast_in_dim3A_254, %add3A_255 : vector<16xi32>
          %broadcast_in_dim3A_257 = arith.constant 0 : i32
          %broadcast_in_dim3A_258 = vector.broadcast %broadcast_in_dim3A_257 : i32 to vector<16xi32>
          %add3A_259 = vector.broadcast %sub3A : i32 to vector<16xi32>
          %add3A_260 = arith.addi %broadcast_in_dim3A_258, %add3A_259 : vector<16xi32>
          %gather3A_261 = tpu.vector_load_idx %arg17[%add3A_256, %add3A_101, %add3A_260] : memref<3x64x256xf32, #tpu.memory_space<vmem>>[vector<16xi32>, vector<16xi32>, vector<16xi32>], vector<16xf32>,
          %swap3A_262 = arith.index_cast %add3A_217 : i32 to index
          %swap3A_263 = arith.constant 48 : index
          %swap3A_264 = tpu.vector_load %arg18[%swap3A_262, %swap3A_263] {strides = array<i32>} : memref<32x128xf32, #tpu.memory_space<vmem>>, vector<16xf32>,
          tpu.vector_store %arg18[%swap3A_262, %swap3A_263], %gather3A_261 {strides = array<i32>} : memref<32x128xf32, #tpu.memory_space<vmem>>, vector<16xf32>,
          %eq3A_265 = vector.broadcast %while3A_204 : i32 to vector<16xi32>
          %eq3A_266 = arith.cmpi eq, %iota3A_102, %eq3A_265 : vector<16xi32>
          %broadcast_in_dim3A_267 = arith.constant 0 : i32
          %broadcast_in_dim3A_268 = vector.broadcast %broadcast_in_dim3A_267 : i32 to vector<16xi32>
          %add3A_269 = vector.broadcast %while3A_203 : i32 to vector<16xi32>
          %add3A_270 = arith.addi %broadcast_in_dim3A_268, %add3A_269 : vector<16xi32>
          %gather3A_271 = tpu.vector_load_idx %arg15[%add3A_270] : memref<16384xi32, #tpu.memory_space<vmem>>[vector<16xi32>], vector<16xi32>,
          %slice3A_272 = vector.extract_strided_slice %gather3A_271 {offsets = [0], sizes = [1], strides = [1]} : vector<16xi32> to vector<1xi32>
          %squeeze3A_273 = vector.extract %slice3A_272[0] : i32 from vector<1xi32>
          %broadcast_in_dim3A_274 = arith.constant 0 : i32
          %broadcast_in_dim3A_275 = vector.broadcast %broadcast_in_dim3A_274 : i32 to vector<16xi32>
          %add3A_276 = vector.broadcast %squeeze3A_273 : i32 to vector<16xi32>
          %add3A_277 = arith.addi %broadcast_in_dim3A_275, %add3A_276 : vector<16xi32>
          %select_n3A_278 = arith.select %eq3A_266, %add3A_277, %while3A_205 : vector<16xi1>, vector<16xi32>
          %eq3A_279 = arith.constant 15 : i32
          %eq3A_280 = arith.cmpi eq, %while3A_204, %eq3A_279 : i32
          %convert_element_type3A_281 = arith.extui %eq3A_280 : i1 to i32
          %cond3A_282 = arith.constant 0 : i32
          %cond3A_283 = arith.cmpi ne, %convert_element_type3A_281, %cond3A_282 : i32
          %cond3A_284:2 = scf.if %cond3A_283 -> (vector<16xi32>, i32) {
            %gt3A_291 = arith.constant 0 : i32
            %gt3A_292 = arith.cmpi sgt, %while3A_206, %gt3A_291 : i32
            %convert_element_type3A_293 = arith.extui %gt3A_292 : i1 to i32
            %cond3A_294 = arith.constant 0 : i32
            %cond3A_295 = arith.cmpi ne, %convert_element_type3A_293, %cond3A_294 : i32
            scf.if %cond3A_295 {
              %dma_wait3A_306 = arith.constant 0 : i32
              %dma_wait3A_307 = arith.constant 0 : i32
              %dma_wait3A_308 = tpu.memref_slice %arg18[%dma_wait3A_306, %dma_wait3A_307] : memref<32x128xf32, #tpu.memory_space<vmem>> -> memref<16x128xf32, #tpu.memory_space<vmem>>
              %dma_wait3A_309 = arith.constant 0 : i32
              %dma_wait3A_310 = arith.constant 0 : i32
              %dma_wait3A_311 = tpu.memref_slice %arg13[%dma_wait3A_309, %dma_wait3A_310] : memref<16400x128xf32, #tpu.memory_space<hbm>> -> memref<16x128xf32, #tpu.memory_space<hbm>>
              %dma_wait3A_312 = arith.constant 0 : i32
              %dma_wait3A_313 = arith.constant 0 : i32
              %dma_wait3A_314 = tpu.memref_slice %arg18[%dma_wait3A_312, %dma_wait3A_313] : memref<32x128xf32, #tpu.memory_space<vmem>> -> memref<16x128xf32, #tpu.memory_space<vmem>>
              %dma_wait3A_315 = arith.constant 0 : i32
              %dma_wait3A_316 = arith.constant 0 : i32
              %dma_wait3A_317 = tpu.memref_slice %arg13[%dma_wait3A_315, %dma_wait3A_316] : memref<16400x128xf32, #tpu.memory_space<hbm>> -> memref<16x128xf32, #tpu.memory_space<hbm>>
              tpu.wait_dma2 semaphore(%arg22 : memref<!tpu.dma_semaphore, #tpu.memory_space<semaphore_mem>>) src(%dma_wait3A_317 : memref<16x128xf32, #tpu.memory_space<hbm>>) dst(%dma_wait3A_314 : memref<16x128xf32, #tpu.memory_space<vmem>>)
            } else {
            }
            %rem3A_296 = arith.constant 2 : i32
            %rem3A_297 = arith.remsi %while3A_206, %rem3A_296 : i32
            %mul3A_298 = arith.constant 16 : i32
            %mul3A_299 = arith.muli %rem3A_297, %mul3A_298 : i32
            %multiple_of3A = tpu.assume_multiple %mul3A_299, 8 : i32
            %dma_start3A = arith.constant 0 : i32
            %dma_start3A_300 = tpu.memref_slice %arg18[%multiple_of3A, %dma_start3A] : memref<32x128xf32, #tpu.memory_space<vmem>> -> memref<16x128xf32, #tpu.memory_space<vmem>>
            %dma_start3A_301 = arith.constant 0 : i32
            %dma_start3A_302 = arith.constant 0 : i32
            %dma_start3A_303 = tpu.memref_slice %arg13[%dma_start3A_301, %dma_start3A_302] : memref<16400x128xf32, #tpu.memory_space<hbm>> -> memref<16400x128xf32, #tpu.memory_space<hbm>>
            tpu.enqueue_indirect_dma source(%dma_start3A_300 : memref<16x128xf32, #tpu.memory_space<vmem>>) target(%dma_start3A_303 : memref<16400x128xf32, #tpu.memory_space<hbm>>) offsets(%select_n3A_278 : vector<16xi32>) semaphore(%arg22 : memref<!tpu.dma_semaphore, #tpu.memory_space<semaphore_mem>>)
            %add3A_304 = arith.constant 1 : i32
            %add3A_305 = arith.addi %while3A_206, %add3A_304 : i32
            scf.yield %add3A_105, %add3A_305 : vector<16xi32>, i32
          } else {
            scf.yield %select_n3A_278, %while3A_206 : vector<16xi32>, i32
          }
          %add3A_285 = arith.constant 1 : i32
          %add3A_286 = arith.addi %while3A_204, %add3A_285 : i32
          %rem3A_287 = arith.constant 16 : i32
          %rem3A_288 = arith.remsi %add3A_286, %rem3A_287 : i32
          %add3A_289 = arith.constant 1 : i32
          %add3A_290 = arith.addi %while3A_203, %add3A_289 : i32
          scf.yield %add3A_290, %rem3A_288, %cond3A_284#0, %cond3A_284#1 : i32, i32, vector<16xi32>, i32
        }
        scf.yield %while3A_202#0, %while3A_202#1, %while3A_202#2, %while3A_202#3 : i32, i32, vector<16xi32>, i32
      } else {
        scf.yield %scan3A_144, %scan3A_145, %scan3A_146, %scan3A_147 : i32, i32, vector<16xi32>, i32
      }
      %add3A_159 = arith.constant 1 : i32
      %add3A_160 = arith.addi %mul3A_149, %add3A_159 : i32
      %add3A_161 = arith.constant 1 : i32
      %add3A_162 = arith.addi %mul3A_149, %add3A_161 : i32
      %lt3A_163 = arith.cmpi slt, %add3A_162, %select_n3A_72 : i32
      %convert_element_type3A_164 = arith.extui %lt3A_163 : i1 to i32
      %cond3A_165 = arith.constant 0 : i32
      %cond3A_166 = arith.cmpi ne, %convert_element_type3A_164, %cond3A_165 : i32
      %cond3A_167:4 = scf.if %cond3A_166 -> (i32, i32, vector<16xi32>, i32) {
        %add3A_177 = arith.constant 2 : i32
        %add3A_178 = arith.addi %add3A_160, %add3A_177 : i32
        %lt3A_179 = arith.cmpi slt, %add3A_178, %select_n3A_72 : i32
        %convert_element_type3A_180 = arith.extui %lt3A_179 : i1 to i32
        %cond3A_181 = arith.constant 0 : i32
        %cond3A_182 = arith.cmpi ne, %convert_element_type3A_180, %cond3A_181 : i32
        scf.if %cond3A_182 {
          %add3A_203 = arith.addi %mul3A_67, %add3A_178 : i32
          %mul3A_204 = arith.constant 256 : i32
          %mul3A_205 = arith.muli %add3A_203, %mul3A_204 : i32
          %multiple_of3A = tpu.assume_multiple %mul3A_205, 128 : i32
          %dma_start3A = arith.constant 0 : i32
          %dma_start3A_206 = arith.constant 0 : i32
          %dma_start3A_207 = arith.constant 0 : i32
          %dma_start3A_208 = tpu.memref_slice %arg17[%dma_start3A, %dma_start3A_206, %dma_start3A_207] : memref<3x64x256xf32, #tpu.memory_space<vmem>> -> memref<1x64x256xf32, #tpu.memory_space<vmem>>
          %dma_start3A_209 = tpu.memref_squeeze %dma_start3A_208 : memref<1x64x256xf32, #tpu.memory_space<vmem>> -> memref<64x256xf32, #tpu.memory_space<vmem>>
          %dma_start3A_210 = arith.constant 0 : i32
          %dma_start3A_211 = tpu.memref_slice %arg9[%dma_start3A_210, %multiple_of3A] : memref<64x100000xf32, #tpu.memory_space<hbm>> -> memref<64x256xf32, #tpu.memory_space<hbm>>
          %dma_start3A_212 = arith.constant 0 : i32
          %dma_start3A_213 = arith.constant 0 : i32
          %dma_start3A_214 = tpu.memref_slice %arg17[%dma_start3A, %dma_start3A_212, %dma_start3A_213] : memref<3x64x256xf32, #tpu.memory_space<vmem>> -> memref<1x64x256xf32, #tpu.memory_space<vmem>>
          %dma_start3A_215 = tpu.memref_squeeze %dma_start3A_214 : memref<1x64x256xf32, #tpu.memory_space<vmem>> -> memref<64x256xf32, #tpu.memory_space<vmem>>
          %dma_start3A_216 = arith.constant 0 : i32
          %dma_start3A_217 = tpu.memref_slice %arg9[%dma_start3A_216, %multiple_of3A] : memref<64x100000xf32, #tpu.memory_space<hbm>> -> memref<64x256xf32, #tpu.memory_space<hbm>>
          tpu.enqueue_dma source(%dma_start3A_217 : memref<64x256xf32, #tpu.memory_space<hbm>>) target(%dma_start3A_215 : memref<64x256xf32, #tpu.memory_space<vmem>>) target_semaphore(%arg19 : memref<!tpu.dma_semaphore, #tpu.memory_space<semaphore_mem>>)
        } else {
        }
        %dma_wait3A = arith.constant 0 : i32
        %dma_wait3A_183 = arith.constant 0 : i32
        %dma_wait3A_184 = arith.constant 0 : i32
        %dma_wait3A_185 = tpu.memref_slice %arg17[%dma_wait3A, %dma_wait3A_183, %dma_wait3A_184] : memref<3x64x256xf32, #tpu.memory_space<vmem>> -> memref<1x64x256xf32, #tpu.memory_space<vmem>>
        %dma_wait3A_186 = tpu.memref_squeeze %dma_wait3A_185 : memref<1x64x256xf32, #tpu.memory_space<vmem>> -> memref<64x256xf32, #tpu.memory_space<vmem>>
        %dma_wait3A_187 = arith.constant 0 : i32
        %dma_wait3A_188 = arith.constant 0 : i32
        %dma_wait3A_189 = tpu.memref_slice %arg9[%dma_wait3A_187, %dma_wait3A_188] : memref<64x100000xf32, #tpu.memory_space<hbm>> -> memref<64x256xf32, #tpu.memory_space<hbm>>
        %dma_wait3A_190 = arith.constant 0 : i32
        %dma_wait3A_191 = arith.constant 0 : i32
        %dma_wait3A_192 = tpu.memref_slice %arg17[%dma_wait3A, %dma_wait3A_190, %dma_wait3A_191] : memref<3x64x256xf32, #tpu.memory_space<vmem>> -> memref<1x64x256xf32, #tpu.memory_space<vmem>>
        %dma_wait3A_193 = tpu.memref_squeeze %dma_wait3A_192 : memref<1x64x256xf32, #tpu.memory_space<vmem>> -> memref<64x256xf32, #tpu.memory_space<vmem>>
        %dma_wait3A_194 = arith.constant 0 : i32
        %dma_wait3A_195 = arith.constant 0 : i32
        %dma_wait3A_196 = tpu.memref_slice %arg9[%dma_wait3A_194, %dma_wait3A_195] : memref<64x100000xf32, #tpu.memory_space<hbm>> -> memref<64x256xf32, #tpu.memory_space<hbm>>
        tpu.wait_dma2 semaphore(%arg20 : memref<!tpu.dma_semaphore, #tpu.memory_space<semaphore_mem>>) src(%dma_wait3A_196 : memref<64x256xf32, #tpu.memory_space<hbm>>) dst(%dma_wait3A_193 : memref<64x256xf32, #tpu.memory_space<vmem>>)
        %add3A_197 = arith.addi %mul3A_67, %add3A_160 : i32
        %mul3A_198 = arith.constant 256 : i32
        %mul3A_199 = arith.muli %add3A_197, %mul3A_198 : i32
        %add3A_200 = arith.constant 256 : i32
        %add3A_201 = arith.addi %mul3A_199, %add3A_200 : i32
        %while3A = arith.constant 1 : i32
        %while3A_202:4 = scf.while (%while3A_203 = %cond3A_158#0, %while3A_204 = %cond3A_158#1, %while3A_205 = %cond3A_158#2, %while3A_206 = %cond3A_158#3) : (i32, i32, vector<16xi32>, i32) -> (i32, i32, vector<16xi32>, i32) {
          %lt3A_207 = arith.cmpi slt, %while3A_203, %squeeze3A_81 : i32
          %broadcast_in_dim3A_208 = arith.constant 0 : i32
          %broadcast_in_dim3A_209 = vector.broadcast %broadcast_in_dim3A_208 : i32 to vector<16xi32>
          %add3A_210 = vector.broadcast %while3A_203 : i32 to vector<16xi32>
          %add3A_211 = arith.addi %broadcast_in_dim3A_209, %add3A_210 : vector<16xi32>
          %gather3A_212 = tpu.vector_load_idx %arg14[%add3A_211] : memref<16384xi32, #tpu.memory_space<vmem>>[vector<16xi32>], vector<16xi32>,
          %slice3A_213 = vector.extract_strided_slice %gather3A_212 {offsets = [0], sizes = [1], strides = [1]} : vector<16xi32> to vector<1xi32>
          %squeeze3A_214 = vector.extract %slice3A_213[0] : i32 from vector<1xi32>
          %lt3A_215 = arith.cmpi slt, %squeeze3A_214, %add3A_201 : i32
          %and3A = arith.andi %lt3A_207, %lt3A_215 : i1
          scf.condition(%and3A) %while3A_203, %while3A_204, %while3A_205, %while3A_206 : i32, i32, vector<16xi32>, i32
        } do {
        ^bb0(%while3A_203: i32, %while3A_204: i32, %while3A_205: vector<16xi32>, %while3A_206: i32):
          %broadcast_in_dim3A_207 = arith.constant 0 : i32
          %broadcast_in_dim3A_208 = vector.broadcast %broadcast_in_dim3A_207 : i32 to vector<16xi32>
          %add3A_209 = vector.broadcast %while3A_203 : i32 to vector<16xi32>
          %add3A_210 = arith.addi %broadcast_in_dim3A_208, %add3A_209 : vector<16xi32>
          %gather3A_211 = tpu.vector_load_idx %arg14[%add3A_210] : memref<16384xi32, #tpu.memory_space<vmem>>[vector<16xi32>], vector<16xi32>,
          %slice3A_212 = vector.extract_strided_slice %gather3A_211 {offsets = [0], sizes = [1], strides = [1]} : vector<16xi32> to vector<1xi32>
          %squeeze3A_213 = vector.extract %slice3A_212[0] : i32 from vector<1xi32>
          %sub3A = arith.subi %squeeze3A_213, %mul3A_199 : i32
          %rem3A = arith.constant 2 : i32
          %rem3A_214 = arith.remsi %while3A_206, %rem3A : i32
          %mul3A_215 = arith.constant 16 : i32
          %mul3A_216 = arith.muli %rem3A_214, %mul3A_215 : i32
          %add3A_217 = arith.addi %mul3A_216, %while3A_204 : i32
          %broadcast_in_dim3A_218 = arith.constant 0 : i32
          %broadcast_in_dim3A_219 = vector.broadcast %broadcast_in_dim3A_218 : i32 to vector<16xi32>
          %add3A_220 = vector.broadcast %while3A : i32 to vector<16xi32>
          %add3A_221 = arith.addi %broadcast_in_dim3A_219, %add3A_220 : vector<16xi32>
          %broadcast_in_dim3A_222 = arith.constant 0 : i32
          %broadcast_in_dim3A_223 = vector.broadcast %broadcast_in_dim3A_222 : i32 to vector<16xi32>
          %add3A_224 = vector.broadcast %sub3A : i32 to vector<16xi32>
          %add3A_225 = arith.addi %broadcast_in_dim3A_223, %add3A_224 : vector<16xi32>
          %gather3A_226 = tpu.vector_load_idx %arg17[%add3A_221, %iota3A_89, %add3A_225] : memref<3x64x256xf32, #tpu.memory_space<vmem>>[vector<16xi32>, vector<16xi32>, vector<16xi32>], vector<16xf32>,
          %swap3A = arith.index_cast %add3A_217 : i32 to index
          %swap3A_227 = arith.constant 0 : index
          %swap3A_228 = tpu.vector_load %arg18[%swap3A, %swap3A_227] {strides = array<i32>} : memref<32x128xf32, #tpu.memory_space<vmem>>, vector<16xf32>,
          tpu.vector_store %arg18[%swap3A, %swap3A_227], %gather3A_226 {strides = array<i32>} : memref<32x128xf32, #tpu.memory_space<vmem>>, vector<16xf32>,
          %broadcast_in_dim3A_229 = arith.constant 0 : i32
          %broadcast_in_dim3A_230 = vector.broadcast %broadcast_in_dim3A_229 : i32 to vector<16xi32>
          %add3A_231 = vector.broadcast %while3A : i32 to vector<16xi32>
          %add3A_232 = arith.addi %broadcast_in_dim3A_230, %add3A_231 : vector<16xi32>
          %broadcast_in_dim3A_233 = arith.constant 0 : i32
          %broadcast_in_dim3A_234 = vector.broadcast %broadcast_in_dim3A_233 : i32 to vector<16xi32>
          %add3A_235 = vector.broadcast %sub3A : i32 to vector<16xi32>
          %add3A_236 = arith.addi %broadcast_in_dim3A_234, %add3A_235 : vector<16xi32>
          %gather3A_237 = tpu.vector_load_idx %arg17[%add3A_232, %add3A_93, %add3A_236] : memref<3x64x256xf32, #tpu.memory_space<vmem>>[vector<16xi32>, vector<16xi32>, vector<16xi32>], vector<16xf32>,
          %swap3A_238 = arith.index_cast %add3A_217 : i32 to index
          %swap3A_239 = arith.constant 16 : index
          %swap3A_240 = tpu.vector_load %arg18[%swap3A_238, %swap3A_239] {strides = array<i32>} : memref<32x128xf32, #tpu.memory_space<vmem>>, vector<16xf32>,
          tpu.vector_store %arg18[%swap3A_238, %swap3A_239], %gather3A_237 {strides = array<i32>} : memref<32x128xf32, #tpu.memory_space<vmem>>, vector<16xf32>,
          %broadcast_in_dim3A_241 = arith.constant 0 : i32
          %broadcast_in_dim3A_242 = vector.broadcast %broadcast_in_dim3A_241 : i32 to vector<16xi32>
          %add3A_243 = vector.broadcast %while3A : i32 to vector<16xi32>
          %add3A_244 = arith.addi %broadcast_in_dim3A_242, %add3A_243 : vector<16xi32>
          %broadcast_in_dim3A_245 = arith.constant 0 : i32
          %broadcast_in_dim3A_246 = vector.broadcast %broadcast_in_dim3A_245 : i32 to vector<16xi32>
          %add3A_247 = vector.broadcast %sub3A : i32 to vector<16xi32>
          %add3A_248 = arith.addi %broadcast_in_dim3A_246, %add3A_247 : vector<16xi32>
          %gather3A_249 = tpu.vector_load_idx %arg17[%add3A_244, %add3A_97, %add3A_248] : memref<3x64x256xf32, #tpu.memory_space<vmem>>[vector<16xi32>, vector<16xi32>, vector<16xi32>], vector<16xf32>,
          %swap3A_250 = arith.index_cast %add3A_217 : i32 to index
          %swap3A_251 = arith.constant 32 : index
          %swap3A_252 = tpu.vector_load %arg18[%swap3A_250, %swap3A_251] {strides = array<i32>} : memref<32x128xf32, #tpu.memory_space<vmem>>, vector<16xf32>,
          tpu.vector_store %arg18[%swap3A_250, %swap3A_251], %gather3A_249 {strides = array<i32>} : memref<32x128xf32, #tpu.memory_space<vmem>>, vector<16xf32>,
          %broadcast_in_dim3A_253 = arith.constant 0 : i32
          %broadcast_in_dim3A_254 = vector.broadcast %broadcast_in_dim3A_253 : i32 to vector<16xi32>
          %add3A_255 = vector.broadcast %while3A : i32 to vector<16xi32>
          %add3A_256 = arith.addi %broadcast_in_dim3A_254, %add3A_255 : vector<16xi32>
          %broadcast_in_dim3A_257 = arith.constant 0 : i32
          %broadcast_in_dim3A_258 = vector.broadcast %broadcast_in_dim3A_257 : i32 to vector<16xi32>
          %add3A_259 = vector.broadcast %sub3A : i32 to vector<16xi32>
          %add3A_260 = arith.addi %broadcast_in_dim3A_258, %add3A_259 : vector<16xi32>
          %gather3A_261 = tpu.vector_load_idx %arg17[%add3A_256, %add3A_101, %add3A_260] : memref<3x64x256xf32, #tpu.memory_space<vmem>>[vector<16xi32>, vector<16xi32>, vector<16xi32>], vector<16xf32>,
          %swap3A_262 = arith.index_cast %add3A_217 : i32 to index
          %swap3A_263 = arith.constant 48 : index
          %swap3A_264 = tpu.vector_load %arg18[%swap3A_262, %swap3A_263] {strides = array<i32>} : memref<32x128xf32, #tpu.memory_space<vmem>>, vector<16xf32>,
          tpu.vector_store %arg18[%swap3A_262, %swap3A_263], %gather3A_261 {strides = array<i32>} : memref<32x128xf32, #tpu.memory_space<vmem>>, vector<16xf32>,
          %eq3A_265 = vector.broadcast %while3A_204 : i32 to vector<16xi32>
          %eq3A_266 = arith.cmpi eq, %iota3A_102, %eq3A_265 : vector<16xi32>
          %broadcast_in_dim3A_267 = arith.constant 0 : i32
          %broadcast_in_dim3A_268 = vector.broadcast %broadcast_in_dim3A_267 : i32 to vector<16xi32>
          %add3A_269 = vector.broadcast %while3A_203 : i32 to vector<16xi32>
          %add3A_270 = arith.addi %broadcast_in_dim3A_268, %add3A_269 : vector<16xi32>
          %gather3A_271 = tpu.vector_load_idx %arg15[%add3A_270] : memref<16384xi32, #tpu.memory_space<vmem>>[vector<16xi32>], vector<16xi32>,
          %slice3A_272 = vector.extract_strided_slice %gather3A_271 {offsets = [0], sizes = [1], strides = [1]} : vector<16xi32> to vector<1xi32>
          %squeeze3A_273 = vector.extract %slice3A_272[0] : i32 from vector<1xi32>
          %broadcast_in_dim3A_274 = arith.constant 0 : i32
          %broadcast_in_dim3A_275 = vector.broadcast %broadcast_in_dim3A_274 : i32 to vector<16xi32>
          %add3A_276 = vector.broadcast %squeeze3A_273 : i32 to vector<16xi32>
          %add3A_277 = arith.addi %broadcast_in_dim3A_275, %add3A_276 : vector<16xi32>
          %select_n3A_278 = arith.select %eq3A_266, %add3A_277, %while3A_205 : vector<16xi1>, vector<16xi32>
          %eq3A_279 = arith.constant 15 : i32
          %eq3A_280 = arith.cmpi eq, %while3A_204, %eq3A_279 : i32
          %convert_element_type3A_281 = arith.extui %eq3A_280 : i1 to i32
          %cond3A_282 = arith.constant 0 : i32
          %cond3A_283 = arith.cmpi ne, %convert_element_type3A_281, %cond3A_282 : i32
          %cond3A_284:2 = scf.if %cond3A_283 -> (vector<16xi32>, i32) {
            %gt3A_291 = arith.constant 0 : i32
            %gt3A_292 = arith.cmpi sgt, %while3A_206, %gt3A_291 : i32
            %convert_element_type3A_293 = arith.extui %gt3A_292 : i1 to i32
            %cond3A_294 = arith.constant 0 : i32
            %cond3A_295 = arith.cmpi ne, %convert_element_type3A_293, %cond3A_294 : i32
            scf.if %cond3A_295 {
              %dma_wait3A_306 = arith.constant 0 : i32
              %dma_wait3A_307 = arith.constant 0 : i32
              %dma_wait3A_308 = tpu.memref_slice %arg18[%dma_wait3A_306, %dma_wait3A_307] : memref<32x128xf32, #tpu.memory_space<vmem>> -> memref<16x128xf32, #tpu.memory_space<vmem>>
              %dma_wait3A_309 = arith.constant 0 : i32
              %dma_wait3A_310 = arith.constant 0 : i32
              %dma_wait3A_311 = tpu.memref_slice %arg13[%dma_wait3A_309, %dma_wait3A_310] : memref<16400x128xf32, #tpu.memory_space<hbm>> -> memref<16x128xf32, #tpu.memory_space<hbm>>
              %dma_wait3A_312 = arith.constant 0 : i32
              %dma_wait3A_313 = arith.constant 0 : i32
              %dma_wait3A_314 = tpu.memref_slice %arg18[%dma_wait3A_312, %dma_wait3A_313] : memref<32x128xf32, #tpu.memory_space<vmem>> -> memref<16x128xf32, #tpu.memory_space<vmem>>
              %dma_wait3A_315 = arith.constant 0 : i32
              %dma_wait3A_316 = arith.constant 0 : i32
              %dma_wait3A_317 = tpu.memref_slice %arg13[%dma_wait3A_315, %dma_wait3A_316] : memref<16400x128xf32, #tpu.memory_space<hbm>> -> memref<16x128xf32, #tpu.memory_space<hbm>>
              tpu.wait_dma2 semaphore(%arg22 : memref<!tpu.dma_semaphore, #tpu.memory_space<semaphore_mem>>) src(%dma_wait3A_317 : memref<16x128xf32, #tpu.memory_space<hbm>>) dst(%dma_wait3A_314 : memref<16x128xf32, #tpu.memory_space<vmem>>)
            } else {
            }
            %rem3A_296 = arith.constant 2 : i32
            %rem3A_297 = arith.remsi %while3A_206, %rem3A_296 : i32
            %mul3A_298 = arith.constant 16 : i32
            %mul3A_299 = arith.muli %rem3A_297, %mul3A_298 : i32
            %multiple_of3A = tpu.assume_multiple %mul3A_299, 8 : i32
            %dma_start3A = arith.constant 0 : i32
            %dma_start3A_300 = tpu.memref_slice %arg18[%multiple_of3A, %dma_start3A] : memref<32x128xf32, #tpu.memory_space<vmem>> -> memref<16x128xf32, #tpu.memory_space<vmem>>
            %dma_start3A_301 = arith.constant 0 : i32
            %dma_start3A_302 = arith.constant 0 : i32
            %dma_start3A_303 = tpu.memref_slice %arg13[%dma_start3A_301, %dma_start3A_302] : memref<16400x128xf32, #tpu.memory_space<hbm>> -> memref<16400x128xf32, #tpu.memory_space<hbm>>
            tpu.enqueue_indirect_dma source(%dma_start3A_300 : memref<16x128xf32, #tpu.memory_space<vmem>>) target(%dma_start3A_303 : memref<16400x128xf32, #tpu.memory_space<hbm>>) offsets(%select_n3A_278 : vector<16xi32>) semaphore(%arg22 : memref<!tpu.dma_semaphore, #tpu.memory_space<semaphore_mem>>)
            %add3A_304 = arith.constant 1 : i32
            %add3A_305 = arith.addi %while3A_206, %add3A_304 : i32
            scf.yield %add3A_105, %add3A_305 : vector<16xi32>, i32
          } else {
            scf.yield %select_n3A_278, %while3A_206 : vector<16xi32>, i32
          }
          %add3A_285 = arith.constant 1 : i32
          %add3A_286 = arith.addi %while3A_204, %add3A_285 : i32
          %rem3A_287 = arith.constant 16 : i32
          %rem3A_288 = arith.remsi %add3A_286, %rem3A_287 : i32
          %add3A_289 = arith.constant 1 : i32
          %add3A_290 = arith.addi %while3A_203, %add3A_289 : i32
          scf.yield %add3A_290, %rem3A_288, %cond3A_284#0, %cond3A_284#1 : i32, i32, vector<16xi32>, i32
        }
        scf.yield %while3A_202#0, %while3A_202#1, %while3A_202#2, %while3A_202#3 : i32, i32, vector<16xi32>, i32
      } else {
        scf.yield %cond3A_158#0, %cond3A_158#1, %cond3A_158#2, %cond3A_158#3 : i32, i32, vector<16xi32>, i32
      }
      %add3A_168 = arith.constant 2 : i32
      %add3A_169 = arith.addi %mul3A_149, %add3A_168 : i32
      %add3A_170 = arith.constant 2 : i32
      %add3A_171 = arith.addi %mul3A_149, %add3A_170 : i32
      %lt3A_172 = arith.cmpi slt, %add3A_171, %select_n3A_72 : i32
      %convert_element_type3A_173 = arith.extui %lt3A_172 : i1 to i32
      %cond3A_174 = arith.constant 0 : i32
      %cond3A_175 = arith.cmpi ne, %convert_element_type3A_173, %cond3A_174 : i32
      %cond3A_176:4 = scf.if %cond3A_175 -> (i32, i32, vector<16xi32>, i32) {
        %add3A_177 = arith.constant 2 : i32
        %add3A_178 = arith.addi %add3A_169, %add3A_177 : i32
        %lt3A_179 = arith.cmpi slt, %add3A_178, %select_n3A_72 : i32
        %convert_element_type3A_180 = arith.extui %lt3A_179 : i1 to i32
        %cond3A_181 = arith.constant 0 : i32
        %cond3A_182 = arith.cmpi ne, %convert_element_type3A_180, %cond3A_181 : i32
        scf.if %cond3A_182 {
          %add3A_203 = arith.addi %mul3A_67, %add3A_178 : i32
          %mul3A_204 = arith.constant 256 : i32
          %mul3A_205 = arith.muli %add3A_203, %mul3A_204 : i32
          %multiple_of3A = tpu.assume_multiple %mul3A_205, 128 : i32
          %dma_start3A = arith.constant 1 : i32
          %dma_start3A_206 = arith.constant 0 : i32
          %dma_start3A_207 = arith.constant 0 : i32
          %dma_start3A_208 = tpu.memref_slice %arg17[%dma_start3A, %dma_start3A_206, %dma_start3A_207] : memref<3x64x256xf32, #tpu.memory_space<vmem>> -> memref<1x64x256xf32, #tpu.memory_space<vmem>>
          %dma_start3A_209 = tpu.memref_squeeze %dma_start3A_208 : memref<1x64x256xf32, #tpu.memory_space<vmem>> -> memref<64x256xf32, #tpu.memory_space<vmem>>
          %dma_start3A_210 = arith.constant 0 : i32
          %dma_start3A_211 = tpu.memref_slice %arg9[%dma_start3A_210, %multiple_of3A] : memref<64x100000xf32, #tpu.memory_space<hbm>> -> memref<64x256xf32, #tpu.memory_space<hbm>>
          %dma_start3A_212 = arith.constant 0 : i32
          %dma_start3A_213 = arith.constant 0 : i32
          %dma_start3A_214 = tpu.memref_slice %arg17[%dma_start3A, %dma_start3A_212, %dma_start3A_213] : memref<3x64x256xf32, #tpu.memory_space<vmem>> -> memref<1x64x256xf32, #tpu.memory_space<vmem>>
          %dma_start3A_215 = tpu.memref_squeeze %dma_start3A_214 : memref<1x64x256xf32, #tpu.memory_space<vmem>> -> memref<64x256xf32, #tpu.memory_space<vmem>>
          %dma_start3A_216 = arith.constant 0 : i32
          %dma_start3A_217 = tpu.memref_slice %arg9[%dma_start3A_216, %multiple_of3A] : memref<64x100000xf32, #tpu.memory_space<hbm>> -> memref<64x256xf32, #tpu.memory_space<hbm>>
          tpu.enqueue_dma source(%dma_start3A_217 : memref<64x256xf32, #tpu.memory_space<hbm>>) target(%dma_start3A_215 : memref<64x256xf32, #tpu.memory_space<vmem>>) target_semaphore(%arg20 : memref<!tpu.dma_semaphore, #tpu.memory_space<semaphore_mem>>)
        } else {
        }
        %dma_wait3A = arith.constant 0 : i32
        %dma_wait3A_183 = arith.constant 0 : i32
        %dma_wait3A_184 = arith.constant 0 : i32
        %dma_wait3A_185 = tpu.memref_slice %arg17[%dma_wait3A, %dma_wait3A_183, %dma_wait3A_184] : memref<3x64x256xf32, #tpu.memory_space<vmem>> -> memref<1x64x256xf32, #tpu.memory_space<vmem>>
        %dma_wait3A_186 = tpu.memref_squeeze %dma_wait3A_185 : memref<1x64x256xf32, #tpu.memory_space<vmem>> -> memref<64x256xf32, #tpu.memory_space<vmem>>
        %dma_wait3A_187 = arith.constant 0 : i32
        %dma_wait3A_188 = arith.constant 0 : i32
        %dma_wait3A_189 = tpu.memref_slice %arg9[%dma_wait3A_187, %dma_wait3A_188] : memref<64x100000xf32, #tpu.memory_space<hbm>> -> memref<64x256xf32, #tpu.memory_space<hbm>>
        %dma_wait3A_190 = arith.constant 0 : i32
        %dma_wait3A_191 = arith.constant 0 : i32
        %dma_wait3A_192 = tpu.memref_slice %arg17[%dma_wait3A, %dma_wait3A_190, %dma_wait3A_191] : memref<3x64x256xf32, #tpu.memory_space<vmem>> -> memref<1x64x256xf32, #tpu.memory_space<vmem>>
        %dma_wait3A_193 = tpu.memref_squeeze %dma_wait3A_192 : memref<1x64x256xf32, #tpu.memory_space<vmem>> -> memref<64x256xf32, #tpu.memory_space<vmem>>
        %dma_wait3A_194 = arith.constant 0 : i32
        %dma_wait3A_195 = arith.constant 0 : i32
        %dma_wait3A_196 = tpu.memref_slice %arg9[%dma_wait3A_194, %dma_wait3A_195] : memref<64x100000xf32, #tpu.memory_space<hbm>> -> memref<64x256xf32, #tpu.memory_space<hbm>>
        tpu.wait_dma2 semaphore(%arg21 : memref<!tpu.dma_semaphore, #tpu.memory_space<semaphore_mem>>) src(%dma_wait3A_196 : memref<64x256xf32, #tpu.memory_space<hbm>>) dst(%dma_wait3A_193 : memref<64x256xf32, #tpu.memory_space<vmem>>)
        %add3A_197 = arith.addi %mul3A_67, %add3A_169 : i32
        %mul3A_198 = arith.constant 256 : i32
        %mul3A_199 = arith.muli %add3A_197, %mul3A_198 : i32
        %add3A_200 = arith.constant 256 : i32
        %add3A_201 = arith.addi %mul3A_199, %add3A_200 : i32
        %while3A = arith.constant 2 : i32
        %while3A_202:4 = scf.while (%while3A_203 = %cond3A_167#0, %while3A_204 = %cond3A_167#1, %while3A_205 = %cond3A_167#2, %while3A_206 = %cond3A_167#3) : (i32, i32, vector<16xi32>, i32) -> (i32, i32, vector<16xi32>, i32) {
          %lt3A_207 = arith.cmpi slt, %while3A_203, %squeeze3A_81 : i32
          %broadcast_in_dim3A_208 = arith.constant 0 : i32
          %broadcast_in_dim3A_209 = vector.broadcast %broadcast_in_dim3A_208 : i32 to vector<16xi32>
          %add3A_210 = vector.broadcast %while3A_203 : i32 to vector<16xi32>
          %add3A_211 = arith.addi %broadcast_in_dim3A_209, %add3A_210 : vector<16xi32>
          %gather3A_212 = tpu.vector_load_idx %arg14[%add3A_211] : memref<16384xi32, #tpu.memory_space<vmem>>[vector<16xi32>], vector<16xi32>,
          %slice3A_213 = vector.extract_strided_slice %gather3A_212 {offsets = [0], sizes = [1], strides = [1]} : vector<16xi32> to vector<1xi32>
          %squeeze3A_214 = vector.extract %slice3A_213[0] : i32 from vector<1xi32>
          %lt3A_215 = arith.cmpi slt, %squeeze3A_214, %add3A_201 : i32
          %and3A = arith.andi %lt3A_207, %lt3A_215 : i1
          scf.condition(%and3A) %while3A_203, %while3A_204, %while3A_205, %while3A_206 : i32, i32, vector<16xi32>, i32
        } do {
        ^bb0(%while3A_203: i32, %while3A_204: i32, %while3A_205: vector<16xi32>, %while3A_206: i32):
          %broadcast_in_dim3A_207 = arith.constant 0 : i32
          %broadcast_in_dim3A_208 = vector.broadcast %broadcast_in_dim3A_207 : i32 to vector<16xi32>
          %add3A_209 = vector.broadcast %while3A_203 : i32 to vector<16xi32>
          %add3A_210 = arith.addi %broadcast_in_dim3A_208, %add3A_209 : vector<16xi32>
          %gather3A_211 = tpu.vector_load_idx %arg14[%add3A_210] : memref<16384xi32, #tpu.memory_space<vmem>>[vector<16xi32>], vector<16xi32>,
          %slice3A_212 = vector.extract_strided_slice %gather3A_211 {offsets = [0], sizes = [1], strides = [1]} : vector<16xi32> to vector<1xi32>
          %squeeze3A_213 = vector.extract %slice3A_212[0] : i32 from vector<1xi32>
          %sub3A = arith.subi %squeeze3A_213, %mul3A_199 : i32
          %rem3A = arith.constant 2 : i32
          %rem3A_214 = arith.remsi %while3A_206, %rem3A : i32
          %mul3A_215 = arith.constant 16 : i32
          %mul3A_216 = arith.muli %rem3A_214, %mul3A_215 : i32
          %add3A_217 = arith.addi %mul3A_216, %while3A_204 : i32
          %broadcast_in_dim3A_218 = arith.constant 0 : i32
          %broadcast_in_dim3A_219 = vector.broadcast %broadcast_in_dim3A_218 : i32 to vector<16xi32>
          %add3A_220 = vector.broadcast %while3A : i32 to vector<16xi32>
          %add3A_221 = arith.addi %broadcast_in_dim3A_219, %add3A_220 : vector<16xi32>
          %broadcast_in_dim3A_222 = arith.constant 0 : i32
          %broadcast_in_dim3A_223 = vector.broadcast %broadcast_in_dim3A_222 : i32 to vector<16xi32>
          %add3A_224 = vector.broadcast %sub3A : i32 to vector<16xi32>
          %add3A_225 = arith.addi %broadcast_in_dim3A_223, %add3A_224 : vector<16xi32>
          %gather3A_226 = tpu.vector_load_idx %arg17[%add3A_221, %iota3A_89, %add3A_225] : memref<3x64x256xf32, #tpu.memory_space<vmem>>[vector<16xi32>, vector<16xi32>, vector<16xi32>], vector<16xf32>,
          %swap3A = arith.index_cast %add3A_217 : i32 to index
          %swap3A_227 = arith.constant 0 : index
          %swap3A_228 = tpu.vector_load %arg18[%swap3A, %swap3A_227] {strides = array<i32>} : memref<32x128xf32, #tpu.memory_space<vmem>>, vector<16xf32>,
          tpu.vector_store %arg18[%swap3A, %swap3A_227], %gather3A_226 {strides = array<i32>} : memref<32x128xf32, #tpu.memory_space<vmem>>, vector<16xf32>,
          %broadcast_in_dim3A_229 = arith.constant 0 : i32
          %broadcast_in_dim3A_230 = vector.broadcast %broadcast_in_dim3A_229 : i32 to vector<16xi32>
          %add3A_231 = vector.broadcast %while3A : i32 to vector<16xi32>
          %add3A_232 = arith.addi %broadcast_in_dim3A_230, %add3A_231 : vector<16xi32>
          %broadcast_in_dim3A_233 = arith.constant 0 : i32
          %broadcast_in_dim3A_234 = vector.broadcast %broadcast_in_dim3A_233 : i32 to vector<16xi32>
          %add3A_235 = vector.broadcast %sub3A : i32 to vector<16xi32>
          %add3A_236 = arith.addi %broadcast_in_dim3A_234, %add3A_235 : vector<16xi32>
          %gather3A_237 = tpu.vector_load_idx %arg17[%add3A_232, %add3A_93, %add3A_236] : memref<3x64x256xf32, #tpu.memory_space<vmem>>[vector<16xi32>, vector<16xi32>, vector<16xi32>], vector<16xf32>,
          %swap3A_238 = arith.index_cast %add3A_217 : i32 to index
          %swap3A_239 = arith.constant 16 : index
          %swap3A_240 = tpu.vector_load %arg18[%swap3A_238, %swap3A_239] {strides = array<i32>} : memref<32x128xf32, #tpu.memory_space<vmem>>, vector<16xf32>,
          tpu.vector_store %arg18[%swap3A_238, %swap3A_239], %gather3A_237 {strides = array<i32>} : memref<32x128xf32, #tpu.memory_space<vmem>>, vector<16xf32>,
          %broadcast_in_dim3A_241 = arith.constant 0 : i32
          %broadcast_in_dim3A_242 = vector.broadcast %broadcast_in_dim3A_241 : i32 to vector<16xi32>
          %add3A_243 = vector.broadcast %while3A : i32 to vector<16xi32>
          %add3A_244 = arith.addi %broadcast_in_dim3A_242, %add3A_243 : vector<16xi32>
          %broadcast_in_dim3A_245 = arith.constant 0 : i32
          %broadcast_in_dim3A_246 = vector.broadcast %broadcast_in_dim3A_245 : i32 to vector<16xi32>
          %add3A_247 = vector.broadcast %sub3A : i32 to vector<16xi32>
          %add3A_248 = arith.addi %broadcast_in_dim3A_246, %add3A_247 : vector<16xi32>
          %gather3A_249 = tpu.vector_load_idx %arg17[%add3A_244, %add3A_97, %add3A_248] : memref<3x64x256xf32, #tpu.memory_space<vmem>>[vector<16xi32>, vector<16xi32>, vector<16xi32>], vector<16xf32>,
          %swap3A_250 = arith.index_cast %add3A_217 : i32 to index
          %swap3A_251 = arith.constant 32 : index
          %swap3A_252 = tpu.vector_load %arg18[%swap3A_250, %swap3A_251] {strides = array<i32>} : memref<32x128xf32, #tpu.memory_space<vmem>>, vector<16xf32>,
          tpu.vector_store %arg18[%swap3A_250, %swap3A_251], %gather3A_249 {strides = array<i32>} : memref<32x128xf32, #tpu.memory_space<vmem>>, vector<16xf32>,
          %broadcast_in_dim3A_253 = arith.constant 0 : i32
          %broadcast_in_dim3A_254 = vector.broadcast %broadcast_in_dim3A_253 : i32 to vector<16xi32>
          %add3A_255 = vector.broadcast %while3A : i32 to vector<16xi32>
          %add3A_256 = arith.addi %broadcast_in_dim3A_254, %add3A_255 : vector<16xi32>
          %broadcast_in_dim3A_257 = arith.constant 0 : i32
          %broadcast_in_dim3A_258 = vector.broadcast %broadcast_in_dim3A_257 : i32 to vector<16xi32>
          %add3A_259 = vector.broadcast %sub3A : i32 to vector<16xi32>
          %add3A_260 = arith.addi %broadcast_in_dim3A_258, %add3A_259 : vector<16xi32>
          %gather3A_261 = tpu.vector_load_idx %arg17[%add3A_256, %add3A_101, %add3A_260] : memref<3x64x256xf32, #tpu.memory_space<vmem>>[vector<16xi32>, vector<16xi32>, vector<16xi32>], vector<16xf32>,
          %swap3A_262 = arith.index_cast %add3A_217 : i32 to index
          %swap3A_263 = arith.constant 48 : index
          %swap3A_264 = tpu.vector_load %arg18[%swap3A_262, %swap3A_263] {strides = array<i32>} : memref<32x128xf32, #tpu.memory_space<vmem>>, vector<16xf32>,
          tpu.vector_store %arg18[%swap3A_262, %swap3A_263], %gather3A_261 {strides = array<i32>} : memref<32x128xf32, #tpu.memory_space<vmem>>, vector<16xf32>,
          %eq3A_265 = vector.broadcast %while3A_204 : i32 to vector<16xi32>
          %eq3A_266 = arith.cmpi eq, %iota3A_102, %eq3A_265 : vector<16xi32>
          %broadcast_in_dim3A_267 = arith.constant 0 : i32
          %broadcast_in_dim3A_268 = vector.broadcast %broadcast_in_dim3A_267 : i32 to vector<16xi32>
          %add3A_269 = vector.broadcast %while3A_203 : i32 to vector<16xi32>
          %add3A_270 = arith.addi %broadcast_in_dim3A_268, %add3A_269 : vector<16xi32>
          %gather3A_271 = tpu.vector_load_idx %arg15[%add3A_270] : memref<16384xi32, #tpu.memory_space<vmem>>[vector<16xi32>], vector<16xi32>,
          %slice3A_272 = vector.extract_strided_slice %gather3A_271 {offsets = [0], sizes = [1], strides = [1]} : vector<16xi32> to vector<1xi32>
          %squeeze3A_273 = vector.extract %slice3A_272[0] : i32 from vector<1xi32>
          %broadcast_in_dim3A_274 = arith.constant 0 : i32
          %broadcast_in_dim3A_275 = vector.broadcast %broadcast_in_dim3A_274 : i32 to vector<16xi32>
          %add3A_276 = vector.broadcast %squeeze3A_273 : i32 to vector<16xi32>
          %add3A_277 = arith.addi %broadcast_in_dim3A_275, %add3A_276 : vector<16xi32>
          %select_n3A_278 = arith.select %eq3A_266, %add3A_277, %while3A_205 : vector<16xi1>, vector<16xi32>
          %eq3A_279 = arith.constant 15 : i32
          %eq3A_280 = arith.cmpi eq, %while3A_204, %eq3A_279 : i32
          %convert_element_type3A_281 = arith.extui %eq3A_280 : i1 to i32
          %cond3A_282 = arith.constant 0 : i32
          %cond3A_283 = arith.cmpi ne, %convert_element_type3A_281, %cond3A_282 : i32
          %cond3A_284:2 = scf.if %cond3A_283 -> (vector<16xi32>, i32) {
            %gt3A_291 = arith.constant 0 : i32
            %gt3A_292 = arith.cmpi sgt, %while3A_206, %gt3A_291 : i32
            %convert_element_type3A_293 = arith.extui %gt3A_292 : i1 to i32
            %cond3A_294 = arith.constant 0 : i32
            %cond3A_295 = arith.cmpi ne, %convert_element_type3A_293, %cond3A_294 : i32
            scf.if %cond3A_295 {
              %dma_wait3A_306 = arith.constant 0 : i32
              %dma_wait3A_307 = arith.constant 0 : i32
              %dma_wait3A_308 = tpu.memref_slice %arg18[%dma_wait3A_306, %dma_wait3A_307] : memref<32x128xf32, #tpu.memory_space<vmem>> -> memref<16x128xf32, #tpu.memory_space<vmem>>
              %dma_wait3A_309 = arith.constant 0 : i32
              %dma_wait3A_310 = arith.constant 0 : i32
              %dma_wait3A_311 = tpu.memref_slice %arg13[%dma_wait3A_309, %dma_wait3A_310] : memref<16400x128xf32, #tpu.memory_space<hbm>> -> memref<16x128xf32, #tpu.memory_space<hbm>>
              %dma_wait3A_312 = arith.constant 0 : i32
              %dma_wait3A_313 = arith.constant 0 : i32
              %dma_wait3A_314 = tpu.memref_slice %arg18[%dma_wait3A_312, %dma_wait3A_313] : memref<32x128xf32, #tpu.memory_space<vmem>> -> memref<16x128xf32, #tpu.memory_space<vmem>>
              %dma_wait3A_315 = arith.constant 0 : i32
              %dma_wait3A_316 = arith.constant 0 : i32
              %dma_wait3A_317 = tpu.memref_slice %arg13[%dma_wait3A_315, %dma_wait3A_316] : memref<16400x128xf32, #tpu.memory_space<hbm>> -> memref<16x128xf32, #tpu.memory_space<hbm>>
              tpu.wait_dma2 semaphore(%arg22 : memref<!tpu.dma_semaphore, #tpu.memory_space<semaphore_mem>>) src(%dma_wait3A_317 : memref<16x128xf32, #tpu.memory_space<hbm>>) dst(%dma_wait3A_314 : memref<16x128xf32, #tpu.memory_space<vmem>>)
            } else {
            }
            %rem3A_296 = arith.constant 2 : i32
            %rem3A_297 = arith.remsi %while3A_206, %rem3A_296 : i32
            %mul3A_298 = arith.constant 16 : i32
            %mul3A_299 = arith.muli %rem3A_297, %mul3A_298 : i32
            %multiple_of3A = tpu.assume_multiple %mul3A_299, 8 : i32
            %dma_start3A = arith.constant 0 : i32
            %dma_start3A_300 = tpu.memref_slice %arg18[%multiple_of3A, %dma_start3A] : memref<32x128xf32, #tpu.memory_space<vmem>> -> memref<16x128xf32, #tpu.memory_space<vmem>>
            %dma_start3A_301 = arith.constant 0 : i32
            %dma_start3A_302 = arith.constant 0 : i32
            %dma_start3A_303 = tpu.memref_slice %arg13[%dma_start3A_301, %dma_start3A_302] : memref<16400x128xf32, #tpu.memory_space<hbm>> -> memref<16400x128xf32, #tpu.memory_space<hbm>>
            tpu.enqueue_indirect_dma source(%dma_start3A_300 : memref<16x128xf32, #tpu.memory_space<vmem>>) target(%dma_start3A_303 : memref<16400x128xf32, #tpu.memory_space<hbm>>) offsets(%select_n3A_278 : vector<16xi32>) semaphore(%arg22 : memref<!tpu.dma_semaphore, #tpu.memory_space<semaphore_mem>>)
            %add3A_304 = arith.constant 1 : i32
            %add3A_305 = arith.addi %while3A_206, %add3A_304 : i32
            scf.yield %add3A_105, %add3A_305 : vector<16xi32>, i32
          } else {
            scf.yield %select_n3A_278, %while3A_206 : vector<16xi32>, i32
          }
          %add3A_285 = arith.constant 1 : i32
          %add3A_286 = arith.addi %while3A_204, %add3A_285 : i32
          %rem3A_287 = arith.constant 16 : i32
          %rem3A_288 = arith.remsi %add3A_286, %rem3A_287 : i32
          %add3A_289 = arith.constant 1 : i32
          %add3A_290 = arith.addi %while3A_203, %add3A_289 : i32
          scf.yield %add3A_290, %rem3A_288, %cond3A_284#0, %cond3A_284#1 : i32, i32, vector<16xi32>, i32
        }
        scf.yield %while3A_202#0, %while3A_202#1, %while3A_202#2, %while3A_202#3 : i32, i32, vector<16xi32>, i32
      } else {
        scf.yield %cond3A_167#0, %cond3A_167#1, %cond3A_167#2, %cond3A_167#3 : i32, i32, vector<16xi32>, i32
      }
      scf.yield %cond3A_176#0, %cond3A_176#1, %cond3A_176#2, %cond3A_176#3 : i32, i32, vector<16xi32>, i32
    }
    %scan3A_125 = arith.constant 6 : i32
    %eq3A_126 = arith.constant 31 : i32
    %eq3A_127 = arith.cmpi eq, %add3A, %eq3A_126 : i32
    %convert_element_type3A_128 = arith.extui %eq3A_127 : i1 to i32
    %cond3A_129 = arith.constant 0 : i32
    %cond3A_130 = arith.cmpi ne, %convert_element_type3A_128, %cond3A_129 : i32
    %cond3A_131:4 = scf.if %cond3A_130 -> (i32, i32, vector<16xi32>, i32) {
      %run_scoped3A = arith.constant 0 : i32
      "tpu.region"() ({
        %run_scoped3A_148 = tpu.sem_alloc : memref<!tpu.dma_semaphore, #tpu.memory_space<semaphore_mem>>
        %dma_start3A = arith.constant 0 : i32
        %dma_start3A_149 = arith.constant 0 : i32
        %dma_start3A_150 = tpu.memref_slice %arg17[%run_scoped3A, %dma_start3A, %dma_start3A_149] : memref<3x64x256xf32, #tpu.memory_space<vmem>> -> memref<1x64x256xf32, #tpu.memory_space<vmem>>
        %dma_start3A_151 = tpu.memref_squeeze %dma_start3A_150 : memref<1x64x256xf32, #tpu.memory_space<vmem>> -> memref<64x256xf32, #tpu.memory_space<vmem>>
        %dma_start3A_152 = arith.constant 0 : i32
        %dma_start3A_153 = arith.constant 0 : i32
        %dma_start3A_154 = tpu.memref_slice %arg17[%run_scoped3A, %dma_start3A_152, %dma_start3A_153] : memref<3x64x256xf32, #tpu.memory_space<vmem>> -> memref<1x64x256xf32, #tpu.memory_space<vmem>>
        %dma_start3A_155 = tpu.memref_squeeze %dma_start3A_154 : memref<1x64x256xf32, #tpu.memory_space<vmem>> -> memref<64x256xf32, #tpu.memory_space<vmem>>
        tpu.enqueue_dma source(%arg11 : memref<64x256xf32, #tpu.memory_space<hbm>>) target(%dma_start3A_155 : memref<64x256xf32, #tpu.memory_space<vmem>>) target_semaphore(%run_scoped3A_148 : memref<!tpu.dma_semaphore, #tpu.memory_space<semaphore_mem>>)
        %dma_wait3A = arith.constant 0 : i32
        %dma_wait3A_156 = arith.constant 0 : i32
        %dma_wait3A_157 = tpu.memref_slice %arg17[%run_scoped3A, %dma_wait3A, %dma_wait3A_156] : memref<3x64x256xf32, #tpu.memory_space<vmem>> -> memref<1x64x256xf32, #tpu.memory_space<vmem>>
        %dma_wait3A_158 = tpu.memref_squeeze %dma_wait3A_157 : memref<1x64x256xf32, #tpu.memory_space<vmem>> -> memref<64x256xf32, #tpu.memory_space<vmem>>
        %dma_wait3A_159 = arith.constant 0 : i32
        %dma_wait3A_160 = arith.constant 0 : i32
        %dma_wait3A_161 = tpu.memref_slice %arg17[%run_scoped3A, %dma_wait3A_159, %dma_wait3A_160] : memref<3x64x256xf32, #tpu.memory_space<vmem>> -> memref<1x64x256xf32, #tpu.memory_space<vmem>>
        %dma_wait3A_162 = tpu.memref_squeeze %dma_wait3A_161 : memref<1x64x256xf32, #tpu.memory_space<vmem>> -> memref<64x256xf32, #tpu.memory_space<vmem>>
        tpu.wait_dma2 semaphore(%run_scoped3A_148 : memref<!tpu.dma_semaphore, #tpu.memory_space<semaphore_mem>>) src(%arg11 : memref<64x256xf32, #tpu.memory_space<hbm>>) dst(%dma_wait3A_162 : memref<64x256xf32, #tpu.memory_space<vmem>>)
        tpu.yield
      }) : () -> ()
      %add3A_143 = arith.constant 99840 : i32
      %add3A_144 = arith.constant 256 : i32
      %add3A_145 = arith.addi %add3A_143, %add3A_144 : i32
      %while3A = arith.constant 99840 : i32
      %while3A_146 = arith.constant 0 : i32
      %while3A_147:4 = scf.while (%while3A_148 = %scan3A_124#0, %while3A_149 = %scan3A_124#1, %while3A_150 = %scan3A_124#2, %while3A_151 = %scan3A_124#3) : (i32, i32, vector<16xi32>, i32) -> (i32, i32, vector<16xi32>, i32) {
        %lt3A_152 = arith.cmpi slt, %while3A_148, %squeeze3A_81 : i32
        %broadcast_in_dim3A_153 = arith.constant 0 : i32
        %broadcast_in_dim3A_154 = vector.broadcast %broadcast_in_dim3A_153 : i32 to vector<16xi32>
        %add3A_155 = vector.broadcast %while3A_148 : i32 to vector<16xi32>
        %add3A_156 = arith.addi %broadcast_in_dim3A_154, %add3A_155 : vector<16xi32>
        %gather3A_157 = tpu.vector_load_idx %arg14[%add3A_156] : memref<16384xi32, #tpu.memory_space<vmem>>[vector<16xi32>], vector<16xi32>,
        %slice3A_158 = vector.extract_strided_slice %gather3A_157 {offsets = [0], sizes = [1], strides = [1]} : vector<16xi32> to vector<1xi32>
        %squeeze3A_159 = vector.extract %slice3A_158[0] : i32 from vector<1xi32>
        %lt3A_160 = arith.cmpi slt, %squeeze3A_159, %add3A_145 : i32
        %and3A = arith.andi %lt3A_152, %lt3A_160 : i1
        scf.condition(%and3A) %while3A_148, %while3A_149, %while3A_150, %while3A_151 : i32, i32, vector<16xi32>, i32
      } do {
      ^bb0(%while3A_148: i32, %while3A_149: i32, %while3A_150: vector<16xi32>, %while3A_151: i32):
        %broadcast_in_dim3A_152 = arith.constant 0 : i32
        %broadcast_in_dim3A_153 = vector.broadcast %broadcast_in_dim3A_152 : i32 to vector<16xi32>
        %add3A_154 = vector.broadcast %while3A_148 : i32 to vector<16xi32>
        %add3A_155 = arith.addi %broadcast_in_dim3A_153, %add3A_154 : vector<16xi32>
        %gather3A_156 = tpu.vector_load_idx %arg14[%add3A_155] : memref<16384xi32, #tpu.memory_space<vmem>>[vector<16xi32>], vector<16xi32>,
        %slice3A_157 = vector.extract_strided_slice %gather3A_156 {offsets = [0], sizes = [1], strides = [1]} : vector<16xi32> to vector<1xi32>
        %squeeze3A_158 = vector.extract %slice3A_157[0] : i32 from vector<1xi32>
        %sub3A = arith.subi %squeeze3A_158, %while3A : i32
        %rem3A = arith.constant 2 : i32
        %rem3A_159 = arith.remsi %while3A_151, %rem3A : i32
        %mul3A_160 = arith.constant 16 : i32
        %mul3A_161 = arith.muli %rem3A_159, %mul3A_160 : i32
        %add3A_162 = arith.addi %mul3A_161, %while3A_149 : i32
        %broadcast_in_dim3A_163 = arith.constant 0 : i32
        %broadcast_in_dim3A_164 = vector.broadcast %broadcast_in_dim3A_163 : i32 to vector<16xi32>
        %add3A_165 = vector.broadcast %while3A_146 : i32 to vector<16xi32>
        %add3A_166 = arith.addi %broadcast_in_dim3A_164, %add3A_165 : vector<16xi32>
        %broadcast_in_dim3A_167 = arith.constant 0 : i32
        %broadcast_in_dim3A_168 = vector.broadcast %broadcast_in_dim3A_167 : i32 to vector<16xi32>
        %add3A_169 = vector.broadcast %sub3A : i32 to vector<16xi32>
        %add3A_170 = arith.addi %broadcast_in_dim3A_168, %add3A_169 : vector<16xi32>
        %gather3A_171 = tpu.vector_load_idx %arg17[%add3A_166, %iota3A_89, %add3A_170] : memref<3x64x256xf32, #tpu.memory_space<vmem>>[vector<16xi32>, vector<16xi32>, vector<16xi32>], vector<16xf32>,
        %swap3A = arith.index_cast %add3A_162 : i32 to index
        %swap3A_172 = arith.constant 0 : index
        %swap3A_173 = tpu.vector_load %arg18[%swap3A, %swap3A_172] {strides = array<i32>} : memref<32x128xf32, #tpu.memory_space<vmem>>, vector<16xf32>,
        tpu.vector_store %arg18[%swap3A, %swap3A_172], %gather3A_171 {strides = array<i32>} : memref<32x128xf32, #tpu.memory_space<vmem>>, vector<16xf32>,
        %broadcast_in_dim3A_174 = arith.constant 0 : i32
        %broadcast_in_dim3A_175 = vector.broadcast %broadcast_in_dim3A_174 : i32 to vector<16xi32>
        %add3A_176 = vector.broadcast %while3A_146 : i32 to vector<16xi32>
        %add3A_177 = arith.addi %broadcast_in_dim3A_175, %add3A_176 : vector<16xi32>
        %broadcast_in_dim3A_178 = arith.constant 0 : i32
        %broadcast_in_dim3A_179 = vector.broadcast %broadcast_in_dim3A_178 : i32 to vector<16xi32>
        %add3A_180 = vector.broadcast %sub3A : i32 to vector<16xi32>
        %add3A_181 = arith.addi %broadcast_in_dim3A_179, %add3A_180 : vector<16xi32>
        %gather3A_182 = tpu.vector_load_idx %arg17[%add3A_177, %add3A_93, %add3A_181] : memref<3x64x256xf32, #tpu.memory_space<vmem>>[vector<16xi32>, vector<16xi32>, vector<16xi32>], vector<16xf32>,
        %swap3A_183 = arith.index_cast %add3A_162 : i32 to index
        %swap3A_184 = arith.constant 16 : index
        %swap3A_185 = tpu.vector_load %arg18[%swap3A_183, %swap3A_184] {strides = array<i32>} : memref<32x128xf32, #tpu.memory_space<vmem>>, vector<16xf32>,
        tpu.vector_store %arg18[%swap3A_183, %swap3A_184], %gather3A_182 {strides = array<i32>} : memref<32x128xf32, #tpu.memory_space<vmem>>, vector<16xf32>,
        %broadcast_in_dim3A_186 = arith.constant 0 : i32
        %broadcast_in_dim3A_187 = vector.broadcast %broadcast_in_dim3A_186 : i32 to vector<16xi32>
        %add3A_188 = vector.broadcast %while3A_146 : i32 to vector<16xi32>
        %add3A_189 = arith.addi %broadcast_in_dim3A_187, %add3A_188 : vector<16xi32>
        %broadcast_in_dim3A_190 = arith.constant 0 : i32
        %broadcast_in_dim3A_191 = vector.broadcast %broadcast_in_dim3A_190 : i32 to vector<16xi32>
        %add3A_192 = vector.broadcast %sub3A : i32 to vector<16xi32>
        %add3A_193 = arith.addi %broadcast_in_dim3A_191, %add3A_192 : vector<16xi32>
        %gather3A_194 = tpu.vector_load_idx %arg17[%add3A_189, %add3A_97, %add3A_193] : memref<3x64x256xf32, #tpu.memory_space<vmem>>[vector<16xi32>, vector<16xi32>, vector<16xi32>], vector<16xf32>,
        %swap3A_195 = arith.index_cast %add3A_162 : i32 to index
        %swap3A_196 = arith.constant 32 : index
        %swap3A_197 = tpu.vector_load %arg18[%swap3A_195, %swap3A_196] {strides = array<i32>} : memref<32x128xf32, #tpu.memory_space<vmem>>, vector<16xf32>,
        tpu.vector_store %arg18[%swap3A_195, %swap3A_196], %gather3A_194 {strides = array<i32>} : memref<32x128xf32, #tpu.memory_space<vmem>>, vector<16xf32>,
        %broadcast_in_dim3A_198 = arith.constant 0 : i32
        %broadcast_in_dim3A_199 = vector.broadcast %broadcast_in_dim3A_198 : i32 to vector<16xi32>
        %add3A_200 = vector.broadcast %while3A_146 : i32 to vector<16xi32>
        %add3A_201 = arith.addi %broadcast_in_dim3A_199, %add3A_200 : vector<16xi32>
        %broadcast_in_dim3A_202 = arith.constant 0 : i32
        %broadcast_in_dim3A_203 = vector.broadcast %broadcast_in_dim3A_202 : i32 to vector<16xi32>
        %add3A_204 = vector.broadcast %sub3A : i32 to vector<16xi32>
        %add3A_205 = arith.addi %broadcast_in_dim3A_203, %add3A_204 : vector<16xi32>
        %gather3A_206 = tpu.vector_load_idx %arg17[%add3A_201, %add3A_101, %add3A_205] : memref<3x64x256xf32, #tpu.memory_space<vmem>>[vector<16xi32>, vector<16xi32>, vector<16xi32>], vector<16xf32>,
        %swap3A_207 = arith.index_cast %add3A_162 : i32 to index
        %swap3A_208 = arith.constant 48 : index
        %swap3A_209 = tpu.vector_load %arg18[%swap3A_207, %swap3A_208] {strides = array<i32>} : memref<32x128xf32, #tpu.memory_space<vmem>>, vector<16xf32>,
        tpu.vector_store %arg18[%swap3A_207, %swap3A_208], %gather3A_206 {strides = array<i32>} : memref<32x128xf32, #tpu.memory_space<vmem>>, vector<16xf32>,
        %eq3A_210 = vector.broadcast %while3A_149 : i32 to vector<16xi32>
        %eq3A_211 = arith.cmpi eq, %iota3A_102, %eq3A_210 : vector<16xi32>
        %broadcast_in_dim3A_212 = arith.constant 0 : i32
        %broadcast_in_dim3A_213 = vector.broadcast %broadcast_in_dim3A_212 : i32 to vector<16xi32>
        %add3A_214 = vector.broadcast %while3A_148 : i32 to vector<16xi32>
        %add3A_215 = arith.addi %broadcast_in_dim3A_213, %add3A_214 : vector<16xi32>
        %gather3A_216 = tpu.vector_load_idx %arg15[%add3A_215] : memref<16384xi32, #tpu.memory_space<vmem>>[vector<16xi32>], vector<16xi32>,
        %slice3A_217 = vector.extract_strided_slice %gather3A_216 {offsets = [0], sizes = [1], strides = [1]} : vector<16xi32> to vector<1xi32>
        %squeeze3A_218 = vector.extract %slice3A_217[0] : i32 from vector<1xi32>
        %broadcast_in_dim3A_219 = arith.constant 0 : i32
        %broadcast_in_dim3A_220 = vector.broadcast %broadcast_in_dim3A_219 : i32 to vector<16xi32>
        %add3A_221 = vector.broadcast %squeeze3A_218 : i32 to vector<16xi32>
        %add3A_222 = arith.addi %broadcast_in_dim3A_220, %add3A_221 : vector<16xi32>
        %select_n3A_223 = arith.select %eq3A_211, %add3A_222, %while3A_150 : vector<16xi1>, vector<16xi32>
        %eq3A_224 = arith.constant 15 : i32
        %eq3A_225 = arith.cmpi eq, %while3A_149, %eq3A_224 : i32
        %convert_element_type3A_226 = arith.extui %eq3A_225 : i1 to i32
        %cond3A_227 = arith.constant 0 : i32
        %cond3A_228 = arith.cmpi ne, %convert_element_type3A_226, %cond3A_227 : i32
        %cond3A_229:2 = scf.if %cond3A_228 -> (vector<16xi32>, i32) {
          %gt3A_236 = arith.constant 0 : i32
          %gt3A_237 = arith.cmpi sgt, %while3A_151, %gt3A_236 : i32
          %convert_element_type3A_238 = arith.extui %gt3A_237 : i1 to i32
          %cond3A_239 = arith.constant 0 : i32
          %cond3A_240 = arith.cmpi ne, %convert_element_type3A_238, %cond3A_239 : i32
          scf.if %cond3A_240 {
            %dma_wait3A = arith.constant 0 : i32
            %dma_wait3A_251 = arith.constant 0 : i32
            %dma_wait3A_252 = tpu.memref_slice %arg18[%dma_wait3A, %dma_wait3A_251] : memref<32x128xf32, #tpu.memory_space<vmem>> -> memref<16x128xf32, #tpu.memory_space<vmem>>
            %dma_wait3A_253 = arith.constant 0 : i32
            %dma_wait3A_254 = arith.constant 0 : i32
            %dma_wait3A_255 = tpu.memref_slice %arg13[%dma_wait3A_253, %dma_wait3A_254] : memref<16400x128xf32, #tpu.memory_space<hbm>> -> memref<16x128xf32, #tpu.memory_space<hbm>>
            %dma_wait3A_256 = arith.constant 0 : i32
            %dma_wait3A_257 = arith.constant 0 : i32
            %dma_wait3A_258 = tpu.memref_slice %arg18[%dma_wait3A_256, %dma_wait3A_257] : memref<32x128xf32, #tpu.memory_space<vmem>> -> memref<16x128xf32, #tpu.memory_space<vmem>>
            %dma_wait3A_259 = arith.constant 0 : i32
            %dma_wait3A_260 = arith.constant 0 : i32
            %dma_wait3A_261 = tpu.memref_slice %arg13[%dma_wait3A_259, %dma_wait3A_260] : memref<16400x128xf32, #tpu.memory_space<hbm>> -> memref<16x128xf32, #tpu.memory_space<hbm>>
            tpu.wait_dma2 semaphore(%arg22 : memref<!tpu.dma_semaphore, #tpu.memory_space<semaphore_mem>>) src(%dma_wait3A_261 : memref<16x128xf32, #tpu.memory_space<hbm>>) dst(%dma_wait3A_258 : memref<16x128xf32, #tpu.memory_space<vmem>>)
          } else {
          }
          %rem3A_241 = arith.constant 2 : i32
          %rem3A_242 = arith.remsi %while3A_151, %rem3A_241 : i32
          %mul3A_243 = arith.constant 16 : i32
          %mul3A_244 = arith.muli %rem3A_242, %mul3A_243 : i32
          %multiple_of3A = tpu.assume_multiple %mul3A_244, 8 : i32
          %dma_start3A = arith.constant 0 : i32
          %dma_start3A_245 = tpu.memref_slice %arg18[%multiple_of3A, %dma_start3A] : memref<32x128xf32, #tpu.memory_space<vmem>> -> memref<16x128xf32, #tpu.memory_space<vmem>>
          %dma_start3A_246 = arith.constant 0 : i32
          %dma_start3A_247 = arith.constant 0 : i32
          %dma_start3A_248 = tpu.memref_slice %arg13[%dma_start3A_246, %dma_start3A_247] : memref<16400x128xf32, #tpu.memory_space<hbm>> -> memref<16400x128xf32, #tpu.memory_space<hbm>>
          tpu.enqueue_indirect_dma source(%dma_start3A_245 : memref<16x128xf32, #tpu.memory_space<vmem>>) target(%dma_start3A_248 : memref<16400x128xf32, #tpu.memory_space<hbm>>) offsets(%select_n3A_223 : vector<16xi32>) semaphore(%arg22 : memref<!tpu.dma_semaphore, #tpu.memory_space<semaphore_mem>>)
          %add3A_249 = arith.constant 1 : i32
          %add3A_250 = arith.addi %while3A_151, %add3A_249 : i32
          scf.yield %add3A_105, %add3A_250 : vector<16xi32>, i32
        } else {
          scf.yield %select_n3A_223, %while3A_151 : vector<16xi32>, i32
        }
        %add3A_230 = arith.constant 1 : i32
        %add3A_231 = arith.addi %while3A_149, %add3A_230 : i32
        %rem3A_232 = arith.constant 16 : i32
        %rem3A_233 = arith.remsi %add3A_231, %rem3A_232 : i32
        %add3A_234 = arith.constant 1 : i32
        %add3A_235 = arith.addi %while3A_148, %add3A_234 : i32
        scf.yield %add3A_235, %rem3A_233, %cond3A_229#0, %cond3A_229#1 : i32, i32, vector<16xi32>, i32
      }
      scf.yield %while3A_147#0, %while3A_147#1, %while3A_147#2, %while3A_147#3 : i32, i32, vector<16xi32>, i32
    } else {
      scf.yield %scan3A_124#0, %scan3A_124#1, %scan3A_124#2, %scan3A_124#3 : i32, i32, vector<16xi32>, i32
    }
    %gt3A_132 = arith.constant 0 : i32
    %gt3A_133 = arith.cmpi sgt, %cond3A_131#1, %gt3A_132 : i32
    %convert_element_type3A_134 = arith.extui %gt3A_133 : i1 to i32
    %cond3A_135 = arith.constant 0 : i32
    %cond3A_136 = arith.cmpi ne, %convert_element_type3A_134, %cond3A_135 : i32
    %cond3A_137 = scf.if %cond3A_136 -> (i32) {
      %gt3A_143 = arith.constant 0 : i32
      %gt3A_144 = arith.cmpi sgt, %cond3A_131#3, %gt3A_143 : i32
      %convert_element_type3A_145 = arith.extui %gt3A_144 : i1 to i32
      %cond3A_146 = arith.constant 0 : i32
      %cond3A_147 = arith.cmpi ne, %convert_element_type3A_145, %cond3A_146 : i32
      scf.if %cond3A_147 {
        %dma_wait3A = arith.constant 0 : i32
        %dma_wait3A_157 = arith.constant 0 : i32
        %dma_wait3A_158 = tpu.memref_slice %arg18[%dma_wait3A, %dma_wait3A_157] : memref<32x128xf32, #tpu.memory_space<vmem>> -> memref<16x128xf32, #tpu.memory_space<vmem>>
        %dma_wait3A_159 = arith.constant 0 : i32
        %dma_wait3A_160 = arith.constant 0 : i32
        %dma_wait3A_161 = tpu.memref_slice %arg13[%dma_wait3A_159, %dma_wait3A_160] : memref<16400x128xf32, #tpu.memory_space<hbm>> -> memref<16x128xf32, #tpu.memory_space<hbm>>
        %dma_wait3A_162 = arith.constant 0 : i32
        %dma_wait3A_163 = arith.constant 0 : i32
        %dma_wait3A_164 = tpu.memref_slice %arg18[%dma_wait3A_162, %dma_wait3A_163] : memref<32x128xf32, #tpu.memory_space<vmem>> -> memref<16x128xf32, #tpu.memory_space<vmem>>
        %dma_wait3A_165 = arith.constant 0 : i32
        %dma_wait3A_166 = arith.constant 0 : i32
        %dma_wait3A_167 = tpu.memref_slice %arg13[%dma_wait3A_165, %dma_wait3A_166] : memref<16400x128xf32, #tpu.memory_space<hbm>> -> memref<16x128xf32, #tpu.memory_space<hbm>>
        tpu.wait_dma2 semaphore(%arg22 : memref<!tpu.dma_semaphore, #tpu.memory_space<semaphore_mem>>) src(%dma_wait3A_167 : memref<16x128xf32, #tpu.memory_space<hbm>>) dst(%dma_wait3A_164 : memref<16x128xf32, #tpu.memory_space<vmem>>)
      } else {
      }
      %rem3A = arith.constant 2 : i32
      %rem3A_148 = arith.remsi %cond3A_131#3, %rem3A : i32
      %mul3A_149 = arith.constant 16 : i32
      %mul3A_150 = arith.muli %rem3A_148, %mul3A_149 : i32
      %multiple_of3A = tpu.assume_multiple %mul3A_150, 8 : i32
      %dma_start3A = arith.constant 0 : i32
      %dma_start3A_151 = tpu.memref_slice %arg18[%multiple_of3A, %dma_start3A] : memref<32x128xf32, #tpu.memory_space<vmem>> -> memref<16x128xf32, #tpu.memory_space<vmem>>
      %dma_start3A_152 = arith.constant 0 : i32
      %dma_start3A_153 = arith.constant 0 : i32
      %dma_start3A_154 = tpu.memref_slice %arg13[%dma_start3A_152, %dma_start3A_153] : memref<16400x128xf32, #tpu.memory_space<hbm>> -> memref<16400x128xf32, #tpu.memory_space<hbm>>
      tpu.enqueue_indirect_dma source(%dma_start3A_151 : memref<16x128xf32, #tpu.memory_space<vmem>>) target(%dma_start3A_154 : memref<16400x128xf32, #tpu.memory_space<hbm>>) offsets(%cond3A_131#2 : vector<16xi32>) semaphore(%arg22 : memref<!tpu.dma_semaphore, #tpu.memory_space<semaphore_mem>>)
      %add3A_155 = arith.constant 1 : i32
      %add3A_156 = arith.addi %cond3A_131#3, %add3A_155 : i32
      scf.yield %add3A_156 : i32
    } else {
      scf.yield %cond3A_131#3 : i32
    }
    %gt3A_138 = arith.constant 0 : i32
    %gt3A_139 = arith.cmpi sgt, %cond3A_137, %gt3A_138 : i32
    %convert_element_type3A_140 = arith.extui %gt3A_139 : i1 to i32
    %cond3A_141 = arith.constant 0 : i32
    %cond3A_142 = arith.cmpi ne, %convert_element_type3A_140, %cond3A_141 : i32
    scf.if %cond3A_142 {
      %dma_wait3A = arith.constant 0 : i32
      %dma_wait3A_143 = arith.constant 0 : i32
      %dma_wait3A_144 = tpu.memref_slice %arg18[%dma_wait3A, %dma_wait3A_143] : memref<32x128xf32, #tpu.memory_space<vmem>> -> memref<16x128xf32, #tpu.memory_space<vmem>>
      %dma_wait3A_145 = arith.constant 0 : i32
      %dma_wait3A_146 = arith.constant 0 : i32
      %dma_wait3A_147 = tpu.memref_slice %arg13[%dma_wait3A_145, %dma_wait3A_146] : memref<16400x128xf32, #tpu.memory_space<hbm>> -> memref<16x128xf32, #tpu.memory_space<hbm>>
      %dma_wait3A_148 = arith.constant 0 : i32
      %dma_wait3A_149 = arith.constant 0 : i32
      %dma_wait3A_150 = tpu.memref_slice %arg18[%dma_wait3A_148, %dma_wait3A_149] : memref<32x128xf32, #tpu.memory_space<vmem>> -> memref<16x128xf32, #tpu.memory_space<vmem>>
      %dma_wait3A_151 = arith.constant 0 : i32
      %dma_wait3A_152 = arith.constant 0 : i32
      %dma_wait3A_153 = tpu.memref_slice %arg13[%dma_wait3A_151, %dma_wait3A_152] : memref<16400x128xf32, #tpu.memory_space<hbm>> -> memref<16x128xf32, #tpu.memory_space<hbm>>
      tpu.wait_dma2 semaphore(%arg22 : memref<!tpu.dma_semaphore, #tpu.memory_space<semaphore_mem>>) src(%dma_wait3A_153 : memref<16x128xf32, #tpu.memory_space<hbm>>) dst(%dma_wait3A_150 : memref<16x128xf32, #tpu.memory_space<vmem>>)
    } else {
    }
    return
  }
}

#map = affine_map<(d0, d1) -> (0, 0)>
#map1 = affine_map<(d0, d1) -> (0)>
module attributes {stable_mosaic.version = 14 : i64} {
  func.func @_k2_body(%arg0: i32, %arg1: i32, %arg2: memref<16400x128xf32, #tpu.memory_space<hbm>>, %arg3: memref<16400x128xf32, #tpu.memory_space<hbm>>, %arg4: memref<16384xf32, #tpu.memory_space<hbm>>, %arg5: memref<256x128xf32, #tpu.memory_space<vmem>>, %arg6: memref<256x128xf32, #tpu.memory_space<vmem>>, %arg7: memref<256xf32, #tpu.memory_space<vmem>>, %arg8: memref<512xf32, #tpu.memory_space<vmem>>, %arg9: memref<!tpu.dma_semaphore, #tpu.memory_space<semaphore_mem>>) attributes {dimension_semantics = [#tpu.dimension_semantics<core_parallel>, #tpu.dimension_semantics<subcore_parallel>], iteration_bounds = array<i64: 2, 16>, scalar_prefetch = 0 : i64, scratch_operands = 5 : i64, tpu.core_type = #tpu.core_type<sc_vector_subcore>, window_params = [{transform_indices = #map}, {transform_indices = #map}, {transform_indices = #map1}]} {
    %mul3A = arith.constant 2 : i32
    %mul3A_0 = arith.muli %arg1, %mul3A : i32
    %add3A = arith.addi %mul3A_0, %arg0 : i32
    %mul3A_1 = arith.constant 512 : i32
    %mul3A_2 = arith.muli %add3A, %mul3A_1 : i32
    %iota3A = tpu.iota {dimensions = array<i32: 0>} : vector<16xi32>
    %mul3A_3 = arith.constant 16 : i32
    %mul3A_4 = vector.broadcast %mul3A_3 : i32 to vector<16xi32>
    %mul3A_5 = arith.muli %iota3A, %mul3A_4 : vector<16xi32>
    %add3A_6 = arith.constant 0 : i32
    %add3A_7 = arith.addi %mul3A_2, %add3A_6 : i32
    "tpu.region"() ({
      %run_scoped3A = tpu.sem_alloc : memref<!tpu.dma_semaphore, #tpu.memory_space<semaphore_mem>>
      %dma_start3A = arith.constant 0 : i32
      %dma_start3A_21 = tpu.memref_slice %arg2[%add3A_7, %dma_start3A] : memref<16400x128xf32, #tpu.memory_space<hbm>> -> memref<256x128xf32, #tpu.memory_space<hbm>>
      %dma_start3A_22 = arith.constant 0 : i32
      %dma_start3A_23 = tpu.memref_slice %arg2[%add3A_7, %dma_start3A_22] : memref<16400x128xf32, #tpu.memory_space<hbm>> -> memref<256x128xf32, #tpu.memory_space<hbm>>
      tpu.enqueue_dma source(%dma_start3A_23 : memref<256x128xf32, #tpu.memory_space<hbm>>) target(%arg5 : memref<256x128xf32, #tpu.memory_space<vmem>>) target_semaphore(%run_scoped3A : memref<!tpu.dma_semaphore, #tpu.memory_space<semaphore_mem>>)
      %dma_wait3A = arith.constant 0 : i32
      %dma_wait3A_24 = tpu.memref_slice %arg2[%add3A_7, %dma_wait3A] : memref<16400x128xf32, #tpu.memory_space<hbm>> -> memref<256x128xf32, #tpu.memory_space<hbm>>
      %dma_wait3A_25 = arith.constant 0 : i32
      %dma_wait3A_26 = tpu.memref_slice %arg2[%add3A_7, %dma_wait3A_25] : memref<16400x128xf32, #tpu.memory_space<hbm>> -> memref<256x128xf32, #tpu.memory_space<hbm>>
      tpu.wait_dma2 semaphore(%run_scoped3A : memref<!tpu.dma_semaphore, #tpu.memory_space<semaphore_mem>>) src(%dma_wait3A_26 : memref<256x128xf32, #tpu.memory_space<hbm>>) dst(%arg5 : memref<256x128xf32, #tpu.memory_space<vmem>>)
      tpu.yield
    }) : () -> ()
    "tpu.region"() ({
      %run_scoped3A = tpu.sem_alloc : memref<!tpu.dma_semaphore, #tpu.memory_space<semaphore_mem>>
      %dma_start3A = arith.constant 0 : i32
      %dma_start3A_21 = tpu.memref_slice %arg3[%add3A_7, %dma_start3A] : memref<16400x128xf32, #tpu.memory_space<hbm>> -> memref<256x128xf32, #tpu.memory_space<hbm>>
      %dma_start3A_22 = arith.constant 0 : i32
      %dma_start3A_23 = tpu.memref_slice %arg3[%add3A_7, %dma_start3A_22] : memref<16400x128xf32, #tpu.memory_space<hbm>> -> memref<256x128xf32, #tpu.memory_space<hbm>>
      tpu.enqueue_dma source(%dma_start3A_23 : memref<256x128xf32, #tpu.memory_space<hbm>>) target(%arg6 : memref<256x128xf32, #tpu.memory_space<vmem>>) target_semaphore(%run_scoped3A : memref<!tpu.dma_semaphore, #tpu.memory_space<semaphore_mem>>)
      %dma_wait3A = arith.constant 0 : i32
      %dma_wait3A_24 = tpu.memref_slice %arg3[%add3A_7, %dma_wait3A] : memref<16400x128xf32, #tpu.memory_space<hbm>> -> memref<256x128xf32, #tpu.memory_space<hbm>>
      %dma_wait3A_25 = arith.constant 0 : i32
      %dma_wait3A_26 = tpu.memref_slice %arg3[%add3A_7, %dma_wait3A_25] : memref<16400x128xf32, #tpu.memory_space<hbm>> -> memref<256x128xf32, #tpu.memory_space<hbm>>
      tpu.wait_dma2 semaphore(%run_scoped3A : memref<!tpu.dma_semaphore, #tpu.memory_space<semaphore_mem>>) src(%dma_wait3A_26 : memref<256x128xf32, #tpu.memory_space<hbm>>) dst(%arg6 : memref<256x128xf32, #tpu.memory_space<vmem>>)
      tpu.yield
    }) : () -> ()
    %scan3A = arith.constant 0 : i32
    %scan3A_8 = arith.constant 0 : i32
    %scan3A_9 = arith.constant 16 : i32
    %scan3A_10 = arith.addi %scan3A_8, %scan3A_9 : i32
    %scan3A_11 = arith.constant 1 : i32
    scf.for %scan3A_21 = %scan3A_8 to %scan3A_10 step %scan3A_11  : i32 {
      %mul3A_22 = arith.constant 16 : i32
      %mul3A_23 = arith.muli %scan3A_21, %mul3A_22 : i32
      %add3A_24 = arith.constant 0 : i32
      %add3A_25 = arith.addi %mul3A_23, %add3A_24 : i32
      %get3A = arith.index_cast %add3A_25 : i32 to index
      %get3A_26 = arith.constant 0 : index
      %get3A_27 = tpu.vector_load %arg5[%get3A, %get3A_26] {strides = array<i32>} : memref<256x128xf32, #tpu.memory_space<vmem>>, vector<16xf32>,
      %get3A_28 = arith.index_cast %add3A_25 : i32 to index
      %get3A_29 = arith.constant 0 : index
      %get3A_30 = tpu.vector_load %arg6[%get3A_28, %get3A_29] {strides = array<i32>} : memref<256x128xf32, #tpu.memory_space<vmem>>, vector<16xf32>,
      %mul3A_31 = arith.mulf %get3A_27, %get3A_30 : vector<16xf32>
      %get3A_32 = arith.index_cast %add3A_25 : i32 to index
      %get3A_33 = arith.constant 16 : index
      %get3A_34 = tpu.vector_load %arg5[%get3A_32, %get3A_33] {strides = array<i32>} : memref<256x128xf32, #tpu.memory_space<vmem>>, vector<16xf32>,
      %get3A_35 = arith.index_cast %add3A_25 : i32 to index
      %get3A_36 = arith.constant 16 : index
      %get3A_37 = tpu.vector_load %arg6[%get3A_35, %get3A_36] {strides = array<i32>} : memref<256x128xf32, #tpu.memory_space<vmem>>, vector<16xf32>,
      %mul3A_38 = arith.mulf %get3A_34, %get3A_37 : vector<16xf32>
      %add3A_39 = arith.addf %mul3A_31, %mul3A_38 : vector<16xf32>
      %get3A_40 = arith.index_cast %add3A_25 : i32 to index
      %get3A_41 = arith.constant 32 : index
      %get3A_42 = tpu.vector_load %arg5[%get3A_40, %get3A_41] {strides = array<i32>} : memref<256x128xf32, #tpu.memory_space<vmem>>, vector<16xf32>,
      %get3A_43 = arith.index_cast %add3A_25 : i32 to index
      %get3A_44 = arith.constant 32 : index
      %get3A_45 = tpu.vector_load %arg6[%get3A_43, %get3A_44] {strides = array<i32>} : memref<256x128xf32, #tpu.memory_space<vmem>>, vector<16xf32>,
      %mul3A_46 = arith.mulf %get3A_42, %get3A_45 : vector<16xf32>
      %add3A_47 = arith.addf %add3A_39, %mul3A_46 : vector<16xf32>
      %get3A_48 = arith.index_cast %add3A_25 : i32 to index
      %get3A_49 = arith.constant 48 : index
      %get3A_50 = tpu.vector_load %arg5[%get3A_48, %get3A_49] {strides = array<i32>} : memref<256x128xf32, #tpu.memory_space<vmem>>, vector<16xf32>,
      %get3A_51 = arith.index_cast %add3A_25 : i32 to index
      %get3A_52 = arith.constant 48 : index
      %get3A_53 = tpu.vector_load %arg6[%get3A_51, %get3A_52] {strides = array<i32>} : memref<256x128xf32, #tpu.memory_space<vmem>>, vector<16xf32>,
      %mul3A_54 = arith.mulf %get3A_50, %get3A_53 : vector<16xf32>
      %add3A_55 = arith.addf %add3A_47, %mul3A_54 : vector<16xf32>
      %swap3A = arith.constant 0 : index
      %swap3A_56 = tpu.vector_load %arg7[%swap3A] {strides = array<i32>} : memref<256xf32, #tpu.memory_space<vmem>>, vector<16xf32>,
      tpu.vector_store %arg7[%swap3A], %add3A_55 {strides = array<i32>} : memref<256xf32, #tpu.memory_space<vmem>>, vector<16xf32>,
      %add3A_57 = arith.constant 1 : i32
      %add3A_58 = arith.addi %mul3A_23, %add3A_57 : i32
      %get3A_59 = arith.index_cast %add3A_58 : i32 to index
      %get3A_60 = arith.constant 0 : index
      %get3A_61 = tpu.vector_load %arg5[%get3A_59, %get3A_60] {strides = array<i32>} : memref<256x128xf32, #tpu.memory_space<vmem>>, vector<16xf32>,
      %get3A_62 = arith.index_cast %add3A_58 : i32 to index
      %get3A_63 = arith.constant 0 : index
      %get3A_64 = tpu.vector_load %arg6[%get3A_62, %get3A_63] {strides = array<i32>} : memref<256x128xf32, #tpu.memory_space<vmem>>, vector<16xf32>,
      %mul3A_65 = arith.mulf %get3A_61, %get3A_64 : vector<16xf32>
      %get3A_66 = arith.index_cast %add3A_58 : i32 to index
      %get3A_67 = arith.constant 16 : index
      %get3A_68 = tpu.vector_load %arg5[%get3A_66, %get3A_67] {strides = array<i32>} : memref<256x128xf32, #tpu.memory_space<vmem>>, vector<16xf32>,
      %get3A_69 = arith.index_cast %add3A_58 : i32 to index
      %get3A_70 = arith.constant 16 : index
      %get3A_71 = tpu.vector_load %arg6[%get3A_69, %get3A_70] {strides = array<i32>} : memref<256x128xf32, #tpu.memory_space<vmem>>, vector<16xf32>,
      %mul3A_72 = arith.mulf %get3A_68, %get3A_71 : vector<16xf32>
      %add3A_73 = arith.addf %mul3A_65, %mul3A_72 : vector<16xf32>
      %get3A_74 = arith.index_cast %add3A_58 : i32 to index
      %get3A_75 = arith.constant 32 : index
      %get3A_76 = tpu.vector_load %arg5[%get3A_74, %get3A_75] {strides = array<i32>} : memref<256x128xf32, #tpu.memory_space<vmem>>, vector<16xf32>,
      %get3A_77 = arith.index_cast %add3A_58 : i32 to index
      %get3A_78 = arith.constant 32 : index
      %get3A_79 = tpu.vector_load %arg6[%get3A_77, %get3A_78] {strides = array<i32>} : memref<256x128xf32, #tpu.memory_space<vmem>>, vector<16xf32>,
      %mul3A_80 = arith.mulf %get3A_76, %get3A_79 : vector<16xf32>
      %add3A_81 = arith.addf %add3A_73, %mul3A_80 : vector<16xf32>
      %get3A_82 = arith.index_cast %add3A_58 : i32 to index
      %get3A_83 = arith.constant 48 : index
      %get3A_84 = tpu.vector_load %arg5[%get3A_82, %get3A_83] {strides = array<i32>} : memref<256x128xf32, #tpu.memory_space<vmem>>, vector<16xf32>,
      %get3A_85 = arith.index_cast %add3A_58 : i32 to index
      %get3A_86 = arith.constant 48 : index
      %get3A_87 = tpu.vector_load %arg6[%get3A_85, %get3A_86] {strides = array<i32>} : memref<256x128xf32, #tpu.memory_space<vmem>>, vector<16xf32>,
      %mul3A_88 = arith.mulf %get3A_84, %get3A_87 : vector<16xf32>
      %add3A_89 = arith.addf %add3A_81, %mul3A_88 : vector<16xf32>
      %swap3A_90 = arith.constant 16 : index
      %swap3A_91 = tpu.vector_load %arg7[%swap3A_90] {strides = array<i32>} : memref<256xf32, #tpu.memory_space<vmem>>, vector<16xf32>,
      tpu.vector_store %arg7[%swap3A_90], %add3A_89 {strides = array<i32>} : memref<256xf32, #tpu.memory_space<vmem>>, vector<16xf32>,
      %add3A_92 = arith.constant 2 : i32
      %add3A_93 = arith.addi %mul3A_23, %add3A_92 : i32
      %get3A_94 = arith.index_cast %add3A_93 : i32 to index
      %get3A_95 = arith.constant 0 : index
      %get3A_96 = tpu.vector_load %arg5[%get3A_94, %get3A_95] {strides = array<i32>} : memref<256x128xf32, #tpu.memory_space<vmem>>, vector<16xf32>,
      %get3A_97 = arith.index_cast %add3A_93 : i32 to index
      %get3A_98 = arith.constant 0 : index
      %get3A_99 = tpu.vector_load %arg6[%get3A_97, %get3A_98] {strides = array<i32>} : memref<256x128xf32, #tpu.memory_space<vmem>>, vector<16xf32>,
      %mul3A_100 = arith.mulf %get3A_96, %get3A_99 : vector<16xf32>
      %get3A_101 = arith.index_cast %add3A_93 : i32 to index
      %get3A_102 = arith.constant 16 : index
      %get3A_103 = tpu.vector_load %arg5[%get3A_101, %get3A_102] {strides = array<i32>} : memref<256x128xf32, #tpu.memory_space<vmem>>, vector<16xf32>,
      %get3A_104 = arith.index_cast %add3A_93 : i32 to index
      %get3A_105 = arith.constant 16 : index
      %get3A_106 = tpu.vector_load %arg6[%get3A_104, %get3A_105] {strides = array<i32>} : memref<256x128xf32, #tpu.memory_space<vmem>>, vector<16xf32>,
      %mul3A_107 = arith.mulf %get3A_103, %get3A_106 : vector<16xf32>
      %add3A_108 = arith.addf %mul3A_100, %mul3A_107 : vector<16xf32>
      %get3A_109 = arith.index_cast %add3A_93 : i32 to index
      %get3A_110 = arith.constant 32 : index
      %get3A_111 = tpu.vector_load %arg5[%get3A_109, %get3A_110] {strides = array<i32>} : memref<256x128xf32, #tpu.memory_space<vmem>>, vector<16xf32>,
      %get3A_112 = arith.index_cast %add3A_93 : i32 to index
      %get3A_113 = arith.constant 32 : index
      %get3A_114 = tpu.vector_load %arg6[%get3A_112, %get3A_113] {strides = array<i32>} : memref<256x128xf32, #tpu.memory_space<vmem>>, vector<16xf32>,
      %mul3A_115 = arith.mulf %get3A_111, %get3A_114 : vector<16xf32>
      %add3A_116 = arith.addf %add3A_108, %mul3A_115 : vector<16xf32>
      %get3A_117 = arith.index_cast %add3A_93 : i32 to index
      %get3A_118 = arith.constant 48 : index
      %get3A_119 = tpu.vector_load %arg5[%get3A_117, %get3A_118] {strides = array<i32>} : memref<256x128xf32, #tpu.memory_space<vmem>>, vector<16xf32>,
      %get3A_120 = arith.index_cast %add3A_93 : i32 to index
      %get3A_121 = arith.constant 48 : index
      %get3A_122 = tpu.vector_load %arg6[%get3A_120, %get3A_121] {strides = array<i32>} : memref<256x128xf32, #tpu.memory_space<vmem>>, vector<16xf32>,
      %mul3A_123 = arith.mulf %get3A_119, %get3A_122 : vector<16xf32>
      %add3A_124 = arith.addf %add3A_116, %mul3A_123 : vector<16xf32>
      %swap3A_125 = arith.constant 32 : index
      %swap3A_126 = tpu.vector_load %arg7[%swap3A_125] {strides = array<i32>} : memref<256xf32, #tpu.memory_space<vmem>>, vector<16xf32>,
      tpu.vector_store %arg7[%swap3A_125], %add3A_124 {strides = array<i32>} : memref<256xf32, #tpu.memory_space<vmem>>, vector<16xf32>,
      %add3A_127 = arith.constant 3 : i32
      %add3A_128 = arith.addi %mul3A_23, %add3A_127 : i32
      %get3A_129 = arith.index_cast %add3A_128 : i32 to index
      %get3A_130 = arith.constant 0 : index
      %get3A_131 = tpu.vector_load %arg5[%get3A_129, %get3A_130] {strides = array<i32>} : memref<256x128xf32, #tpu.memory_space<vmem>>, vector<16xf32>,
      %get3A_132 = arith.index_cast %add3A_128 : i32 to index
      %get3A_133 = arith.constant 0 : index
      %get3A_134 = tpu.vector_load %arg6[%get3A_132, %get3A_133] {strides = array<i32>} : memref<256x128xf32, #tpu.memory_space<vmem>>, vector<16xf32>,
      %mul3A_135 = arith.mulf %get3A_131, %get3A_134 : vector<16xf32>
      %get3A_136 = arith.index_cast %add3A_128 : i32 to index
      %get3A_137 = arith.constant 16 : index
      %get3A_138 = tpu.vector_load %arg5[%get3A_136, %get3A_137] {strides = array<i32>} : memref<256x128xf32, #tpu.memory_space<vmem>>, vector<16xf32>,
      %get3A_139 = arith.index_cast %add3A_128 : i32 to index
      %get3A_140 = arith.constant 16 : index
      %get3A_141 = tpu.vector_load %arg6[%get3A_139, %get3A_140] {strides = array<i32>} : memref<256x128xf32, #tpu.memory_space<vmem>>, vector<16xf32>,
      %mul3A_142 = arith.mulf %get3A_138, %get3A_141 : vector<16xf32>
      %add3A_143 = arith.addf %mul3A_135, %mul3A_142 : vector<16xf32>
      %get3A_144 = arith.index_cast %add3A_128 : i32 to index
      %get3A_145 = arith.constant 32 : index
      %get3A_146 = tpu.vector_load %arg5[%get3A_144, %get3A_145] {strides = array<i32>} : memref<256x128xf32, #tpu.memory_space<vmem>>, vector<16xf32>,
      %get3A_147 = arith.index_cast %add3A_128 : i32 to index
      %get3A_148 = arith.constant 32 : index
      %get3A_149 = tpu.vector_load %arg6[%get3A_147, %get3A_148] {strides = array<i32>} : memref<256x128xf32, #tpu.memory_space<vmem>>, vector<16xf32>,
      %mul3A_150 = arith.mulf %get3A_146, %get3A_149 : vector<16xf32>
      %add3A_151 = arith.addf %add3A_143, %mul3A_150 : vector<16xf32>
      %get3A_152 = arith.index_cast %add3A_128 : i32 to index
      %get3A_153 = arith.constant 48 : index
      %get3A_154 = tpu.vector_load %arg5[%get3A_152, %get3A_153] {strides = array<i32>} : memref<256x128xf32, #tpu.memory_space<vmem>>, vector<16xf32>,
      %get3A_155 = arith.index_cast %add3A_128 : i32 to index
      %get3A_156 = arith.constant 48 : index
      %get3A_157 = tpu.vector_load %arg6[%get3A_155, %get3A_156] {strides = array<i32>} : memref<256x128xf32, #tpu.memory_space<vmem>>, vector<16xf32>,
      %mul3A_158 = arith.mulf %get3A_154, %get3A_157 : vector<16xf32>
      %add3A_159 = arith.addf %add3A_151, %mul3A_158 : vector<16xf32>
      %swap3A_160 = arith.constant 48 : index
      %swap3A_161 = tpu.vector_load %arg7[%swap3A_160] {strides = array<i32>} : memref<256xf32, #tpu.memory_space<vmem>>, vector<16xf32>,
      tpu.vector_store %arg7[%swap3A_160], %add3A_159 {strides = array<i32>} : memref<256xf32, #tpu.memory_space<vmem>>, vector<16xf32>,
      %add3A_162 = arith.constant 4 : i32
      %add3A_163 = arith.addi %mul3A_23, %add3A_162 : i32
      %get3A_164 = arith.index_cast %add3A_163 : i32 to index
      %get3A_165 = arith.constant 0 : index
      %get3A_166 = tpu.vector_load %arg5[%get3A_164, %get3A_165] {strides = array<i32>} : memref<256x128xf32, #tpu.memory_space<vmem>>, vector<16xf32>,
      %get3A_167 = arith.index_cast %add3A_163 : i32 to index
      %get3A_168 = arith.constant 0 : index
      %get3A_169 = tpu.vector_load %arg6[%get3A_167, %get3A_168] {strides = array<i32>} : memref<256x128xf32, #tpu.memory_space<vmem>>, vector<16xf32>,
      %mul3A_170 = arith.mulf %get3A_166, %get3A_169 : vector<16xf32>
      %get3A_171 = arith.index_cast %add3A_163 : i32 to index
      %get3A_172 = arith.constant 16 : index
      %get3A_173 = tpu.vector_load %arg5[%get3A_171, %get3A_172] {strides = array<i32>} : memref<256x128xf32, #tpu.memory_space<vmem>>, vector<16xf32>,
      %get3A_174 = arith.index_cast %add3A_163 : i32 to index
      %get3A_175 = arith.constant 16 : index
      %get3A_176 = tpu.vector_load %arg6[%get3A_174, %get3A_175] {strides = array<i32>} : memref<256x128xf32, #tpu.memory_space<vmem>>, vector<16xf32>,
      %mul3A_177 = arith.mulf %get3A_173, %get3A_176 : vector<16xf32>
      %add3A_178 = arith.addf %mul3A_170, %mul3A_177 : vector<16xf32>
      %get3A_179 = arith.index_cast %add3A_163 : i32 to index
      %get3A_180 = arith.constant 32 : index
      %get3A_181 = tpu.vector_load %arg5[%get3A_179, %get3A_180] {strides = array<i32>} : memref<256x128xf32, #tpu.memory_space<vmem>>, vector<16xf32>,
      %get3A_182 = arith.index_cast %add3A_163 : i32 to index
      %get3A_183 = arith.constant 32 : index
      %get3A_184 = tpu.vector_load %arg6[%get3A_182, %get3A_183] {strides = array<i32>} : memref<256x128xf32, #tpu.memory_space<vmem>>, vector<16xf32>,
      %mul3A_185 = arith.mulf %get3A_181, %get3A_184 : vector<16xf32>
      %add3A_186 = arith.addf %add3A_178, %mul3A_185 : vector<16xf32>
      %get3A_187 = arith.index_cast %add3A_163 : i32 to index
      %get3A_188 = arith.constant 48 : index
      %get3A_189 = tpu.vector_load %arg5[%get3A_187, %get3A_188] {strides = array<i32>} : memref<256x128xf32, #tpu.memory_space<vmem>>, vector<16xf32>,
      %get3A_190 = arith.index_cast %add3A_163 : i32 to index
      %get3A_191 = arith.constant 48 : index
      %get3A_192 = tpu.vector_load %arg6[%get3A_190, %get3A_191] {strides = array<i32>} : memref<256x128xf32, #tpu.memory_space<vmem>>, vector<16xf32>,
      %mul3A_193 = arith.mulf %get3A_189, %get3A_192 : vector<16xf32>
      %add3A_194 = arith.addf %add3A_186, %mul3A_193 : vector<16xf32>
      %swap3A_195 = arith.constant 64 : index
      %swap3A_196 = tpu.vector_load %arg7[%swap3A_195] {strides = array<i32>} : memref<256xf32, #tpu.memory_space<vmem>>, vector<16xf32>,
      tpu.vector_store %arg7[%swap3A_195], %add3A_194 {strides = array<i32>} : memref<256xf32, #tpu.memory_space<vmem>>, vector<16xf32>,
      %add3A_197 = arith.constant 5 : i32
      %add3A_198 = arith.addi %mul3A_23, %add3A_197 : i32
      %get3A_199 = arith.index_cast %add3A_198 : i32 to index
      %get3A_200 = arith.constant 0 : index
      %get3A_201 = tpu.vector_load %arg5[%get3A_199, %get3A_200] {strides = array<i32>} : memref<256x128xf32, #tpu.memory_space<vmem>>, vector<16xf32>,
      %get3A_202 = arith.index_cast %add3A_198 : i32 to index
      %get3A_203 = arith.constant 0 : index
      %get3A_204 = tpu.vector_load %arg6[%get3A_202, %get3A_203] {strides = array<i32>} : memref<256x128xf32, #tpu.memory_space<vmem>>, vector<16xf32>,
      %mul3A_205 = arith.mulf %get3A_201, %get3A_204 : vector<16xf32>
      %get3A_206 = arith.index_cast %add3A_198 : i32 to index
      %get3A_207 = arith.constant 16 : index
      %get3A_208 = tpu.vector_load %arg5[%get3A_206, %get3A_207] {strides = array<i32>} : memref<256x128xf32, #tpu.memory_space<vmem>>, vector<16xf32>,
      %get3A_209 = arith.index_cast %add3A_198 : i32 to index
      %get3A_210 = arith.constant 16 : index
      %get3A_211 = tpu.vector_load %arg6[%get3A_209, %get3A_210] {strides = array<i32>} : memref<256x128xf32, #tpu.memory_space<vmem>>, vector<16xf32>,
      %mul3A_212 = arith.mulf %get3A_208, %get3A_211 : vector<16xf32>
      %add3A_213 = arith.addf %mul3A_205, %mul3A_212 : vector<16xf32>
      %get3A_214 = arith.index_cast %add3A_198 : i32 to index
      %get3A_215 = arith.constant 32 : index
      %get3A_216 = tpu.vector_load %arg5[%get3A_214, %get3A_215] {strides = array<i32>} : memref<256x128xf32, #tpu.memory_space<vmem>>, vector<16xf32>,
      %get3A_217 = arith.index_cast %add3A_198 : i32 to index
      %get3A_218 = arith.constant 32 : index
      %get3A_219 = tpu.vector_load %arg6[%get3A_217, %get3A_218] {strides = array<i32>} : memref<256x128xf32, #tpu.memory_space<vmem>>, vector<16xf32>,
      %mul3A_220 = arith.mulf %get3A_216, %get3A_219 : vector<16xf32>
      %add3A_221 = arith.addf %add3A_213, %mul3A_220 : vector<16xf32>
      %get3A_222 = arith.index_cast %add3A_198 : i32 to index
      %get3A_223 = arith.constant 48 : index
      %get3A_224 = tpu.vector_load %arg5[%get3A_222, %get3A_223] {strides = array<i32>} : memref<256x128xf32, #tpu.memory_space<vmem>>, vector<16xf32>,
      %get3A_225 = arith.index_cast %add3A_198 : i32 to index
      %get3A_226 = arith.constant 48 : index
      %get3A_227 = tpu.vector_load %arg6[%get3A_225, %get3A_226] {strides = array<i32>} : memref<256x128xf32, #tpu.memory_space<vmem>>, vector<16xf32>,
      %mul3A_228 = arith.mulf %get3A_224, %get3A_227 : vector<16xf32>
      %add3A_229 = arith.addf %add3A_221, %mul3A_228 : vector<16xf32>
      %swap3A_230 = arith.constant 80 : index
      %swap3A_231 = tpu.vector_load %arg7[%swap3A_230] {strides = array<i32>} : memref<256xf32, #tpu.memory_space<vmem>>, vector<16xf32>,
      tpu.vector_store %arg7[%swap3A_230], %add3A_229 {strides = array<i32>} : memref<256xf32, #tpu.memory_space<vmem>>, vector<16xf32>,
      %add3A_232 = arith.constant 6 : i32
      %add3A_233 = arith.addi %mul3A_23, %add3A_232 : i32
      %get3A_234 = arith.index_cast %add3A_233 : i32 to index
      %get3A_235 = arith.constant 0 : index
      %get3A_236 = tpu.vector_load %arg5[%get3A_234, %get3A_235] {strides = array<i32>} : memref<256x128xf32, #tpu.memory_space<vmem>>, vector<16xf32>,
      %get3A_237 = arith.index_cast %add3A_233 : i32 to index
      %get3A_238 = arith.constant 0 : index
      %get3A_239 = tpu.vector_load %arg6[%get3A_237, %get3A_238] {strides = array<i32>} : memref<256x128xf32, #tpu.memory_space<vmem>>, vector<16xf32>,
      %mul3A_240 = arith.mulf %get3A_236, %get3A_239 : vector<16xf32>
      %get3A_241 = arith.index_cast %add3A_233 : i32 to index
      %get3A_242 = arith.constant 16 : index
      %get3A_243 = tpu.vector_load %arg5[%get3A_241, %get3A_242] {strides = array<i32>} : memref<256x128xf32, #tpu.memory_space<vmem>>, vector<16xf32>,
      %get3A_244 = arith.index_cast %add3A_233 : i32 to index
      %get3A_245 = arith.constant 16 : index
      %get3A_246 = tpu.vector_load %arg6[%get3A_244, %get3A_245] {strides = array<i32>} : memref<256x128xf32, #tpu.memory_space<vmem>>, vector<16xf32>,
      %mul3A_247 = arith.mulf %get3A_243, %get3A_246 : vector<16xf32>
      %add3A_248 = arith.addf %mul3A_240, %mul3A_247 : vector<16xf32>
      %get3A_249 = arith.index_cast %add3A_233 : i32 to index
      %get3A_250 = arith.constant 32 : index
      %get3A_251 = tpu.vector_load %arg5[%get3A_249, %get3A_250] {strides = array<i32>} : memref<256x128xf32, #tpu.memory_space<vmem>>, vector<16xf32>,
      %get3A_252 = arith.index_cast %add3A_233 : i32 to index
      %get3A_253 = arith.constant 32 : index
      %get3A_254 = tpu.vector_load %arg6[%get3A_252, %get3A_253] {strides = array<i32>} : memref<256x128xf32, #tpu.memory_space<vmem>>, vector<16xf32>,
      %mul3A_255 = arith.mulf %get3A_251, %get3A_254 : vector<16xf32>
      %add3A_256 = arith.addf %add3A_248, %mul3A_255 : vector<16xf32>
      %get3A_257 = arith.index_cast %add3A_233 : i32 to index
      %get3A_258 = arith.constant 48 : index
      %get3A_259 = tpu.vector_load %arg5[%get3A_257, %get3A_258] {strides = array<i32>} : memref<256x128xf32, #tpu.memory_space<vmem>>, vector<16xf32>,
      %get3A_260 = arith.index_cast %add3A_233 : i32 to index
      %get3A_261 = arith.constant 48 : index
      %get3A_262 = tpu.vector_load %arg6[%get3A_260, %get3A_261] {strides = array<i32>} : memref<256x128xf32, #tpu.memory_space<vmem>>, vector<16xf32>,
      %mul3A_263 = arith.mulf %get3A_259, %get3A_262 : vector<16xf32>
      %add3A_264 = arith.addf %add3A_256, %mul3A_263 : vector<16xf32>
      %swap3A_265 = arith.constant 96 : index
      %swap3A_266 = tpu.vector_load %arg7[%swap3A_265] {strides = array<i32>} : memref<256xf32, #tpu.memory_space<vmem>>, vector<16xf32>,
      tpu.vector_store %arg7[%swap3A_265], %add3A_264 {strides = array<i32>} : memref<256xf32, #tpu.memory_space<vmem>>, vector<16xf32>,
      %add3A_267 = arith.constant 7 : i32
      %add3A_268 = arith.addi %mul3A_23, %add3A_267 : i32
      %get3A_269 = arith.index_cast %add3A_268 : i32 to index
      %get3A_270 = arith.constant 0 : index
      %get3A_271 = tpu.vector_load %arg5[%get3A_269, %get3A_270] {strides = array<i32>} : memref<256x128xf32, #tpu.memory_space<vmem>>, vector<16xf32>,
      %get3A_272 = arith.index_cast %add3A_268 : i32 to index
      %get3A_273 = arith.constant 0 : index
      %get3A_274 = tpu.vector_load %arg6[%get3A_272, %get3A_273] {strides = array<i32>} : memref<256x128xf32, #tpu.memory_space<vmem>>, vector<16xf32>,
      %mul3A_275 = arith.mulf %get3A_271, %get3A_274 : vector<16xf32>
      %get3A_276 = arith.index_cast %add3A_268 : i32 to index
      %get3A_277 = arith.constant 16 : index
      %get3A_278 = tpu.vector_load %arg5[%get3A_276, %get3A_277] {strides = array<i32>} : memref<256x128xf32, #tpu.memory_space<vmem>>, vector<16xf32>,
      %get3A_279 = arith.index_cast %add3A_268 : i32 to index
      %get3A_280 = arith.constant 16 : index
      %get3A_281 = tpu.vector_load %arg6[%get3A_279, %get3A_280] {strides = array<i32>} : memref<256x128xf32, #tpu.memory_space<vmem>>, vector<16xf32>,
      %mul3A_282 = arith.mulf %get3A_278, %get3A_281 : vector<16xf32>
      %add3A_283 = arith.addf %mul3A_275, %mul3A_282 : vector<16xf32>
      %get3A_284 = arith.index_cast %add3A_268 : i32 to index
      %get3A_285 = arith.constant 32 : index
      %get3A_286 = tpu.vector_load %arg5[%get3A_284, %get3A_285] {strides = array<i32>} : memref<256x128xf32, #tpu.memory_space<vmem>>, vector<16xf32>,
      %get3A_287 = arith.index_cast %add3A_268 : i32 to index
      %get3A_288 = arith.constant 32 : index
      %get3A_289 = tpu.vector_load %arg6[%get3A_287, %get3A_288] {strides = array<i32>} : memref<256x128xf32, #tpu.memory_space<vmem>>, vector<16xf32>,
      %mul3A_290 = arith.mulf %get3A_286, %get3A_289 : vector<16xf32>
      %add3A_291 = arith.addf %add3A_283, %mul3A_290 : vector<16xf32>
      %get3A_292 = arith.index_cast %add3A_268 : i32 to index
      %get3A_293 = arith.constant 48 : index
      %get3A_294 = tpu.vector_load %arg5[%get3A_292, %get3A_293] {strides = array<i32>} : memref<256x128xf32, #tpu.memory_space<vmem>>, vector<16xf32>,
      %get3A_295 = arith.index_cast %add3A_268 : i32 to index
      %get3A_296 = arith.constant 48 : index
      %get3A_297 = tpu.vector_load %arg6[%get3A_295, %get3A_296] {strides = array<i32>} : memref<256x128xf32, #tpu.memory_space<vmem>>, vector<16xf32>,
      %mul3A_298 = arith.mulf %get3A_294, %get3A_297 : vector<16xf32>
      %add3A_299 = arith.addf %add3A_291, %mul3A_298 : vector<16xf32>
      %swap3A_300 = arith.constant 112 : index
      %swap3A_301 = tpu.vector_load %arg7[%swap3A_300] {strides = array<i32>} : memref<256xf32, #tpu.memory_space<vmem>>, vector<16xf32>,
      tpu.vector_store %arg7[%swap3A_300], %add3A_299 {strides = array<i32>} : memref<256xf32, #tpu.memory_space<vmem>>, vector<16xf32>,
      %add3A_302 = arith.constant 8 : i32
      %add3A_303 = arith.addi %mul3A_23, %add3A_302 : i32
      %get3A_304 = arith.index_cast %add3A_303 : i32 to index
      %get3A_305 = arith.constant 0 : index
      %get3A_306 = tpu.vector_load %arg5[%get3A_304, %get3A_305] {strides = array<i32>} : memref<256x128xf32, #tpu.memory_space<vmem>>, vector<16xf32>,
      %get3A_307 = arith.index_cast %add3A_303 : i32 to index
      %get3A_308 = arith.constant 0 : index
      %get3A_309 = tpu.vector_load %arg6[%get3A_307, %get3A_308] {strides = array<i32>} : memref<256x128xf32, #tpu.memory_space<vmem>>, vector<16xf32>,
      %mul3A_310 = arith.mulf %get3A_306, %get3A_309 : vector<16xf32>
      %get3A_311 = arith.index_cast %add3A_303 : i32 to index
      %get3A_312 = arith.constant 16 : index
      %get3A_313 = tpu.vector_load %arg5[%get3A_311, %get3A_312] {strides = array<i32>} : memref<256x128xf32, #tpu.memory_space<vmem>>, vector<16xf32>,
      %get3A_314 = arith.index_cast %add3A_303 : i32 to index
      %get3A_315 = arith.constant 16 : index
      %get3A_316 = tpu.vector_load %arg6[%get3A_314, %get3A_315] {strides = array<i32>} : memref<256x128xf32, #tpu.memory_space<vmem>>, vector<16xf32>,
      %mul3A_317 = arith.mulf %get3A_313, %get3A_316 : vector<16xf32>
      %add3A_318 = arith.addf %mul3A_310, %mul3A_317 : vector<16xf32>
      %get3A_319 = arith.index_cast %add3A_303 : i32 to index
      %get3A_320 = arith.constant 32 : index
      %get3A_321 = tpu.vector_load %arg5[%get3A_319, %get3A_320] {strides = array<i32>} : memref<256x128xf32, #tpu.memory_space<vmem>>, vector<16xf32>,
      %get3A_322 = arith.index_cast %add3A_303 : i32 to index
      %get3A_323 = arith.constant 32 : index
      %get3A_324 = tpu.vector_load %arg6[%get3A_322, %get3A_323] {strides = array<i32>} : memref<256x128xf32, #tpu.memory_space<vmem>>, vector<16xf32>,
      %mul3A_325 = arith.mulf %get3A_321, %get3A_324 : vector<16xf32>
      %add3A_326 = arith.addf %add3A_318, %mul3A_325 : vector<16xf32>
      %get3A_327 = arith.index_cast %add3A_303 : i32 to index
      %get3A_328 = arith.constant 48 : index
      %get3A_329 = tpu.vector_load %arg5[%get3A_327, %get3A_328] {strides = array<i32>} : memref<256x128xf32, #tpu.memory_space<vmem>>, vector<16xf32>,
      %get3A_330 = arith.index_cast %add3A_303 : i32 to index
      %get3A_331 = arith.constant 48 : index
      %get3A_332 = tpu.vector_load %arg6[%get3A_330, %get3A_331] {strides = array<i32>} : memref<256x128xf32, #tpu.memory_space<vmem>>, vector<16xf32>,
      %mul3A_333 = arith.mulf %get3A_329, %get3A_332 : vector<16xf32>
      %add3A_334 = arith.addf %add3A_326, %mul3A_333 : vector<16xf32>
      %swap3A_335 = arith.constant 128 : index
      %swap3A_336 = tpu.vector_load %arg7[%swap3A_335] {strides = array<i32>} : memref<256xf32, #tpu.memory_space<vmem>>, vector<16xf32>,
      tpu.vector_store %arg7[%swap3A_335], %add3A_334 {strides = array<i32>} : memref<256xf32, #tpu.memory_space<vmem>>, vector<16xf32>,
      %add3A_337 = arith.constant 9 : i32
      %add3A_338 = arith.addi %mul3A_23, %add3A_337 : i32
      %get3A_339 = arith.index_cast %add3A_338 : i32 to index
      %get3A_340 = arith.constant 0 : index
      %get3A_341 = tpu.vector_load %arg5[%get3A_339, %get3A_340] {strides = array<i32>} : memref<256x128xf32, #tpu.memory_space<vmem>>, vector<16xf32>,
      %get3A_342 = arith.index_cast %add3A_338 : i32 to index
      %get3A_343 = arith.constant 0 : index
      %get3A_344 = tpu.vector_load %arg6[%get3A_342, %get3A_343] {strides = array<i32>} : memref<256x128xf32, #tpu.memory_space<vmem>>, vector<16xf32>,
      %mul3A_345 = arith.mulf %get3A_341, %get3A_344 : vector<16xf32>
      %get3A_346 = arith.index_cast %add3A_338 : i32 to index
      %get3A_347 = arith.constant 16 : index
      %get3A_348 = tpu.vector_load %arg5[%get3A_346, %get3A_347] {strides = array<i32>} : memref<256x128xf32, #tpu.memory_space<vmem>>, vector<16xf32>,
      %get3A_349 = arith.index_cast %add3A_338 : i32 to index
      %get3A_350 = arith.constant 16 : index
      %get3A_351 = tpu.vector_load %arg6[%get3A_349, %get3A_350] {strides = array<i32>} : memref<256x128xf32, #tpu.memory_space<vmem>>, vector<16xf32>,
      %mul3A_352 = arith.mulf %get3A_348, %get3A_351 : vector<16xf32>
      %add3A_353 = arith.addf %mul3A_345, %mul3A_352 : vector<16xf32>
      %get3A_354 = arith.index_cast %add3A_338 : i32 to index
      %get3A_355 = arith.constant 32 : index
      %get3A_356 = tpu.vector_load %arg5[%get3A_354, %get3A_355] {strides = array<i32>} : memref<256x128xf32, #tpu.memory_space<vmem>>, vector<16xf32>,
      %get3A_357 = arith.index_cast %add3A_338 : i32 to index
      %get3A_358 = arith.constant 32 : index
      %get3A_359 = tpu.vector_load %arg6[%get3A_357, %get3A_358] {strides = array<i32>} : memref<256x128xf32, #tpu.memory_space<vmem>>, vector<16xf32>,
      %mul3A_360 = arith.mulf %get3A_356, %get3A_359 : vector<16xf32>
      %add3A_361 = arith.addf %add3A_353, %mul3A_360 : vector<16xf32>
      %get3A_362 = arith.index_cast %add3A_338 : i32 to index
      %get3A_363 = arith.constant 48 : index
      %get3A_364 = tpu.vector_load %arg5[%get3A_362, %get3A_363] {strides = array<i32>} : memref<256x128xf32, #tpu.memory_space<vmem>>, vector<16xf32>,
      %get3A_365 = arith.index_cast %add3A_338 : i32 to index
      %get3A_366 = arith.constant 48 : index
      %get3A_367 = tpu.vector_load %arg6[%get3A_365, %get3A_366] {strides = array<i32>} : memref<256x128xf32, #tpu.memory_space<vmem>>, vector<16xf32>,
      %mul3A_368 = arith.mulf %get3A_364, %get3A_367 : vector<16xf32>
      %add3A_369 = arith.addf %add3A_361, %mul3A_368 : vector<16xf32>
      %swap3A_370 = arith.constant 144 : index
      %swap3A_371 = tpu.vector_load %arg7[%swap3A_370] {strides = array<i32>} : memref<256xf32, #tpu.memory_space<vmem>>, vector<16xf32>,
      tpu.vector_store %arg7[%swap3A_370], %add3A_369 {strides = array<i32>} : memref<256xf32, #tpu.memory_space<vmem>>, vector<16xf32>,
      %add3A_372 = arith.constant 10 : i32
      %add3A_373 = arith.addi %mul3A_23, %add3A_372 : i32
      %get3A_374 = arith.index_cast %add3A_373 : i32 to index
      %get3A_375 = arith.constant 0 : index
      %get3A_376 = tpu.vector_load %arg5[%get3A_374, %get3A_375] {strides = array<i32>} : memref<256x128xf32, #tpu.memory_space<vmem>>, vector<16xf32>,
      %get3A_377 = arith.index_cast %add3A_373 : i32 to index
      %get3A_378 = arith.constant 0 : index
      %get3A_379 = tpu.vector_load %arg6[%get3A_377, %get3A_378] {strides = array<i32>} : memref<256x128xf32, #tpu.memory_space<vmem>>, vector<16xf32>,
      %mul3A_380 = arith.mulf %get3A_376, %get3A_379 : vector<16xf32>
      %get3A_381 = arith.index_cast %add3A_373 : i32 to index
      %get3A_382 = arith.constant 16 : index
      %get3A_383 = tpu.vector_load %arg5[%get3A_381, %get3A_382] {strides = array<i32>} : memref<256x128xf32, #tpu.memory_space<vmem>>, vector<16xf32>,
      %get3A_384 = arith.index_cast %add3A_373 : i32 to index
      %get3A_385 = arith.constant 16 : index
      %get3A_386 = tpu.vector_load %arg6[%get3A_384, %get3A_385] {strides = array<i32>} : memref<256x128xf32, #tpu.memory_space<vmem>>, vector<16xf32>,
      %mul3A_387 = arith.mulf %get3A_383, %get3A_386 : vector<16xf32>
      %add3A_388 = arith.addf %mul3A_380, %mul3A_387 : vector<16xf32>
      %get3A_389 = arith.index_cast %add3A_373 : i32 to index
      %get3A_390 = arith.constant 32 : index
      %get3A_391 = tpu.vector_load %arg5[%get3A_389, %get3A_390] {strides = array<i32>} : memref<256x128xf32, #tpu.memory_space<vmem>>, vector<16xf32>,
      %get3A_392 = arith.index_cast %add3A_373 : i32 to index
      %get3A_393 = arith.constant 32 : index
      %get3A_394 = tpu.vector_load %arg6[%get3A_392, %get3A_393] {strides = array<i32>} : memref<256x128xf32, #tpu.memory_space<vmem>>, vector<16xf32>,
      %mul3A_395 = arith.mulf %get3A_391, %get3A_394 : vector<16xf32>
      %add3A_396 = arith.addf %add3A_388, %mul3A_395 : vector<16xf32>
      %get3A_397 = arith.index_cast %add3A_373 : i32 to index
      %get3A_398 = arith.constant 48 : index
      %get3A_399 = tpu.vector_load %arg5[%get3A_397, %get3A_398] {strides = array<i32>} : memref<256x128xf32, #tpu.memory_space<vmem>>, vector<16xf32>,
      %get3A_400 = arith.index_cast %add3A_373 : i32 to index
      %get3A_401 = arith.constant 48 : index
      %get3A_402 = tpu.vector_load %arg6[%get3A_400, %get3A_401] {strides = array<i32>} : memref<256x128xf32, #tpu.memory_space<vmem>>, vector<16xf32>,
      %mul3A_403 = arith.mulf %get3A_399, %get3A_402 : vector<16xf32>
      %add3A_404 = arith.addf %add3A_396, %mul3A_403 : vector<16xf32>
      %swap3A_405 = arith.constant 160 : index
      %swap3A_406 = tpu.vector_load %arg7[%swap3A_405] {strides = array<i32>} : memref<256xf32, #tpu.memory_space<vmem>>, vector<16xf32>,
      tpu.vector_store %arg7[%swap3A_405], %add3A_404 {strides = array<i32>} : memref<256xf32, #tpu.memory_space<vmem>>, vector<16xf32>,
      %add3A_407 = arith.constant 11 : i32
      %add3A_408 = arith.addi %mul3A_23, %add3A_407 : i32
      %get3A_409 = arith.index_cast %add3A_408 : i32 to index
      %get3A_410 = arith.constant 0 : index
      %get3A_411 = tpu.vector_load %arg5[%get3A_409, %get3A_410] {strides = array<i32>} : memref<256x128xf32, #tpu.memory_space<vmem>>, vector<16xf32>,
      %get3A_412 = arith.index_cast %add3A_408 : i32 to index
      %get3A_413 = arith.constant 0 : index
      %get3A_414 = tpu.vector_load %arg6[%get3A_412, %get3A_413] {strides = array<i32>} : memref<256x128xf32, #tpu.memory_space<vmem>>, vector<16xf32>,
      %mul3A_415 = arith.mulf %get3A_411, %get3A_414 : vector<16xf32>
      %get3A_416 = arith.index_cast %add3A_408 : i32 to index
      %get3A_417 = arith.constant 16 : index
      %get3A_418 = tpu.vector_load %arg5[%get3A_416, %get3A_417] {strides = array<i32>} : memref<256x128xf32, #tpu.memory_space<vmem>>, vector<16xf32>,
      %get3A_419 = arith.index_cast %add3A_408 : i32 to index
      %get3A_420 = arith.constant 16 : index
      %get3A_421 = tpu.vector_load %arg6[%get3A_419, %get3A_420] {strides = array<i32>} : memref<256x128xf32, #tpu.memory_space<vmem>>, vector<16xf32>,
      %mul3A_422 = arith.mulf %get3A_418, %get3A_421 : vector<16xf32>
      %add3A_423 = arith.addf %mul3A_415, %mul3A_422 : vector<16xf32>
      %get3A_424 = arith.index_cast %add3A_408 : i32 to index
      %get3A_425 = arith.constant 32 : index
      %get3A_426 = tpu.vector_load %arg5[%get3A_424, %get3A_425] {strides = array<i32>} : memref<256x128xf32, #tpu.memory_space<vmem>>, vector<16xf32>,
      %get3A_427 = arith.index_cast %add3A_408 : i32 to index
      %get3A_428 = arith.constant 32 : index
      %get3A_429 = tpu.vector_load %arg6[%get3A_427, %get3A_428] {strides = array<i32>} : memref<256x128xf32, #tpu.memory_space<vmem>>, vector<16xf32>,
      %mul3A_430 = arith.mulf %get3A_426, %get3A_429 : vector<16xf32>
      %add3A_431 = arith.addf %add3A_423, %mul3A_430 : vector<16xf32>
      %get3A_432 = arith.index_cast %add3A_408 : i32 to index
      %get3A_433 = arith.constant 48 : index
      %get3A_434 = tpu.vector_load %arg5[%get3A_432, %get3A_433] {strides = array<i32>} : memref<256x128xf32, #tpu.memory_space<vmem>>, vector<16xf32>,
      %get3A_435 = arith.index_cast %add3A_408 : i32 to index
      %get3A_436 = arith.constant 48 : index
      %get3A_437 = tpu.vector_load %arg6[%get3A_435, %get3A_436] {strides = array<i32>} : memref<256x128xf32, #tpu.memory_space<vmem>>, vector<16xf32>,
      %mul3A_438 = arith.mulf %get3A_434, %get3A_437 : vector<16xf32>
      %add3A_439 = arith.addf %add3A_431, %mul3A_438 : vector<16xf32>
      %swap3A_440 = arith.constant 176 : index
      %swap3A_441 = tpu.vector_load %arg7[%swap3A_440] {strides = array<i32>} : memref<256xf32, #tpu.memory_space<vmem>>, vector<16xf32>,
      tpu.vector_store %arg7[%swap3A_440], %add3A_439 {strides = array<i32>} : memref<256xf32, #tpu.memory_space<vmem>>, vector<16xf32>,
      %add3A_442 = arith.constant 12 : i32
      %add3A_443 = arith.addi %mul3A_23, %add3A_442 : i32
      %get3A_444 = arith.index_cast %add3A_443 : i32 to index
      %get3A_445 = arith.constant 0 : index
      %get3A_446 = tpu.vector_load %arg5[%get3A_444, %get3A_445] {strides = array<i32>} : memref<256x128xf32, #tpu.memory_space<vmem>>, vector<16xf32>,
      %get3A_447 = arith.index_cast %add3A_443 : i32 to index
      %get3A_448 = arith.constant 0 : index
      %get3A_449 = tpu.vector_load %arg6[%get3A_447, %get3A_448] {strides = array<i32>} : memref<256x128xf32, #tpu.memory_space<vmem>>, vector<16xf32>,
      %mul3A_450 = arith.mulf %get3A_446, %get3A_449 : vector<16xf32>
      %get3A_451 = arith.index_cast %add3A_443 : i32 to index
      %get3A_452 = arith.constant 16 : index
      %get3A_453 = tpu.vector_load %arg5[%get3A_451, %get3A_452] {strides = array<i32>} : memref<256x128xf32, #tpu.memory_space<vmem>>, vector<16xf32>,
      %get3A_454 = arith.index_cast %add3A_443 : i32 to index
      %get3A_455 = arith.constant 16 : index
      %get3A_456 = tpu.vector_load %arg6[%get3A_454, %get3A_455] {strides = array<i32>} : memref<256x128xf32, #tpu.memory_space<vmem>>, vector<16xf32>,
      %mul3A_457 = arith.mulf %get3A_453, %get3A_456 : vector<16xf32>
      %add3A_458 = arith.addf %mul3A_450, %mul3A_457 : vector<16xf32>
      %get3A_459 = arith.index_cast %add3A_443 : i32 to index
      %get3A_460 = arith.constant 32 : index
      %get3A_461 = tpu.vector_load %arg5[%get3A_459, %get3A_460] {strides = array<i32>} : memref<256x128xf32, #tpu.memory_space<vmem>>, vector<16xf32>,
      %get3A_462 = arith.index_cast %add3A_443 : i32 to index
      %get3A_463 = arith.constant 32 : index
      %get3A_464 = tpu.vector_load %arg6[%get3A_462, %get3A_463] {strides = array<i32>} : memref<256x128xf32, #tpu.memory_space<vmem>>, vector<16xf32>,
      %mul3A_465 = arith.mulf %get3A_461, %get3A_464 : vector<16xf32>
      %add3A_466 = arith.addf %add3A_458, %mul3A_465 : vector<16xf32>
      %get3A_467 = arith.index_cast %add3A_443 : i32 to index
      %get3A_468 = arith.constant 48 : index
      %get3A_469 = tpu.vector_load %arg5[%get3A_467, %get3A_468] {strides = array<i32>} : memref<256x128xf32, #tpu.memory_space<vmem>>, vector<16xf32>,
      %get3A_470 = arith.index_cast %add3A_443 : i32 to index
      %get3A_471 = arith.constant 48 : index
      %get3A_472 = tpu.vector_load %arg6[%get3A_470, %get3A_471] {strides = array<i32>} : memref<256x128xf32, #tpu.memory_space<vmem>>, vector<16xf32>,
      %mul3A_473 = arith.mulf %get3A_469, %get3A_472 : vector<16xf32>
      %add3A_474 = arith.addf %add3A_466, %mul3A_473 : vector<16xf32>
      %swap3A_475 = arith.constant 192 : index
      %swap3A_476 = tpu.vector_load %arg7[%swap3A_475] {strides = array<i32>} : memref<256xf32, #tpu.memory_space<vmem>>, vector<16xf32>,
      tpu.vector_store %arg7[%swap3A_475], %add3A_474 {strides = array<i32>} : memref<256xf32, #tpu.memory_space<vmem>>, vector<16xf32>,
      %add3A_477 = arith.constant 13 : i32
      %add3A_478 = arith.addi %mul3A_23, %add3A_477 : i32
      %get3A_479 = arith.index_cast %add3A_478 : i32 to index
      %get3A_480 = arith.constant 0 : index
      %get3A_481 = tpu.vector_load %arg5[%get3A_479, %get3A_480] {strides = array<i32>} : memref<256x128xf32, #tpu.memory_space<vmem>>, vector<16xf32>,
      %get3A_482 = arith.index_cast %add3A_478 : i32 to index
      %get3A_483 = arith.constant 0 : index
      %get3A_484 = tpu.vector_load %arg6[%get3A_482, %get3A_483] {strides = array<i32>} : memref<256x128xf32, #tpu.memory_space<vmem>>, vector<16xf32>,
      %mul3A_485 = arith.mulf %get3A_481, %get3A_484 : vector<16xf32>
      %get3A_486 = arith.index_cast %add3A_478 : i32 to index
      %get3A_487 = arith.constant 16 : index
      %get3A_488 = tpu.vector_load %arg5[%get3A_486, %get3A_487] {strides = array<i32>} : memref<256x128xf32, #tpu.memory_space<vmem>>, vector<16xf32>,
      %get3A_489 = arith.index_cast %add3A_478 : i32 to index
      %get3A_490 = arith.constant 16 : index
      %get3A_491 = tpu.vector_load %arg6[%get3A_489, %get3A_490] {strides = array<i32>} : memref<256x128xf32, #tpu.memory_space<vmem>>, vector<16xf32>,
      %mul3A_492 = arith.mulf %get3A_488, %get3A_491 : vector<16xf32>
      %add3A_493 = arith.addf %mul3A_485, %mul3A_492 : vector<16xf32>
      %get3A_494 = arith.index_cast %add3A_478 : i32 to index
      %get3A_495 = arith.constant 32 : index
      %get3A_496 = tpu.vector_load %arg5[%get3A_494, %get3A_495] {strides = array<i32>} : memref<256x128xf32, #tpu.memory_space<vmem>>, vector<16xf32>,
      %get3A_497 = arith.index_cast %add3A_478 : i32 to index
      %get3A_498 = arith.constant 32 : index
      %get3A_499 = tpu.vector_load %arg6[%get3A_497, %get3A_498] {strides = array<i32>} : memref<256x128xf32, #tpu.memory_space<vmem>>, vector<16xf32>,
      %mul3A_500 = arith.mulf %get3A_496, %get3A_499 : vector<16xf32>
      %add3A_501 = arith.addf %add3A_493, %mul3A_500 : vector<16xf32>
      %get3A_502 = arith.index_cast %add3A_478 : i32 to index
      %get3A_503 = arith.constant 48 : index
      %get3A_504 = tpu.vector_load %arg5[%get3A_502, %get3A_503] {strides = array<i32>} : memref<256x128xf32, #tpu.memory_space<vmem>>, vector<16xf32>,
      %get3A_505 = arith.index_cast %add3A_478 : i32 to index
      %get3A_506 = arith.constant 48 : index
      %get3A_507 = tpu.vector_load %arg6[%get3A_505, %get3A_506] {strides = array<i32>} : memref<256x128xf32, #tpu.memory_space<vmem>>, vector<16xf32>,
      %mul3A_508 = arith.mulf %get3A_504, %get3A_507 : vector<16xf32>
      %add3A_509 = arith.addf %add3A_501, %mul3A_508 : vector<16xf32>
      %swap3A_510 = arith.constant 208 : index
      %swap3A_511 = tpu.vector_load %arg7[%swap3A_510] {strides = array<i32>} : memref<256xf32, #tpu.memory_space<vmem>>, vector<16xf32>,
      tpu.vector_store %arg7[%swap3A_510], %add3A_509 {strides = array<i32>} : memref<256xf32, #tpu.memory_space<vmem>>, vector<16xf32>,
      %add3A_512 = arith.constant 14 : i32
      %add3A_513 = arith.addi %mul3A_23, %add3A_512 : i32
      %get3A_514 = arith.index_cast %add3A_513 : i32 to index
      %get3A_515 = arith.constant 0 : index
      %get3A_516 = tpu.vector_load %arg5[%get3A_514, %get3A_515] {strides = array<i32>} : memref<256x128xf32, #tpu.memory_space<vmem>>, vector<16xf32>,
      %get3A_517 = arith.index_cast %add3A_513 : i32 to index
      %get3A_518 = arith.constant 0 : index
      %get3A_519 = tpu.vector_load %arg6[%get3A_517, %get3A_518] {strides = array<i32>} : memref<256x128xf32, #tpu.memory_space<vmem>>, vector<16xf32>,
      %mul3A_520 = arith.mulf %get3A_516, %get3A_519 : vector<16xf32>
      %get3A_521 = arith.index_cast %add3A_513 : i32 to index
      %get3A_522 = arith.constant 16 : index
      %get3A_523 = tpu.vector_load %arg5[%get3A_521, %get3A_522] {strides = array<i32>} : memref<256x128xf32, #tpu.memory_space<vmem>>, vector<16xf32>,
      %get3A_524 = arith.index_cast %add3A_513 : i32 to index
      %get3A_525 = arith.constant 16 : index
      %get3A_526 = tpu.vector_load %arg6[%get3A_524, %get3A_525] {strides = array<i32>} : memref<256x128xf32, #tpu.memory_space<vmem>>, vector<16xf32>,
      %mul3A_527 = arith.mulf %get3A_523, %get3A_526 : vector<16xf32>
      %add3A_528 = arith.addf %mul3A_520, %mul3A_527 : vector<16xf32>
      %get3A_529 = arith.index_cast %add3A_513 : i32 to index
      %get3A_530 = arith.constant 32 : index
      %get3A_531 = tpu.vector_load %arg5[%get3A_529, %get3A_530] {strides = array<i32>} : memref<256x128xf32, #tpu.memory_space<vmem>>, vector<16xf32>,
      %get3A_532 = arith.index_cast %add3A_513 : i32 to index
      %get3A_533 = arith.constant 32 : index
      %get3A_534 = tpu.vector_load %arg6[%get3A_532, %get3A_533] {strides = array<i32>} : memref<256x128xf32, #tpu.memory_space<vmem>>, vector<16xf32>,
      %mul3A_535 = arith.mulf %get3A_531, %get3A_534 : vector<16xf32>
      %add3A_536 = arith.addf %add3A_528, %mul3A_535 : vector<16xf32>
      %get3A_537 = arith.index_cast %add3A_513 : i32 to index
      %get3A_538 = arith.constant 48 : index
      %get3A_539 = tpu.vector_load %arg5[%get3A_537, %get3A_538] {strides = array<i32>} : memref<256x128xf32, #tpu.memory_space<vmem>>, vector<16xf32>,
      %get3A_540 = arith.index_cast %add3A_513 : i32 to index
      %get3A_541 = arith.constant 48 : index
      %get3A_542 = tpu.vector_load %arg6[%get3A_540, %get3A_541] {strides = array<i32>} : memref<256x128xf32, #tpu.memory_space<vmem>>, vector<16xf32>,
      %mul3A_543 = arith.mulf %get3A_539, %get3A_542 : vector<16xf32>
      %add3A_544 = arith.addf %add3A_536, %mul3A_543 : vector<16xf32>
      %swap3A_545 = arith.constant 224 : index
      %swap3A_546 = tpu.vector_load %arg7[%swap3A_545] {strides = array<i32>} : memref<256xf32, #tpu.memory_space<vmem>>, vector<16xf32>,
      tpu.vector_store %arg7[%swap3A_545], %add3A_544 {strides = array<i32>} : memref<256xf32, #tpu.memory_space<vmem>>, vector<16xf32>,
      %add3A_547 = arith.constant 15 : i32
      %add3A_548 = arith.addi %mul3A_23, %add3A_547 : i32
      %get3A_549 = arith.index_cast %add3A_548 : i32 to index
      %get3A_550 = arith.constant 0 : index
      %get3A_551 = tpu.vector_load %arg5[%get3A_549, %get3A_550] {strides = array<i32>} : memref<256x128xf32, #tpu.memory_space<vmem>>, vector<16xf32>,
      %get3A_552 = arith.index_cast %add3A_548 : i32 to index
      %get3A_553 = arith.constant 0 : index
      %get3A_554 = tpu.vector_load %arg6[%get3A_552, %get3A_553] {strides = array<i32>} : memref<256x128xf32, #tpu.memory_space<vmem>>, vector<16xf32>,
      %mul3A_555 = arith.mulf %get3A_551, %get3A_554 : vector<16xf32>
      %get3A_556 = arith.index_cast %add3A_548 : i32 to index
      %get3A_557 = arith.constant 16 : index
      %get3A_558 = tpu.vector_load %arg5[%get3A_556, %get3A_557] {strides = array<i32>} : memref<256x128xf32, #tpu.memory_space<vmem>>, vector<16xf32>,
      %get3A_559 = arith.index_cast %add3A_548 : i32 to index
      %get3A_560 = arith.constant 16 : index
      %get3A_561 = tpu.vector_load %arg6[%get3A_559, %get3A_560] {strides = array<i32>} : memref<256x128xf32, #tpu.memory_space<vmem>>, vector<16xf32>,
      %mul3A_562 = arith.mulf %get3A_558, %get3A_561 : vector<16xf32>
      %add3A_563 = arith.addf %mul3A_555, %mul3A_562 : vector<16xf32>
      %get3A_564 = arith.index_cast %add3A_548 : i32 to index
      %get3A_565 = arith.constant 32 : index
      %get3A_566 = tpu.vector_load %arg5[%get3A_564, %get3A_565] {strides = array<i32>} : memref<256x128xf32, #tpu.memory_space<vmem>>, vector<16xf32>,
      %get3A_567 = arith.index_cast %add3A_548 : i32 to index
      %get3A_568 = arith.constant 32 : index
      %get3A_569 = tpu.vector_load %arg6[%get3A_567, %get3A_568] {strides = array<i32>} : memref<256x128xf32, #tpu.memory_space<vmem>>, vector<16xf32>,
      %mul3A_570 = arith.mulf %get3A_566, %get3A_569 : vector<16xf32>
      %add3A_571 = arith.addf %add3A_563, %mul3A_570 : vector<16xf32>
      %get3A_572 = arith.index_cast %add3A_548 : i32 to index
      %get3A_573 = arith.constant 48 : index
      %get3A_574 = tpu.vector_load %arg5[%get3A_572, %get3A_573] {strides = array<i32>} : memref<256x128xf32, #tpu.memory_space<vmem>>, vector<16xf32>,
      %get3A_575 = arith.index_cast %add3A_548 : i32 to index
      %get3A_576 = arith.constant 48 : index
      %get3A_577 = tpu.vector_load %arg6[%get3A_575, %get3A_576] {strides = array<i32>} : memref<256x128xf32, #tpu.memory_space<vmem>>, vector<16xf32>,
      %mul3A_578 = arith.mulf %get3A_574, %get3A_577 : vector<16xf32>
      %add3A_579 = arith.addf %add3A_571, %mul3A_578 : vector<16xf32>
      %swap3A_580 = arith.constant 240 : index
      %swap3A_581 = tpu.vector_load %arg7[%swap3A_580] {strides = array<i32>} : memref<256xf32, #tpu.memory_space<vmem>>, vector<16xf32>,
      tpu.vector_store %arg7[%swap3A_580], %add3A_579 {strides = array<i32>} : memref<256xf32, #tpu.memory_space<vmem>>, vector<16xf32>,
      %gather3A = tpu.vector_load_idx %arg7[%mul3A_5] : memref<256xf32, #tpu.memory_space<vmem>>[vector<16xi32>], vector<16xf32>,
      %add3A_582 = arith.constant 1 : i32
      %add3A_583 = vector.broadcast %add3A_582 : i32 to vector<16xi32>
      %add3A_584 = arith.addi %mul3A_5, %add3A_583 : vector<16xi32>
      %gather3A_585 = tpu.vector_load_idx %arg7[%add3A_584] : memref<256xf32, #tpu.memory_space<vmem>>[vector<16xi32>], vector<16xf32>,
      %add3A_586 = arith.addf %gather3A, %gather3A_585 : vector<16xf32>
      %add3A_587 = arith.constant 2 : i32
      %add3A_588 = vector.broadcast %add3A_587 : i32 to vector<16xi32>
      %add3A_589 = arith.addi %mul3A_5, %add3A_588 : vector<16xi32>
      %gather3A_590 = tpu.vector_load_idx %arg7[%add3A_589] : memref<256xf32, #tpu.memory_space<vmem>>[vector<16xi32>], vector<16xf32>,
      %add3A_591 = arith.addf %add3A_586, %gather3A_590 : vector<16xf32>
      %add3A_592 = arith.constant 3 : i32
      %add3A_593 = vector.broadcast %add3A_592 : i32 to vector<16xi32>
      %add3A_594 = arith.addi %mul3A_5, %add3A_593 : vector<16xi32>
      %gather3A_595 = tpu.vector_load_idx %arg7[%add3A_594] : memref<256xf32, #tpu.memory_space<vmem>>[vector<16xi32>], vector<16xf32>,
      %add3A_596 = arith.addf %add3A_591, %gather3A_595 : vector<16xf32>
      %add3A_597 = arith.constant 4 : i32
      %add3A_598 = vector.broadcast %add3A_597 : i32 to vector<16xi32>
      %add3A_599 = arith.addi %mul3A_5, %add3A_598 : vector<16xi32>
      %gather3A_600 = tpu.vector_load_idx %arg7[%add3A_599] : memref<256xf32, #tpu.memory_space<vmem>>[vector<16xi32>], vector<16xf32>,
      %add3A_601 = arith.addf %add3A_596, %gather3A_600 : vector<16xf32>
      %add3A_602 = arith.constant 5 : i32
      %add3A_603 = vector.broadcast %add3A_602 : i32 to vector<16xi32>
      %add3A_604 = arith.addi %mul3A_5, %add3A_603 : vector<16xi32>
      %gather3A_605 = tpu.vector_load_idx %arg7[%add3A_604] : memref<256xf32, #tpu.memory_space<vmem>>[vector<16xi32>], vector<16xf32>,
      %add3A_606 = arith.addf %add3A_601, %gather3A_605 : vector<16xf32>
      %add3A_607 = arith.constant 6 : i32
      %add3A_608 = vector.broadcast %add3A_607 : i32 to vector<16xi32>
      %add3A_609 = arith.addi %mul3A_5, %add3A_608 : vector<16xi32>
      %gather3A_610 = tpu.vector_load_idx %arg7[%add3A_609] : memref<256xf32, #tpu.memory_space<vmem>>[vector<16xi32>], vector<16xf32>,
      %add3A_611 = arith.addf %add3A_606, %gather3A_610 : vector<16xf32>
      %add3A_612 = arith.constant 7 : i32
      %add3A_613 = vector.broadcast %add3A_612 : i32 to vector<16xi32>
      %add3A_614 = arith.addi %mul3A_5, %add3A_613 : vector<16xi32>
      %gather3A_615 = tpu.vector_load_idx %arg7[%add3A_614] : memref<256xf32, #tpu.memory_space<vmem>>[vector<16xi32>], vector<16xf32>,
      %add3A_616 = arith.addf %add3A_611, %gather3A_615 : vector<16xf32>
      %add3A_617 = arith.constant 8 : i32
      %add3A_618 = vector.broadcast %add3A_617 : i32 to vector<16xi32>
      %add3A_619 = arith.addi %mul3A_5, %add3A_618 : vector<16xi32>
      %gather3A_620 = tpu.vector_load_idx %arg7[%add3A_619] : memref<256xf32, #tpu.memory_space<vmem>>[vector<16xi32>], vector<16xf32>,
      %add3A_621 = arith.addf %add3A_616, %gather3A_620 : vector<16xf32>
      %add3A_622 = arith.constant 9 : i32
      %add3A_623 = vector.broadcast %add3A_622 : i32 to vector<16xi32>
      %add3A_624 = arith.addi %mul3A_5, %add3A_623 : vector<16xi32>
      %gather3A_625 = tpu.vector_load_idx %arg7[%add3A_624] : memref<256xf32, #tpu.memory_space<vmem>>[vector<16xi32>], vector<16xf32>,
      %add3A_626 = arith.addf %add3A_621, %gather3A_625 : vector<16xf32>
      %add3A_627 = arith.constant 10 : i32
      %add3A_628 = vector.broadcast %add3A_627 : i32 to vector<16xi32>
      %add3A_629 = arith.addi %mul3A_5, %add3A_628 : vector<16xi32>
      %gather3A_630 = tpu.vector_load_idx %arg7[%add3A_629] : memref<256xf32, #tpu.memory_space<vmem>>[vector<16xi32>], vector<16xf32>,
      %add3A_631 = arith.addf %add3A_626, %gather3A_630 : vector<16xf32>
      %add3A_632 = arith.constant 11 : i32
      %add3A_633 = vector.broadcast %add3A_632 : i32 to vector<16xi32>
      %add3A_634 = arith.addi %mul3A_5, %add3A_633 : vector<16xi32>
      %gather3A_635 = tpu.vector_load_idx %arg7[%add3A_634] : memref<256xf32, #tpu.memory_space<vmem>>[vector<16xi32>], vector<16xf32>,
      %add3A_636 = arith.addf %add3A_631, %gather3A_635 : vector<16xf32>
      %add3A_637 = arith.constant 12 : i32
      %add3A_638 = vector.broadcast %add3A_637 : i32 to vector<16xi32>
      %add3A_639 = arith.addi %mul3A_5, %add3A_638 : vector<16xi32>
      %gather3A_640 = tpu.vector_load_idx %arg7[%add3A_639] : memref<256xf32, #tpu.memory_space<vmem>>[vector<16xi32>], vector<16xf32>,
      %add3A_641 = arith.addf %add3A_636, %gather3A_640 : vector<16xf32>
      %add3A_642 = arith.constant 13 : i32
      %add3A_643 = vector.broadcast %add3A_642 : i32 to vector<16xi32>
      %add3A_644 = arith.addi %mul3A_5, %add3A_643 : vector<16xi32>
      %gather3A_645 = tpu.vector_load_idx %arg7[%add3A_644] : memref<256xf32, #tpu.memory_space<vmem>>[vector<16xi32>], vector<16xf32>,
      %add3A_646 = arith.addf %add3A_641, %gather3A_645 : vector<16xf32>
      %add3A_647 = arith.constant 14 : i32
      %add3A_648 = vector.broadcast %add3A_647 : i32 to vector<16xi32>
      %add3A_649 = arith.addi %mul3A_5, %add3A_648 : vector<16xi32>
      %gather3A_650 = tpu.vector_load_idx %arg7[%add3A_649] : memref<256xf32, #tpu.memory_space<vmem>>[vector<16xi32>], vector<16xf32>,
      %add3A_651 = arith.addf %add3A_646, %gather3A_650 : vector<16xf32>
      %add3A_652 = arith.constant 15 : i32
      %add3A_653 = vector.broadcast %add3A_652 : i32 to vector<16xi32>
      %add3A_654 = arith.addi %mul3A_5, %add3A_653 : vector<16xi32>
      %gather3A_655 = tpu.vector_load_idx %arg7[%add3A_654] : memref<256xf32, #tpu.memory_space<vmem>>[vector<16xi32>], vector<16xf32>,
      %add3A_656 = arith.addf %add3A_651, %gather3A_655 : vector<16xf32>
      %neg3A = arith.constant 0.000000e+00 : f32
      %neg3A_657 = vector.broadcast %neg3A : f32 to vector<16xf32>
      %neg3A_658 = arith.subf %neg3A_657, %add3A_656 : vector<16xf32>
      %exp3A = math.exp %neg3A_658 : vector<16xf32>
      %add3A_659 = arith.constant 1.000000e+00 : f32
      %add3A_660 = vector.broadcast %add3A_659 : f32 to vector<16xf32>
      %add3A_661 = arith.addf %add3A_660, %exp3A : vector<16xf32>
      %div3A = arith.constant 1.000000e+00 : f32
      %div3A_662 = vector.broadcast %div3A : f32 to vector<16xf32>
      %div3A_663 = arith.divf %div3A_662, %add3A_661 : vector<16xf32>
      %add3A_664 = arith.constant 0 : i32
      %add3A_665 = arith.addi %add3A_664, %mul3A_23 : i32
      %swap3A_666 = arith.index_cast %add3A_665 : i32 to index
      %swap3A_667 = tpu.vector_load %arg8[%swap3A_666] {strides = array<i32>} : memref<512xf32, #tpu.memory_space<vmem>>, vector<16xf32>,
      tpu.vector_store %arg8[%swap3A_666], %div3A_663 {strides = array<i32>} : memref<512xf32, #tpu.memory_space<vmem>>, vector<16xf32>,
    }
    %scan3A_12 = arith.constant 16 : i32
    %add3A_13 = arith.constant 256 : i32
    %add3A_14 = arith.addi %mul3A_2, %add3A_13 : i32
    "tpu.region"() ({
      %run_scoped3A = tpu.sem_alloc : memref<!tpu.dma_semaphore, #tpu.memory_space<semaphore_mem>>
      %dma_start3A = arith.constant 0 : i32
      %dma_start3A_21 = tpu.memref_slice %arg2[%add3A_14, %dma_start3A] : memref<16400x128xf32, #tpu.memory_space<hbm>> -> memref<256x128xf32, #tpu.memory_space<hbm>>
      %dma_start3A_22 = arith.constant 0 : i32
      %dma_start3A_23 = tpu.memref_slice %arg2[%add3A_14, %dma_start3A_22] : memref<16400x128xf32, #tpu.memory_space<hbm>> -> memref<256x128xf32, #tpu.memory_space<hbm>>
      tpu.enqueue_dma source(%dma_start3A_23 : memref<256x128xf32, #tpu.memory_space<hbm>>) target(%arg5 : memref<256x128xf32, #tpu.memory_space<vmem>>) target_semaphore(%run_scoped3A : memref<!tpu.dma_semaphore, #tpu.memory_space<semaphore_mem>>)
      %dma_wait3A = arith.constant 0 : i32
      %dma_wait3A_24 = tpu.memref_slice %arg2[%add3A_14, %dma_wait3A] : memref<16400x128xf32, #tpu.memory_space<hbm>> -> memref<256x128xf32, #tpu.memory_space<hbm>>
      %dma_wait3A_25 = arith.constant 0 : i32
      %dma_wait3A_26 = tpu.memref_slice %arg2[%add3A_14, %dma_wait3A_25] : memref<16400x128xf32, #tpu.memory_space<hbm>> -> memref<256x128xf32, #tpu.memory_space<hbm>>
      tpu.wait_dma2 semaphore(%run_scoped3A : memref<!tpu.dma_semaphore, #tpu.memory_space<semaphore_mem>>) src(%dma_wait3A_26 : memref<256x128xf32, #tpu.memory_space<hbm>>) dst(%arg5 : memref<256x128xf32, #tpu.memory_space<vmem>>)
      tpu.yield
    }) : () -> ()
    "tpu.region"() ({
      %run_scoped3A = tpu.sem_alloc : memref<!tpu.dma_semaphore, #tpu.memory_space<semaphore_mem>>
      %dma_start3A = arith.constant 0 : i32
      %dma_start3A_21 = tpu.memref_slice %arg3[%add3A_14, %dma_start3A] : memref<16400x128xf32, #tpu.memory_space<hbm>> -> memref<256x128xf32, #tpu.memory_space<hbm>>
      %dma_start3A_22 = arith.constant 0 : i32
      %dma_start3A_23 = tpu.memref_slice %arg3[%add3A_14, %dma_start3A_22] : memref<16400x128xf32, #tpu.memory_space<hbm>> -> memref<256x128xf32, #tpu.memory_space<hbm>>
      tpu.enqueue_dma source(%dma_start3A_23 : memref<256x128xf32, #tpu.memory_space<hbm>>) target(%arg6 : memref<256x128xf32, #tpu.memory_space<vmem>>) target_semaphore(%run_scoped3A : memref<!tpu.dma_semaphore, #tpu.memory_space<semaphore_mem>>)
      %dma_wait3A = arith.constant 0 : i32
      %dma_wait3A_24 = tpu.memref_slice %arg3[%add3A_14, %dma_wait3A] : memref<16400x128xf32, #tpu.memory_space<hbm>> -> memref<256x128xf32, #tpu.memory_space<hbm>>
      %dma_wait3A_25 = arith.constant 0 : i32
      %dma_wait3A_26 = tpu.memref_slice %arg3[%add3A_14, %dma_wait3A_25] : memref<16400x128xf32, #tpu.memory_space<hbm>> -> memref<256x128xf32, #tpu.memory_space<hbm>>
      tpu.wait_dma2 semaphore(%run_scoped3A : memref<!tpu.dma_semaphore, #tpu.memory_space<semaphore_mem>>) src(%dma_wait3A_26 : memref<256x128xf32, #tpu.memory_space<hbm>>) dst(%arg6 : memref<256x128xf32, #tpu.memory_space<vmem>>)
      tpu.yield
    }) : () -> ()
    %scan3A_15 = arith.constant 0 : i32
    %scan3A_16 = arith.constant 0 : i32
    %scan3A_17 = arith.constant 16 : i32
    %scan3A_18 = arith.addi %scan3A_16, %scan3A_17 : i32
    %scan3A_19 = arith.constant 1 : i32
    scf.for %scan3A_21 = %scan3A_16 to %scan3A_18 step %scan3A_19  : i32 {
      %mul3A_22 = arith.constant 16 : i32
      %mul3A_23 = arith.muli %scan3A_21, %mul3A_22 : i32
      %add3A_24 = arith.constant 0 : i32
      %add3A_25 = arith.addi %mul3A_23, %add3A_24 : i32
      %get3A = arith.index_cast %add3A_25 : i32 to index
      %get3A_26 = arith.constant 0 : index
      %get3A_27 = tpu.vector_load %arg5[%get3A, %get3A_26] {strides = array<i32>} : memref<256x128xf32, #tpu.memory_space<vmem>>, vector<16xf32>,
      %get3A_28 = arith.index_cast %add3A_25 : i32 to index
      %get3A_29 = arith.constant 0 : index
      %get3A_30 = tpu.vector_load %arg6[%get3A_28, %get3A_29] {strides = array<i32>} : memref<256x128xf32, #tpu.memory_space<vmem>>, vector<16xf32>,
      %mul3A_31 = arith.mulf %get3A_27, %get3A_30 : vector<16xf32>
      %get3A_32 = arith.index_cast %add3A_25 : i32 to index
      %get3A_33 = arith.constant 16 : index
      %get3A_34 = tpu.vector_load %arg5[%get3A_32, %get3A_33] {strides = array<i32>} : memref<256x128xf32, #tpu.memory_space<vmem>>, vector<16xf32>,
      %get3A_35 = arith.index_cast %add3A_25 : i32 to index
      %get3A_36 = arith.constant 16 : index
      %get3A_37 = tpu.vector_load %arg6[%get3A_35, %get3A_36] {strides = array<i32>} : memref<256x128xf32, #tpu.memory_space<vmem>>, vector<16xf32>,
      %mul3A_38 = arith.mulf %get3A_34, %get3A_37 : vector<16xf32>
      %add3A_39 = arith.addf %mul3A_31, %mul3A_38 : vector<16xf32>
      %get3A_40 = arith.index_cast %add3A_25 : i32 to index
      %get3A_41 = arith.constant 32 : index
      %get3A_42 = tpu.vector_load %arg5[%get3A_40, %get3A_41] {strides = array<i32>} : memref<256x128xf32, #tpu.memory_space<vmem>>, vector<16xf32>,
      %get3A_43 = arith.index_cast %add3A_25 : i32 to index
      %get3A_44 = arith.constant 32 : index
      %get3A_45 = tpu.vector_load %arg6[%get3A_43, %get3A_44] {strides = array<i32>} : memref<256x128xf32, #tpu.memory_space<vmem>>, vector<16xf32>,
      %mul3A_46 = arith.mulf %get3A_42, %get3A_45 : vector<16xf32>
      %add3A_47 = arith.addf %add3A_39, %mul3A_46 : vector<16xf32>
      %get3A_48 = arith.index_cast %add3A_25 : i32 to index
      %get3A_49 = arith.constant 48 : index
      %get3A_50 = tpu.vector_load %arg5[%get3A_48, %get3A_49] {strides = array<i32>} : memref<256x128xf32, #tpu.memory_space<vmem>>, vector<16xf32>,
      %get3A_51 = arith.index_cast %add3A_25 : i32 to index
      %get3A_52 = arith.constant 48 : index
      %get3A_53 = tpu.vector_load %arg6[%get3A_51, %get3A_52] {strides = array<i32>} : memref<256x128xf32, #tpu.memory_space<vmem>>, vector<16xf32>,
      %mul3A_54 = arith.mulf %get3A_50, %get3A_53 : vector<16xf32>
      %add3A_55 = arith.addf %add3A_47, %mul3A_54 : vector<16xf32>
      %swap3A = arith.constant 0 : index
      %swap3A_56 = tpu.vector_load %arg7[%swap3A] {strides = array<i32>} : memref<256xf32, #tpu.memory_space<vmem>>, vector<16xf32>,
      tpu.vector_store %arg7[%swap3A], %add3A_55 {strides = array<i32>} : memref<256xf32, #tpu.memory_space<vmem>>, vector<16xf32>,
      %add3A_57 = arith.constant 1 : i32
      %add3A_58 = arith.addi %mul3A_23, %add3A_57 : i32
      %get3A_59 = arith.index_cast %add3A_58 : i32 to index
      %get3A_60 = arith.constant 0 : index
      %get3A_61 = tpu.vector_load %arg5[%get3A_59, %get3A_60] {strides = array<i32>} : memref<256x128xf32, #tpu.memory_space<vmem>>, vector<16xf32>,
      %get3A_62 = arith.index_cast %add3A_58 : i32 to index
      %get3A_63 = arith.constant 0 : index
      %get3A_64 = tpu.vector_load %arg6[%get3A_62, %get3A_63] {strides = array<i32>} : memref<256x128xf32, #tpu.memory_space<vmem>>, vector<16xf32>,
      %mul3A_65 = arith.mulf %get3A_61, %get3A_64 : vector<16xf32>
      %get3A_66 = arith.index_cast %add3A_58 : i32 to index
      %get3A_67 = arith.constant 16 : index
      %get3A_68 = tpu.vector_load %arg5[%get3A_66, %get3A_67] {strides = array<i32>} : memref<256x128xf32, #tpu.memory_space<vmem>>, vector<16xf32>,
      %get3A_69 = arith.index_cast %add3A_58 : i32 to index
      %get3A_70 = arith.constant 16 : index
      %get3A_71 = tpu.vector_load %arg6[%get3A_69, %get3A_70] {strides = array<i32>} : memref<256x128xf32, #tpu.memory_space<vmem>>, vector<16xf32>,
      %mul3A_72 = arith.mulf %get3A_68, %get3A_71 : vector<16xf32>
      %add3A_73 = arith.addf %mul3A_65, %mul3A_72 : vector<16xf32>
      %get3A_74 = arith.index_cast %add3A_58 : i32 to index
      %get3A_75 = arith.constant 32 : index
      %get3A_76 = tpu.vector_load %arg5[%get3A_74, %get3A_75] {strides = array<i32>} : memref<256x128xf32, #tpu.memory_space<vmem>>, vector<16xf32>,
      %get3A_77 = arith.index_cast %add3A_58 : i32 to index
      %get3A_78 = arith.constant 32 : index
      %get3A_79 = tpu.vector_load %arg6[%get3A_77, %get3A_78] {strides = array<i32>} : memref<256x128xf32, #tpu.memory_space<vmem>>, vector<16xf32>,
      %mul3A_80 = arith.mulf %get3A_76, %get3A_79 : vector<16xf32>
      %add3A_81 = arith.addf %add3A_73, %mul3A_80 : vector<16xf32>
      %get3A_82 = arith.index_cast %add3A_58 : i32 to index
      %get3A_83 = arith.constant 48 : index
      %get3A_84 = tpu.vector_load %arg5[%get3A_82, %get3A_83] {strides = array<i32>} : memref<256x128xf32, #tpu.memory_space<vmem>>, vector<16xf32>,
      %get3A_85 = arith.index_cast %add3A_58 : i32 to index
      %get3A_86 = arith.constant 48 : index
      %get3A_87 = tpu.vector_load %arg6[%get3A_85, %get3A_86] {strides = array<i32>} : memref<256x128xf32, #tpu.memory_space<vmem>>, vector<16xf32>,
      %mul3A_88 = arith.mulf %get3A_84, %get3A_87 : vector<16xf32>
      %add3A_89 = arith.addf %add3A_81, %mul3A_88 : vector<16xf32>
      %swap3A_90 = arith.constant 16 : index
      %swap3A_91 = tpu.vector_load %arg7[%swap3A_90] {strides = array<i32>} : memref<256xf32, #tpu.memory_space<vmem>>, vector<16xf32>,
      tpu.vector_store %arg7[%swap3A_90], %add3A_89 {strides = array<i32>} : memref<256xf32, #tpu.memory_space<vmem>>, vector<16xf32>,
      %add3A_92 = arith.constant 2 : i32
      %add3A_93 = arith.addi %mul3A_23, %add3A_92 : i32
      %get3A_94 = arith.index_cast %add3A_93 : i32 to index
      %get3A_95 = arith.constant 0 : index
      %get3A_96 = tpu.vector_load %arg5[%get3A_94, %get3A_95] {strides = array<i32>} : memref<256x128xf32, #tpu.memory_space<vmem>>, vector<16xf32>,
      %get3A_97 = arith.index_cast %add3A_93 : i32 to index
      %get3A_98 = arith.constant 0 : index
      %get3A_99 = tpu.vector_load %arg6[%get3A_97, %get3A_98] {strides = array<i32>} : memref<256x128xf32, #tpu.memory_space<vmem>>, vector<16xf32>,
      %mul3A_100 = arith.mulf %get3A_96, %get3A_99 : vector<16xf32>
      %get3A_101 = arith.index_cast %add3A_93 : i32 to index
      %get3A_102 = arith.constant 16 : index
      %get3A_103 = tpu.vector_load %arg5[%get3A_101, %get3A_102] {strides = array<i32>} : memref<256x128xf32, #tpu.memory_space<vmem>>, vector<16xf32>,
      %get3A_104 = arith.index_cast %add3A_93 : i32 to index
      %get3A_105 = arith.constant 16 : index
      %get3A_106 = tpu.vector_load %arg6[%get3A_104, %get3A_105] {strides = array<i32>} : memref<256x128xf32, #tpu.memory_space<vmem>>, vector<16xf32>,
      %mul3A_107 = arith.mulf %get3A_103, %get3A_106 : vector<16xf32>
      %add3A_108 = arith.addf %mul3A_100, %mul3A_107 : vector<16xf32>
      %get3A_109 = arith.index_cast %add3A_93 : i32 to index
      %get3A_110 = arith.constant 32 : index
      %get3A_111 = tpu.vector_load %arg5[%get3A_109, %get3A_110] {strides = array<i32>} : memref<256x128xf32, #tpu.memory_space<vmem>>, vector<16xf32>,
      %get3A_112 = arith.index_cast %add3A_93 : i32 to index
      %get3A_113 = arith.constant 32 : index
      %get3A_114 = tpu.vector_load %arg6[%get3A_112, %get3A_113] {strides = array<i32>} : memref<256x128xf32, #tpu.memory_space<vmem>>, vector<16xf32>,
      %mul3A_115 = arith.mulf %get3A_111, %get3A_114 : vector<16xf32>
      %add3A_116 = arith.addf %add3A_108, %mul3A_115 : vector<16xf32>
      %get3A_117 = arith.index_cast %add3A_93 : i32 to index
      %get3A_118 = arith.constant 48 : index
      %get3A_119 = tpu.vector_load %arg5[%get3A_117, %get3A_118] {strides = array<i32>} : memref<256x128xf32, #tpu.memory_space<vmem>>, vector<16xf32>,
      %get3A_120 = arith.index_cast %add3A_93 : i32 to index
      %get3A_121 = arith.constant 48 : index
      %get3A_122 = tpu.vector_load %arg6[%get3A_120, %get3A_121] {strides = array<i32>} : memref<256x128xf32, #tpu.memory_space<vmem>>, vector<16xf32>,
      %mul3A_123 = arith.mulf %get3A_119, %get3A_122 : vector<16xf32>
      %add3A_124 = arith.addf %add3A_116, %mul3A_123 : vector<16xf32>
      %swap3A_125 = arith.constant 32 : index
      %swap3A_126 = tpu.vector_load %arg7[%swap3A_125] {strides = array<i32>} : memref<256xf32, #tpu.memory_space<vmem>>, vector<16xf32>,
      tpu.vector_store %arg7[%swap3A_125], %add3A_124 {strides = array<i32>} : memref<256xf32, #tpu.memory_space<vmem>>, vector<16xf32>,
      %add3A_127 = arith.constant 3 : i32
      %add3A_128 = arith.addi %mul3A_23, %add3A_127 : i32
      %get3A_129 = arith.index_cast %add3A_128 : i32 to index
      %get3A_130 = arith.constant 0 : index
      %get3A_131 = tpu.vector_load %arg5[%get3A_129, %get3A_130] {strides = array<i32>} : memref<256x128xf32, #tpu.memory_space<vmem>>, vector<16xf32>,
      %get3A_132 = arith.index_cast %add3A_128 : i32 to index
      %get3A_133 = arith.constant 0 : index
      %get3A_134 = tpu.vector_load %arg6[%get3A_132, %get3A_133] {strides = array<i32>} : memref<256x128xf32, #tpu.memory_space<vmem>>, vector<16xf32>,
      %mul3A_135 = arith.mulf %get3A_131, %get3A_134 : vector<16xf32>
      %get3A_136 = arith.index_cast %add3A_128 : i32 to index
      %get3A_137 = arith.constant 16 : index
      %get3A_138 = tpu.vector_load %arg5[%get3A_136, %get3A_137] {strides = array<i32>} : memref<256x128xf32, #tpu.memory_space<vmem>>, vector<16xf32>,
      %get3A_139 = arith.index_cast %add3A_128 : i32 to index
      %get3A_140 = arith.constant 16 : index
      %get3A_141 = tpu.vector_load %arg6[%get3A_139, %get3A_140] {strides = array<i32>} : memref<256x128xf32, #tpu.memory_space<vmem>>, vector<16xf32>,
      %mul3A_142 = arith.mulf %get3A_138, %get3A_141 : vector<16xf32>
      %add3A_143 = arith.addf %mul3A_135, %mul3A_142 : vector<16xf32>
      %get3A_144 = arith.index_cast %add3A_128 : i32 to index
      %get3A_145 = arith.constant 32 : index
      %get3A_146 = tpu.vector_load %arg5[%get3A_144, %get3A_145] {strides = array<i32>} : memref<256x128xf32, #tpu.memory_space<vmem>>, vector<16xf32>,
      %get3A_147 = arith.index_cast %add3A_128 : i32 to index
      %get3A_148 = arith.constant 32 : index
      %get3A_149 = tpu.vector_load %arg6[%get3A_147, %get3A_148] {strides = array<i32>} : memref<256x128xf32, #tpu.memory_space<vmem>>, vector<16xf32>,
      %mul3A_150 = arith.mulf %get3A_146, %get3A_149 : vector<16xf32>
      %add3A_151 = arith.addf %add3A_143, %mul3A_150 : vector<16xf32>
      %get3A_152 = arith.index_cast %add3A_128 : i32 to index
      %get3A_153 = arith.constant 48 : index
      %get3A_154 = tpu.vector_load %arg5[%get3A_152, %get3A_153] {strides = array<i32>} : memref<256x128xf32, #tpu.memory_space<vmem>>, vector<16xf32>,
      %get3A_155 = arith.index_cast %add3A_128 : i32 to index
      %get3A_156 = arith.constant 48 : index
      %get3A_157 = tpu.vector_load %arg6[%get3A_155, %get3A_156] {strides = array<i32>} : memref<256x128xf32, #tpu.memory_space<vmem>>, vector<16xf32>,
      %mul3A_158 = arith.mulf %get3A_154, %get3A_157 : vector<16xf32>
      %add3A_159 = arith.addf %add3A_151, %mul3A_158 : vector<16xf32>
      %swap3A_160 = arith.constant 48 : index
      %swap3A_161 = tpu.vector_load %arg7[%swap3A_160] {strides = array<i32>} : memref<256xf32, #tpu.memory_space<vmem>>, vector<16xf32>,
      tpu.vector_store %arg7[%swap3A_160], %add3A_159 {strides = array<i32>} : memref<256xf32, #tpu.memory_space<vmem>>, vector<16xf32>,
      %add3A_162 = arith.constant 4 : i32
      %add3A_163 = arith.addi %mul3A_23, %add3A_162 : i32
      %get3A_164 = arith.index_cast %add3A_163 : i32 to index
      %get3A_165 = arith.constant 0 : index
      %get3A_166 = tpu.vector_load %arg5[%get3A_164, %get3A_165] {strides = array<i32>} : memref<256x128xf32, #tpu.memory_space<vmem>>, vector<16xf32>,
      %get3A_167 = arith.index_cast %add3A_163 : i32 to index
      %get3A_168 = arith.constant 0 : index
      %get3A_169 = tpu.vector_load %arg6[%get3A_167, %get3A_168] {strides = array<i32>} : memref<256x128xf32, #tpu.memory_space<vmem>>, vector<16xf32>,
      %mul3A_170 = arith.mulf %get3A_166, %get3A_169 : vector<16xf32>
      %get3A_171 = arith.index_cast %add3A_163 : i32 to index
      %get3A_172 = arith.constant 16 : index
      %get3A_173 = tpu.vector_load %arg5[%get3A_171, %get3A_172] {strides = array<i32>} : memref<256x128xf32, #tpu.memory_space<vmem>>, vector<16xf32>,
      %get3A_174 = arith.index_cast %add3A_163 : i32 to index
      %get3A_175 = arith.constant 16 : index
      %get3A_176 = tpu.vector_load %arg6[%get3A_174, %get3A_175] {strides = array<i32>} : memref<256x128xf32, #tpu.memory_space<vmem>>, vector<16xf32>,
      %mul3A_177 = arith.mulf %get3A_173, %get3A_176 : vector<16xf32>
      %add3A_178 = arith.addf %mul3A_170, %mul3A_177 : vector<16xf32>
      %get3A_179 = arith.index_cast %add3A_163 : i32 to index
      %get3A_180 = arith.constant 32 : index
      %get3A_181 = tpu.vector_load %arg5[%get3A_179, %get3A_180] {strides = array<i32>} : memref<256x128xf32, #tpu.memory_space<vmem>>, vector<16xf32>,
      %get3A_182 = arith.index_cast %add3A_163 : i32 to index
      %get3A_183 = arith.constant 32 : index
      %get3A_184 = tpu.vector_load %arg6[%get3A_182, %get3A_183] {strides = array<i32>} : memref<256x128xf32, #tpu.memory_space<vmem>>, vector<16xf32>,
      %mul3A_185 = arith.mulf %get3A_181, %get3A_184 : vector<16xf32>
      %add3A_186 = arith.addf %add3A_178, %mul3A_185 : vector<16xf32>
      %get3A_187 = arith.index_cast %add3A_163 : i32 to index
      %get3A_188 = arith.constant 48 : index
      %get3A_189 = tpu.vector_load %arg5[%get3A_187, %get3A_188] {strides = array<i32>} : memref<256x128xf32, #tpu.memory_space<vmem>>, vector<16xf32>,
      %get3A_190 = arith.index_cast %add3A_163 : i32 to index
      %get3A_191 = arith.constant 48 : index
      %get3A_192 = tpu.vector_load %arg6[%get3A_190, %get3A_191] {strides = array<i32>} : memref<256x128xf32, #tpu.memory_space<vmem>>, vector<16xf32>,
      %mul3A_193 = arith.mulf %get3A_189, %get3A_192 : vector<16xf32>
      %add3A_194 = arith.addf %add3A_186, %mul3A_193 : vector<16xf32>
      %swap3A_195 = arith.constant 64 : index
      %swap3A_196 = tpu.vector_load %arg7[%swap3A_195] {strides = array<i32>} : memref<256xf32, #tpu.memory_space<vmem>>, vector<16xf32>,
      tpu.vector_store %arg7[%swap3A_195], %add3A_194 {strides = array<i32>} : memref<256xf32, #tpu.memory_space<vmem>>, vector<16xf32>,
      %add3A_197 = arith.constant 5 : i32
      %add3A_198 = arith.addi %mul3A_23, %add3A_197 : i32
      %get3A_199 = arith.index_cast %add3A_198 : i32 to index
      %get3A_200 = arith.constant 0 : index
      %get3A_201 = tpu.vector_load %arg5[%get3A_199, %get3A_200] {strides = array<i32>} : memref<256x128xf32, #tpu.memory_space<vmem>>, vector<16xf32>,
      %get3A_202 = arith.index_cast %add3A_198 : i32 to index
      %get3A_203 = arith.constant 0 : index
      %get3A_204 = tpu.vector_load %arg6[%get3A_202, %get3A_203] {strides = array<i32>} : memref<256x128xf32, #tpu.memory_space<vmem>>, vector<16xf32>,
      %mul3A_205 = arith.mulf %get3A_201, %get3A_204 : vector<16xf32>
      %get3A_206 = arith.index_cast %add3A_198 : i32 to index
      %get3A_207 = arith.constant 16 : index
      %get3A_208 = tpu.vector_load %arg5[%get3A_206, %get3A_207] {strides = array<i32>} : memref<256x128xf32, #tpu.memory_space<vmem>>, vector<16xf32>,
      %get3A_209 = arith.index_cast %add3A_198 : i32 to index
      %get3A_210 = arith.constant 16 : index
      %get3A_211 = tpu.vector_load %arg6[%get3A_209, %get3A_210] {strides = array<i32>} : memref<256x128xf32, #tpu.memory_space<vmem>>, vector<16xf32>,
      %mul3A_212 = arith.mulf %get3A_208, %get3A_211 : vector<16xf32>
      %add3A_213 = arith.addf %mul3A_205, %mul3A_212 : vector<16xf32>
      %get3A_214 = arith.index_cast %add3A_198 : i32 to index
      %get3A_215 = arith.constant 32 : index
      %get3A_216 = tpu.vector_load %arg5[%get3A_214, %get3A_215] {strides = array<i32>} : memref<256x128xf32, #tpu.memory_space<vmem>>, vector<16xf32>,
      %get3A_217 = arith.index_cast %add3A_198 : i32 to index
      %get3A_218 = arith.constant 32 : index
      %get3A_219 = tpu.vector_load %arg6[%get3A_217, %get3A_218] {strides = array<i32>} : memref<256x128xf32, #tpu.memory_space<vmem>>, vector<16xf32>,
      %mul3A_220 = arith.mulf %get3A_216, %get3A_219 : vector<16xf32>
      %add3A_221 = arith.addf %add3A_213, %mul3A_220 : vector<16xf32>
      %get3A_222 = arith.index_cast %add3A_198 : i32 to index
      %get3A_223 = arith.constant 48 : index
      %get3A_224 = tpu.vector_load %arg5[%get3A_222, %get3A_223] {strides = array<i32>} : memref<256x128xf32, #tpu.memory_space<vmem>>, vector<16xf32>,
      %get3A_225 = arith.index_cast %add3A_198 : i32 to index
      %get3A_226 = arith.constant 48 : index
      %get3A_227 = tpu.vector_load %arg6[%get3A_225, %get3A_226] {strides = array<i32>} : memref<256x128xf32, #tpu.memory_space<vmem>>, vector<16xf32>,
      %mul3A_228 = arith.mulf %get3A_224, %get3A_227 : vector<16xf32>
      %add3A_229 = arith.addf %add3A_221, %mul3A_228 : vector<16xf32>
      %swap3A_230 = arith.constant 80 : index
      %swap3A_231 = tpu.vector_load %arg7[%swap3A_230] {strides = array<i32>} : memref<256xf32, #tpu.memory_space<vmem>>, vector<16xf32>,
      tpu.vector_store %arg7[%swap3A_230], %add3A_229 {strides = array<i32>} : memref<256xf32, #tpu.memory_space<vmem>>, vector<16xf32>,
      %add3A_232 = arith.constant 6 : i32
      %add3A_233 = arith.addi %mul3A_23, %add3A_232 : i32
      %get3A_234 = arith.index_cast %add3A_233 : i32 to index
      %get3A_235 = arith.constant 0 : index
      %get3A_236 = tpu.vector_load %arg5[%get3A_234, %get3A_235] {strides = array<i32>} : memref<256x128xf32, #tpu.memory_space<vmem>>, vector<16xf32>,
      %get3A_237 = arith.index_cast %add3A_233 : i32 to index
      %get3A_238 = arith.constant 0 : index
      %get3A_239 = tpu.vector_load %arg6[%get3A_237, %get3A_238] {strides = array<i32>} : memref<256x128xf32, #tpu.memory_space<vmem>>, vector<16xf32>,
      %mul3A_240 = arith.mulf %get3A_236, %get3A_239 : vector<16xf32>
      %get3A_241 = arith.index_cast %add3A_233 : i32 to index
      %get3A_242 = arith.constant 16 : index
      %get3A_243 = tpu.vector_load %arg5[%get3A_241, %get3A_242] {strides = array<i32>} : memref<256x128xf32, #tpu.memory_space<vmem>>, vector<16xf32>,
      %get3A_244 = arith.index_cast %add3A_233 : i32 to index
      %get3A_245 = arith.constant 16 : index
      %get3A_246 = tpu.vector_load %arg6[%get3A_244, %get3A_245] {strides = array<i32>} : memref<256x128xf32, #tpu.memory_space<vmem>>, vector<16xf32>,
      %mul3A_247 = arith.mulf %get3A_243, %get3A_246 : vector<16xf32>
      %add3A_248 = arith.addf %mul3A_240, %mul3A_247 : vector<16xf32>
      %get3A_249 = arith.index_cast %add3A_233 : i32 to index
      %get3A_250 = arith.constant 32 : index
      %get3A_251 = tpu.vector_load %arg5[%get3A_249, %get3A_250] {strides = array<i32>} : memref<256x128xf32, #tpu.memory_space<vmem>>, vector<16xf32>,
      %get3A_252 = arith.index_cast %add3A_233 : i32 to index
      %get3A_253 = arith.constant 32 : index
      %get3A_254 = tpu.vector_load %arg6[%get3A_252, %get3A_253] {strides = array<i32>} : memref<256x128xf32, #tpu.memory_space<vmem>>, vector<16xf32>,
      %mul3A_255 = arith.mulf %get3A_251, %get3A_254 : vector<16xf32>
      %add3A_256 = arith.addf %add3A_248, %mul3A_255 : vector<16xf32>
      %get3A_257 = arith.index_cast %add3A_233 : i32 to index
      %get3A_258 = arith.constant 48 : index
      %get3A_259 = tpu.vector_load %arg5[%get3A_257, %get3A_258] {strides = array<i32>} : memref<256x128xf32, #tpu.memory_space<vmem>>, vector<16xf32>,
      %get3A_260 = arith.index_cast %add3A_233 : i32 to index
      %get3A_261 = arith.constant 48 : index
      %get3A_262 = tpu.vector_load %arg6[%get3A_260, %get3A_261] {strides = array<i32>} : memref<256x128xf32, #tpu.memory_space<vmem>>, vector<16xf32>,
      %mul3A_263 = arith.mulf %get3A_259, %get3A_262 : vector<16xf32>
      %add3A_264 = arith.addf %add3A_256, %mul3A_263 : vector<16xf32>
      %swap3A_265 = arith.constant 96 : index
      %swap3A_266 = tpu.vector_load %arg7[%swap3A_265] {strides = array<i32>} : memref<256xf32, #tpu.memory_space<vmem>>, vector<16xf32>,
      tpu.vector_store %arg7[%swap3A_265], %add3A_264 {strides = array<i32>} : memref<256xf32, #tpu.memory_space<vmem>>, vector<16xf32>,
      %add3A_267 = arith.constant 7 : i32
      %add3A_268 = arith.addi %mul3A_23, %add3A_267 : i32
      %get3A_269 = arith.index_cast %add3A_268 : i32 to index
      %get3A_270 = arith.constant 0 : index
      %get3A_271 = tpu.vector_load %arg5[%get3A_269, %get3A_270] {strides = array<i32>} : memref<256x128xf32, #tpu.memory_space<vmem>>, vector<16xf32>,
      %get3A_272 = arith.index_cast %add3A_268 : i32 to index
      %get3A_273 = arith.constant 0 : index
      %get3A_274 = tpu.vector_load %arg6[%get3A_272, %get3A_273] {strides = array<i32>} : memref<256x128xf32, #tpu.memory_space<vmem>>, vector<16xf32>,
      %mul3A_275 = arith.mulf %get3A_271, %get3A_274 : vector<16xf32>
      %get3A_276 = arith.index_cast %add3A_268 : i32 to index
      %get3A_277 = arith.constant 16 : index
      %get3A_278 = tpu.vector_load %arg5[%get3A_276, %get3A_277] {strides = array<i32>} : memref<256x128xf32, #tpu.memory_space<vmem>>, vector<16xf32>,
      %get3A_279 = arith.index_cast %add3A_268 : i32 to index
      %get3A_280 = arith.constant 16 : index
      %get3A_281 = tpu.vector_load %arg6[%get3A_279, %get3A_280] {strides = array<i32>} : memref<256x128xf32, #tpu.memory_space<vmem>>, vector<16xf32>,
      %mul3A_282 = arith.mulf %get3A_278, %get3A_281 : vector<16xf32>
      %add3A_283 = arith.addf %mul3A_275, %mul3A_282 : vector<16xf32>
      %get3A_284 = arith.index_cast %add3A_268 : i32 to index
      %get3A_285 = arith.constant 32 : index
      %get3A_286 = tpu.vector_load %arg5[%get3A_284, %get3A_285] {strides = array<i32>} : memref<256x128xf32, #tpu.memory_space<vmem>>, vector<16xf32>,
      %get3A_287 = arith.index_cast %add3A_268 : i32 to index
      %get3A_288 = arith.constant 32 : index
      %get3A_289 = tpu.vector_load %arg6[%get3A_287, %get3A_288] {strides = array<i32>} : memref<256x128xf32, #tpu.memory_space<vmem>>, vector<16xf32>,
      %mul3A_290 = arith.mulf %get3A_286, %get3A_289 : vector<16xf32>
      %add3A_291 = arith.addf %add3A_283, %mul3A_290 : vector<16xf32>
      %get3A_292 = arith.index_cast %add3A_268 : i32 to index
      %get3A_293 = arith.constant 48 : index
      %get3A_294 = tpu.vector_load %arg5[%get3A_292, %get3A_293] {strides = array<i32>} : memref<256x128xf32, #tpu.memory_space<vmem>>, vector<16xf32>,
      %get3A_295 = arith.index_cast %add3A_268 : i32 to index
      %get3A_296 = arith.constant 48 : index
      %get3A_297 = tpu.vector_load %arg6[%get3A_295, %get3A_296] {strides = array<i32>} : memref<256x128xf32, #tpu.memory_space<vmem>>, vector<16xf32>,
      %mul3A_298 = arith.mulf %get3A_294, %get3A_297 : vector<16xf32>
      %add3A_299 = arith.addf %add3A_291, %mul3A_298 : vector<16xf32>
      %swap3A_300 = arith.constant 112 : index
      %swap3A_301 = tpu.vector_load %arg7[%swap3A_300] {strides = array<i32>} : memref<256xf32, #tpu.memory_space<vmem>>, vector<16xf32>,
      tpu.vector_store %arg7[%swap3A_300], %add3A_299 {strides = array<i32>} : memref<256xf32, #tpu.memory_space<vmem>>, vector<16xf32>,
      %add3A_302 = arith.constant 8 : i32
      %add3A_303 = arith.addi %mul3A_23, %add3A_302 : i32
      %get3A_304 = arith.index_cast %add3A_303 : i32 to index
      %get3A_305 = arith.constant 0 : index
      %get3A_306 = tpu.vector_load %arg5[%get3A_304, %get3A_305] {strides = array<i32>} : memref<256x128xf32, #tpu.memory_space<vmem>>, vector<16xf32>,
      %get3A_307 = arith.index_cast %add3A_303 : i32 to index
      %get3A_308 = arith.constant 0 : index
      %get3A_309 = tpu.vector_load %arg6[%get3A_307, %get3A_308] {strides = array<i32>} : memref<256x128xf32, #tpu.memory_space<vmem>>, vector<16xf32>,
      %mul3A_310 = arith.mulf %get3A_306, %get3A_309 : vector<16xf32>
      %get3A_311 = arith.index_cast %add3A_303 : i32 to index
      %get3A_312 = arith.constant 16 : index
      %get3A_313 = tpu.vector_load %arg5[%get3A_311, %get3A_312] {strides = array<i32>} : memref<256x128xf32, #tpu.memory_space<vmem>>, vector<16xf32>,
      %get3A_314 = arith.index_cast %add3A_303 : i32 to index
      %get3A_315 = arith.constant 16 : index
      %get3A_316 = tpu.vector_load %arg6[%get3A_314, %get3A_315] {strides = array<i32>} : memref<256x128xf32, #tpu.memory_space<vmem>>, vector<16xf32>,
      %mul3A_317 = arith.mulf %get3A_313, %get3A_316 : vector<16xf32>
      %add3A_318 = arith.addf %mul3A_310, %mul3A_317 : vector<16xf32>
      %get3A_319 = arith.index_cast %add3A_303 : i32 to index
      %get3A_320 = arith.constant 32 : index
      %get3A_321 = tpu.vector_load %arg5[%get3A_319, %get3A_320] {strides = array<i32>} : memref<256x128xf32, #tpu.memory_space<vmem>>, vector<16xf32>,
      %get3A_322 = arith.index_cast %add3A_303 : i32 to index
      %get3A_323 = arith.constant 32 : index
      %get3A_324 = tpu.vector_load %arg6[%get3A_322, %get3A_323] {strides = array<i32>} : memref<256x128xf32, #tpu.memory_space<vmem>>, vector<16xf32>,
      %mul3A_325 = arith.mulf %get3A_321, %get3A_324 : vector<16xf32>
      %add3A_326 = arith.addf %add3A_318, %mul3A_325 : vector<16xf32>
      %get3A_327 = arith.index_cast %add3A_303 : i32 to index
      %get3A_328 = arith.constant 48 : index
      %get3A_329 = tpu.vector_load %arg5[%get3A_327, %get3A_328] {strides = array<i32>} : memref<256x128xf32, #tpu.memory_space<vmem>>, vector<16xf32>,
      %get3A_330 = arith.index_cast %add3A_303 : i32 to index
      %get3A_331 = arith.constant 48 : index
      %get3A_332 = tpu.vector_load %arg6[%get3A_330, %get3A_331] {strides = array<i32>} : memref<256x128xf32, #tpu.memory_space<vmem>>, vector<16xf32>,
      %mul3A_333 = arith.mulf %get3A_329, %get3A_332 : vector<16xf32>
      %add3A_334 = arith.addf %add3A_326, %mul3A_333 : vector<16xf32>
      %swap3A_335 = arith.constant 128 : index
      %swap3A_336 = tpu.vector_load %arg7[%swap3A_335] {strides = array<i32>} : memref<256xf32, #tpu.memory_space<vmem>>, vector<16xf32>,
      tpu.vector_store %arg7[%swap3A_335], %add3A_334 {strides = array<i32>} : memref<256xf32, #tpu.memory_space<vmem>>, vector<16xf32>,
      %add3A_337 = arith.constant 9 : i32
      %add3A_338 = arith.addi %mul3A_23, %add3A_337 : i32
      %get3A_339 = arith.index_cast %add3A_338 : i32 to index
      %get3A_340 = arith.constant 0 : index
      %get3A_341 = tpu.vector_load %arg5[%get3A_339, %get3A_340] {strides = array<i32>} : memref<256x128xf32, #tpu.memory_space<vmem>>, vector<16xf32>,
      %get3A_342 = arith.index_cast %add3A_338 : i32 to index
      %get3A_343 = arith.constant 0 : index
      %get3A_344 = tpu.vector_load %arg6[%get3A_342, %get3A_343] {strides = array<i32>} : memref<256x128xf32, #tpu.memory_space<vmem>>, vector<16xf32>,
      %mul3A_345 = arith.mulf %get3A_341, %get3A_344 : vector<16xf32>
      %get3A_346 = arith.index_cast %add3A_338 : i32 to index
      %get3A_347 = arith.constant 16 : index
      %get3A_348 = tpu.vector_load %arg5[%get3A_346, %get3A_347] {strides = array<i32>} : memref<256x128xf32, #tpu.memory_space<vmem>>, vector<16xf32>,
      %get3A_349 = arith.index_cast %add3A_338 : i32 to index
      %get3A_350 = arith.constant 16 : index
      %get3A_351 = tpu.vector_load %arg6[%get3A_349, %get3A_350] {strides = array<i32>} : memref<256x128xf32, #tpu.memory_space<vmem>>, vector<16xf32>,
      %mul3A_352 = arith.mulf %get3A_348, %get3A_351 : vector<16xf32>
      %add3A_353 = arith.addf %mul3A_345, %mul3A_352 : vector<16xf32>
      %get3A_354 = arith.index_cast %add3A_338 : i32 to index
      %get3A_355 = arith.constant 32 : index
      %get3A_356 = tpu.vector_load %arg5[%get3A_354, %get3A_355] {strides = array<i32>} : memref<256x128xf32, #tpu.memory_space<vmem>>, vector<16xf32>,
      %get3A_357 = arith.index_cast %add3A_338 : i32 to index
      %get3A_358 = arith.constant 32 : index
      %get3A_359 = tpu.vector_load %arg6[%get3A_357, %get3A_358] {strides = array<i32>} : memref<256x128xf32, #tpu.memory_space<vmem>>, vector<16xf32>,
      %mul3A_360 = arith.mulf %get3A_356, %get3A_359 : vector<16xf32>
      %add3A_361 = arith.addf %add3A_353, %mul3A_360 : vector<16xf32>
      %get3A_362 = arith.index_cast %add3A_338 : i32 to index
      %get3A_363 = arith.constant 48 : index
      %get3A_364 = tpu.vector_load %arg5[%get3A_362, %get3A_363] {strides = array<i32>} : memref<256x128xf32, #tpu.memory_space<vmem>>, vector<16xf32>,
      %get3A_365 = arith.index_cast %add3A_338 : i32 to index
      %get3A_366 = arith.constant 48 : index
      %get3A_367 = tpu.vector_load %arg6[%get3A_365, %get3A_366] {strides = array<i32>} : memref<256x128xf32, #tpu.memory_space<vmem>>, vector<16xf32>,
      %mul3A_368 = arith.mulf %get3A_364, %get3A_367 : vector<16xf32>
      %add3A_369 = arith.addf %add3A_361, %mul3A_368 : vector<16xf32>
      %swap3A_370 = arith.constant 144 : index
      %swap3A_371 = tpu.vector_load %arg7[%swap3A_370] {strides = array<i32>} : memref<256xf32, #tpu.memory_space<vmem>>, vector<16xf32>,
      tpu.vector_store %arg7[%swap3A_370], %add3A_369 {strides = array<i32>} : memref<256xf32, #tpu.memory_space<vmem>>, vector<16xf32>,
      %add3A_372 = arith.constant 10 : i32
      %add3A_373 = arith.addi %mul3A_23, %add3A_372 : i32
      %get3A_374 = arith.index_cast %add3A_373 : i32 to index
      %get3A_375 = arith.constant 0 : index
      %get3A_376 = tpu.vector_load %arg5[%get3A_374, %get3A_375] {strides = array<i32>} : memref<256x128xf32, #tpu.memory_space<vmem>>, vector<16xf32>,
      %get3A_377 = arith.index_cast %add3A_373 : i32 to index
      %get3A_378 = arith.constant 0 : index
      %get3A_379 = tpu.vector_load %arg6[%get3A_377, %get3A_378] {strides = array<i32>} : memref<256x128xf32, #tpu.memory_space<vmem>>, vector<16xf32>,
      %mul3A_380 = arith.mulf %get3A_376, %get3A_379 : vector<16xf32>
      %get3A_381 = arith.index_cast %add3A_373 : i32 to index
      %get3A_382 = arith.constant 16 : index
      %get3A_383 = tpu.vector_load %arg5[%get3A_381, %get3A_382] {strides = array<i32>} : memref<256x128xf32, #tpu.memory_space<vmem>>, vector<16xf32>,
      %get3A_384 = arith.index_cast %add3A_373 : i32 to index
      %get3A_385 = arith.constant 16 : index
      %get3A_386 = tpu.vector_load %arg6[%get3A_384, %get3A_385] {strides = array<i32>} : memref<256x128xf32, #tpu.memory_space<vmem>>, vector<16xf32>,
      %mul3A_387 = arith.mulf %get3A_383, %get3A_386 : vector<16xf32>
      %add3A_388 = arith.addf %mul3A_380, %mul3A_387 : vector<16xf32>
      %get3A_389 = arith.index_cast %add3A_373 : i32 to index
      %get3A_390 = arith.constant 32 : index
      %get3A_391 = tpu.vector_load %arg5[%get3A_389, %get3A_390] {strides = array<i32>} : memref<256x128xf32, #tpu.memory_space<vmem>>, vector<16xf32>,
      %get3A_392 = arith.index_cast %add3A_373 : i32 to index
      %get3A_393 = arith.constant 32 : index
      %get3A_394 = tpu.vector_load %arg6[%get3A_392, %get3A_393] {strides = array<i32>} : memref<256x128xf32, #tpu.memory_space<vmem>>, vector<16xf32>,
      %mul3A_395 = arith.mulf %get3A_391, %get3A_394 : vector<16xf32>
      %add3A_396 = arith.addf %add3A_388, %mul3A_395 : vector<16xf32>
      %get3A_397 = arith.index_cast %add3A_373 : i32 to index
      %get3A_398 = arith.constant 48 : index
      %get3A_399 = tpu.vector_load %arg5[%get3A_397, %get3A_398] {strides = array<i32>} : memref<256x128xf32, #tpu.memory_space<vmem>>, vector<16xf32>,
      %get3A_400 = arith.index_cast %add3A_373 : i32 to index
      %get3A_401 = arith.constant 48 : index
      %get3A_402 = tpu.vector_load %arg6[%get3A_400, %get3A_401] {strides = array<i32>} : memref<256x128xf32, #tpu.memory_space<vmem>>, vector<16xf32>,
      %mul3A_403 = arith.mulf %get3A_399, %get3A_402 : vector<16xf32>
      %add3A_404 = arith.addf %add3A_396, %mul3A_403 : vector<16xf32>
      %swap3A_405 = arith.constant 160 : index
      %swap3A_406 = tpu.vector_load %arg7[%swap3A_405] {strides = array<i32>} : memref<256xf32, #tpu.memory_space<vmem>>, vector<16xf32>,
      tpu.vector_store %arg7[%swap3A_405], %add3A_404 {strides = array<i32>} : memref<256xf32, #tpu.memory_space<vmem>>, vector<16xf32>,
      %add3A_407 = arith.constant 11 : i32
      %add3A_408 = arith.addi %mul3A_23, %add3A_407 : i32
      %get3A_409 = arith.index_cast %add3A_408 : i32 to index
      %get3A_410 = arith.constant 0 : index
      %get3A_411 = tpu.vector_load %arg5[%get3A_409, %get3A_410] {strides = array<i32>} : memref<256x128xf32, #tpu.memory_space<vmem>>, vector<16xf32>,
      %get3A_412 = arith.index_cast %add3A_408 : i32 to index
      %get3A_413 = arith.constant 0 : index
      %get3A_414 = tpu.vector_load %arg6[%get3A_412, %get3A_413] {strides = array<i32>} : memref<256x128xf32, #tpu.memory_space<vmem>>, vector<16xf32>,
      %mul3A_415 = arith.mulf %get3A_411, %get3A_414 : vector<16xf32>
      %get3A_416 = arith.index_cast %add3A_408 : i32 to index
      %get3A_417 = arith.constant 16 : index
      %get3A_418 = tpu.vector_load %arg5[%get3A_416, %get3A_417] {strides = array<i32>} : memref<256x128xf32, #tpu.memory_space<vmem>>, vector<16xf32>,
      %get3A_419 = arith.index_cast %add3A_408 : i32 to index
      %get3A_420 = arith.constant 16 : index
      %get3A_421 = tpu.vector_load %arg6[%get3A_419, %get3A_420] {strides = array<i32>} : memref<256x128xf32, #tpu.memory_space<vmem>>, vector<16xf32>,
      %mul3A_422 = arith.mulf %get3A_418, %get3A_421 : vector<16xf32>
      %add3A_423 = arith.addf %mul3A_415, %mul3A_422 : vector<16xf32>
      %get3A_424 = arith.index_cast %add3A_408 : i32 to index
      %get3A_425 = arith.constant 32 : index
      %get3A_426 = tpu.vector_load %arg5[%get3A_424, %get3A_425] {strides = array<i32>} : memref<256x128xf32, #tpu.memory_space<vmem>>, vector<16xf32>,
      %get3A_427 = arith.index_cast %add3A_408 : i32 to index
      %get3A_428 = arith.constant 32 : index
      %get3A_429 = tpu.vector_load %arg6[%get3A_427, %get3A_428] {strides = array<i32>} : memref<256x128xf32, #tpu.memory_space<vmem>>, vector<16xf32>,
      %mul3A_430 = arith.mulf %get3A_426, %get3A_429 : vector<16xf32>
      %add3A_431 = arith.addf %add3A_423, %mul3A_430 : vector<16xf32>
      %get3A_432 = arith.index_cast %add3A_408 : i32 to index
      %get3A_433 = arith.constant 48 : index
      %get3A_434 = tpu.vector_load %arg5[%get3A_432, %get3A_433] {strides = array<i32>} : memref<256x128xf32, #tpu.memory_space<vmem>>, vector<16xf32>,
      %get3A_435 = arith.index_cast %add3A_408 : i32 to index
      %get3A_436 = arith.constant 48 : index
      %get3A_437 = tpu.vector_load %arg6[%get3A_435, %get3A_436] {strides = array<i32>} : memref<256x128xf32, #tpu.memory_space<vmem>>, vector<16xf32>,
      %mul3A_438 = arith.mulf %get3A_434, %get3A_437 : vector<16xf32>
      %add3A_439 = arith.addf %add3A_431, %mul3A_438 : vector<16xf32>
      %swap3A_440 = arith.constant 176 : index
      %swap3A_441 = tpu.vector_load %arg7[%swap3A_440] {strides = array<i32>} : memref<256xf32, #tpu.memory_space<vmem>>, vector<16xf32>,
      tpu.vector_store %arg7[%swap3A_440], %add3A_439 {strides = array<i32>} : memref<256xf32, #tpu.memory_space<vmem>>, vector<16xf32>,
      %add3A_442 = arith.constant 12 : i32
      %add3A_443 = arith.addi %mul3A_23, %add3A_442 : i32
      %get3A_444 = arith.index_cast %add3A_443 : i32 to index
      %get3A_445 = arith.constant 0 : index
      %get3A_446 = tpu.vector_load %arg5[%get3A_444, %get3A_445] {strides = array<i32>} : memref<256x128xf32, #tpu.memory_space<vmem>>, vector<16xf32>,
      %get3A_447 = arith.index_cast %add3A_443 : i32 to index
      %get3A_448 = arith.constant 0 : index
      %get3A_449 = tpu.vector_load %arg6[%get3A_447, %get3A_448] {strides = array<i32>} : memref<256x128xf32, #tpu.memory_space<vmem>>, vector<16xf32>,
      %mul3A_450 = arith.mulf %get3A_446, %get3A_449 : vector<16xf32>
      %get3A_451 = arith.index_cast %add3A_443 : i32 to index
      %get3A_452 = arith.constant 16 : index
      %get3A_453 = tpu.vector_load %arg5[%get3A_451, %get3A_452] {strides = array<i32>} : memref<256x128xf32, #tpu.memory_space<vmem>>, vector<16xf32>,
      %get3A_454 = arith.index_cast %add3A_443 : i32 to index
      %get3A_455 = arith.constant 16 : index
      %get3A_456 = tpu.vector_load %arg6[%get3A_454, %get3A_455] {strides = array<i32>} : memref<256x128xf32, #tpu.memory_space<vmem>>, vector<16xf32>,
      %mul3A_457 = arith.mulf %get3A_453, %get3A_456 : vector<16xf32>
      %add3A_458 = arith.addf %mul3A_450, %mul3A_457 : vector<16xf32>
      %get3A_459 = arith.index_cast %add3A_443 : i32 to index
      %get3A_460 = arith.constant 32 : index
      %get3A_461 = tpu.vector_load %arg5[%get3A_459, %get3A_460] {strides = array<i32>} : memref<256x128xf32, #tpu.memory_space<vmem>>, vector<16xf32>,
      %get3A_462 = arith.index_cast %add3A_443 : i32 to index
      %get3A_463 = arith.constant 32 : index
      %get3A_464 = tpu.vector_load %arg6[%get3A_462, %get3A_463] {strides = array<i32>} : memref<256x128xf32, #tpu.memory_space<vmem>>, vector<16xf32>,
      %mul3A_465 = arith.mulf %get3A_461, %get3A_464 : vector<16xf32>
      %add3A_466 = arith.addf %add3A_458, %mul3A_465 : vector<16xf32>
      %get3A_467 = arith.index_cast %add3A_443 : i32 to index
      %get3A_468 = arith.constant 48 : index
      %get3A_469 = tpu.vector_load %arg5[%get3A_467, %get3A_468] {strides = array<i32>} : memref<256x128xf32, #tpu.memory_space<vmem>>, vector<16xf32>,
      %get3A_470 = arith.index_cast %add3A_443 : i32 to index
      %get3A_471 = arith.constant 48 : index
      %get3A_472 = tpu.vector_load %arg6[%get3A_470, %get3A_471] {strides = array<i32>} : memref<256x128xf32, #tpu.memory_space<vmem>>, vector<16xf32>,
      %mul3A_473 = arith.mulf %get3A_469, %get3A_472 : vector<16xf32>
      %add3A_474 = arith.addf %add3A_466, %mul3A_473 : vector<16xf32>
      %swap3A_475 = arith.constant 192 : index
      %swap3A_476 = tpu.vector_load %arg7[%swap3A_475] {strides = array<i32>} : memref<256xf32, #tpu.memory_space<vmem>>, vector<16xf32>,
      tpu.vector_store %arg7[%swap3A_475], %add3A_474 {strides = array<i32>} : memref<256xf32, #tpu.memory_space<vmem>>, vector<16xf32>,
      %add3A_477 = arith.constant 13 : i32
      %add3A_478 = arith.addi %mul3A_23, %add3A_477 : i32
      %get3A_479 = arith.index_cast %add3A_478 : i32 to index
      %get3A_480 = arith.constant 0 : index
      %get3A_481 = tpu.vector_load %arg5[%get3A_479, %get3A_480] {strides = array<i32>} : memref<256x128xf32, #tpu.memory_space<vmem>>, vector<16xf32>,
      %get3A_482 = arith.index_cast %add3A_478 : i32 to index
      %get3A_483 = arith.constant 0 : index
      %get3A_484 = tpu.vector_load %arg6[%get3A_482, %get3A_483] {strides = array<i32>} : memref<256x128xf32, #tpu.memory_space<vmem>>, vector<16xf32>,
      %mul3A_485 = arith.mulf %get3A_481, %get3A_484 : vector<16xf32>
      %get3A_486 = arith.index_cast %add3A_478 : i32 to index
      %get3A_487 = arith.constant 16 : index
      %get3A_488 = tpu.vector_load %arg5[%get3A_486, %get3A_487] {strides = array<i32>} : memref<256x128xf32, #tpu.memory_space<vmem>>, vector<16xf32>,
      %get3A_489 = arith.index_cast %add3A_478 : i32 to index
      %get3A_490 = arith.constant 16 : index
      %get3A_491 = tpu.vector_load %arg6[%get3A_489, %get3A_490] {strides = array<i32>} : memref<256x128xf32, #tpu.memory_space<vmem>>, vector<16xf32>,
      %mul3A_492 = arith.mulf %get3A_488, %get3A_491 : vector<16xf32>
      %add3A_493 = arith.addf %mul3A_485, %mul3A_492 : vector<16xf32>
      %get3A_494 = arith.index_cast %add3A_478 : i32 to index
      %get3A_495 = arith.constant 32 : index
      %get3A_496 = tpu.vector_load %arg5[%get3A_494, %get3A_495] {strides = array<i32>} : memref<256x128xf32, #tpu.memory_space<vmem>>, vector<16xf32>,
      %get3A_497 = arith.index_cast %add3A_478 : i32 to index
      %get3A_498 = arith.constant 32 : index
      %get3A_499 = tpu.vector_load %arg6[%get3A_497, %get3A_498] {strides = array<i32>} : memref<256x128xf32, #tpu.memory_space<vmem>>, vector<16xf32>,
      %mul3A_500 = arith.mulf %get3A_496, %get3A_499 : vector<16xf32>
      %add3A_501 = arith.addf %add3A_493, %mul3A_500 : vector<16xf32>
      %get3A_502 = arith.index_cast %add3A_478 : i32 to index
      %get3A_503 = arith.constant 48 : index
      %get3A_504 = tpu.vector_load %arg5[%get3A_502, %get3A_503] {strides = array<i32>} : memref<256x128xf32, #tpu.memory_space<vmem>>, vector<16xf32>,
      %get3A_505 = arith.index_cast %add3A_478 : i32 to index
      %get3A_506 = arith.constant 48 : index
      %get3A_507 = tpu.vector_load %arg6[%get3A_505, %get3A_506] {strides = array<i32>} : memref<256x128xf32, #tpu.memory_space<vmem>>, vector<16xf32>,
      %mul3A_508 = arith.mulf %get3A_504, %get3A_507 : vector<16xf32>
      %add3A_509 = arith.addf %add3A_501, %mul3A_508 : vector<16xf32>
      %swap3A_510 = arith.constant 208 : index
      %swap3A_511 = tpu.vector_load %arg7[%swap3A_510] {strides = array<i32>} : memref<256xf32, #tpu.memory_space<vmem>>, vector<16xf32>,
      tpu.vector_store %arg7[%swap3A_510], %add3A_509 {strides = array<i32>} : memref<256xf32, #tpu.memory_space<vmem>>, vector<16xf32>,
      %add3A_512 = arith.constant 14 : i32
      %add3A_513 = arith.addi %mul3A_23, %add3A_512 : i32
      %get3A_514 = arith.index_cast %add3A_513 : i32 to index
      %get3A_515 = arith.constant 0 : index
      %get3A_516 = tpu.vector_load %arg5[%get3A_514, %get3A_515] {strides = array<i32>} : memref<256x128xf32, #tpu.memory_space<vmem>>, vector<16xf32>,
      %get3A_517 = arith.index_cast %add3A_513 : i32 to index
      %get3A_518 = arith.constant 0 : index
      %get3A_519 = tpu.vector_load %arg6[%get3A_517, %get3A_518] {strides = array<i32>} : memref<256x128xf32, #tpu.memory_space<vmem>>, vector<16xf32>,
      %mul3A_520 = arith.mulf %get3A_516, %get3A_519 : vector<16xf32>
      %get3A_521 = arith.index_cast %add3A_513 : i32 to index
      %get3A_522 = arith.constant 16 : index
      %get3A_523 = tpu.vector_load %arg5[%get3A_521, %get3A_522] {strides = array<i32>} : memref<256x128xf32, #tpu.memory_space<vmem>>, vector<16xf32>,
      %get3A_524 = arith.index_cast %add3A_513 : i32 to index
      %get3A_525 = arith.constant 16 : index
      %get3A_526 = tpu.vector_load %arg6[%get3A_524, %get3A_525] {strides = array<i32>} : memref<256x128xf32, #tpu.memory_space<vmem>>, vector<16xf32>,
      %mul3A_527 = arith.mulf %get3A_523, %get3A_526 : vector<16xf32>
      %add3A_528 = arith.addf %mul3A_520, %mul3A_527 : vector<16xf32>
      %get3A_529 = arith.index_cast %add3A_513 : i32 to index
      %get3A_530 = arith.constant 32 : index
      %get3A_531 = tpu.vector_load %arg5[%get3A_529, %get3A_530] {strides = array<i32>} : memref<256x128xf32, #tpu.memory_space<vmem>>, vector<16xf32>,
      %get3A_532 = arith.index_cast %add3A_513 : i32 to index
      %get3A_533 = arith.constant 32 : index
      %get3A_534 = tpu.vector_load %arg6[%get3A_532, %get3A_533] {strides = array<i32>} : memref<256x128xf32, #tpu.memory_space<vmem>>, vector<16xf32>,
      %mul3A_535 = arith.mulf %get3A_531, %get3A_534 : vector<16xf32>
      %add3A_536 = arith.addf %add3A_528, %mul3A_535 : vector<16xf32>
      %get3A_537 = arith.index_cast %add3A_513 : i32 to index
      %get3A_538 = arith.constant 48 : index
      %get3A_539 = tpu.vector_load %arg5[%get3A_537, %get3A_538] {strides = array<i32>} : memref<256x128xf32, #tpu.memory_space<vmem>>, vector<16xf32>,
      %get3A_540 = arith.index_cast %add3A_513 : i32 to index
      %get3A_541 = arith.constant 48 : index
      %get3A_542 = tpu.vector_load %arg6[%get3A_540, %get3A_541] {strides = array<i32>} : memref<256x128xf32, #tpu.memory_space<vmem>>, vector<16xf32>,
      %mul3A_543 = arith.mulf %get3A_539, %get3A_542 : vector<16xf32>
      %add3A_544 = arith.addf %add3A_536, %mul3A_543 : vector<16xf32>
      %swap3A_545 = arith.constant 224 : index
      %swap3A_546 = tpu.vector_load %arg7[%swap3A_545] {strides = array<i32>} : memref<256xf32, #tpu.memory_space<vmem>>, vector<16xf32>,
      tpu.vector_store %arg7[%swap3A_545], %add3A_544 {strides = array<i32>} : memref<256xf32, #tpu.memory_space<vmem>>, vector<16xf32>,
      %add3A_547 = arith.constant 15 : i32
      %add3A_548 = arith.addi %mul3A_23, %add3A_547 : i32
      %get3A_549 = arith.index_cast %add3A_548 : i32 to index
      %get3A_550 = arith.constant 0 : index
      %get3A_551 = tpu.vector_load %arg5[%get3A_549, %get3A_550] {strides = array<i32>} : memref<256x128xf32, #tpu.memory_space<vmem>>, vector<16xf32>,
      %get3A_552 = arith.index_cast %add3A_548 : i32 to index
      %get3A_553 = arith.constant 0 : index
      %get3A_554 = tpu.vector_load %arg6[%get3A_552, %get3A_553] {strides = array<i32>} : memref<256x128xf32, #tpu.memory_space<vmem>>, vector<16xf32>,
      %mul3A_555 = arith.mulf %get3A_551, %get3A_554 : vector<16xf32>
      %get3A_556 = arith.index_cast %add3A_548 : i32 to index
      %get3A_557 = arith.constant 16 : index
      %get3A_558 = tpu.vector_load %arg5[%get3A_556, %get3A_557] {strides = array<i32>} : memref<256x128xf32, #tpu.memory_space<vmem>>, vector<16xf32>,
      %get3A_559 = arith.index_cast %add3A_548 : i32 to index
      %get3A_560 = arith.constant 16 : index
      %get3A_561 = tpu.vector_load %arg6[%get3A_559, %get3A_560] {strides = array<i32>} : memref<256x128xf32, #tpu.memory_space<vmem>>, vector<16xf32>,
      %mul3A_562 = arith.mulf %get3A_558, %get3A_561 : vector<16xf32>
      %add3A_563 = arith.addf %mul3A_555, %mul3A_562 : vector<16xf32>
      %get3A_564 = arith.index_cast %add3A_548 : i32 to index
      %get3A_565 = arith.constant 32 : index
      %get3A_566 = tpu.vector_load %arg5[%get3A_564, %get3A_565] {strides = array<i32>} : memref<256x128xf32, #tpu.memory_space<vmem>>, vector<16xf32>,
      %get3A_567 = arith.index_cast %add3A_548 : i32 to index
      %get3A_568 = arith.constant 32 : index
      %get3A_569 = tpu.vector_load %arg6[%get3A_567, %get3A_568] {strides = array<i32>} : memref<256x128xf32, #tpu.memory_space<vmem>>, vector<16xf32>,
      %mul3A_570 = arith.mulf %get3A_566, %get3A_569 : vector<16xf32>
      %add3A_571 = arith.addf %add3A_563, %mul3A_570 : vector<16xf32>
      %get3A_572 = arith.index_cast %add3A_548 : i32 to index
      %get3A_573 = arith.constant 48 : index
      %get3A_574 = tpu.vector_load %arg5[%get3A_572, %get3A_573] {strides = array<i32>} : memref<256x128xf32, #tpu.memory_space<vmem>>, vector<16xf32>,
      %get3A_575 = arith.index_cast %add3A_548 : i32 to index
      %get3A_576 = arith.constant 48 : index
      %get3A_577 = tpu.vector_load %arg6[%get3A_575, %get3A_576] {strides = array<i32>} : memref<256x128xf32, #tpu.memory_space<vmem>>, vector<16xf32>,
      %mul3A_578 = arith.mulf %get3A_574, %get3A_577 : vector<16xf32>
      %add3A_579 = arith.addf %add3A_571, %mul3A_578 : vector<16xf32>
      %swap3A_580 = arith.constant 240 : index
      %swap3A_581 = tpu.vector_load %arg7[%swap3A_580] {strides = array<i32>} : memref<256xf32, #tpu.memory_space<vmem>>, vector<16xf32>,
      tpu.vector_store %arg7[%swap3A_580], %add3A_579 {strides = array<i32>} : memref<256xf32, #tpu.memory_space<vmem>>, vector<16xf32>,
      %gather3A = tpu.vector_load_idx %arg7[%mul3A_5] : memref<256xf32, #tpu.memory_space<vmem>>[vector<16xi32>], vector<16xf32>,
      %add3A_582 = arith.constant 1 : i32
      %add3A_583 = vector.broadcast %add3A_582 : i32 to vector<16xi32>
      %add3A_584 = arith.addi %mul3A_5, %add3A_583 : vector<16xi32>
      %gather3A_585 = tpu.vector_load_idx %arg7[%add3A_584] : memref<256xf32, #tpu.memory_space<vmem>>[vector<16xi32>], vector<16xf32>,
      %add3A_586 = arith.addf %gather3A, %gather3A_585 : vector<16xf32>
      %add3A_587 = arith.constant 2 : i32
      %add3A_588 = vector.broadcast %add3A_587 : i32 to vector<16xi32>
      %add3A_589 = arith.addi %mul3A_5, %add3A_588 : vector<16xi32>
      %gather3A_590 = tpu.vector_load_idx %arg7[%add3A_589] : memref<256xf32, #tpu.memory_space<vmem>>[vector<16xi32>], vector<16xf32>,
      %add3A_591 = arith.addf %add3A_586, %gather3A_590 : vector<16xf32>
      %add3A_592 = arith.constant 3 : i32
      %add3A_593 = vector.broadcast %add3A_592 : i32 to vector<16xi32>
      %add3A_594 = arith.addi %mul3A_5, %add3A_593 : vector<16xi32>
      %gather3A_595 = tpu.vector_load_idx %arg7[%add3A_594] : memref<256xf32, #tpu.memory_space<vmem>>[vector<16xi32>], vector<16xf32>,
      %add3A_596 = arith.addf %add3A_591, %gather3A_595 : vector<16xf32>
      %add3A_597 = arith.constant 4 : i32
      %add3A_598 = vector.broadcast %add3A_597 : i32 to vector<16xi32>
      %add3A_599 = arith.addi %mul3A_5, %add3A_598 : vector<16xi32>
      %gather3A_600 = tpu.vector_load_idx %arg7[%add3A_599] : memref<256xf32, #tpu.memory_space<vmem>>[vector<16xi32>], vector<16xf32>,
      %add3A_601 = arith.addf %add3A_596, %gather3A_600 : vector<16xf32>
      %add3A_602 = arith.constant 5 : i32
      %add3A_603 = vector.broadcast %add3A_602 : i32 to vector<16xi32>
      %add3A_604 = arith.addi %mul3A_5, %add3A_603 : vector<16xi32>
      %gather3A_605 = tpu.vector_load_idx %arg7[%add3A_604] : memref<256xf32, #tpu.memory_space<vmem>>[vector<16xi32>], vector<16xf32>,
      %add3A_606 = arith.addf %add3A_601, %gather3A_605 : vector<16xf32>
      %add3A_607 = arith.constant 6 : i32
      %add3A_608 = vector.broadcast %add3A_607 : i32 to vector<16xi32>
      %add3A_609 = arith.addi %mul3A_5, %add3A_608 : vector<16xi32>
      %gather3A_610 = tpu.vector_load_idx %arg7[%add3A_609] : memref<256xf32, #tpu.memory_space<vmem>>[vector<16xi32>], vector<16xf32>,
      %add3A_611 = arith.addf %add3A_606, %gather3A_610 : vector<16xf32>
      %add3A_612 = arith.constant 7 : i32
      %add3A_613 = vector.broadcast %add3A_612 : i32 to vector<16xi32>
      %add3A_614 = arith.addi %mul3A_5, %add3A_613 : vector<16xi32>
      %gather3A_615 = tpu.vector_load_idx %arg7[%add3A_614] : memref<256xf32, #tpu.memory_space<vmem>>[vector<16xi32>], vector<16xf32>,
      %add3A_616 = arith.addf %add3A_611, %gather3A_615 : vector<16xf32>
      %add3A_617 = arith.constant 8 : i32
      %add3A_618 = vector.broadcast %add3A_617 : i32 to vector<16xi32>
      %add3A_619 = arith.addi %mul3A_5, %add3A_618 : vector<16xi32>
      %gather3A_620 = tpu.vector_load_idx %arg7[%add3A_619] : memref<256xf32, #tpu.memory_space<vmem>>[vector<16xi32>], vector<16xf32>,
      %add3A_621 = arith.addf %add3A_616, %gather3A_620 : vector<16xf32>
      %add3A_622 = arith.constant 9 : i32
      %add3A_623 = vector.broadcast %add3A_622 : i32 to vector<16xi32>
      %add3A_624 = arith.addi %mul3A_5, %add3A_623 : vector<16xi32>
      %gather3A_625 = tpu.vector_load_idx %arg7[%add3A_624] : memref<256xf32, #tpu.memory_space<vmem>>[vector<16xi32>], vector<16xf32>,
      %add3A_626 = arith.addf %add3A_621, %gather3A_625 : vector<16xf32>
      %add3A_627 = arith.constant 10 : i32
      %add3A_628 = vector.broadcast %add3A_627 : i32 to vector<16xi32>
      %add3A_629 = arith.addi %mul3A_5, %add3A_628 : vector<16xi32>
      %gather3A_630 = tpu.vector_load_idx %arg7[%add3A_629] : memref<256xf32, #tpu.memory_space<vmem>>[vector<16xi32>], vector<16xf32>,
      %add3A_631 = arith.addf %add3A_626, %gather3A_630 : vector<16xf32>
      %add3A_632 = arith.constant 11 : i32
      %add3A_633 = vector.broadcast %add3A_632 : i32 to vector<16xi32>
      %add3A_634 = arith.addi %mul3A_5, %add3A_633 : vector<16xi32>
      %gather3A_635 = tpu.vector_load_idx %arg7[%add3A_634] : memref<256xf32, #tpu.memory_space<vmem>>[vector<16xi32>], vector<16xf32>,
      %add3A_636 = arith.addf %add3A_631, %gather3A_635 : vector<16xf32>
      %add3A_637 = arith.constant 12 : i32
      %add3A_638 = vector.broadcast %add3A_637 : i32 to vector<16xi32>
      %add3A_639 = arith.addi %mul3A_5, %add3A_638 : vector<16xi32>
      %gather3A_640 = tpu.vector_load_idx %arg7[%add3A_639] : memref<256xf32, #tpu.memory_space<vmem>>[vector<16xi32>], vector<16xf32>,
      %add3A_641 = arith.addf %add3A_636, %gather3A_640 : vector<16xf32>
      %add3A_642 = arith.constant 13 : i32
      %add3A_643 = vector.broadcast %add3A_642 : i32 to vector<16xi32>
      %add3A_644 = arith.addi %mul3A_5, %add3A_643 : vector<16xi32>
      %gather3A_645 = tpu.vector_load_idx %arg7[%add3A_644] : memref<256xf32, #tpu.memory_space<vmem>>[vector<16xi32>], vector<16xf32>,
      %add3A_646 = arith.addf %add3A_641, %gather3A_645 : vector<16xf32>
      %add3A_647 = arith.constant 14 : i32
      %add3A_648 = vector.broadcast %add3A_647 : i32 to vector<16xi32>
      %add3A_649 = arith.addi %mul3A_5, %add3A_648 : vector<16xi32>
      %gather3A_650 = tpu.vector_load_idx %arg7[%add3A_649] : memref<256xf32, #tpu.memory_space<vmem>>[vector<16xi32>], vector<16xf32>,
      %add3A_651 = arith.addf %add3A_646, %gather3A_650 : vector<16xf32>
      %add3A_652 = arith.constant 15 : i32
      %add3A_653 = vector.broadcast %add3A_652 : i32 to vector<16xi32>
      %add3A_654 = arith.addi %mul3A_5, %add3A_653 : vector<16xi32>
      %gather3A_655 = tpu.vector_load_idx %arg7[%add3A_654] : memref<256xf32, #tpu.memory_space<vmem>>[vector<16xi32>], vector<16xf32>,
      %add3A_656 = arith.addf %add3A_651, %gather3A_655 : vector<16xf32>
      %neg3A = arith.constant 0.000000e+00 : f32
      %neg3A_657 = vector.broadcast %neg3A : f32 to vector<16xf32>
      %neg3A_658 = arith.subf %neg3A_657, %add3A_656 : vector<16xf32>
      %exp3A = math.exp %neg3A_658 : vector<16xf32>
      %add3A_659 = arith.constant 1.000000e+00 : f32
      %add3A_660 = vector.broadcast %add3A_659 : f32 to vector<16xf32>
      %add3A_661 = arith.addf %add3A_660, %exp3A : vector<16xf32>
      %div3A = arith.constant 1.000000e+00 : f32
      %div3A_662 = vector.broadcast %div3A : f32 to vector<16xf32>
      %div3A_663 = arith.divf %div3A_662, %add3A_661 : vector<16xf32>
      %add3A_664 = arith.constant 256 : i32
      %add3A_665 = arith.addi %add3A_664, %mul3A_23 : i32
      %swap3A_666 = arith.index_cast %add3A_665 : i32 to index
      %swap3A_667 = tpu.vector_load %arg8[%swap3A_666] {strides = array<i32>} : memref<512xf32, #tpu.memory_space<vmem>>, vector<16xf32>,
      tpu.vector_store %arg8[%swap3A_666], %div3A_663 {strides = array<i32>} : memref<512xf32, #tpu.memory_space<vmem>>, vector<16xf32>,
    }
    %scan3A_20 = arith.constant 16 : i32
    "tpu.region"() ({
      %run_scoped3A = tpu.sem_alloc : memref<!tpu.dma_semaphore, #tpu.memory_space<semaphore_mem>>
      %dma_start3A = tpu.memref_slice %arg4[%mul3A_2] : memref<16384xf32, #tpu.memory_space<hbm>> -> memref<512xf32, #tpu.memory_space<hbm>>
      %dma_start3A_21 = tpu.memref_slice %arg4[%mul3A_2] : memref<16384xf32, #tpu.memory_space<hbm>> -> memref<512xf32, #tpu.memory_space<hbm>>
      tpu.enqueue_dma source(%arg8 : memref<512xf32, #tpu.memory_space<vmem>>) target(%dma_start3A_21 : memref<512xf32, #tpu.memory_space<hbm>>) target_semaphore(%run_scoped3A : memref<!tpu.dma_semaphore, #tpu.memory_space<semaphore_mem>>)
      %dma_wait3A = tpu.memref_slice %arg4[%mul3A_2] : memref<16384xf32, #tpu.memory_space<hbm>> -> memref<512xf32, #tpu.memory_space<hbm>>
      %dma_wait3A_22 = tpu.memref_slice %arg4[%mul3A_2] : memref<16384xf32, #tpu.memory_space<hbm>> -> memref<512xf32, #tpu.memory_space<hbm>>
      tpu.wait_dma2 semaphore(%run_scoped3A : memref<!tpu.dma_semaphore, #tpu.memory_space<semaphore_mem>>) src(%arg8 : memref<512xf32, #tpu.memory_space<vmem>>) dst(%dma_wait3A_22 : memref<512xf32, #tpu.memory_space<hbm>>)
      tpu.yield
    }) : () -> ()
    return
  }
}

</mosaic_0001>

<sc_bundles>
// kernel: _two_tower.4.cloned.1.call-start
scs
__scs_entry_jumppad:
0x0: {  	(pc) =	sbr.rel $0x88, $3  }
0x1: {  	(tag) =	ssettag $0x0;
	lr =	simm.s32 $0x1  }
0x2: {  	[smem:$0x3F9D] =	sst lr;
	_ =	strace $0xD0000000  }
0x3: {  	_ = 	snop  }
0x4: {  	_ = 	snop  }
0x5: {  	_ = 	snop  }
0x6: {  	_ = 	snop  }
0x7: {  	_ = 	snop  }
__scs_overlays_trampoline_lowered:
0x8: {  	[smem:$0x3FAC] =	sst s0  }
0x9: {  	[smem:$0x3FAD] =	sst s1  }
0xa: {  	[smem:$0x3FAE] =	sst s2  }
0xb: {  	[smem:$0x3FAF] =	sst s3  }
0xc: {  	[smem:$0x3FB0] =	sst s4  }
0xd: {  	[smem:$0x3FB1] =	sst s5  }
0xe: {  	[smem:$0x3FB2] =	sst s6  }
0xf: {  	[smem:$0x3FB3] =	sst s7  }
0x10: {  	[smem:$0x3FB4] =	sst s8  }
0x11: {  	[smem:$0x3FB5] =	sst s9;
	s0 =	simm.s32 @!p0 $0x0  }
0x12: {  	s1 =	sld [smem:$0x3F9B];
	s0 =	simm.s32 @p0 $0x1  }
0x13: {  	[smem:$0x3FB6] =	sst s0;
	s0 =	simm.s32 @!p1 $0x0  }
0x14: {  	s2 =	sld [smem:$0x3F9A];
	s0 =	simm.s32 @p1 $0x1  }
0x15: {  	[smem:$0x3FB7] =	sst s0;
	s0 =	simm.s32 @!p2 $0x0  }
0x16: {  	s3 =	sld [smem:$0x3FDB];
	s0 =	simm.s32 @p2 $0x1  }
0x17: {  	s4 =	simm.s32 $0x1BF5;
	[smem:$0x3FB9] =	sst s0  }
0x18: {  	s0 =	sld [smem:$0x3F9C];
	_ =	swait.ge [sflag:s4], $0x0  }
0x19: {  	s7 =	sld [smem:$0x3F9D]  }
0x1a: {  	s8 =	sadd.s32 $0xFFFFE003, lr  }
0x1b: {  	s9 =	sadd.s32 $0xFFFFFEF7, lr;
	s5 =	simm.s32 $0xFFFFFFFF;
	p2 =	slt.u32 s8, $0xFFFFF086  }
0x1c: {  	p1 =	slt.u32 s9, $0xF7A;
	s5 =	simm.s32 @!p2 $0x0  }
0x1d: {  	s5 =	simm.s32 @p1 $0x1;
	p0 =	seq.s32 s7, s2  }
0x1e: {  	s7 =	smul.u32 @!p0 $0xF7A, s2;
	p2 =	seq.s32 @!p0 s5, $0x0  }
0x1f: {  	s9 =	smul.u32 $0xF7A, s1;
	s8 =	simm.s32 @!p0 $0x1BF5;
	p2 =	por !p2, p0  }
0x20: {  	[sflag:s8] =	ssyncset.s32 @!p0 $0xFFFFF086;
	s6 =	sadd.s32 @!p0 s3, s7;
	s7 =	simm.s32 @!p0 $0x108  }
0x21: {  	s3 =	sadd.s32 s3, s9;
	s6 =	sadd.s32 @!p0 $0x88, s6;
	s7 =	simm.s32 @p2 $0x1082  }
0x22: {  	[simem:s7], [sflag:s8] =	dma.local @!p0 [hbm:s6], $0xF7A  }
0x23: {  	s9 =	sor.u32 $0xD0000000, s2;
	s6 =	simm.s32 $0x108;
	_ =	swait.ge @!p0 [sflag:s8], $0x0  }
0x24: {  	s3 =	sadd.s32 $0x88, s3;
	s6 =	simm.s32 @!p1 $0x1082;
	[sflag:s4] =	ssyncset.s32 $0xFFFFF086  }
0x25: {  	[simem:s6], [sflag:s4] =	dma.local [hbm:s3], $0xF7A  }
0x26: {  	[smem:$0x3F9D] =	sst s1;
	(tag) =	ssettag s2;
	_ =	strace s9  }
0x27: {  	s1 =	sld [smem:$0x3FAD]  }
0x28: {  	s2 =	sld [smem:$0x3FAE]  }
0x29: {  	s4 =	sld [smem:$0x3FB0]  }
0x2a: {  	p0 =	seq.s32 s5, $0x0;
	s5 =	sld [smem:$0x3FB1]  }
0x2b: {  	s6 =	sld [smem:$0x3FB2]  }
0x2c: {  	s7 =	sld [smem:$0x3FB3]  }
0x2d: {  	s3 =	simm.s32 $0x108;
	s8 =	sld [smem:$0x3FB4]  }
0x2e: {  	s3 =	simm.s32 @!p0 $0x1082;
	s9 =	sld [smem:$0x3FB5]  }
0x2f: {  	lr =	sadd.s32 s0, s3;
	s0 =	sld [smem:$0x3FAC]  }
0x30: {  	s3 =	sld [smem:$0x3FAF]  }
0x31: {  	[smem:$0x3FB8] =	sst s10  }
0x32: {  	s10 =	sld [smem:$0x3FB6];
	_ =	sdelay $0x3  }
0x33: {  	p0 =	seq.s32 s10, $0x1;
	s10 =	sld [smem:$0x3FB8];
	_ =	sdelay $0x3  }
0x34: {  	[smem:$0x3FB8] =	sst s10  }
0x35: {  	s10 =	sld [smem:$0x3FB7];
	_ =	sdelay $0x3  }
0x36: {  	p1 =	seq.s32 s10, $0x1;
	s10 =	sld [smem:$0x3FB8];
	_ =	sdelay $0x3  }
0x37: {  	[smem:$0x3FB8] =	sst s10  }
0x38: {  	s10 =	sld [smem:$0x3FB9]  }
0x39: {  	_ = 	snop;
	(pc) =	sbr.ind lr, $3  }
0x3a: {  	_ = 	snop  }
0x3b: {  	_ = 	snop  }
0x3c: {  	p2 =	seq.s32 s10, $0x1;
	s10 =	sld [smem:$0x3FB8]  }
0x3d: {  	_ =	shalt  }
0x3e: {  	_ =	shalt  }
0x3f: {  	_ =	shalt  }
0x40: {  	_ =	shalt  }
0x41: {  	_ =	shalt  }
0x42: {  	_ =	shalt  }
0x43: {  	_ =	shalt  }
0x44: {  	_ =	shalt  }
0x45: {  	_ =	shalt  }
0x46: {  	_ =	shalt  }
0x47: {  	_ =	shalt  }
0x48: {  	_ =	shalt  }
0x49: {  	_ =	shalt  }
0x4a: {  	_ =	shalt  }
0x4b: {  	_ =	shalt  }
0x4c: {  	_ =	shalt  }
0x4d: {  	_ =	shalt  }
0x4e: {  	_ =	shalt  }
0x4f: {  	_ =	shalt  }
0x50: {  	_ =	shalt  }
0x51: {  	_ =	shalt  }
0x52: {  	_ =	shalt  }
0x53: {  	_ =	shalt  }
0x54: {  	_ =	shalt  }
0x55: {  	_ =	shalt  }
0x56: {  	_ =	shalt  }
0x57: {  	_ =	shalt  }
0x58: {  	_ =	shalt  }
0x59: {  	_ =	shalt  }
0x5a: {  	_ =	shalt  }
0x5b: {  	_ =	shalt  }
0x5c: {  	_ =	shalt  }
0x5d: {  	_ =	shalt  }
0x5e: {  	_ =	shalt  }
0x5f: {  	_ =	shalt  }
0x60: {  	_ =	shalt  }
0x61: {  	_ =	shalt  }
0x62: {  	_ =	shalt  }
0x63: {  	_ =	shalt  }
0x64: {  	_ =	shalt  }
0x65: {  	_ =	shalt  }
0x66: {  	_ =	shalt  }
0x67: {  	_ =	shalt  }
0x68: {  	_ =	shalt  }
0x69: {  	_ =	shalt  }
0x6a: {  	_ =	shalt  }
0x6b: {  	_ =	shalt  }
0x6c: {  	_ =	shalt  }
0x6d: {  	_ =	shalt  }
0x6e: {  	_ =	shalt  }
0x6f: {  	_ =	shalt  }
0x70: {  	_ =	shalt  }
0x71: {  	_ =	shalt  }
0x72: {  	_ =	shalt  }
0x73: {  	_ =	shalt  }
0x74: {  	_ =	shalt  }
0x75: {  	_ =	shalt  }
0x76: {  	_ =	shalt  }
0x77: {  	_ =	shalt  }
0x78: {  	_ =	shalt  }
0x79: {  	_ =	shalt  }
0x7a: {  	_ =	shalt  }
0x7b: {  	_ =	shalt  }
0x7c: {  	_ =	shalt  }
0x7d: {  	_ =	shalt  }
0x7e: {  	_ =	shalt  }
0x7f: {  	_ =	shalt  }
0x80: {  	_ =	shalt  }
0x81: {  	_ =	shalt  }
0x82: {  	_ =	shalt  }
0x83: {  	_ =	shalt  }
0x84: {  	_ =	shalt  }
0x85: {  	_ =	shalt  }
0x86: {  	_ =	shalt  }
0x87: {  	_ =	shalt  }
.Lfunc_end0:
.L_simem_size_0:
called_computation_lowered:
.L_overlay_start_0:
0x88: {  	s2 =	sld [smem:$0x3FD9]  }
0x89: {  	s3 =	sld [smem:$0x3FFE];
	_ =	sdelay $0x1  }
0x8a: {  	s1 =	srdreg.scid  }
0x8b: {  	s0 =	sand.u32 $0x1, s1  }
0x8c: {  	s17 =	sshll.u32 s0, $0xA;
	s2 =	sadd.s32 s3, s2  }
0x8d: {  	s2 =	sadd.s32 s2, s17  }
0x8e: {  	[smem:$0x3FC4] =	sst s2  }
0x8f: {  	_ = 	snop  }
0x90: {  	s2 =	sld [smem:$0x3FC7]  }
0x91: {  	s18 =	sld [smem:$0x3FC6]  }
0x92: {  	s4 =	sld [smem:$0x3FD0];
	(tm) =	ssettm $0x1  }
0x93: {  	s5 =	sld [smem:$0x3FFB];
	_ =	sdelay $0x3  }
0x94: {  	_ =	strace s5  }
0x95: {  	s5 =	sld [smem:$0x3FFC];
	_ =	sdelay $0x3  }
0x96: {  	_ =	strace s5  }
0x97: {  	s5 =	sld [smem:$0x3FFD];
	_ =	sdelay $0x3  }
0x98: {  	_ =	strace s5  }
0x99: {  	_ =	strace $0x8FFFFFFF  }
0x9a: {  	s19 =	sld [smem:$0x3FDB];
	_ =	sdelay $0x1  }
0x9b: {  	s6 =	simm.s32 $_scs_section_size  }
0x9c: {  	s7 =	simm.s32 $_size__tile_overlayer_lowered;
	s8 =	simm.s32 $_tile_overlayer_lowered  }
0x9d: {  	s22 =	simm.s32 $0x1BFF;
	s21 =	sshll.u32 s8, $0x1;
	s5 =	sadd.s32 s6, s19  }
0x9e: {  	s9 =	simm.s32 $0x0;
	s20 =	sshll.u32 s7, $0x1;
	s7 =	sadd.s32 s21, s5  }
0x9f: {  	[timem:s9], [sflag:s22] =	dma.local [hbm:s7], s20  }
0xa0: {  	_ =	swait.ge [sflag:s22], s20  }
0xa1: {  	s6 =	ssub.s32 $0x0, s20;
	[sflag:s22] =	ssyncset.done $0x0  }
0xa2: {  	[sflag:s22] =	ssyncadd.s32 s6;
	_ =	sdelay $0x1  }
0xa3: {  	s23 =	simm.s32 $0x1B8B  }
0xa4: {  	_ =	swait.ge [sflag:s23], $0x1  }
0xa5: {  	[sflag:s23] =	ssyncset.done $0x0  }
0xa6: {  	s25 =	simm.s32 $0x1B8E;
	s24 =	sld [smem:$0x3FFE];
	[sflag:s23] =	ssyncadd.s32 $0xFFFFFFFF  }
0xa7: {  	s26 =	simm.s32 $execute0_lowered;
	[smem:$0x3FD2] =	sst s25  }
0xa8: {  	s7 =	sshll.u32 s26, $0x1;
	_ =	strace $0x80000046;
	[dreg:$0x1] =	wrdreg $0xFFFFFFFF  }
0xa9: {  	s28 =	simm.s32 $_size_execute0_lowered;
	s5 =	sadd.s32 s5, s7;
	[dreg:$0x0] =	wrdreg $0x0  }
0xaa: {  	s7 =	sshll.u32 s28, $0x1;
	[dreg:$0x2] =	wrdreg s5  }
0xab: {  	[dreg:$0x3] =	wrdreg s7  }
0xac: {  	[dreg:$0x4] =	wrdreg $0xC0  }
0xad: {  	_ =	task [dreg:s9], $0x5FFFF  }
0xae: {  	[dreg:$0x1] =	wrdreg $0xFFFFFFFF  }
0xaf: {  	[dreg:$0x0] =	wrdreg $0x60  }
0xb0: {  	[dreg:$0x2] =	wrdreg s24  }
0xb1: {  	[dreg:$0x3] =	wrdreg s4  }
0xb2: {  	[dreg:$0x4] =	wrdreg s2  }
0xb3: {  	[dreg:$0x5] =	wrdreg s18  }
0xb4: {  	[dreg:$0x6] =	wrdreg $0x9  }
0xb5: {  	_ =	task.clear_ibuf [dreg:s9], $0x7FFFF;
	_ =	strace $0x90000046  }
0xb6: {  	s29 =	simm.s32 $0x9;
	_ =	strace $0x80000048  }
0xb7: {  	_ =	swait.ge [sflag:s29], $0x1  }
0xb8: {  	[sflag:s29] =	ssyncadd.s32 $0xFFFFFFFF  }
0xb9: {  	_ =	strace $0x90000048  }
0xba: {  	_ =	sfence  }
0xbb: {  	s30 =	sld [smem:$0x0];
	_ =	sdelay $0x2  }
0xbc: {  	s31 =	sshll.u32 s1, $0xD;
	s1 =	sshrl.u32 s1, $0x2  }
0xbd: {  	s3 =	sand.u32 $0x4000, s31;
	s1 =	sadd.s32 s1, s30  }
0xbe: {  	s0 =	sor.u32 s3, s0;
	s1 =	sshll.u32 s1, $0x11  }
0xbf: {  	s0 =	sor.u32 s1, s0  }
0xc0: {  	s0 =	sadd.s32 $0x8F2B, s0  }
0xc1: {  	[sflag:s0] =	ssyncadd.remote.s32 $0x1  }
0xc2: {  	_ =	sfence.sel $0xFFFF  }
0xc3: {  	[dreg:$0x0] =	wrdreg $0xFFFFFFFF;
	(pc) =	sbr.abs _section_cstart, $3  }
0xc4: {  	[dreg:$0x1] =	wrdreg $0xFFFFFFFF  }
0xc5: {  	_ =	task.clear_ibuf [dreg:s9], $0x2FFFF;
	_ =	strace $0x9FFFFFFF  }
0xc6: {  	(tm) =	ssettm $0x7FFFFFFF  }
0xc7: {  	_ =	shalt  }
tec
execute0_lowered:
.L_overlay_start_1:
0x0: {  	(tag) =	ssettag $0x1  }
0x1: {  	v0 =	vimm.s32 $0xB80  }
0x2: {  	vm13 =	vcmask $0x300;
	vm14 =	vcmask $0x704;
	vm12 =	vcmask $0xB08  }
0x3: {  	vm11 =	vcmask $0xF0C;
	vm10 =	vcmask $0x1310;
	vm9 =	vcmask $0x1714  }
0x4: {  	vm8 =	vcmask $0x1B18;
	vm3 =	vcmask $0x1F1C;
	v4 =	vimm.s32 $0x1B80  }
0x5: {  	v5 =	vimm.s32 $0x2B80;
	vm0 =	vcmask $0x2320;
	vm1 =	vcmask $0x2724  }
0x6: {  	vm2 =	vcmask $0x2B28;
	vm4 =	vcmask $0x2F2C;
	vm5 =	vcmask $0x3330  }
0x7: {  	vm6 =	vcmask $0x3734;
	vm7 =	vcmask $0x3B38;
	v6 =	vimm.s32 $0x3B80  }
0x8: {  	v7 =	vimm.s32 $0x4B80;
	v8 =	vimm.s32 $0x5B80;
	v9 =	vimm.s32 $0x6B80  }
0x9: {  	v10 =	vimm.s32 $0x7B80;
	v11 =	vimm.s32 $0x8B80;
	v12 =	vimm.s32 $0x9B80  }
0xa: {  	v13 =	vimm.s32 $0xAB80;
	v14 =	vimm.s32 $0xBB80;
	v0 =	vsel vm13, $0x0, v0  }
0xb: {  	v4 =	vsel vm13, $0x1000, v4;
	v5 =	vsel vm13, $0x2000, v5;
	v6 =	vsel vm13, $0x3000, v6  }
0xc: {  	v7 =	vsel vm13, $0x4000, v7;
	v8 =	vsel vm13, $0x5000, v8;
	v9 =	vsel vm13, $0x6000, v9  }
0xd: {  	v10 =	vsel vm13, $0x7000, v10;
	v11 =	vsel vm13, $0x8000, v11;
	v12 =	vsel vm13, $0x9000, v12  }
0xe: {  	v13 =	vsel vm13, $0xA000, v13;
	v14 =	vsel vm13, $0xB000, v14;
	v0 =	vsel vm14, $0x80, v0  }
0xf: {  	v4 =	vsel vm14, $0x1080, v4;
	v5 =	vsel vm14, $0x2080, v5;
	v6 =	vsel vm14, $0x3080, v6  }
0x10: {  	v7 =	vsel vm14, $0x4080, v7;
	v8 =	vsel vm14, $0x5080, v8;
	v9 =	vsel vm14, $0x6080, v9  }
0x11: {  	v10 =	vsel vm14, $0x7080, v10;
	v11 =	vsel vm14, $0x8080, v11;
	v12 =	vsel vm14, $0x9080, v12  }
0x12: {  	v13 =	vsel vm14, $0xA080, v13;
	v14 =	vsel vm14, $0xB080, v14;
	v0 =	vsel vm12, $0x100, v0  }
0x13: {  	s0 =	srdreg.scid;
	s2 =	stileid.u32;
	v4 =	vsel vm12, $0x1100, v4;
	v5 =	vsel vm12, $0x2100, v5;
	v6 =	vsel vm12, $0x3100, v6  }
0x14: {  	s1 =	sand.u32 $0x1, s0;
	s18 =	sshll.u32 s2, $0x1;
	v7 =	vsel vm12, $0x4100, v7;
	v8 =	vsel vm12, $0x5100, v8;
	v9 =	vsel vm12, $0x6100, v9  }
0x15: {  	s0 =	sor.u32 s1, s18;
	v10 =	vsel vm12, $0x7100, v10;
	v11 =	vsel vm12, $0x8100, v11;
	v12 =	vsel vm12, $0x9100, v12  }
0x16: {  	s19 =	sadd.s32 $0x1, s0;
	v13 =	vsel vm12, $0xA100, v13;
	v14 =	vsel vm12, $0xB100, v14;
	v1 =	vsel vm11, $0x180, v0  }
0x17: {  	v0 =	vmov s19;
	v4 =	vsel vm11, $0x1180, v4;
	v5 =	vsel vm11, $0x2180, v5  }
0x18: {  	v6 =	vsel vm11, $0x3180, v6;
	v7 =	vsel vm11, $0x4180, v7;
	v8 =	vsel vm11, $0x5180, v8  }
0x19: {  	v9 =	vsel vm11, $0x6180, v9;
	v10 =	vsel vm11, $0x7180, v10;
	v11 =	vsel vm11, $0x8180, v11  }
0x1a: {  	v12 =	vsel vm11, $0x9180, v12;
	v13 =	vsel vm11, $0xA180, v13;
	v14 =	vsel vm11, $0xB180, v14  }
0x1b: {  	v2 =	vsel vm10, $0x200, v1;
	v1 =	vlaneseq.u32;
	v4 =	vsel vm10, $0x1200, v4  }
0x1c: {  	v5 =	vsel vm10, $0x2200, v5;
	v6 =	vsel vm10, $0x3200, v6;
	v7 =	vsel vm10, $0x4200, v7  }
0x1d: {  	v8 =	vsel vm10, $0x5200, v8;
	v9 =	vsel vm10, $0x6200, v9;
	v10 =	vsel vm10, $0x7200, v10  }
0x1e: {  	v11 =	vsel vm10, $0x8200, v11;
	v12 =	vsel vm10, $0x9200, v12;
	v13 =	vsel vm10, $0xA200, v13  }
0x1f: {  	v14 =	vsel vm10, $0xB200, v14;
	v3 =	vsel vm9, $0x280, v2;
	v2 =	vor.u32 $0x4000, v1  }
0x20: {  	v4 =	vsel vm9, $0x1280, v4;
	v5 =	vsel vm9, $0x2280, v5;
	v6 =	vsel vm9, $0x3280, v6  }
0x21: {  	v7 =	vsel vm9, $0x4280, v7;
	v8 =	vsel vm9, $0x5280, v8;
	v9 =	vsel vm9, $0x6280, v9  }
0x22: {  	v10 =	vsel vm9, $0x7280, v10;
	v11 =	vsel vm9, $0x8280, v11;
	v12 =	vsel vm9, $0x9280, v12  }
0x23: {  	v13 =	vsel vm9, $0xA280, v13;
	v14 =	vsel vm9, $0xB280, v14;
	v3 =	vsel vm8, $0x300, v3  }
0x24: {  	v4 =	vsel vm8, $0x1300, v4;
	v5 =	vsel vm8, $0x2300, v5;
	v6 =	vsel vm8, $0x3300, v6  }
0x25: {  	v7 =	vsel vm8, $0x4300, v7;
	v8 =	vsel vm8, $0x5300, v8;
	v9 =	vsel vm8, $0x6300, v9  }
0x26: {  	v10 =	vsel vm8, $0x7300, v10;
	v11 =	vsel vm8, $0x8300, v11;
	v12 =	vsel vm8, $0x9300, v12  }
0x27: {  	v13 =	vsel vm8, $0xA300, v13;
	v14 =	vsel vm8, $0xB300, v14;
	v3 =	vsel vm3, $0x380, v3  }
0x28: {  	v4 =	vsel vm3, $0x1380, v4;
	v5 =	vsel vm3, $0x2380, v5;
	v6 =	vsel vm3, $0x3380, v6  }
0x29: {  	v7 =	vsel vm3, $0x4380, v7;
	v8 =	vsel vm3, $0x5380, v8;
	v9 =	vsel vm3, $0x6380, v9  }
0x2a: {  	v10 =	vsel vm3, $0x7380, v10;
	v11 =	vsel vm3, $0x8380, v11;
	v12 =	vsel vm3, $0x9380, v12  }
0x2b: {  	v13 =	vsel vm3, $0xA380, v13;
	v14 =	vsel vm3, $0xB380, v14;
	v3 =	vsel vm0, $0x800, v3  }
0x2c: {  	v4 =	vsel vm0, $0x1800, v4;
	v5 =	vsel vm0, $0x2800, v5;
	v6 =	vsel vm0, $0x3800, v6  }
0x2d: {  	v7 =	vsel vm0, $0x4800, v7;
	v8 =	vsel vm0, $0x5800, v8;
	v9 =	vsel vm0, $0x6800, v9  }
0x2e: {  	v10 =	vsel vm0, $0x7800, v10;
	v11 =	vsel vm0, $0x8800, v11;
	v12 =	vsel vm0, $0x9800, v12  }
0x2f: {  	v13 =	vsel vm0, $0xA800, v13;
	v14 =	vsel vm0, $0xB800, v14;
	v3 =	vsel vm1, $0x880, v3  }
0x30: {  	v4 =	vsel vm1, $0x1880, v4;
	v5 =	vsel vm1, $0x2880, v5;
	v6 =	vsel vm1, $0x3880, v6  }
0x31: {  	v7 =	vsel vm1, $0x4880, v7;
	v8 =	vsel vm1, $0x5880, v8;
	v9 =	vsel vm1, $0x6880, v9  }
0x32: {  	v10 =	vsel vm1, $0x7880, v10;
	v11 =	vsel vm1, $0x8880, v11;
	v12 =	vsel vm1, $0x9880, v12  }
0x33: {  	v13 =	vsel vm1, $0xA880, v13;
	v14 =	vsel vm1, $0xB880, v14;
	v3 =	vsel vm2, $0x900, v3  }
0x34: {  	v4 =	vsel vm2, $0x1900, v4;
	v5 =	vsel vm2, $0x2900, v5;
	v6 =	vsel vm2, $0x3900, v6  }
0x35: {  	s20 =	rddreg [dreg:$0x0];
	v7 =	vsel vm2, $0x4900, v7;
	v8 =	vsel vm2, $0x5900, v8;
	v9 =	vsel vm2, $0x6900, v9  }
0x36: {  	s3 =	rddreg [dreg:$0x2];
	v10 =	vsel vm2, $0x7900, v10;
	v11 =	vsel vm2, $0x8900, v11;
	v12 =	vsel vm2, $0x9900, v12  }
0x37: {  	s5 =	rddreg [dreg:$0x3];
	s6 =	simm.s32 $0x0;
	v13 =	vsel vm2, $0xA900, v13;
	v14 =	vsel vm2, $0xB900, v14;
	v3 =	vsel vm4, $0x980, v3  }
0x38: {  	s16 =	simm.s32 $0x7C;
	[smem:$0x7FF] =	sst s6;
	s4 =	sadd.s32 $0x2000, s20;
	v4 =	vsel vm4, $0x1980, v4;
	v5 =	vsel vm4, $0x2980, v5;
	v6 =	vsel vm4, $0x3980, v6  }
0x39: {  	s21 =	sadd.s32 $0x2A00, s20;
	_ =	strace $0x80000047;
	[dreg:$0x5] =	wrdreg s4;
	v7 =	vsel vm4, $0x4980, v7;
	v8 =	vsel vm4, $0x5980, v8;
	v9 =	vsel vm4, $0x6980, v9  }
0x3a: {  	s28 =	simm.s32 $0x800;
	s22 =	sadd.s32 $0x1800, s20;
	[dreg:$0x6] =	wrdreg s21;
	v10 =	vsel vm4, $0x7980, v10;
	v11 =	vsel vm4, $0x8980, v11;
	v12 =	vsel vm4, $0x9980, v12  }
0x3b: {  	s30 =	simm.s32 $0x8080;
	s23 =	sadd.s32 $0x1000, s20;
	[dreg:$0x7] =	wrdreg s22;
	v13 =	vsel vm4, $0xA980, v13;
	v14 =	vsel vm4, $0xB980, v14;
	v3 =	vsel vm5, $0xA00, v3  }
0x3c: {  	s12 =	simm.s32 $0x0;
	s24 =	sadd.s32 $0x2800, s20;
	[dreg:$0x8] =	wrdreg s23;
	v4 =	vsel vm5, $0x1A00, v4;
	v5 =	vsel vm5, $0x2A00, v5;
	v6 =	vsel vm5, $0x3A00, v6  }
0x3d: {  	s25 =	sadd.s32 $0x800, s20;
	s13 =	sadd.s32 $0x2C00, s20;
	[dreg:$0x9] =	wrdreg s24;
	v7 =	vsel vm5, $0x4A00, v7;
	v8 =	vsel vm5, $0x5A00, v8;
	v9 =	vsel vm5, $0x6A00, v9  }
0x3e: {  	s14 =	sadd.s32 $0x42E00, s20;
	[dreg:$0xa] =	wrdreg s25;
	s29 =	smul.u32 $0x7A00, s0;
	v10 =	vsel vm5, $0x7A00, v10;
	v11 =	vsel vm5, $0x8A00, v11;
	v15 =	vsel vm5, $0x9A00, v12  }
0x3f: {  	s1 =	ssub.s32 $0x2, s1;
	s24 =	simm.s32 $0x5;
	s15 =	smul.u32 $0x7A, s0;
	v12 =	vmov s0;
	v13 =	vsel vm5, $0xAA00, v13;
	v14 =	vsel vm5, $0xBA00, v14  }
0x40: {  	s25 =	simm.s32 $0x4000;
	s26 =	sshrl.u32 s1, $0x1;
	s31 =	smul.u32 $0xC00, s0;
	v3 =	vsel vm6, $0xA80, v3;
	v4 =	vsel vm6, $0x1A80, v4;
	v5 =	vsel vm6, $0x2A80, v5  }
0x41: {  	p0 =	seq.s32 s0, $0x1F;
	s20 =	smul.u32 $0xC, s0;
	s1 =	ssub.s32 s1, s26;
	v6 =	vsel vm6, $0x3A80, v6;
	v7 =	vsel vm6, $0x4A80, v7;
	v8 =	vsel vm6, $0x5A80, v8  }
0x42: {  	s16 =	simm.s32 @!p0 $0x7A;
	s19 =	simm.s32 $0x12;
	s26 =	simm.s32 $0x8000;
	v9 =	vsel vm6, $0x6A80, v9;
	v10 =	vsel vm6, $0x7A80, v10;
	v11 =	vsel vm6, $0x8A80, v11  }
.Ltmp0:
0x43: {  	s4 =	sadd.s32 s3, s29;
	s19 =	simm.s32 @!p0 $0xC;
	v15 =	vsel vm6, $0x9A80, v15;
	v16 =	vsel vm6, $0xAA80, v13;
	v17 =	vsel vm6, $0xBA80, v14;
	(pc) =	sbr.rel .LBB2_1-.Ltmp0, $4  }
0x44: {  	s21 =	sadd.s32 s5, s31;
	s1 =	smax.u32 s1, $0x1;
	[dreg:$0xb] =	wrdreg s4;
	v3 =	vsel vm7, $0xB00, v3;
	v4 =	vsel vm7, $0x1B00, v4;
	v5 =	vsel vm7, $0x2B00, v5  }
0x45: {  	p0 =	sne.s32 s0, $0x1F;
	s4 =	sadd.s32 $0x100, s4;
	[dreg:$0xe] =	wrdreg s1;
	v6 =	vsel vm7, $0x3B00, v6;
	v7 =	vsel vm7, $0x4B00, v7;
	v8 =	vsel vm7, $0x5B00, v8  }
0x46: {  	s2 =	sadd.s32 $0x100, s21;
	s1 =	simm.s32 $0x3;
	[dreg:$0xc] =	wrdreg s4;
	v9 =	vsel vm7, $0x6B00, v9;
	v10 =	vsel vm7, $0x7B00, v10;
	v11 =	vsel vm7, $0x8B00, v11  }
0x47: {  	[dreg:$0xd] =	wrdreg s2;
	s4 =	simm.s32 $0x1;
	s0 =	simm.s32 $0x2;
	v13 =	vsel vm7, $0x9B00, v15;
	v14 =	vsel vm7, $0xAB00, v16;
	v15 =	vsel vm7, $0xBB00, v17  }
.LBB2_36:
0x48: {  	s10 =	smov.u32 @p1 s10;
	v16 =	vpsel p1, v16, v16;
	s7 =	smov.u32 @p1 s7  }
.LBB2_37:
0x49: {  	p1 =	slt.s32 s10, $0x1  }
0x4a: {  	s2 =	sshrl.u32 @!p1 s7, $0x1F  }
0x4b: {  	p2 =	slt.s32 @!p1 s7, $0x1;
	s2 =	sadd.s32 @!p1 s2, s7  }
0x4c: {  	p2 =	por p2, p1;
	s2 =	sand.u32 @!p1 $0x7FFFE, s2  }
0x4d: {  	s8 =	simm.s32 @!p2 $0x4;
	s2 =	ssub.s32 @!p1 s7, s2  }
0x4e: {  	_ =	swait.ge @!p2 [sflag:s8], $0x800;
	s2 =	sshll.u32 @!p1 s2, $0xD  }
0x4f: {  	[sflag:s8] =	ssyncset.done @!p2 $0x0;
	s2 =	sshra.s32 @!p1 s2, $0x2  }
0x50: {  	vm0 =	vmmov @!p1 $0xffff;
	[sflag:s8] =	ssyncadd.s32 @!p2 $0xFFFFF800;
	s8 =	simm.s32 @!p1 $0x0;
	s2 =	sadd.s32 @!p1 $0x14080, s2  }
0x51: {  	[hbm4b:s14+s8] =	stream.indirect_vreg.scatter @!p1 [tilespmem:s2], [sflag:$0x4], $0x80, v16, vm0, $0xb8;
	[tilespmem:$0x15080] =	vst v63  }
0x52: {  	s2 =	sadd.s32 @!p1 $0x1, s7  }
0x53: {  	s2 =	smov.u32 @p1 s7  }
0x54: {  	p1 =	slt.s32 s2, $0x1  }
0x55: {  	s2 =	simm.s32 @!p1 $0x4  }
0x56: {  	_ =	swait.ge @!p1 [sflag:s2], $0x800  }
0x57: {  	s12 =	sadd.s32 $0x1, s12;
	s31 =	rddreg [dreg:$0xe]  }
0x58: {  	p2 =	sne.s32 s12, s31  }
.Ltmp1:
0x59: {  	_ = 	snop;
	(pc) =	sbr.rel @!p2 .LBB2_38-.Ltmp1, $3  }
0x5a: {  	_ =	sdelay $0x1  }
0x5b: {  	[sflag:s2] =	ssyncset.done @!p1 $0x0  }
0x5c: {  	[sflag:s2] =	ssyncadd.s32 @!p1 $0xFFFFF800  }
.LBB2_1:
0x5d: {  	s2 =	rddreg [dreg:$0x5]  }
0x5e: {  	[tilespmem:s6], [sflag:$0x5] =	stream.linear.gather [hbm4b:s2+s6], $0x4000, $0x38;
	[tilespmem:$0x15080] =	vst v63  }
0x5f: {  	_ =	swait.ge [sflag:s24], $0x4000  }
0x60: {  	[sflag:s24] =	ssyncset.done $0x0  }
0x61: {  	[sflag:s24] =	ssyncadd.s32 $0xFFFFC000  }
0x62: {  	s22 =	rddreg [dreg:$0x1]  }
0x63: {  	[tilespmem:s25], [sflag:$0x5] =	stream.linear.gather [hbm4b:s22+s6], $0x4000, $0x38;
	[tilespmem:$0x15080] =	vst v63  }
0x64: {  	_ =	swait.ge [sflag:s24], $0x4000  }
0x65: {  	[sflag:s24] =	ssyncset.done $0x0  }
0x66: {  	s23 =	rddreg [dreg:$0x6];
	[sflag:s24] =	ssyncadd.s32 $0xFFFFC000  }
0x67: {  	[tilespmem:s26], [sflag:$0x5] =	stream.linear.gather [hbm4b:s23+s6], $0x80, $0x38;
	[tilespmem:$0x15080] =	vst v63  }
0x68: {  	_ =	swait.ge [sflag:s24], $0x80  }
0x69: {  	[sflag:s24] =	ssyncset.done $0x0  }
0x6a: {  	[sflag:s24] =	ssyncadd.s32 $0xFFFFFF80  }
0x6b: {  	v16 =	vld.idx.msk [tilespmem:v0+s26+$0x0], $0xffff  }
0x6c: {  	v17 =	vld.idx.msk [tilespmem:v12+s26+$0x0], $0xffff;
	_ =	sdelay $0x3  }
0x6d: {  	(v2sf) =	vpush v16, $0x0  }
0x6e: {  	(v2sf) =	vpush v17, $0x0;
	_ =	sdelay $0x8  }
0x6f: {  	s7 =	simm.s32 $0x7A1400;
	s29 =	rddreg [dreg:$0xb]  }
0x70: {  	[tilespmem:s30], [sflag:$0x1] =	stream.strided.gather [hbm4b:s29+s28], $0x4000, s7, s28, $0x38;
	[tilespmem:$0x15080] =	vst v63  }
.Ltmp2:
0x71: {  	_ = 	snop;
	(pc) =	sbr.rel .LBB2_2-.Ltmp2, $4  }
0x72: {  	s9 =	simm.s32 $0xC080;
	s31 =	rddreg [dreg:$0xc]  }
0x73: {  	[tilespmem:s9], [sflag:$0x2] =	stream.strided.gather [hbm4b:s31+s28], $0x4000, s7, s28, $0x38;
	[tilespmem:$0x15080] =	vst v63  }
0x74: {  	s10 =	simm.s32 $0x0;
	s8 =	spop (v2sf)  }
0x75: {  	s11 =	simm.s32 $0x0;
	s2 =	simm.s32 $0x0;
	v16 =	vmov v2;
	s9 =	spop (v2sf)  }
.LBB2_13:
0x76: {  	s9 =	smov.u32 @p1 s9;
	s10 =	smov.u32 @p1 s10;
	v16 =	vpsel p1, v16, v16;
	s2 =	smov.u32 @p1 s2  }
.LBB2_14:
0x77: {  	s11 =	sadd.s32 $0x1, s11  }
0x78: {  	p1 =	sne.s32 s11, $0x2A  }
.Ltmp3:
0x79: {  	_ = 	snop;
	(pc) =	sbr.rel @!p1 .LBB2_15-.Ltmp3, $1  }
0x7a: {  	_ =	sdelay $0x3  }
.LBB2_2:
0x7b: {  	s22 =	smul.u32 $0x3, s11;
	_ =	sdelay $0x1  }
0x7c: {  	p2 =	sge.u32 s22, s16  }
.Ltmp4:
0x7d: {  	_ = 	snop;
	(pc) =	sbr.rel @p2 .LBB2_6-.Ltmp4, $3  }
0x7e: {  	_ =	sdelay $0x1  }
0x7f: {  	s18 =	sadd.s32 $0x2, s22  }
0x80: {  	p1 =	sge.u32 s18, s16  }
0x81: {  	s23 =	sadd.s32 @!p1 s15, s18  }
0x82: {  	s23 =	sshll.u32 @!p1 s23, $0x8  }
0x83: {  	s29 =	simm.s32 @!p1 $0x800;
	s23 =	sand.u32 @!p1 $0x1FFFFF00, s23  }
0x84: {  	s31 =	simm.s32 @!p1 $0x7A1400;
	s17 =	simm.s32 @!p1 $0x10080;
	s23 =	sadd.s32 @!p1 s3, s23  }
0x85: {  	[tilespmem:s17], [sflag:$0x3] =	stream.strided.gather @!p1 [hbm4b:s23+s29], $0x4000, s31, s29, $0x38;
	[tilespmem:$0x15080] =	vst v63  }
0x86: {  	s31 =	sadd.s32 s15, s22;
	_ =	swait.ge [sflag:s4], $0x4000  }
0x87: {  	s23 =	sshll.u32 s31, $0x8;
	[sflag:s4] =	ssyncset.done $0x0  }
0x88: {  	s29 =	sadd.s32 $0x100, s23;
	[sflag:s4] =	ssyncadd.s32 $0xFFFFC000  }
.LBB2_4:
0x89: {  	v17 =	vmov s9;
	_ =	sdelay $0x4  }
0x8a: {  	v18 =	vld.idx.msk [tilespmem:v17+s6+$0x0], $0xffff;
	_ =	sdelay $0x4  }
0x8b: {  	(v2sf) =	vpush v18, $0x0;
	_ =	sdelay $0xe  }
0x8c: {  	p2 =	sge.s32 s9, s8;
	s31 =	spop (v2sf)  }
0x8d: {  	p3 =	sge.s32 @!p2 s31, s29  }
0x8e: {  	p3 =	por p2, p3  }
.Ltmp5:
0x8f: {  	_ = 	snop;
	(pc) =	sbr.rel @p3 .LBB2_5-.Ltmp5, $1  }
0x90: {  	_ =	sdelay $0x3  }
0x91: {  	s17 =	ssub.s32 s31, s23  }
0x92: {  	v18 =	vmov s17  }
0x93: {  	v19 =	vshll.u32 v18, $0x3  }
0x94: {  	v18 =	vand.u32 $0x7F, v18;
	v19 =	vand.u32 $0xFFFFFC00, v19  }
0x95: {  	v18 =	vor.u32 v18, v19  }
0x96: {  	v19 =	vadd.s32 v3, v18;
	_ =	sdelay $0x1  }
0x97: {  	s31 =	sshrl.u32 s2, $0x1F  }
0x98: {  	s17 =	sadd.s32 s31, s2  }
0x99: {  	s17 =	sand.u32 $0x7FFFE, s17  }
0x9a: {  	s17 =	ssub.s32 s2, s17;
	v19 =	vld.idx.msk [tilespmem:v19+s30+$0x0], $0xffff  }
0x9b: {  	s17 =	sshll.u32 s17, $0xD;
	v20 =	vadd.s32 v4, v18  }
0x9c: {  	s7 =	sshll.u32 s10, $0x9;
	s17 =	sshra.s32 s17, $0x2  }
0x9d: {  	s31 =	sshra.s32 s7, $0x2;
	s17 =	sadd.s32 $0x14080, s17  }
0x9e: {  	s31 =	sadd.s32 s31, s17  }
0x9f: {  	[tilespmem:s31+$0x0] =	vst v19  }
0xa0: {  	v19 =	vld.idx.msk [tilespmem:v20+s30+$0x0], $0xffff  }
0xa1: {  	v63 =	vadd.s32 v5, v18;
	_ =	sdelay $0x3  }
0xa2: {  	[tilespmem:s31+$0x10] =	vst v19  }
0xa3: {  	v19 =	vld.idx.msk [tilespmem:v63+s30+$0x0], $0xffff  }
0xa4: {  	v18 =	vadd.s32 v6, v18;
	_ =	sdelay $0x3  }
0xa5: {  	[tilespmem:s31+$0x20] =	vst v19  }
0xa6: {  	v18 =	vld.idx.msk [tilespmem:v18+s30+$0x0], $0xffff;
	_ =	sdelay $0x4  }
0xa7: {  	[tilespmem:s31+$0x30] =	vst v18  }
0xa8: {  	v17 =	vld.idx.msk [tilespmem:v17+s25+$0x0], $0xffff;
	_ =	sdelay $0x4  }
0xa9: {  	p2 =	sne.s32 s10, $0xF;
	v18 =	vmov s10;
	v17 =	vbroadcast v17, $0x0  }
0xaa: {  	p3 =	slt.s32 @!p2 s2, $0x1;
	vm0 =	veq.s32 v18, v1  }
0xab: {  	p3 =	por p3, p2;
	v16 =	vsel vm0, v17, v16  }
0xac: {  	s31 =	simm.s32 @!p3 $0x4  }
0xad: {  	_ =	swait.ge @!p3 [sflag:s31], $0x800  }
0xae: {  	[sflag:s31] =	ssyncset.done @!p3 $0x0  }
0xaf: {  	[sflag:s31] =	ssyncadd.s32 @!p3 $0xFFFFF800;
	s31 =	simm.s32 @!p2 $0x0;
	vm0 =	vmmov @!p2 $0xffff  }
0xb0: {  	[hbm4b:s13+s31] =	stream.indirect_vreg.scatter @!p2 [tilespmem:s17], [sflag:$0x4], $0x80, v16, vm0, $0xb8;
	[tilespmem:$0x15080] =	vst v63  }
0xb1: {  	s17 =	sadd.s32 $0x1, s10  }
.Ltmp6:
0xb2: {  	s7 =	sshra.s32 s17, $0x1F;
	(pc) =	sbr.rel .LBB2_4-.Ltmp6, $4  }
0xb3: {  	s31 =	sshrl.u32 s7, $0x1C  }
0xb4: {  	s7 =	sadd.s32 @!p2 $0x1, s2;
	s31 =	sadd.s32 s31, s17  }
0xb5: {  	p6 =	seq.s32 s10, $0xF;
	s7 =	smov.u32 @p2 s2;
	s31 =	sand.u32 $0xFFFFFFF0, s31  }
0xb6: {  	s9 =	sadd.s32 $0x1, s9;
	v16 =	vpsel p6, v2, v16;
	s2 =	smov.u32 s7;
	s10 =	ssub.s32 s17, s31  }
.LBB2_5:
0xb7: {  	s9 =	smov.u32 @p2 s9;
	s10 =	smov.u32 @p2 s10;
	v16 =	vpsel p2, v16, v16;
	s2 =	smov.u32 @p2 s2  }
.LBB2_6:
0xb8: {  	s23 =	sadd.s32 $0x1, s22  }
0xb9: {  	p2 =	sge.u32 s23, s16  }
.Ltmp7:
0xba: {  	_ = 	snop;
	(pc) =	sbr.rel @p2 .LBB2_10-.Ltmp7, $1  }
0xbb: {  	_ =	sdelay $0x3  }
0xbc: {  	s7 =	sadd.s32 $0x3, s22  }
0xbd: {  	p2 =	sge.u32 s7, s16  }
0xbe: {  	s7 =	sadd.s32 @!p2 s15, s7  }
0xbf: {  	s7 =	sshll.u32 @!p2 s7, $0x8  }
0xc0: {  	s17 =	simm.s32 @!p2 $0x800;
	s7 =	sand.u32 @!p2 $0x1FFFFF00, s7  }
0xc1: {  	s29 =	simm.s32 @!p2 $0x7A1400;
	s31 =	simm.s32 @!p2 $0x8080;
	s7 =	sadd.s32 @!p2 s3, s7  }
0xc2: {  	[tilespmem:s31], [sflag:$0x1] =	stream.strided.gather @!p2 [hbm4b:s7+s17], $0x4000, s29, s17, $0x38;
	[tilespmem:$0x15080] =	vst v63  }
0xc3: {  	s31 =	sadd.s32 s15, s23;
	_ =	swait.ge [sflag:s0], $0x4000  }
0xc4: {  	s23 =	sshll.u32 s31, $0x8;
	[sflag:s0] =	ssyncset.done $0x0  }
0xc5: {  	s29 =	sadd.s32 $0x100, s23;
	[sflag:s0] =	ssyncadd.s32 $0xFFFFC000  }
.LBB2_8:
0xc6: {  	v17 =	vmov s9;
	_ =	sdelay $0x4  }
0xc7: {  	v18 =	vld.idx.msk [tilespmem:v17+s6+$0x0], $0xffff;
	_ =	sdelay $0x4  }
0xc8: {  	(v2sf) =	vpush v18, $0x0;
	_ =	sdelay $0xe  }
0xc9: {  	p2 =	sge.s32 s9, s8;
	s31 =	spop (v2sf)  }
0xca: {  	p3 =	sge.s32 @!p2 s31, s29  }
0xcb: {  	p3 =	por p2, p3  }
.Ltmp8:
0xcc: {  	_ = 	snop;
	(pc) =	sbr.rel @p3 .LBB2_9-.Ltmp8, $1  }
0xcd: {  	_ =	sdelay $0x3  }
0xce: {  	s7 =	ssub.s32 s31, s23  }
0xcf: {  	v18 =	vmov s7  }
0xd0: {  	v19 =	vshll.u32 v18, $0x3  }
0xd1: {  	v18 =	vand.u32 $0x7F, v18;
	v19 =	vand.u32 $0xFFFFFC00, v19  }
0xd2: {  	v18 =	vor.u32 v18, v19  }
0xd3: {  	v19 =	vadd.s32 v7, v18;
	_ =	sdelay $0x1  }
0xd4: {  	s17 =	sshrl.u32 s2, $0x1F  }
0xd5: {  	s7 =	sadd.s32 s17, s2  }
0xd6: {  	s7 =	sand.u32 $0x7FFFE, s7  }
0xd7: {  	s7 =	ssub.s32 s2, s7;
	v19 =	vld.idx.msk [tilespmem:v19+s30+$0x0], $0xffff  }
0xd8: {  	s7 =	sshll.u32 s7, $0xD;
	v20 =	vadd.s32 v8, v18  }
0xd9: {  	s17 =	sshll.u32 s10, $0x9;
	s7 =	sshra.s32 s7, $0x2  }
0xda: {  	s17 =	sshra.s32 s17, $0x2;
	s7 =	sadd.s32 $0x14080, s7  }
0xdb: {  	s17 =	sadd.s32 s17, s7  }
0xdc: {  	[tilespmem:s17+$0x0] =	vst v19  }
0xdd: {  	v19 =	vld.idx.msk [tilespmem:v20+s30+$0x0], $0xffff  }
0xde: {  	v63 =	vadd.s32 v9, v18;
	_ =	sdelay $0x3  }
0xdf: {  	[tilespmem:s17+$0x10] =	vst v19  }
0xe0: {  	v19 =	vld.idx.msk [tilespmem:v63+s30+$0x0], $0xffff  }
0xe1: {  	v18 =	vadd.s32 v10, v18;
	_ =	sdelay $0x3  }
0xe2: {  	[tilespmem:s17+$0x20] =	vst v19  }
0xe3: {  	v18 =	vld.idx.msk [tilespmem:v18+s30+$0x0], $0xffff;
	_ =	sdelay $0x4  }
0xe4: {  	[tilespmem:s17+$0x30] =	vst v18  }
0xe5: {  	v17 =	vld.idx.msk [tilespmem:v17+s25+$0x0], $0xffff;
	_ =	sdelay $0x4  }
0xe6: {  	p2 =	sne.s32 s10, $0xF;
	v18 =	vmov s10;
	v17 =	vbroadcast v17, $0x0  }
0xe7: {  	p3 =	slt.s32 @!p2 s2, $0x1;
	vm0 =	veq.s32 v18, v1  }
0xe8: {  	p3 =	por p3, p2;
	v16 =	vsel vm0, v17, v16  }
0xe9: {  	s17 =	simm.s32 @!p3 $0x4  }
0xea: {  	_ =	swait.ge @!p3 [sflag:s17], $0x800  }
0xeb: {  	[sflag:s17] =	ssyncset.done @!p3 $0x0  }
0xec: {  	[sflag:s17] =	ssyncadd.s32 @!p3 $0xFFFFF800;
	s17 =	simm.s32 @!p2 $0x0;
	vm0 =	vmmov @!p2 $0xffff  }
0xed: {  	[hbm4b:s13+s17] =	stream.indirect_vreg.scatter @!p2 [tilespmem:s7], [sflag:$0x4], $0x80, v16, vm0, $0xb8;
	[tilespmem:$0x15080] =	vst v63  }
0xee: {  	s7 =	sadd.s32 $0x1, s10  }
.Ltmp9:
0xef: {  	s31 =	sshra.s32 s7, $0x1F;
	(pc) =	sbr.rel .LBB2_8-.Ltmp9, $4  }
0xf0: {  	s17 =	sshrl.u32 s31, $0x1C  }
0xf1: {  	s31 =	sadd.s32 @!p2 $0x1, s2;
	s17 =	sadd.s32 s17, s7  }
0xf2: {  	p6 =	seq.s32 s10, $0xF;
	s31 =	smov.u32 @p2 s2;
	s17 =	sand.u32 $0xFFFFFFF0, s17  }
0xf3: {  	s9 =	sadd.s32 $0x1, s9;
	v16 =	vpsel p6, v2, v16;
	s2 =	smov.u32 s31;
	s10 =	ssub.s32 s7, s17  }
.LBB2_9:
0xf4: {  	s9 =	smov.u32 @p2 s9;
	s10 =	smov.u32 @p2 s10;
	v16 =	vpsel p2, v16, v16;
	s2 =	smov.u32 @p2 s2  }
.LBB2_10:
.Ltmp10:
0xf5: {  	(pc) =	sbr.rel @p1 .LBB2_14-.Ltmp10, $1  }
0xf6: {  	_ =	sdelay $0x3  }
0xf7: {  	s7 =	sadd.s32 $0x4, s22  }
0xf8: {  	p1 =	sge.u32 s7, s16  }
0xf9: {  	s7 =	sadd.s32 @!p1 s15, s7  }
0xfa: {  	s7 =	sshll.u32 @!p1 s7, $0x8  }
0xfb: {  	s17 =	simm.s32 @!p1 $0x800;
	s7 =	sand.u32 @!p1 $0x1FFFFF00, s7  }
0xfc: {  	s22 =	simm.s32 @!p1 $0x7A1400;
	s23 =	simm.s32 @!p1 $0xC080;
	s7 =	sadd.s32 @!p1 s3, s7  }
0xfd: {  	[tilespmem:s23], [sflag:$0x2] =	stream.strided.gather @!p1 [hbm4b:s7+s17], $0x4000, s22, s17, $0x38;
	[tilespmem:$0x15080] =	vst v63  }
0xfe: {  	s31 =	sadd.s32 s15, s18;
	_ =	swait.ge [sflag:s1], $0x4000  }
0xff: {  	s18 =	sshll.u32 s31, $0x8;
	[sflag:s1] =	ssyncset.done $0x0  }
0x100: {  	s22 =	sadd.s32 $0x100, s18;
	[sflag:s1] =	ssyncadd.s32 $0xFFFFC000  }
.LBB2_12:
0x101: {  	v17 =	vmov s9;
	_ =	sdelay $0x4  }
0x102: {  	v18 =	vld.idx.msk [tilespmem:v17+s6+$0x0], $0xffff;
	_ =	sdelay $0x4  }
0x103: {  	(v2sf) =	vpush v18, $0x0;
	_ =	sdelay $0xe  }
0x104: {  	p1 =	sge.s32 s9, s8;
	s23 =	spop (v2sf)  }
0x105: {  	p2 =	sge.s32 @!p1 s23, s22  }
0x106: {  	p2 =	por p1, p2  }
.Ltmp11:
0x107: {  	_ = 	snop;
	(pc) =	sbr.rel @p2 .LBB2_13-.Ltmp11, $1  }
0x108: {  	_ =	sdelay $0x3  }
0x109: {  	s7 =	ssub.s32 s23, s18  }
0x10a: {  	v18 =	vmov s7  }
0x10b: {  	v19 =	vshll.u32 v18, $0x3  }
0x10c: {  	v18 =	vand.u32 $0x7F, v18;
	v19 =	vand.u32 $0xFFFFFC00, v19  }
0x10d: {  	v18 =	vor.u32 v18, v19  }
0x10e: {  	v19 =	vadd.s32 v11, v18;
	_ =	sdelay $0x1  }
0x10f: {  	s23 =	sshrl.u32 s2, $0x1F  }
0x110: {  	s7 =	sadd.s32 s23, s2  }
0x111: {  	s7 =	sand.u32 $0x7FFFE, s7  }
0x112: {  	s7 =	ssub.s32 s2, s7;
	v19 =	vld.idx.msk [tilespmem:v19+s30+$0x0], $0xffff  }
0x113: {  	s7 =	sshll.u32 s7, $0xD;
	v20 =	vadd.s32 v13, v18  }
0x114: {  	s17 =	sshll.u32 s10, $0x9;
	s7 =	sshra.s32 s7, $0x2  }
0x115: {  	s17 =	sshra.s32 s17, $0x2;
	s7 =	sadd.s32 $0x14080, s7  }
0x116: {  	s17 =	sadd.s32 s17, s7  }
0x117: {  	[tilespmem:s17+$0x0] =	vst v19  }
0x118: {  	v19 =	vld.idx.msk [tilespmem:v20+s30+$0x0], $0xffff  }
0x119: {  	v63 =	vadd.s32 v14, v18;
	_ =	sdelay $0x3  }
0x11a: {  	[tilespmem:s17+$0x10] =	vst v19  }
0x11b: {  	v19 =	vld.idx.msk [tilespmem:v63+s30+$0x0], $0xffff  }
0x11c: {  	v18 =	vadd.s32 v15, v18;
	_ =	sdelay $0x3  }
0x11d: {  	[tilespmem:s17+$0x20] =	vst v19  }
0x11e: {  	v18 =	vld.idx.msk [tilespmem:v18+s30+$0x0], $0xffff;
	_ =	sdelay $0x4  }
0x11f: {  	[tilespmem:s17+$0x30] =	vst v18  }
0x120: {  	v17 =	vld.idx.msk [tilespmem:v17+s25+$0x0], $0xffff;
	_ =	sdelay $0x4  }
0x121: {  	p1 =	sne.s32 s10, $0xF;
	v18 =	vmov s10;
	v17 =	vbroadcast v17, $0x0  }
0x122: {  	p2 =	slt.s32 @!p1 s2, $0x1;
	vm0 =	veq.s32 v18, v1  }
0x123: {  	p2 =	por p2, p1;
	v16 =	vsel vm0, v17, v16  }
0x124: {  	s17 =	simm.s32 @!p2 $0x4  }
0x125: {  	_ =	swait.ge @!p2 [sflag:s17], $0x800  }
0x126: {  	[sflag:s17] =	ssyncset.done @!p2 $0x0  }
0x127: {  	[sflag:s17] =	ssyncadd.s32 @!p2 $0xFFFFF800;
	s17 =	simm.s32 @!p1 $0x0;
	vm0 =	vmmov @!p1 $0xffff  }
0x128: {  	[hbm4b:s13+s17] =	stream.indirect_vreg.scatter @!p1 [tilespmem:s7], [sflag:$0x4], $0x80, v16, vm0, $0xb8;
	[tilespmem:$0x15080] =	vst v63  }
0x129: {  	s7 =	sadd.s32 $0x1, s10  }
.Ltmp12:
0x12a: {  	s29 =	sshra.s32 s7, $0x1F;
	(pc) =	sbr.rel .LBB2_12-.Ltmp12, $4  }
0x12b: {  	s17 =	sshrl.u32 s29, $0x1C  }
0x12c: {  	s23 =	sadd.s32 @!p1 $0x1, s2;
	s17 =	sadd.s32 s17, s7  }
0x12d: {  	p6 =	seq.s32 s10, $0xF;
	s23 =	smov.u32 @p1 s2;
	s31 =	sand.u32 $0xFFFFFFF0, s17  }
0x12e: {  	s9 =	sadd.s32 $0x1, s9;
	s2 =	smov.u32 s23;
	v16 =	vpsel p6, v2, v16;
	s10 =	ssub.s32 s7, s31  }
.LBB2_15:
.Ltmp13:
0x12f: {  	(pc) =	sbr.rel @p0 .LBB2_19-.Ltmp13, $1  }
0x130: {  	_ =	sdelay $0x3  }
0x131: {  	s7 =	rddreg [dreg:$0x0]  }
0x132: {  	[tilespmem:s30], [sflag:$0x5] =	stream.linear.gather [hbm4b:s7+s6], $0x4000, $0x38;
	[tilespmem:$0x15080] =	vst v63  }
0x133: {  	_ =	swait.ge [sflag:s24], $0x4000  }
0x134: {  	[sflag:s24] =	ssyncset.done $0x0  }
0x135: {  	[sflag:s24] =	ssyncadd.s32 $0xFFFFC000  }
.LBB2_17:
0x136: {  	v17 =	vmov s9;
	_ =	sdelay $0x4  }
0x137: {  	v18 =	vld.idx.msk [tilespmem:v17+s6+$0x0], $0xffff;
	_ =	sdelay $0x4  }
0x138: {  	(v2sf) =	vpush v18, $0x0;
	_ =	sdelay $0xe  }
0x139: {  	p1 =	sge.s32 s9, s8;
	s11 =	spop (v2sf)  }
0x13a: {  	p2 =	sgt.s32 @!p1 s11, $0xF42FF  }
0x13b: {  	p2 =	por p1, p2  }
.Ltmp14:
0x13c: {  	_ = 	snop;
	(pc) =	sbr.rel @p2 .LBB2_18-.Ltmp14, $1  }
0x13d: {  	_ =	sdelay $0x3  }
0x13e: {  	s7 =	sadd.s32 $0xFFF0BE00, s11  }
0x13f: {  	v18 =	vmov s7  }
0x140: {  	v19 =	vshll.u32 v18, $0x3  }
0x141: {  	v18 =	vand.u32 $0x7F, v18;
	v19 =	vand.u32 $0xFFFFFC00, v19  }
0x142: {  	v18 =	vor.u32 v18, v19  }
0x143: {  	v19 =	vadd.s32 v3, v18;
	_ =	sdelay $0x1  }
0x144: {  	s18 =	sshrl.u32 s2, $0x1F  }
0x145: {  	s7 =	sadd.s32 s18, s2  }
0x146: {  	s7 =	sand.u32 $0x7FFFE, s7  }
0x147: {  	s7 =	ssub.s32 s2, s7;
	v19 =	vld.idx.msk [tilespmem:v19+s30+$0x0], $0xffff  }
0x148: {  	s7 =	sshll.u32 s7, $0xD;
	v20 =	vadd.s32 v4, v18  }
0x149: {  	s22 =	sshll.u32 s10, $0x9;
	s7 =	sshra.s32 s7, $0x2  }
0x14a: {  	s11 =	sshra.s32 s22, $0x2;
	s7 =	sadd.s32 $0x14080, s7  }
0x14b: {  	s11 =	sadd.s32 s11, s7  }
0x14c: {  	[tilespmem:s11+$0x0] =	vst v19  }
0x14d: {  	v19 =	vld.idx.msk [tilespmem:v20+s30+$0x0], $0xffff  }
0x14e: {  	v63 =	vadd.s32 v5, v18;
	_ =	sdelay $0x3  }
0x14f: {  	[tilespmem:s11+$0x10] =	vst v19  }
0x150: {  	v19 =	vld.idx.msk [tilespmem:v63+s30+$0x0], $0xffff  }
0x151: {  	v18 =	vadd.s32 v6, v18;
	_ =	sdelay $0x3  }
0x152: {  	[tilespmem:s11+$0x20] =	vst v19  }
0x153: {  	v18 =	vld.idx.msk [tilespmem:v18+s30+$0x0], $0xffff;
	_ =	sdelay $0x4  }
0x154: {  	[tilespmem:s11+$0x30] =	vst v18  }
0x155: {  	v17 =	vld.idx.msk [tilespmem:v17+s25+$0x0], $0xffff;
	_ =	sdelay $0x4  }
0x156: {  	p1 =	sne.s32 s10, $0xF;
	v18 =	vmov s10;
	v17 =	vbroadcast v17, $0x0  }
0x157: {  	p2 =	slt.s32 @!p1 s2, $0x1;
	vm0 =	veq.s32 v18, v1  }
0x158: {  	p2 =	por p2, p1;
	v16 =	vsel vm0, v17, v16  }
0x159: {  	s11 =	simm.s32 @!p2 $0x4  }
0x15a: {  	_ =	swait.ge @!p2 [sflag:s11], $0x800  }
0x15b: {  	[sflag:s11] =	ssyncset.done @!p2 $0x0  }
0x15c: {  	s23 =	sadd.s32 $0x1, s10;
	[sflag:s11] =	ssyncadd.s32 @!p2 $0xFFFFF800;
	s11 =	simm.s32 @!p1 $0x0;
	vm0 =	vmmov @!p1 $0xffff  }
0x15d: {  	[hbm4b:s13+s11] =	stream.indirect_vreg.scatter @!p1 [tilespmem:s7], [sflag:$0x4], $0x80, v16, vm0, $0xb8;
	[tilespmem:$0x15080] =	vst v63  }
.Ltmp15:
0x15e: {  	s29 =	sshra.s32 s23, $0x1F;
	(pc) =	sbr.rel .LBB2_17-.Ltmp15, $4  }
0x15f: {  	s11 =	sshrl.u32 s29, $0x1C  }
0x160: {  	s17 =	sadd.s32 @!p1 $0x1, s2;
	s11 =	sadd.s32 s11, s23  }
0x161: {  	p6 =	seq.s32 s10, $0xF;
	s17 =	smov.u32 @p1 s2;
	s31 =	sand.u32 $0xFFFFFFF0, s11  }
0x162: {  	s9 =	sadd.s32 $0x1, s9;
	s2 =	smov.u32 s17;
	v16 =	vpsel p6, v2, v16;
	s10 =	ssub.s32 s23, s31  }
.LBB2_18:
0x163: {  	s10 =	smov.u32 @p1 s10;
	v16 =	vpsel p1, v16, v16;
	s2 =	smov.u32 @p1 s2  }
.LBB2_19:
0x164: {  	p1 =	slt.s32 s10, $0x1  }
0x165: {  	s7 =	sshrl.u32 @!p1 s2, $0x1F  }
0x166: {  	p2 =	slt.s32 @!p1 s2, $0x1;
	s7 =	sadd.s32 @!p1 s7, s2  }
0x167: {  	p2 =	por p2, p1;
	s7 =	sand.u32 @!p1 $0x7FFFE, s7  }
0x168: {  	s8 =	simm.s32 @!p2 $0x4;
	s7 =	ssub.s32 @!p1 s2, s7  }
0x169: {  	_ =	swait.ge @!p2 [sflag:s8], $0x800;
	s7 =	sshll.u32 @!p1 s7, $0xD  }
0x16a: {  	[sflag:s8] =	ssyncset.done @!p2 $0x0;
	s7 =	sshra.s32 @!p1 s7, $0x2  }
0x16b: {  	vm0 =	vmmov @!p1 $0xffff;
	[sflag:s8] =	ssyncadd.s32 @!p2 $0xFFFFF800;
	s8 =	simm.s32 @!p1 $0x0;
	s7 =	sadd.s32 @!p1 $0x14080, s7  }
0x16c: {  	[hbm4b:s13+s8] =	stream.indirect_vreg.scatter @!p1 [tilespmem:s7], [sflag:$0x4], $0x80, v16, vm0, $0xb8;
	[tilespmem:$0x15080] =	vst v63  }
0x16d: {  	s7 =	sadd.s32 @!p1 $0x1, s2  }
0x16e: {  	s7 =	smov.u32 @p1 s2  }
0x16f: {  	p1 =	slt.s32 s7, $0x1  }
0x170: {  	s2 =	simm.s32 @!p1 $0x4  }
0x171: {  	_ =	swait.ge @!p1 [sflag:s2], $0x800  }
0x172: {  	[sflag:s2] =	ssyncset.done @!p1 $0x0  }
0x173: {  	s7 =	simm.s32 $0x0;
	s18 =	rddreg [dreg:$0x7];
	[sflag:s2] =	ssyncadd.s32 @!p1 $0xFFFFF800  }
0x174: {  	[tilespmem:s7], [sflag:$0x5] =	stream.linear.gather [hbm4b:s18+s7], $0x4000, $0x38;
	[tilespmem:$0x15080] =	vst v63  }
0x175: {  	_ =	swait.ge [sflag:s24], $0x4000  }
0x176: {  	[sflag:s24] =	ssyncset.done $0x0  }
0x177: {  	s22 =	rddreg [dreg:$0x8];
	[sflag:s24] =	ssyncadd.s32 $0xFFFFC000  }
0x178: {  	[tilespmem:s25], [sflag:$0x5] =	stream.linear.gather [hbm4b:s22+s7], $0x4000, $0x38;
	[tilespmem:$0x15080] =	vst v63  }
0x179: {  	_ =	swait.ge [sflag:s24], $0x4000  }
0x17a: {  	[sflag:s24] =	ssyncset.done $0x0  }
0x17b: {  	s23 =	rddreg [dreg:$0x9];
	[sflag:s24] =	ssyncadd.s32 $0xFFFFC000  }
0x17c: {  	[tilespmem:s26], [sflag:$0x5] =	stream.linear.gather [hbm4b:s23+s7], $0x80, $0x38;
	[tilespmem:$0x15080] =	vst v63  }
0x17d: {  	_ =	swait.ge [sflag:s24], $0x80  }
0x17e: {  	[sflag:s24] =	ssyncset.done $0x0  }
0x17f: {  	[sflag:s24] =	ssyncadd.s32 $0xFFFFFF80  }
0x180: {  	v16 =	vld.idx.msk [tilespmem:v0+s26+$0x0], $0xffff  }
0x181: {  	v17 =	vld.idx.msk [tilespmem:v12+s26+$0x0], $0xffff;
	_ =	sdelay $0x3  }
0x182: {  	(v2sf) =	vpush v16, $0x0  }
0x183: {  	(v2sf) =	vpush v17, $0x0;
	_ =	sdelay $0x8  }
0x184: {  	s9 =	simm.s32 $0xC3800  }
0x185: {  	[tilespmem:s30], [sflag:$0x1] =	stream.strided.gather [hbm4b:s21+s28], $0x4000, s9, s28, $0x38;
	[tilespmem:$0x15080] =	vst v63  }
.Ltmp16:
0x186: {  	_ = 	snop;
	(pc) =	sbr.rel .LBB2_20-.Ltmp16, $4  }
0x187: {  	s31 =	simm.s32 $0xC080;
	s29 =	rddreg [dreg:$0xd]  }
0x188: {  	[tilespmem:s31], [sflag:$0x2] =	stream.strided.gather [hbm4b:s29+s28], $0x4000, s9, s28, $0x38;
	[tilespmem:$0x15080] =	vst v63  }
0x189: {  	s8 =	spop (v2sf)  }
0x18a: {  	s10 =	simm.s32 $0x0;
	s11 =	simm.s32 $0x0;
	v16 =	vmov v2;
	s9 =	spop (v2sf)  }
.LBB2_31:
0x18b: {  	s9 =	smov.u32 @p1 s9;
	s10 =	smov.u32 @p1 s10;
	v16 =	vpsel p1, v16, v16;
	s7 =	smov.u32 @p1 s7  }
.LBB2_32:
0x18c: {  	s11 =	sadd.s32 $0x1, s11  }
0x18d: {  	p1 =	sne.s32 s11, $0x6  }
.Ltmp17:
0x18e: {  	_ = 	snop;
	(pc) =	sbr.rel @!p1 .LBB2_33-.Ltmp17, $1  }
0x18f: {  	_ =	sdelay $0x3  }
.LBB2_20:
0x190: {  	s22 =	smul.u32 $0x3, s11;
	_ =	sdelay $0x1  }
0x191: {  	p2 =	sge.u32 s22, s19  }
.Ltmp18:
0x192: {  	_ = 	snop;
	(pc) =	sbr.rel @p2 .LBB2_24-.Ltmp18, $3  }
0x193: {  	_ =	sdelay $0x1  }
0x194: {  	s18 =	sadd.s32 $0x2, s22  }
0x195: {  	p1 =	sge.u32 s18, s19  }
0x196: {  	s2 =	sadd.s32 @!p1 s20, s18  }
0x197: {  	s2 =	sshll.u32 @!p1 s2, $0x8  }
0x198: {  	s17 =	simm.s32 @!p1 $0x800;
	s2 =	sand.u32 @!p1 $0x1FFFFF00, s2  }
0x199: {  	s23 =	simm.s32 @!p1 $0xC3800;
	s29 =	simm.s32 @!p1 $0x10080;
	s2 =	sadd.s32 @!p1 s5, s2  }
0x19a: {  	[tilespmem:s29], [sflag:$0x3] =	stream.strided.gather @!p1 [hbm4b:s2+s17], $0x4000, s23, s17, $0x38;
	[tilespmem:$0x15080] =	vst v63  }
0x19b: {  	s31 =	sadd.s32 s20, s22;
	_ =	swait.ge [sflag:s4], $0x4000  }
0x19c: {  	s23 =	sshll.u32 s31, $0x8;
	[sflag:s4] =	ssyncset.done $0x0  }
0x19d: {  	s29 =	sadd.s32 $0x100, s23;
	[sflag:s4] =	ssyncadd.s32 $0xFFFFC000  }
.LBB2_22:
0x19e: {  	v17 =	vmov s9;
	_ =	sdelay $0x4  }
0x19f: {  	v18 =	vld.idx.msk [tilespmem:v17+s6+$0x0], $0xffff;
	_ =	sdelay $0x4  }
0x1a0: {  	(v2sf) =	vpush v18, $0x0;
	_ =	sdelay $0xe  }
0x1a1: {  	p2 =	sge.s32 s9, s8;
	s31 =	spop (v2sf)  }
0x1a2: {  	p3 =	sge.s32 @!p2 s31, s29  }
0x1a3: {  	p3 =	por p2, p3  }
.Ltmp19:
0x1a4: {  	_ = 	snop;
	(pc) =	sbr.rel @p3 .LBB2_23-.Ltmp19, $1  }
0x1a5: {  	_ =	sdelay $0x3  }
0x1a6: {  	s2 =	ssub.s32 s31, s23  }
0x1a7: {  	v18 =	vmov s2  }
0x1a8: {  	v19 =	vshll.u32 v18, $0x3  }
0x1a9: {  	v18 =	vand.u32 $0x7F, v18;
	v19 =	vand.u32 $0xFFFFFC00, v19  }
0x1aa: {  	v18 =	vor.u32 v18, v19  }
0x1ab: {  	v19 =	vadd.s32 v3, v18;
	_ =	sdelay $0x1  }
0x1ac: {  	s17 =	sshrl.u32 s7, $0x1F  }
0x1ad: {  	s2 =	sadd.s32 s17, s7  }
0x1ae: {  	s2 =	sand.u32 $0x7FFFE, s2  }
0x1af: {  	s2 =	ssub.s32 s7, s2;
	v19 =	vld.idx.msk [tilespmem:v19+s30+$0x0], $0xffff  }
0x1b0: {  	s2 =	sshll.u32 s2, $0xD;
	v20 =	vadd.s32 v4, v18  }
0x1b1: {  	s17 =	sshll.u32 s10, $0x9;
	s2 =	sshra.s32 s2, $0x2  }
0x1b2: {  	s17 =	sshra.s32 s17, $0x2;
	s2 =	sadd.s32 $0x14080, s2  }
0x1b3: {  	s17 =	sadd.s32 s17, s2  }
0x1b4: {  	[tilespmem:s17+$0x0] =	vst v19  }
0x1b5: {  	v19 =	vld.idx.msk [tilespmem:v20+s30+$0x0], $0xffff  }
0x1b6: {  	v63 =	vadd.s32 v5, v18;
	_ =	sdelay $0x3  }
0x1b7: {  	[tilespmem:s17+$0x10] =	vst v19  }
0x1b8: {  	v19 =	vld.idx.msk [tilespmem:v63+s30+$0x0], $0xffff  }
0x1b9: {  	v18 =	vadd.s32 v6, v18;
	_ =	sdelay $0x3  }
0x1ba: {  	[tilespmem:s17+$0x20] =	vst v19  }
0x1bb: {  	v18 =	vld.idx.msk [tilespmem:v18+s30+$0x0], $0xffff;
	_ =	sdelay $0x4  }
0x1bc: {  	[tilespmem:s17+$0x30] =	vst v18  }
0x1bd: {  	v17 =	vld.idx.msk [tilespmem:v17+s25+$0x0], $0xffff;
	_ =	sdelay $0x4  }
0x1be: {  	p2 =	sne.s32 s10, $0xF;
	v18 =	vmov s10;
	v17 =	vbroadcast v17, $0x0  }
0x1bf: {  	p3 =	slt.s32 @!p2 s7, $0x1;
	vm0 =	veq.s32 v18, v1  }
0x1c0: {  	p3 =	por p3, p2;
	v16 =	vsel vm0, v17, v16  }
0x1c1: {  	s17 =	simm.s32 @!p3 $0x4  }
0x1c2: {  	_ =	swait.ge @!p3 [sflag:s17], $0x800  }
0x1c3: {  	[sflag:s17] =	ssyncset.done @!p3 $0x0  }
0x1c4: {  	[sflag:s17] =	ssyncadd.s32 @!p3 $0xFFFFF800;
	s17 =	simm.s32 @!p2 $0x0;
	vm0 =	vmmov @!p2 $0xffff  }
0x1c5: {  	[hbm4b:s14+s17] =	stream.indirect_vreg.scatter @!p2 [tilespmem:s2], [sflag:$0x4], $0x80, v16, vm0, $0xb8;
	[tilespmem:$0x15080] =	vst v63  }
0x1c6: {  	s2 =	sadd.s32 $0x1, s10  }
.Ltmp20:
0x1c7: {  	s31 =	sshra.s32 s2, $0x1F;
	(pc) =	sbr.rel .LBB2_22-.Ltmp20, $4  }
0x1c8: {  	s17 =	sshrl.u32 s31, $0x1C  }
0x1c9: {  	s31 =	sadd.s32 @!p2 $0x1, s7;
	s17 =	sadd.s32 s17, s2  }
0x1ca: {  	p6 =	seq.s32 s10, $0xF;
	s31 =	smov.u32 @p2 s7;
	s17 =	sand.u32 $0xFFFFFFF0, s17  }
0x1cb: {  	s9 =	sadd.s32 $0x1, s9;
	v16 =	vpsel p6, v2, v16;
	s7 =	smov.u32 s31;
	s10 =	ssub.s32 s2, s17  }
.LBB2_23:
0x1cc: {  	s9 =	smov.u32 @p2 s9;
	s10 =	smov.u32 @p2 s10;
	v16 =	vpsel p2, v16, v16;
	s7 =	smov.u32 @p2 s7  }
.LBB2_24:
0x1cd: {  	s23 =	sadd.s32 $0x1, s22  }
0x1ce: {  	p2 =	sge.u32 s23, s19  }
.Ltmp21:
0x1cf: {  	_ = 	snop;
	(pc) =	sbr.rel @p2 .LBB2_28-.Ltmp21, $1  }
0x1d0: {  	_ =	sdelay $0x3  }
0x1d1: {  	s2 =	sadd.s32 $0x3, s22  }
0x1d2: {  	p2 =	sge.u32 s2, s19  }
0x1d3: {  	s2 =	sadd.s32 @!p2 s20, s2  }
0x1d4: {  	s2 =	sshll.u32 @!p2 s2, $0x8  }
0x1d5: {  	s17 =	simm.s32 @!p2 $0x800;
	s2 =	sand.u32 @!p2 $0x1FFFFF00, s2  }
0x1d6: {  	s29 =	simm.s32 @!p2 $0xC3800;
	s31 =	simm.s32 @!p2 $0x8080;
	s2 =	sadd.s32 @!p2 s5, s2  }
0x1d7: {  	[tilespmem:s31], [sflag:$0x1] =	stream.strided.gather @!p2 [hbm4b:s2+s17], $0x4000, s29, s17, $0x38;
	[tilespmem:$0x15080] =	vst v63  }
0x1d8: {  	s31 =	sadd.s32 s20, s23;
	_ =	swait.ge [sflag:s0], $0x4000  }
0x1d9: {  	s23 =	sshll.u32 s31, $0x8;
	[sflag:s0] =	ssyncset.done $0x0  }
0x1da: {  	s29 =	sadd.s32 $0x100, s23;
	[sflag:s0] =	ssyncadd.s32 $0xFFFFC000  }
.LBB2_26:
0x1db: {  	v17 =	vmov s9;
	_ =	sdelay $0x4  }
0x1dc: {  	v18 =	vld.idx.msk [tilespmem:v17+s6+$0x0], $0xffff;
	_ =	sdelay $0x4  }
0x1dd: {  	(v2sf) =	vpush v18, $0x0;
	_ =	sdelay $0xe  }
0x1de: {  	p2 =	sge.s32 s9, s8;
	s31 =	spop (v2sf)  }
0x1df: {  	p3 =	sge.s32 @!p2 s31, s29  }
0x1e0: {  	p3 =	por p2, p3  }
.Ltmp22:
0x1e1: {  	_ = 	snop;
	(pc) =	sbr.rel @p3 .LBB2_27-.Ltmp22, $1  }
0x1e2: {  	_ =	sdelay $0x3  }
0x1e3: {  	s2 =	ssub.s32 s31, s23  }
0x1e4: {  	v18 =	vmov s2  }
0x1e5: {  	v19 =	vshll.u32 v18, $0x3  }
0x1e6: {  	v18 =	vand.u32 $0x7F, v18;
	v19 =	vand.u32 $0xFFFFFC00, v19  }
0x1e7: {  	v18 =	vor.u32 v18, v19  }
0x1e8: {  	v19 =	vadd.s32 v7, v18;
	_ =	sdelay $0x1  }
0x1e9: {  	s17 =	sshrl.u32 s7, $0x1F  }
0x1ea: {  	s2 =	sadd.s32 s17, s7  }
0x1eb: {  	s2 =	sand.u32 $0x7FFFE, s2  }
0x1ec: {  	s2 =	ssub.s32 s7, s2;
	v19 =	vld.idx.msk [tilespmem:v19+s30+$0x0], $0xffff  }
0x1ed: {  	s2 =	sshll.u32 s2, $0xD;
	v20 =	vadd.s32 v8, v18  }
0x1ee: {  	s17 =	sshll.u32 s10, $0x9;
	s2 =	sshra.s32 s2, $0x2  }
0x1ef: {  	s17 =	sshra.s32 s17, $0x2;
	s2 =	sadd.s32 $0x14080, s2  }
0x1f0: {  	s17 =	sadd.s32 s17, s2  }
0x1f1: {  	[tilespmem:s17+$0x0] =	vst v19  }
0x1f2: {  	v19 =	vld.idx.msk [tilespmem:v20+s30+$0x0], $0xffff  }
0x1f3: {  	v63 =	vadd.s32 v9, v18;
	_ =	sdelay $0x3  }
0x1f4: {  	[tilespmem:s17+$0x10] =	vst v19  }
0x1f5: {  	v19 =	vld.idx.msk [tilespmem:v63+s30+$0x0], $0xffff  }
0x1f6: {  	v18 =	vadd.s32 v10, v18;
	_ =	sdelay $0x3  }
0x1f7: {  	[tilespmem:s17+$0x20] =	vst v19  }
0x1f8: {  	v18 =	vld.idx.msk [tilespmem:v18+s30+$0x0], $0xffff;
	_ =	sdelay $0x4  }
0x1f9: {  	[tilespmem:s17+$0x30] =	vst v18  }
0x1fa: {  	v17 =	vld.idx.msk [tilespmem:v17+s25+$0x0], $0xffff;
	_ =	sdelay $0x4  }
0x1fb: {  	p2 =	sne.s32 s10, $0xF;
	v18 =	vmov s10;
	v17 =	vbroadcast v17, $0x0  }
0x1fc: {  	p3 =	slt.s32 @!p2 s7, $0x1;
	vm0 =	veq.s32 v18, v1  }
0x1fd: {  	p3 =	por p3, p2;
	v16 =	vsel vm0, v17, v16  }
0x1fe: {  	s17 =	simm.s32 @!p3 $0x4  }
0x1ff: {  	_ =	swait.ge @!p3 [sflag:s17], $0x800  }
0x200: {  	[sflag:s17] =	ssyncset.done @!p3 $0x0  }
0x201: {  	[sflag:s17] =	ssyncadd.s32 @!p3 $0xFFFFF800;
	s17 =	simm.s32 @!p2 $0x0;
	vm0 =	vmmov @!p2 $0xffff  }
0x202: {  	[hbm4b:s14+s17] =	stream.indirect_vreg.scatter @!p2 [tilespmem:s2], [sflag:$0x4], $0x80, v16, vm0, $0xb8;
	[tilespmem:$0x15080] =	vst v63  }
0x203: {  	s2 =	sadd.s32 $0x1, s10  }
.Ltmp23:
0x204: {  	s31 =	sshra.s32 s2, $0x1F;
	(pc) =	sbr.rel .LBB2_26-.Ltmp23, $4  }
0x205: {  	s17 =	sshrl.u32 s31, $0x1C  }
0x206: {  	s31 =	sadd.s32 @!p2 $0x1, s7;
	s17 =	sadd.s32 s17, s2  }
0x207: {  	p6 =	seq.s32 s10, $0xF;
	s31 =	smov.u32 @p2 s7;
	s17 =	sand.u32 $0xFFFFFFF0, s17  }
0x208: {  	s9 =	sadd.s32 $0x1, s9;
	v16 =	vpsel p6, v2, v16;
	s7 =	smov.u32 s31;
	s10 =	ssub.s32 s2, s17  }
.LBB2_27:
0x209: {  	s9 =	smov.u32 @p2 s9;
	s10 =	smov.u32 @p2 s10;
	v16 =	vpsel p2, v16, v16;
	s7 =	smov.u32 @p2 s7  }
.LBB2_28:
.Ltmp24:
0x20a: {  	(pc) =	sbr.rel @p1 .LBB2_32-.Ltmp24, $1  }
0x20b: {  	_ =	sdelay $0x3  }
0x20c: {  	s2 =	sadd.s32 $0x4, s22  }
0x20d: {  	p1 =	sge.u32 s2, s19  }
0x20e: {  	s2 =	sadd.s32 @!p1 s20, s2  }
0x20f: {  	s2 =	sshll.u32 @!p1 s2, $0x8  }
0x210: {  	s17 =	simm.s32 @!p1 $0x800;
	s2 =	sand.u32 @!p1 $0x1FFFFF00, s2  }
0x211: {  	s22 =	simm.s32 @!p1 $0xC3800;
	s23 =	simm.s32 @!p1 $0xC080;
	s2 =	sadd.s32 @!p1 s5, s2  }
0x212: {  	[tilespmem:s23], [sflag:$0x2] =	stream.strided.gather @!p1 [hbm4b:s2+s17], $0x4000, s22, s17, $0x38;
	[tilespmem:$0x15080] =	vst v63  }
0x213: {  	s31 =	sadd.s32 s20, s18;
	_ =	swait.ge [sflag:s1], $0x4000  }
0x214: {  	s18 =	sshll.u32 s31, $0x8;
	[sflag:s1] =	ssyncset.done $0x0  }
0x215: {  	s22 =	sadd.s32 $0x100, s18;
	[sflag:s1] =	ssyncadd.s32 $0xFFFFC000  }
.LBB2_30:
0x216: {  	v17 =	vmov s9;
	_ =	sdelay $0x4  }
0x217: {  	v18 =	vld.idx.msk [tilespmem:v17+s6+$0x0], $0xffff;
	_ =	sdelay $0x4  }
0x218: {  	(v2sf) =	vpush v18, $0x0;
	_ =	sdelay $0xe  }
0x219: {  	p1 =	sge.s32 s9, s8;
	s23 =	spop (v2sf)  }
0x21a: {  	p2 =	sge.s32 @!p1 s23, s22  }
0x21b: {  	p2 =	por p1, p2  }
.Ltmp25:
0x21c: {  	_ = 	snop;
	(pc) =	sbr.rel @p2 .LBB2_31-.Ltmp25, $1  }
0x21d: {  	_ =	sdelay $0x3  }
0x21e: {  	s2 =	ssub.s32 s23, s18  }
0x21f: {  	v18 =	vmov s2  }
0x220: {  	v19 =	vshll.u32 v18, $0x3  }
0x221: {  	v18 =	vand.u32 $0x7F, v18;
	v19 =	vand.u32 $0xFFFFFC00, v19  }
0x222: {  	v18 =	vor.u32 v18, v19  }
0x223: {  	v19 =	vadd.s32 v11, v18;
	_ =	sdelay $0x1  }
0x224: {  	s23 =	sshrl.u32 s7, $0x1F  }
0x225: {  	s2 =	sadd.s32 s23, s7  }
0x226: {  	s2 =	sand.u32 $0x7FFFE, s2  }
0x227: {  	s2 =	ssub.s32 s7, s2;
	v19 =	vld.idx.msk [tilespmem:v19+s30+$0x0], $0xffff  }
0x228: {  	s2 =	sshll.u32 s2, $0xD;
	v20 =	vadd.s32 v13, v18  }
0x229: {  	s17 =	sshll.u32 s10, $0x9;
	s2 =	sshra.s32 s2, $0x2  }
0x22a: {  	s17 =	sshra.s32 s17, $0x2;
	s2 =	sadd.s32 $0x14080, s2  }
0x22b: {  	s17 =	sadd.s32 s17, s2  }
0x22c: {  	[tilespmem:s17+$0x0] =	vst v19  }
0x22d: {  	v19 =	vld.idx.msk [tilespmem:v20+s30+$0x0], $0xffff  }
0x22e: {  	v63 =	vadd.s32 v14, v18;
	_ =	sdelay $0x3  }
0x22f: {  	[tilespmem:s17+$0x10] =	vst v19  }
0x230: {  	v19 =	vld.idx.msk [tilespmem:v63+s30+$0x0], $0xffff  }
0x231: {  	v18 =	vadd.s32 v15, v18;
	_ =	sdelay $0x3  }
0x232: {  	[tilespmem:s17+$0x20] =	vst v19  }
0x233: {  	v18 =	vld.idx.msk [tilespmem:v18+s30+$0x0], $0xffff;
	_ =	sdelay $0x4  }
0x234: {  	[tilespmem:s17+$0x30] =	vst v18  }
0x235: {  	v17 =	vld.idx.msk [tilespmem:v17+s25+$0x0], $0xffff;
	_ =	sdelay $0x4  }
0x236: {  	p1 =	sne.s32 s10, $0xF;
	v18 =	vmov s10;
	v17 =	vbroadcast v17, $0x0  }
0x237: {  	p2 =	slt.s32 @!p1 s7, $0x1;
	vm0 =	veq.s32 v18, v1  }
0x238: {  	p2 =	por p2, p1;
	v16 =	vsel vm0, v17, v16  }
0x239: {  	s17 =	simm.s32 @!p2 $0x4  }
0x23a: {  	_ =	swait.ge @!p2 [sflag:s17], $0x800  }
0x23b: {  	[sflag:s17] =	ssyncset.done @!p2 $0x0  }
0x23c: {  	[sflag:s17] =	ssyncadd.s32 @!p2 $0xFFFFF800;
	s17 =	simm.s32 @!p1 $0x0;
	vm0 =	vmmov @!p1 $0xffff  }
0x23d: {  	[hbm4b:s14+s17] =	stream.indirect_vreg.scatter @!p1 [tilespmem:s2], [sflag:$0x4], $0x80, v16, vm0, $0xb8;
	[tilespmem:$0x15080] =	vst v63  }
0x23e: {  	s2 =	sadd.s32 $0x1, s10  }
.Ltmp26:
0x23f: {  	s29 =	sshra.s32 s2, $0x1F;
	(pc) =	sbr.rel .LBB2_30-.Ltmp26, $4  }
0x240: {  	s17 =	sshrl.u32 s29, $0x1C  }
0x241: {  	s23 =	sadd.s32 @!p1 $0x1, s7;
	s17 =	sadd.s32 s17, s2  }
0x242: {  	p6 =	seq.s32 s10, $0xF;
	s23 =	smov.u32 @p1 s7;
	s31 =	sand.u32 $0xFFFFFFF0, s17  }
0x243: {  	s9 =	sadd.s32 $0x1, s9;
	s7 =	smov.u32 s23;
	v16 =	vpsel p6, v2, v16;
	s10 =	ssub.s32 s2, s31  }
.LBB2_33:
.Ltmp27:
0x244: {  	(pc) =	sbr.rel @p0 .LBB2_37-.Ltmp27, $1  }
0x245: {  	_ =	sdelay $0x3  }
0x246: {  	s2 =	rddreg [dreg:$0xa]  }
0x247: {  	[tilespmem:s30], [sflag:$0x5] =	stream.linear.gather [hbm4b:s2+s6], $0x4000, $0x38;
	[tilespmem:$0x15080] =	vst v63  }
0x248: {  	_ =	swait.ge [sflag:s24], $0x4000  }
0x249: {  	[sflag:s24] =	ssyncset.done $0x0  }
0x24a: {  	[sflag:s24] =	ssyncadd.s32 $0xFFFFC000  }
.LBB2_35:
0x24b: {  	v17 =	vmov s9;
	_ =	sdelay $0x4  }
0x24c: {  	v18 =	vld.idx.msk [tilespmem:v17+s6+$0x0], $0xffff;
	_ =	sdelay $0x4  }
0x24d: {  	(v2sf) =	vpush v18, $0x0;
	_ =	sdelay $0xe  }
0x24e: {  	p1 =	sge.s32 s9, s8;
	s11 =	spop (v2sf)  }
0x24f: {  	p2 =	sgt.s32 @!p1 s11, $0x186FF  }
0x250: {  	p2 =	por p1, p2  }
.Ltmp28:
0x251: {  	_ = 	snop;
	(pc) =	sbr.rel @p2 .LBB2_36-.Ltmp28, $1  }
0x252: {  	_ =	sdelay $0x3  }
0x253: {  	s2 =	sadd.s32 $0xFFFE7A00, s11  }
0x254: {  	v18 =	vmov s2  }
0x255: {  	v19 =	vshll.u32 v18, $0x3  }
0x256: {  	v18 =	vand.u32 $0x7F, v18;
	v19 =	vand.u32 $0xFFFFFC00, v19  }
0x257: {  	v18 =	vor.u32 v18, v19  }
0x258: {  	v19 =	vadd.s32 v3, v18;
	_ =	sdelay $0x1  }
0x259: {  	s18 =	sshrl.u32 s7, $0x1F  }
0x25a: {  	s2 =	sadd.s32 s18, s7  }
0x25b: {  	s2 =	sand.u32 $0x7FFFE, s2  }
0x25c: {  	s2 =	ssub.s32 s7, s2;
	v19 =	vld.idx.msk [tilespmem:v19+s30+$0x0], $0xffff  }
0x25d: {  	s2 =	sshll.u32 s2, $0xD;
	v20 =	vadd.s32 v4, v18  }
0x25e: {  	s22 =	sshll.u32 s10, $0x9;
	s2 =	sshra.s32 s2, $0x2  }
0x25f: {  	s11 =	sshra.s32 s22, $0x2;
	s2 =	sadd.s32 $0x14080, s2  }
0x260: {  	s11 =	sadd.s32 s11, s2  }
0x261: {  	[tilespmem:s11+$0x0] =	vst v19  }
0x262: {  	v19 =	vld.idx.msk [tilespmem:v20+s30+$0x0], $0xffff  }
0x263: {  	v63 =	vadd.s32 v5, v18;
	_ =	sdelay $0x3  }
0x264: {  	[tilespmem:s11+$0x10] =	vst v19  }
0x265: {  	v19 =	vld.idx.msk [tilespmem:v63+s30+$0x0], $0xffff  }
0x266: {  	v18 =	vadd.s32 v6, v18;
	_ =	sdelay $0x3  }
0x267: {  	[tilespmem:s11+$0x20] =	vst v19  }
0x268: {  	v18 =	vld.idx.msk [tilespmem:v18+s30+$0x0], $0xffff;
	_ =	sdelay $0x4  }
0x269: {  	[tilespmem:s11+$0x30] =	vst v18  }
0x26a: {  	v17 =	vld.idx.msk [tilespmem:v17+s25+$0x0], $0xffff;
	_ =	sdelay $0x4  }
0x26b: {  	p1 =	sne.s32 s10, $0xF;
	v18 =	vmov s10;
	v17 =	vbroadcast v17, $0x0  }
0x26c: {  	p2 =	slt.s32 @!p1 s7, $0x1;
	vm0 =	veq.s32 v18, v1  }
0x26d: {  	p2 =	por p2, p1;
	v16 =	vsel vm0, v17, v16  }
0x26e: {  	s11 =	simm.s32 @!p2 $0x4  }
0x26f: {  	_ =	swait.ge @!p2 [sflag:s11], $0x800  }
0x270: {  	[sflag:s11] =	ssyncset.done @!p2 $0x0  }
0x271: {  	s23 =	sadd.s32 $0x1, s10;
	[sflag:s11] =	ssyncadd.s32 @!p2 $0xFFFFF800;
	s11 =	simm.s32 @!p1 $0x0;
	vm0 =	vmmov @!p1 $0xffff  }
0x272: {  	[hbm4b:s14+s11] =	stream.indirect_vreg.scatter @!p1 [tilespmem:s2], [sflag:$0x4], $0x80, v16, vm0, $0xb8;
	[tilespmem:$0x15080] =	vst v63  }
.Ltmp29:
0x273: {  	s29 =	sshra.s32 s23, $0x1F;
	(pc) =	sbr.rel .LBB2_35-.Ltmp29, $4  }
0x274: {  	s11 =	sshrl.u32 s29, $0x1C  }
0x275: {  	s17 =	sadd.s32 @!p1 $0x1, s7;
	s11 =	sadd.s32 s11, s23  }
0x276: {  	p6 =	seq.s32 s10, $0xF;
	s17 =	smov.u32 @p1 s7;
	s31 =	sand.u32 $0xFFFFFFF0, s11  }
0x277: {  	s9 =	sadd.s32 $0x1, s9;
	s7 =	smov.u32 s17;
	v16 =	vpsel p6, v2, v16;
	s10 =	ssub.s32 s23, s31  }
.LBB2_38:
0x278: {  	_ =	sfence.sel $0x180000  }
0x279: {  	[bflag:$0x0] =	sbarrier.arrive $0xFFFF  }
0x27a: {  	_ =	strace $0x90000047  }
0x27b: {  	s0 =	stileid.u32;
	[bflag:$0x2] =	sbarrier.arrive $0xFFFF  }
0x27c: {  	p0 =	sne.s32 s0, $0x0;
	s0 =	rddreg [dreg:$0x4]  }
0x27d: {  	s0 =	sadd.s32 @!p0 $0x100000, s0  }
0x27e: {  	[sflag:s0] =	ssyncadd.tile.s32 @!p0 $0x1;
	_ =	shalt  }
.Lfunc_end2:
_tile_overlayer_lowered:
.L_overlay_start_2:
0x27f: {  	(tag) =	ssettag $0x2  }
0x280: {  	s0 =	rddreg [dreg:$0x0];
	s2 =	stileid.u32  }
0x281: {  	s1 =	rddreg [dreg:$0x1];
	p0 =	sne.s32 s2, $0x0  }
0x282: {  	s3 =	rddreg [dreg:$0x2];
	[bflag:$0x3] =	sbarrier.arrive $0xFFFF;
	s2 =	simm.s32 @!p0 $0x1C05  }
0x283: {  	[timem:s3], [sflag:s2] =	dma.local @!p0 [hbm:s0], s1  }
0x284: {  	s0 =	simm.s32 @!p0 $0x5  }
0x285: {  	_ =	swait.ge @!p0 [sflag:s0], s1  }
0x286: {  	s1 =	ssub.s32 @!p0 $0x0, s1;
	[sflag:s0] =	ssyncset.done @!p0 $0x0  }
0x287: {  	[sflag:s0] =	ssyncadd.s32 @!p0 s1  }
0x288: {  	[bflag:$0x3] =	sbarrier.arrive $0xFFFF  }
0x289: {  	_ =	shalt  }

// kernel: _two_tower.7.cloned.1.call-start
scs
__scs_entry_jumppad:
0x0: {  	(pc) =	sbr.rel $0x88, $3  }
0x1: {  	(tag) =	ssettag $0x0;
	lr =	simm.s32 $0x1  }
0x2: {  	[smem:$0x3F9D] =	sst lr;
	_ =	strace $0xD0000000  }
0x3: {  	_ = 	snop  }
0x4: {  	_ = 	snop  }
0x5: {  	_ = 	snop  }
0x6: {  	_ = 	snop  }
0x7: {  	_ = 	snop  }
__scs_overlays_trampoline_lowered:
0x8: {  	[smem:$0x3FAC] =	sst s0  }
0x9: {  	[smem:$0x3FAD] =	sst s1  }
0xa: {  	[smem:$0x3FAE] =	sst s2  }
0xb: {  	[smem:$0x3FAF] =	sst s3  }
0xc: {  	[smem:$0x3FB0] =	sst s4  }
0xd: {  	[smem:$0x3FB1] =	sst s5  }
0xe: {  	[smem:$0x3FB2] =	sst s6  }
0xf: {  	[smem:$0x3FB3] =	sst s7  }
0x10: {  	[smem:$0x3FB4] =	sst s8  }
0x11: {  	[smem:$0x3FB5] =	sst s9;
	s0 =	simm.s32 @!p0 $0x0  }
0x12: {  	s1 =	sld [smem:$0x3F9B];
	s0 =	simm.s32 @p0 $0x1  }
0x13: {  	[smem:$0x3FB6] =	sst s0;
	s0 =	simm.s32 @!p1 $0x0  }
0x14: {  	s2 =	sld [smem:$0x3F9A];
	s0 =	simm.s32 @p1 $0x1  }
0x15: {  	[smem:$0x3FB7] =	sst s0;
	s0 =	simm.s32 @!p2 $0x0  }
0x16: {  	s3 =	sld [smem:$0x3FDB];
	s0 =	simm.s32 @p2 $0x1  }
0x17: {  	s4 =	simm.s32 $0x1BF5;
	[smem:$0x3FB9] =	sst s0  }
0x18: {  	s0 =	sld [smem:$0x3F9C];
	_ =	swait.ge [sflag:s4], $0x0  }
0x19: {  	s7 =	sld [smem:$0x3F9D]  }
0x1a: {  	s8 =	sadd.s32 $0xFFFFE003, lr  }
0x1b: {  	s9 =	sadd.s32 $0xFFFFFEF7, lr;
	s5 =	simm.s32 $0xFFFFFFFF;
	p2 =	slt.u32 s8, $0xFFFFF086  }
0x1c: {  	p1 =	slt.u32 s9, $0xF7A;
	s5 =	simm.s32 @!p2 $0x0  }
0x1d: {  	s5 =	simm.s32 @p1 $0x1;
	p0 =	seq.s32 s7, s2  }
0x1e: {  	s7 =	smul.u32 @!p0 $0xF7A, s2;
	p2 =	seq.s32 @!p0 s5, $0x0  }
0x1f: {  	s9 =	smul.u32 $0xF7A, s1;
	s8 =	simm.s32 @!p0 $0x1BF5;
	p2 =	por !p2, p0  }
0x20: {  	[sflag:s8] =	ssyncset.s32 @!p0 $0xFFFFF086;
	s6 =	sadd.s32 @!p0 s3, s7;
	s7 =	simm.s32 @!p0 $0x108  }
0x21: {  	s3 =	sadd.s32 s3, s9;
	s6 =	sadd.s32 @!p0 $0x88, s6;
	s7 =	simm.s32 @p2 $0x1082  }
0x22: {  	[simem:s7], [sflag:s8] =	dma.local @!p0 [hbm:s6], $0xF7A  }
0x23: {  	s9 =	sor.u32 $0xD0000000, s2;
	s6 =	simm.s32 $0x108;
	_ =	swait.ge @!p0 [sflag:s8], $0x0  }
0x24: {  	s3 =	sadd.s32 $0x88, s3;
	s6 =	simm.s32 @!p1 $0x1082;
	[sflag:s4] =	ssyncset.s32 $0xFFFFF086  }
0x25: {  	[simem:s6], [sflag:s4] =	dma.local [hbm:s3], $0xF7A  }
0x26: {  	[smem:$0x3F9D] =	sst s1;
	(tag) =	ssettag s2;
	_ =	strace s9  }
0x27: {  	s1 =	sld [smem:$0x3FAD]  }
0x28: {  	s2 =	sld [smem:$0x3FAE]  }
0x29: {  	s4 =	sld [smem:$0x3FB0]  }
0x2a: {  	p0 =	seq.s32 s5, $0x0;
	s5 =	sld [smem:$0x3FB1]  }
0x2b: {  	s6 =	sld [smem:$0x3FB2]  }
0x2c: {  	s7 =	sld [smem:$0x3FB3]  }
0x2d: {  	s3 =	simm.s32 $0x108;
	s8 =	sld [smem:$0x3FB4]  }
0x2e: {  	s3 =	simm.s32 @!p0 $0x1082;
	s9 =	sld [smem:$0x3FB5]  }
0x2f: {  	lr =	sadd.s32 s0, s3;
	s0 =	sld [smem:$0x3FAC]  }
0x30: {  	s3 =	sld [smem:$0x3FAF]  }
0x31: {  	[smem:$0x3FB8] =	sst s10  }
0x32: {  	s10 =	sld [smem:$0x3FB6];
	_ =	sdelay $0x3  }
0x33: {  	p0 =	seq.s32 s10, $0x1;
	s10 =	sld [smem:$0x3FB8];
	_ =	sdelay $0x3  }
0x34: {  	[smem:$0x3FB8] =	sst s10  }
0x35: {  	s10 =	sld [smem:$0x3FB7];
	_ =	sdelay $0x3  }
0x36: {  	p1 =	seq.s32 s10, $0x1;
	s10 =	sld [smem:$0x3FB8];
	_ =	sdelay $0x3  }
0x37: {  	[smem:$0x3FB8] =	sst s10  }
0x38: {  	s10 =	sld [smem:$0x3FB9]  }
0x39: {  	_ = 	snop;
	(pc) =	sbr.ind lr, $3  }
0x3a: {  	_ = 	snop  }
0x3b: {  	_ = 	snop  }
0x3c: {  	p2 =	seq.s32 s10, $0x1;
	s10 =	sld [smem:$0x3FB8]  }
0x3d: {  	_ =	shalt  }
0x3e: {  	_ =	shalt  }
0x3f: {  	_ =	shalt  }
0x40: {  	_ =	shalt  }
0x41: {  	_ =	shalt  }
0x42: {  	_ =	shalt  }
0x43: {  	_ =	shalt  }
0x44: {  	_ =	shalt  }
0x45: {  	_ =	shalt  }
0x46: {  	_ =	shalt  }
0x47: {  	_ =	shalt  }
0x48: {  	_ =	shalt  }
0x49: {  	_ =	shalt  }
0x4a: {  	_ =	shalt  }
0x4b: {  	_ =	shalt  }
0x4c: {  	_ =	shalt  }
0x4d: {  	_ =	shalt  }
0x4e: {  	_ =	shalt  }
0x4f: {  	_ =	shalt  }
0x50: {  	_ =	shalt  }
0x51: {  	_ =	shalt  }
0x52: {  	_ =	shalt  }
0x53: {  	_ =	shalt  }
0x54: {  	_ =	shalt  }
0x55: {  	_ =	shalt  }
0x56: {  	_ =	shalt  }
0x57: {  	_ =	shalt  }
0x58: {  	_ =	shalt  }
0x59: {  	_ =	shalt  }
0x5a: {  	_ =	shalt  }
0x5b: {  	_ =	shalt  }
0x5c: {  	_ =	shalt  }
0x5d: {  	_ =	shalt  }
0x5e: {  	_ =	shalt  }
0x5f: {  	_ =	shalt  }
0x60: {  	_ =	shalt  }
0x61: {  	_ =	shalt  }
0x62: {  	_ =	shalt  }
0x63: {  	_ =	shalt  }
0x64: {  	_ =	shalt  }
0x65: {  	_ =	shalt  }
0x66: {  	_ =	shalt  }
0x67: {  	_ =	shalt  }
0x68: {  	_ =	shalt  }
0x69: {  	_ =	shalt  }
0x6a: {  	_ =	shalt  }
0x6b: {  	_ =	shalt  }
0x6c: {  	_ =	shalt  }
0x6d: {  	_ =	shalt  }
0x6e: {  	_ =	shalt  }
0x6f: {  	_ =	shalt  }
0x70: {  	_ =	shalt  }
0x71: {  	_ =	shalt  }
0x72: {  	_ =	shalt  }
0x73: {  	_ =	shalt  }
0x74: {  	_ =	shalt  }
0x75: {  	_ =	shalt  }
0x76: {  	_ =	shalt  }
0x77: {  	_ =	shalt  }
0x78: {  	_ =	shalt  }
0x79: {  	_ =	shalt  }
0x7a: {  	_ =	shalt  }
0x7b: {  	_ =	shalt  }
0x7c: {  	_ =	shalt  }
0x7d: {  	_ =	shalt  }
0x7e: {  	_ =	shalt  }
0x7f: {  	_ =	shalt  }
0x80: {  	_ =	shalt  }
0x81: {  	_ =	shalt  }
0x82: {  	_ =	shalt  }
0x83: {  	_ =	shalt  }
0x84: {  	_ =	shalt  }
0x85: {  	_ =	shalt  }
0x86: {  	_ =	shalt  }
0x87: {  	_ =	shalt  }
.Lfunc_end0:
.L_simem_size_0:
called_computation.1_lowered:
.L_overlay_start_0:
0x88: {  	s2 =	sld [smem:$0x3FD9]  }
0x89: {  	s3 =	sld [smem:$0x3FFE];
	_ =	sdelay $0x1  }
0x8a: {  	s1 =	srdreg.scid  }
0x8b: {  	s0 =	sand.u32 $0x1, s1  }
0x8c: {  	s17 =	sshll.u32 s0, $0xA;
	s2 =	sadd.s32 s3, s2  }
0x8d: {  	s2 =	sadd.s32 s2, s17  }
0x8e: {  	[smem:$0x3FC4] =	sst s2  }
0x8f: {  	_ = 	snop  }
0x90: {  	s2 =	sld [smem:$0x3FD0];
	(tm) =	ssettm $0x1  }
0x91: {  	s18 =	sld [smem:$0x3FFB];
	_ =	sdelay $0x3  }
0x92: {  	_ =	strace s18  }
0x93: {  	s3 =	sld [smem:$0x3FFC];
	_ =	sdelay $0x3  }
0x94: {  	_ =	strace s3  }
0x95: {  	s3 =	sld [smem:$0x3FFD];
	_ =	sdelay $0x3  }
0x96: {  	_ =	strace s3  }
0x97: {  	_ =	strace $0x8FFFFFFF  }
0x98: {  	s19 =	sld [smem:$0x3FDB];
	_ =	sdelay $0x1  }
0x99: {  	s4 =	simm.s32 $_scs_section_size  }
0x9a: {  	s5 =	simm.s32 $_size__tile_overlayer_lowered;
	s6 =	simm.s32 $_tile_overlayer_lowered  }
0x9b: {  	s22 =	simm.s32 $0x1BFF;
	s21 =	sshll.u32 s6, $0x1;
	s3 =	sadd.s32 s4, s19  }
0x9c: {  	s7 =	simm.s32 $0x0;
	s20 =	sshll.u32 s5, $0x1;
	s5 =	sadd.s32 s21, s3  }
0x9d: {  	[timem:s7], [sflag:s22] =	dma.local [hbm:s5], s20  }
0x9e: {  	_ =	swait.ge [sflag:s22], s20  }
0x9f: {  	s4 =	ssub.s32 $0x0, s20;
	[sflag:s22] =	ssyncset.done $0x0  }
0xa0: {  	[sflag:s22] =	ssyncadd.s32 s4;
	_ =	sdelay $0x1  }
0xa1: {  	s23 =	simm.s32 $0x1B8B  }
0xa2: {  	_ =	swait.ge [sflag:s23], $0x1  }
0xa3: {  	[sflag:s23] =	ssyncset.done $0x0  }
0xa4: {  	s25 =	simm.s32 $0x1B8E;
	s24 =	sld [smem:$0x3FFE];
	[sflag:s23] =	ssyncadd.s32 $0xFFFFFFFF  }
0xa5: {  	s26 =	simm.s32 $execute0_lowered;
	[smem:$0x3FD2] =	sst s25  }
0xa6: {  	s5 =	sshll.u32 s26, $0x1;
	_ =	strace $0x80000049;
	[dreg:$0x1] =	wrdreg $0xFFFFFFFF  }
0xa7: {  	s28 =	simm.s32 $_size_execute0_lowered;
	s3 =	sadd.s32 s3, s5;
	[dreg:$0x0] =	wrdreg $0x0  }
0xa8: {  	s5 =	sshll.u32 s28, $0x1;
	[dreg:$0x2] =	wrdreg s3  }
0xa9: {  	[dreg:$0x3] =	wrdreg s5  }
0xaa: {  	[dreg:$0x4] =	wrdreg $0xC0  }
0xab: {  	_ =	task [dreg:s7], $0x5FFFF  }
0xac: {  	[dreg:$0x1] =	wrdreg $0xFFFFFFFF  }
0xad: {  	[dreg:$0x0] =	wrdreg $0x60  }
0xae: {  	[dreg:$0x2] =	wrdreg s24  }
0xaf: {  	[dreg:$0x3] =	wrdreg s2  }
0xb0: {  	[dreg:$0x4] =	wrdreg $0x9  }
0xb1: {  	_ =	task.clear_ibuf [dreg:s7], $0x5FFFF;
	_ =	strace $0x90000049  }
0xb2: {  	s29 =	simm.s32 $0x9;
	_ =	strace $0x8000004B  }
0xb3: {  	_ =	swait.ge [sflag:s29], $0x1  }
0xb4: {  	[sflag:s29] =	ssyncadd.s32 $0xFFFFFFFF  }
0xb5: {  	_ =	strace $0x9000004B  }
0xb6: {  	_ =	sfence  }
0xb7: {  	s30 =	sld [smem:$0x0];
	_ =	sdelay $0x2  }
0xb8: {  	s31 =	sshll.u32 s1, $0xD;
	s1 =	sshrl.u32 s1, $0x2  }
0xb9: {  	s3 =	sand.u32 $0x4000, s31;
	s1 =	sadd.s32 s1, s30  }
0xba: {  	s0 =	sor.u32 s3, s0;
	s1 =	sshll.u32 s1, $0x11  }
0xbb: {  	s0 =	sor.u32 s1, s0  }
0xbc: {  	s0 =	sadd.s32 $0x8F2B, s0  }
0xbd: {  	[sflag:s0] =	ssyncadd.remote.s32 $0x1  }
0xbe: {  	_ =	sfence.sel $0xFFFF  }
0xbf: {  	[dreg:$0x0] =	wrdreg $0xFFFFFFFF;
	(pc) =	sbr.abs _section_cstart, $3  }
0xc0: {  	[dreg:$0x1] =	wrdreg $0xFFFFFFFF  }
0xc1: {  	_ =	task.clear_ibuf [dreg:s7], $0x2FFFF;
	_ =	strace $0x9FFFFFFF  }
0xc2: {  	(tm) =	ssettm $0x7FFFFFFF  }
0xc3: {  	_ =	shalt  }
tec
execute0_lowered:
.L_overlay_start_1:
0x0: {  	(tag) =	ssettag $0x1  }
0x1: {  	s3 =	rddreg [dreg:$0x0]  }
0x2: {  	s7 =	rddreg [dreg:$0x1]  }
0x3: {  	s0 =	rddreg [dreg:$0x2];
	s4 =	srdreg.scid  }
0x4: {  	s2 =	simm.s32 $0x0;
	s1 =	stileid.u32;
	s12 =	simm.s32 $0x10100  }
0x5: {  	v0 =	vlaneseq.u32;
	s13 =	simm.s32 $0x0;
	s4 =	sand.u32 $0x1, s4;
	[smem:$0x7FF] =	sst s2  }
0x6: {  	s5 =	sshll.u32 s1, $0xA;
	v0 =	vmul.u32 $0x10, v0;
	s31 =	sadd.s32 $0x2C00, s3;
	s6 =	sshll.u32 s4, $0x9  }
0x7: {  	s10 =	sadd.s32 $0x42E00, s3;
	s4 =	ssub.s32 $0x2, s4;
	s5 =	sor.u32 s6, s5  }
0x8: {  	_ =	strace $0x8000004A;
	s8 =	sshrl.u32 s4, $0x1;
	v1 =	vor.u32 $0x1, v0;
	v2 =	vor.u32 $0x2, v0;
	v3 =	vor.u32 $0x3, v0;
	s9 =	sshll.u32 s5, $0x4  }
0x9: {  	v4 =	vor.u32 $0x4, v0;
	v5 =	vor.u32 $0x5, v0;
	v14 =	vor.u32 $0xE, v0;
	s8 =	ssub.s32 s4, s8;
	s11 =	sshrl.u32 s5, $0x3;
	s3 =	sadd.s32 s31, s9  }
0xa: {  	v6 =	vor.u32 $0x6, v0;
	v7 =	vor.u32 $0x7, v0;
	v15 =	vor.u32 $0xF, v0;
	s4 =	sadd.s32 s10, s9;
	s9 =	sor.u32 $0x1000, s9;
	s7 =	sadd.s32 s7, s11  }
0xb: {  	v8 =	vor.u32 $0x8, v0;
	v9 =	vor.u32 $0x9, v0;
	v10 =	vor.u32 $0xA, v0;
	s8 =	smax.u32 s8, $0x1;
	s11 =	simm.s32 $0x10000;
	s5 =	sadd.s32 s31, s9  }
0xc: {  	v11 =	vor.u32 $0xB, v0;
	v12 =	vor.u32 $0xC, v0;
	v13 =	vor.u32 $0xD, v0;
	s6 =	sadd.s32 s10, s9;
	s9 =	simm.s32 $0x1;
	s10 =	simm.s32 $0x8000  }
.LBB2_1:
0xd: {  	[tilespmem:s2], [sflag:$0x1] =	stream.linear.gather [hbm4b:s3+s2], $0x8000, $0x38;
	[tilespmem:$0x10300] =	vst v63  }
0xe: {  	_ =	swait.ge [sflag:s9], $0x8000  }
0xf: {  	[sflag:s9] =	ssyncset.done $0x0  }
0x10: {  	[sflag:s9] =	ssyncadd.s32 $0xFFFF8000  }
0x11: {  	[tilespmem:s10], [sflag:$0x1] =	stream.linear.gather [hbm4b:s4+s2], $0x8000, $0x38;
	[tilespmem:$0x10300] =	vst v63  }
0x12: {  	_ =	swait.ge [sflag:s9], $0x8000  }
0x13: {  	[sflag:s9] =	ssyncset.done $0x0  }
0x14: {  	s14 =	simm.s32 $0x0;
	[sflag:s9] =	ssyncadd.s32 $0xFFFF8000  }
0x15: {  	v16 =	vld [tilespmem:s14+$0x8010]  }
0x16: {  	v17 =	vld [tilespmem:s14+$0x0]  }
0x17: {  	v18 =	vld [tilespmem:s14+$0x10]  }
0x18: {  	v19 =	vld [tilespmem:s14+$0x8000]  }
0x19: {  	v20 =	vld [tilespmem:s14+$0x8020]  }
0x1a: {  	v21 =	vld [tilespmem:s14+$0x20]  }
0x1b: {  	v22 =	vld [tilespmem:s14+$0x8030]  }
0x1c: {  	v23 =	vld [tilespmem:s14+$0x30]  }
0x1d: {  	v16 =	vmul.f32 v16, v18;
	v17 =	vmul.f32 v19, v17;
	_ =	sdelay $0x1  }
0x1e: {  	v16 =	vadd.f32 v16, v17;
	v17 =	vmul.f32 v20, v21;
	_ =	sdelay $0x1  }
0x1f: {  	v16 =	vadd.f32 v17, v16;
	v17 =	vmul.f32 v22, v23;
	_ =	sdelay $0x1  }
0x20: {  	v16 =	vadd.f32 v17, v16;
	_ =	sdelay $0x1  }
0x21: {  	[tilespmem:$0x10000] =	vst v16  }
0x22: {  	v16 =	vld [tilespmem:s14+$0x80]  }
0x23: {  	v17 =	vld [tilespmem:s14+$0x8080]  }
0x24: {  	v18 =	vld [tilespmem:s14+$0x90]  }
0x25: {  	v19 =	vld [tilespmem:s14+$0x8090]  }
0x26: {  	v20 =	vld [tilespmem:s14+$0x80A0]  }
0x27: {  	v21 =	vld [tilespmem:s14+$0xA0]  }
0x28: {  	v22 =	vld [tilespmem:s14+$0x80B0]  }
0x29: {  	v23 =	vld [tilespmem:s14+$0xB0]  }
0x2a: {  	v16 =	vmul.f32 v17, v16;
	v17 =	vmul.f32 v19, v18;
	_ =	sdelay $0x1  }
0x2b: {  	v16 =	vadd.f32 v17, v16;
	v17 =	vmul.f32 v20, v21;
	_ =	sdelay $0x1  }
0x2c: {  	v16 =	vadd.f32 v17, v16;
	v17 =	vmul.f32 v22, v23;
	_ =	sdelay $0x1  }
0x2d: {  	v16 =	vadd.f32 v17, v16;
	_ =	sdelay $0x1  }
0x2e: {  	[tilespmem:$0x10010] =	vst v16  }
0x2f: {  	v16 =	vld [tilespmem:s14+$0x8110]  }
0x30: {  	v17 =	vld [tilespmem:s14+$0x100]  }
0x31: {  	v18 =	vld [tilespmem:s14+$0x8100]  }
0x32: {  	v19 =	vld [tilespmem:s14+$0x110]  }
0x33: {  	v20 =	vld [tilespmem:s14+$0x8120]  }
0x34: {  	v21 =	vld [tilespmem:s14+$0x120]  }
0x35: {  	v22 =	vld [tilespmem:s14+$0x8130]  }
0x36: {  	v23 =	vld [tilespmem:s14+$0x130]  }
0x37: {  	v17 =	vmul.f32 v18, v17;
	v16 =	vmul.f32 v16, v19;
	_ =	sdelay $0x1  }
0x38: {  	v16 =	vadd.f32 v16, v17;
	v17 =	vmul.f32 v20, v21;
	_ =	sdelay $0x1  }
0x39: {  	v16 =	vadd.f32 v17, v16;
	v17 =	vmul.f32 v22, v23;
	_ =	sdelay $0x1  }
0x3a: {  	v16 =	vadd.f32 v17, v16;
	_ =	sdelay $0x1  }
0x3b: {  	[tilespmem:$0x10020] =	vst v16  }
0x3c: {  	v16 =	vld [tilespmem:s14+$0x8190]  }
0x3d: {  	v17 =	vld [tilespmem:s14+$0x180]  }
0x3e: {  	v18 =	vld [tilespmem:s14+$0x8180]  }
0x3f: {  	v19 =	vld [tilespmem:s14+$0x190]  }
0x40: {  	v20 =	vld [tilespmem:s14+$0x1A0]  }
0x41: {  	v21 =	vld [tilespmem:s14+$0x81A0]  }
0x42: {  	v22 =	vld [tilespmem:s14+$0x81B0]  }
0x43: {  	v23 =	vld [tilespmem:s14+$0x1B0]  }
0x44: {  	v17 =	vmul.f32 v18, v17;
	v16 =	vmul.f32 v16, v19;
	_ =	sdelay $0x1  }
0x45: {  	v16 =	vadd.f32 v16, v17;
	v17 =	vmul.f32 v21, v20;
	_ =	sdelay $0x1  }
0x46: {  	v16 =	vadd.f32 v17, v16;
	v17 =	vmul.f32 v22, v23;
	_ =	sdelay $0x1  }
0x47: {  	v16 =	vadd.f32 v17, v16;
	_ =	sdelay $0x1  }
0x48: {  	[tilespmem:$0x10030] =	vst v16  }
0x49: {  	v16 =	vld [tilespmem:s14+$0x8200]  }
0x4a: {  	v17 =	vld [tilespmem:s14+$0x8210]  }
0x4b: {  	v18 =	vld [tilespmem:s14+$0x200]  }
0x4c: {  	v19 =	vld [tilespmem:s14+$0x210]  }
0x4d: {  	v20 =	vld [tilespmem:s14+$0x220]  }
0x4e: {  	v21 =	vld [tilespmem:s14+$0x8220]  }
0x4f: {  	v22 =	vld [tilespmem:s14+$0x8230]  }
0x50: {  	v23 =	vld [tilespmem:s14+$0x230]  }
0x51: {  	v16 =	vmul.f32 v16, v18;
	v17 =	vmul.f32 v17, v19;
	_ =	sdelay $0x1  }
0x52: {  	v16 =	vadd.f32 v17, v16;
	v17 =	vmul.f32 v21, v20;
	_ =	sdelay $0x1  }
0x53: {  	v16 =	vadd.f32 v17, v16;
	v17 =	vmul.f32 v22, v23;
	_ =	sdelay $0x1  }
0x54: {  	v16 =	vadd.f32 v17, v16;
	_ =	sdelay $0x1  }
0x55: {  	[tilespmem:$0x10040] =	vst v16  }
0x56: {  	v16 =	vld [tilespmem:s14+$0x8280]  }
0x57: {  	v17 =	vld [tilespmem:s14+$0x8290]  }
0x58: {  	v18 =	vld [tilespmem:s14+$0x280]  }
0x59: {  	v19 =	vld [tilespmem:s14+$0x290]  }
0x5a: {  	v20 =	vld [tilespmem:s14+$0x2A0]  }
0x5b: {  	v21 =	vld [tilespmem:s14+$0x82A0]  }
0x5c: {  	v22 =	vld [tilespmem:s14+$0x82B0]  }
0x5d: {  	v23 =	vld [tilespmem:s14+$0x2B0]  }
0x5e: {  	v16 =	vmul.f32 v16, v18;
	v17 =	vmul.f32 v17, v19;
	_ =	sdelay $0x1  }
0x5f: {  	v16 =	vadd.f32 v17, v16;
	v17 =	vmul.f32 v21, v20;
	_ =	sdelay $0x1  }
0x60: {  	v16 =	vadd.f32 v17, v16;
	v17 =	vmul.f32 v22, v23;
	_ =	sdelay $0x1  }
0x61: {  	v16 =	vadd.f32 v17, v16;
	_ =	sdelay $0x1  }
0x62: {  	[tilespmem:$0x10050] =	vst v16  }
0x63: {  	v16 =	vld [tilespmem:s14+$0x8300]  }
0x64: {  	v17 =	vld [tilespmem:s14+$0x8310]  }
0x65: {  	v18 =	vld [tilespmem:s14+$0x310]  }
0x66: {  	v19 =	vld [tilespmem:s14+$0x300]  }
0x67: {  	v20 =	vld [tilespmem:s14+$0x8320]  }
0x68: {  	v21 =	vld [tilespmem:s14+$0x320]  }
0x69: {  	v22 =	vld [tilespmem:s14+$0x8330]  }
0x6a: {  	v23 =	vld [tilespmem:s14+$0x330]  }
0x6b: {  	v17 =	vmul.f32 v17, v18;
	v16 =	vmul.f32 v16, v19;
	_ =	sdelay $0x1  }
0x6c: {  	v16 =	vadd.f32 v17, v16;
	v17 =	vmul.f32 v20, v21;
	_ =	sdelay $0x1  }
0x6d: {  	v16 =	vadd.f32 v17, v16;
	v17 =	vmul.f32 v22, v23;
	_ =	sdelay $0x1  }
0x6e: {  	v16 =	vadd.f32 v17, v16;
	_ =	sdelay $0x1  }
0x6f: {  	[tilespmem:$0x10060] =	vst v16  }
0x70: {  	v16 =	vld [tilespmem:s14+$0x380]  }
0x71: {  	v17 =	vld [tilespmem:s14+$0x8380]  }
0x72: {  	v18 =	vld [tilespmem:s14+$0x8390]  }
0x73: {  	v19 =	vld [tilespmem:s14+$0x390]  }
0x74: {  	v20 =	vld [tilespmem:s14+$0x83A0]  }
0x75: {  	v21 =	vld [tilespmem:s14+$0x3A0]  }
0x76: {  	v22 =	vld [tilespmem:s14+$0x83B0]  }
0x77: {  	v23 =	vld [tilespmem:s14+$0x3B0]  }
0x78: {  	v16 =	vmul.f32 v17, v16;
	v17 =	vmul.f32 v18, v19;
	_ =	sdelay $0x1  }
0x79: {  	v16 =	vadd.f32 v17, v16;
	v17 =	vmul.f32 v20, v21;
	_ =	sdelay $0x1  }
0x7a: {  	v16 =	vadd.f32 v17, v16;
	v17 =	vmul.f32 v22, v23;
	_ =	sdelay $0x1  }
0x7b: {  	v16 =	vadd.f32 v17, v16;
	_ =	sdelay $0x1  }
0x7c: {  	[tilespmem:$0x10070] =	vst v16  }
0x7d: {  	v16 =	vld [tilespmem:s14+$0x8400]  }
0x7e: {  	v17 =	vld [tilespmem:s14+$0x8410]  }
0x7f: {  	v18 =	vld [tilespmem:s14+$0x400]  }
0x80: {  	v19 =	vld [tilespmem:s14+$0x410]  }
0x81: {  	v20 =	vld [tilespmem:s14+$0x8420]  }
0x82: {  	v21 =	vld [tilespmem:s14+$0x420]  }
0x83: {  	v22 =	vld [tilespmem:s14+$0x8430]  }
0x84: {  	v23 =	vld [tilespmem:s14+$0x430]  }
0x85: {  	v16 =	vmul.f32 v16, v18;
	v17 =	vmul.f32 v17, v19;
	_ =	sdelay $0x1  }
0x86: {  	v16 =	vadd.f32 v17, v16;
	v17 =	vmul.f32 v20, v21;
	_ =	sdelay $0x1  }
0x87: {  	v16 =	vadd.f32 v17, v16;
	v17 =	vmul.f32 v22, v23;
	_ =	sdelay $0x1  }
0x88: {  	v16 =	vadd.f32 v17, v16;
	_ =	sdelay $0x1  }
0x89: {  	[tilespmem:$0x10080] =	vst v16  }
0x8a: {  	v16 =	vld [tilespmem:s14+$0x8480]  }
0x8b: {  	v17 =	vld [tilespmem:s14+$0x8490]  }
0x8c: {  	v18 =	vld [tilespmem:s14+$0x490]  }
0x8d: {  	v19 =	vld [tilespmem:s14+$0x480]  }
0x8e: {  	v20 =	vld [tilespmem:s14+$0x4A0]  }
0x8f: {  	v21 =	vld [tilespmem:s14+$0x84A0]  }
0x90: {  	v22 =	vld [tilespmem:s14+$0x4B0]  }
0x91: {  	v23 =	vld [tilespmem:s14+$0x84B0]  }
0x92: {  	v17 =	vmul.f32 v17, v18;
	v16 =	vmul.f32 v16, v19;
	_ =	sdelay $0x1  }
0x93: {  	v16 =	vadd.f32 v17, v16;
	v17 =	vmul.f32 v21, v20;
	_ =	sdelay $0x1  }
0x94: {  	v16 =	vadd.f32 v17, v16;
	v17 =	vmul.f32 v23, v22;
	_ =	sdelay $0x1  }
0x95: {  	v16 =	vadd.f32 v17, v16;
	_ =	sdelay $0x1  }
0x96: {  	[tilespmem:$0x10090] =	vst v16  }
0x97: {  	v16 =	vld [tilespmem:s14+$0x8510]  }
0x98: {  	v17 =	vld [tilespmem:s14+$0x8500]  }
0x99: {  	v18 =	vld [tilespmem:s14+$0x500]  }
0x9a: {  	v19 =	vld [tilespmem:s14+$0x510]  }
0x9b: {  	v20 =	vld [tilespmem:s14+$0x520]  }
0x9c: {  	v21 =	vld [tilespmem:s14+$0x8520]  }
0x9d: {  	v22 =	vld [tilespmem:s14+$0x530]  }
0x9e: {  	v23 =	vld [tilespmem:s14+$0x8530]  }
0x9f: {  	v17 =	vmul.f32 v17, v18;
	v16 =	vmul.f32 v16, v19;
	_ =	sdelay $0x1  }
0xa0: {  	v16 =	vadd.f32 v16, v17;
	v17 =	vmul.f32 v21, v20;
	_ =	sdelay $0x1  }
0xa1: {  	v16 =	vadd.f32 v17, v16;
	v17 =	vmul.f32 v23, v22;
	_ =	sdelay $0x1  }
0xa2: {  	v16 =	vadd.f32 v17, v16;
	_ =	sdelay $0x1  }
0xa3: {  	[tilespmem:$0x100A0] =	vst v16  }
0xa4: {  	v16 =	vld [tilespmem:s14+$0x8580]  }
0xa5: {  	v17 =	vld [tilespmem:s14+$0x8590]  }
0xa6: {  	v18 =	vld [tilespmem:s14+$0x580]  }
0xa7: {  	v19 =	vld [tilespmem:s14+$0x590]  }
0xa8: {  	v20 =	vld [tilespmem:s14+$0x5A0]  }
0xa9: {  	v21 =	vld [tilespmem:s14+$0x85A0]  }
0xaa: {  	v22 =	vld [tilespmem:s14+$0x5B0]  }
0xab: {  	v23 =	vld [tilespmem:s14+$0x85B0]  }
0xac: {  	v16 =	vmul.f32 v16, v18;
	v17 =	vmul.f32 v17, v19;
	_ =	sdelay $0x1  }
0xad: {  	v16 =	vadd.f32 v17, v16;
	v17 =	vmul.f32 v21, v20;
	_ =	sdelay $0x1  }
0xae: {  	v16 =	vadd.f32 v17, v16;
	v17 =	vmul.f32 v23, v22;
	_ =	sdelay $0x1  }
0xaf: {  	v16 =	vadd.f32 v17, v16;
	_ =	sdelay $0x1  }
0xb0: {  	[tilespmem:$0x100B0] =	vst v16  }
0xb1: {  	v16 =	vld [tilespmem:s14+$0x8600]  }
0xb2: {  	v17 =	vld [tilespmem:s14+$0x8610]  }
0xb3: {  	v18 =	vld [tilespmem:s14+$0x600]  }
0xb4: {  	v19 =	vld [tilespmem:s14+$0x610]  }
0xb5: {  	v20 =	vld [tilespmem:s14+$0x620]  }
0xb6: {  	v21 =	vld [tilespmem:s14+$0x8620]  }
0xb7: {  	v22 =	vld [tilespmem:s14+$0x630]  }
0xb8: {  	v23 =	vld [tilespmem:s14+$0x8630]  }
0xb9: {  	v16 =	vmul.f32 v16, v18;
	v17 =	vmul.f32 v17, v19;
	_ =	sdelay $0x1  }
0xba: {  	v16 =	vadd.f32 v17, v16;
	v17 =	vmul.f32 v21, v20;
	_ =	sdelay $0x1  }
0xbb: {  	v16 =	vadd.f32 v17, v16;
	v17 =	vmul.f32 v23, v22;
	_ =	sdelay $0x1  }
0xbc: {  	v16 =	vadd.f32 v17, v16;
	_ =	sdelay $0x1  }
0xbd: {  	[tilespmem:$0x100C0] =	vst v16  }
0xbe: {  	v16 =	vld [tilespmem:s14+$0x8680]  }
0xbf: {  	v17 =	vld [tilespmem:s14+$0x8690]  }
0xc0: {  	v18 =	vld [tilespmem:s14+$0x680]  }
0xc1: {  	v19 =	vld [tilespmem:s14+$0x690]  }
0xc2: {  	v20 =	vld [tilespmem:s14+$0x6A0]  }
0xc3: {  	v21 =	vld [tilespmem:s14+$0x86A0]  }
0xc4: {  	v22 =	vld [tilespmem:s14+$0x6B0]  }
0xc5: {  	v23 =	vld [tilespmem:s14+$0x86B0]  }
0xc6: {  	v16 =	vmul.f32 v16, v18;
	v17 =	vmul.f32 v17, v19;
	_ =	sdelay $0x1  }
0xc7: {  	v16 =	vadd.f32 v17, v16;
	v17 =	vmul.f32 v21, v20;
	_ =	sdelay $0x1  }
0xc8: {  	v16 =	vadd.f32 v17, v16;
	v17 =	vmul.f32 v23, v22;
	_ =	sdelay $0x1  }
0xc9: {  	v16 =	vadd.f32 v17, v16;
	_ =	sdelay $0x1  }
0xca: {  	[tilespmem:$0x100D0] =	vst v16  }
0xcb: {  	v16 =	vld [tilespmem:s14+$0x8700]  }
0xcc: {  	v17 =	vld [tilespmem:s14+$0x8710]  }
0xcd: {  	v18 =	vld [tilespmem:s14+$0x700]  }
0xce: {  	v19 =	vld [tilespmem:s14+$0x710]  }
0xcf: {  	v20 =	vld [tilespmem:s14+$0x720]  }
0xd0: {  	v21 =	vld [tilespmem:s14+$0x8720]  }
0xd1: {  	v22 =	vld [tilespmem:s14+$0x730]  }
0xd2: {  	v23 =	vld [tilespmem:s14+$0x8730]  }
0xd3: {  	v16 =	vmul.f32 v16, v18;
	v17 =	vmul.f32 v17, v19;
	_ =	sdelay $0x1  }
0xd4: {  	v16 =	vadd.f32 v17, v16;
	v17 =	vmul.f32 v21, v20;
	_ =	sdelay $0x1  }
0xd5: {  	v16 =	vadd.f32 v17, v16;
	v17 =	vmul.f32 v23, v22;
	_ =	sdelay $0x1  }
0xd6: {  	v16 =	vadd.f32 v17, v16;
	_ =	sdelay $0x1  }
0xd7: {  	[tilespmem:$0x100E0] =	vst v16  }
0xd8: {  	v16 =	vld [tilespmem:s14+$0x8780]  }
0xd9: {  	v17 =	vld [tilespmem:s14+$0x780]  }
0xda: {  	v18 =	vld [tilespmem:s14+$0x8790]  }
0xdb: {  	v19 =	vld [tilespmem:s14+$0x790]  }
0xdc: {  	v20 =	vld [tilespmem:s14+$0x7A0]  }
0xdd: {  	v21 =	vld [tilespmem:s14+$0x87A0]  }
0xde: {  	v22 =	vld [tilespmem:s14+$0x7B0]  }
0xdf: {  	v23 =	vld [tilespmem:s14+$0x87B0]  }
0xe0: {  	v16 =	vmul.f32 v16, v17;
	v17 =	vmul.f32 v18, v19;
	_ =	sdelay $0x1  }
0xe1: {  	v16 =	vadd.f32 v17, v16;
	v17 =	vmul.f32 v21, v20;
	_ =	sdelay $0x1  }
0xe2: {  	v16 =	vadd.f32 v17, v16;
	v17 =	vmul.f32 v23, v22;
	_ =	sdelay $0x1  }
0xe3: {  	v16 =	vadd.f32 v17, v16;
	_ =	sdelay $0x1  }
0xe4: {  	[tilespmem:$0x100F0] =	vst v16  }
0xe5: {  	v16 =	vld.idx.msk [tilespmem:v0+s11+$0x0], $0xffff  }
0xe6: {  	v18 =	vld.idx.msk [tilespmem:v1+s11+$0x0], $0xffff  }
0xe7: {  	v19 =	vld.idx.msk [tilespmem:v2+s11+$0x0], $0xffff  }
0xe8: {  	v20 =	vld.idx.msk [tilespmem:v3+s11+$0x0], $0xffff  }
0xe9: {  	v25 =	vld.idx.msk [tilespmem:v4+s11+$0x0], $0xffff  }
0xea: {  	v24 =	vld.idx.msk [tilespmem:v5+s11+$0x0], $0xffff  }
0xeb: {  	v17 =	vld.idx.msk [tilespmem:v6+s11+$0x0], $0xffff  }
0xec: {  	v21 =	vld.idx.msk [tilespmem:v7+s11+$0x0], $0xffff;
	v16 =	vadd.f32 v18, v16  }
0xed: {  	v22 =	vld.idx.msk [tilespmem:v9+s11+$0x0], $0xffff  }
0xee: {  	v23 =	vld.idx.msk [tilespmem:v11+s11+$0x0], $0xffff;
	v16 =	vadd.f32 v19, v16  }
0xef: {  	v18 =	vld.idx.msk [tilespmem:v8+s11+$0x0], $0xffff  }
0xf0: {  	v19 =	vld.idx.msk [tilespmem:v10+s11+$0x0], $0xffff;
	v20 =	vadd.f32 v20, v16  }
0xf1: {  	v16 =	vld.idx.msk [tilespmem:v12+s11+$0x0], $0xffff  }
0xf2: {  	s15 =	simm.s32 $0x2000;
	s16 =	simm.s32 $0x10100;
	s14 =	simm.s32 $0x10100;
	v25 =	vadd.f32 v25, v20;
	v20 =	vld.idx.msk [tilespmem:v13+s11+$0x0], $0xffff  }
.LBB2_2:
0xf3: {  	p0 =	sne.s32 s15, $0x1E000  }
0xf4: {  	v26 =	vld.idx.msk [tilespmem:v14+s11+$0x0], $0xffff;
	s16 =	sadd.s32 $0x10, s16;
	s17 =	smov.u32 s15;
	s15 =	sadd.s32 $0x2000, s15  }
0xf5: {  	v24 =	vadd.f32 v24, v25;
	v25 =	vld.idx.msk [tilespmem:v15+s11+$0x0], $0xffff;
	_ =	sdelay $0x1  }
0xf6: {  	v17 =	vadd.f32 v17, v24;
	_ =	sdelay $0x1  }
0xf7: {  	v17 =	vadd.f32 v21, v17;
	_ =	sdelay $0x1  }
0xf8: {  	v17 =	vadd.f32 v18, v17;
	_ =	sdelay $0x1  }
0xf9: {  	v17 =	vadd.f32 v22, v17;
	_ =	sdelay $0x1  }
0xfa: {  	v17 =	vadd.f32 v19, v17;
	_ =	sdelay $0x1  }
0xfb: {  	v17 =	vadd.f32 v23, v17;
	_ =	sdelay $0x1  }
0xfc: {  	v16 =	vadd.f32 v16, v17;
	_ =	sdelay $0x1  }
0xfd: {  	v16 =	vadd.f32 v20, v16;
	_ =	sdelay $0x1  }
0xfe: {  	v16 =	vadd.f32 v26, v16;
	_ =	sdelay $0x1  }
0xff: {  	v16 =	vadd.f32 v25, v16;
	_ =	sdelay $0x1  }
0x100: {  	v16 =	vsub.f32 $0.0e+00, v16;
	_ =	sdelay $0x1  }
0x101: {  	v16 =	vmul.f32 $1.442695020e+00, v16;
	_ =	sdelay $0x1  }
0x102: {  	(erf) = vpow2.f32 v16;
	_ =	sdelay $0x8  }
0x103: {  	v16 =	vpop (erf)  }
0x104: {  	v16 =	vadd.f32 $1.000000000e+00, v16;
	_ =	sdelay $0x1  }
0x105: {  	(erf) = vrcp.f32 v16;
	_ =	sdelay $0x8  }
0x106: {  	v16 =	vpop (erf)  }
0x107: {  	s17 =	sshra.s32 s17, $0x2;
	[tilespmem:s14+$0x0] =	vst v16;
	s14 =	smov.u32 s16  }
0x108: {  	v16 =	vld [tilespmem:s17+$0x8010]  }
0x109: {  	v17 =	vld [tilespmem:s17+$0x0]  }
0x10a: {  	v18 =	vld [tilespmem:s17+$0x10]  }
0x10b: {  	v19 =	vld [tilespmem:s17+$0x8000]  }
0x10c: {  	v20 =	vld [tilespmem:s17+$0x8020]  }
0x10d: {  	v21 =	vld [tilespmem:s17+$0x20]  }
0x10e: {  	v22 =	vld [tilespmem:s17+$0x8030]  }
0x10f: {  	v16 =	vmul.f32 v16, v18;
	v18 =	vld [tilespmem:s17+$0x30]  }
0x110: {  	v17 =	vmul.f32 v19, v17;
	_ =	sdelay $0x1  }
0x111: {  	v16 =	vadd.f32 v16, v17;
	v17 =	vmul.f32 v20, v21;
	_ =	sdelay $0x1  }
0x112: {  	v16 =	vadd.f32 v17, v16;
	v17 =	vmul.f32 v22, v18;
	_ =	sdelay $0x1  }
0x113: {  	v16 =	vadd.f32 v17, v16;
	_ =	sdelay $0x1  }
0x114: {  	[tilespmem:$0x10000] =	vst v16  }
0x115: {  	v16 =	vld [tilespmem:s17+$0x80]  }
0x116: {  	v17 =	vld [tilespmem:s17+$0x8080]  }
0x117: {  	v18 =	vld [tilespmem:s17+$0x90]  }
0x118: {  	v19 =	vld [tilespmem:s17+$0x8090]  }
0x119: {  	v20 =	vld [tilespmem:s17+$0x80A0]  }
0x11a: {  	v21 =	vld [tilespmem:s17+$0xA0]  }
0x11b: {  	v16 =	vmul.f32 v17, v16;
	v17 =	vld [tilespmem:s17+$0x80B0]  }
0x11c: {  	v22 =	vld [tilespmem:s17+$0xB0]  }
0x11d: {  	v18 =	vmul.f32 v19, v18;
	_ =	sdelay $0x1  }
0x11e: {  	v16 =	vadd.f32 v18, v16;
	v18 =	vmul.f32 v20, v21;
	_ =	sdelay $0x1  }
0x11f: {  	v16 =	vadd.f32 v18, v16;
	v17 =	vmul.f32 v17, v22;
	_ =	sdelay $0x1  }
0x120: {  	v16 =	vadd.f32 v17, v16;
	_ =	sdelay $0x1  }
0x121: {  	[tilespmem:$0x10010] =	vst v16  }
0x122: {  	v16 =	vld [tilespmem:s17+$0x8110]  }
0x123: {  	v17 =	vld [tilespmem:s17+$0x100]  }
0x124: {  	v18 =	vld [tilespmem:s17+$0x8100]  }
0x125: {  	v19 =	vld [tilespmem:s17+$0x110]  }
0x126: {  	v20 =	vld [tilespmem:s17+$0x8120]  }
0x127: {  	v21 =	vld [tilespmem:s17+$0x120]  }
0x128: {  	v22 =	vld [tilespmem:s17+$0x8130]  }
0x129: {  	v17 =	vmul.f32 v18, v17;
	v18 =	vld [tilespmem:s17+$0x130]  }
0x12a: {  	v16 =	vmul.f32 v16, v19;
	_ =	sdelay $0x1  }
0x12b: {  	v16 =	vadd.f32 v16, v17;
	v17 =	vmul.f32 v20, v21;
	_ =	sdelay $0x1  }
0x12c: {  	v16 =	vadd.f32 v17, v16;
	v17 =	vmul.f32 v22, v18;
	_ =	sdelay $0x1  }
0x12d: {  	v16 =	vadd.f32 v17, v16;
	_ =	sdelay $0x1  }
0x12e: {  	[tilespmem:$0x10020] =	vst v16  }
0x12f: {  	v16 =	vld [tilespmem:s17+$0x8190]  }
0x130: {  	v17 =	vld [tilespmem:s17+$0x180]  }
0x131: {  	v18 =	vld [tilespmem:s17+$0x8180]  }
0x132: {  	v19 =	vld [tilespmem:s17+$0x190]  }
0x133: {  	v20 =	vld [tilespmem:s17+$0x1A0]  }
0x134: {  	v21 =	vld [tilespmem:s17+$0x81A0]  }
0x135: {  	v22 =	vld [tilespmem:s17+$0x81B0]  }
0x136: {  	v17 =	vmul.f32 v18, v17;
	v18 =	vld [tilespmem:s17+$0x1B0]  }
0x137: {  	v16 =	vmul.f32 v16, v19;
	_ =	sdelay $0x1  }
0x138: {  	v16 =	vadd.f32 v16, v17;
	v17 =	vmul.f32 v21, v20;
	_ =	sdelay $0x1  }
0x139: {  	v16 =	vadd.f32 v17, v16;
	v17 =	vmul.f32 v22, v18;
	_ =	sdelay $0x1  }
0x13a: {  	v16 =	vadd.f32 v17, v16;
	_ =	sdelay $0x1  }
0x13b: {  	[tilespmem:$0x10030] =	vst v16  }
0x13c: {  	v16 =	vld [tilespmem:s17+$0x8200]  }
0x13d: {  	v17 =	vld [tilespmem:s17+$0x8210]  }
0x13e: {  	v18 =	vld [tilespmem:s17+$0x200]  }
0x13f: {  	v19 =	vld [tilespmem:s17+$0x210]  }
0x140: {  	v20 =	vld [tilespmem:s17+$0x220]  }
0x141: {  	v21 =	vld [tilespmem:s17+$0x8220]  }
0x142: {  	v22 =	vld [tilespmem:s17+$0x8230]  }
0x143: {  	v16 =	vmul.f32 v16, v18;
	v18 =	vld [tilespmem:s17+$0x230]  }
0x144: {  	v17 =	vmul.f32 v17, v19;
	_ =	sdelay $0x1  }
0x145: {  	v16 =	vadd.f32 v17, v16;
	v17 =	vmul.f32 v21, v20;
	_ =	sdelay $0x1  }
0x146: {  	v16 =	vadd.f32 v17, v16;
	v17 =	vmul.f32 v22, v18;
	_ =	sdelay $0x1  }
0x147: {  	v16 =	vadd.f32 v17, v16;
	_ =	sdelay $0x1  }
0x148: {  	[tilespmem:$0x10040] =	vst v16  }
0x149: {  	v16 =	vld [tilespmem:s17+$0x8280]  }
0x14a: {  	v17 =	vld [tilespmem:s17+$0x8290]  }
0x14b: {  	v18 =	vld [tilespmem:s17+$0x280]  }
0x14c: {  	v19 =	vld [tilespmem:s17+$0x290]  }
0x14d: {  	v20 =	vld [tilespmem:s17+$0x2A0]  }
0x14e: {  	v21 =	vld [tilespmem:s17+$0x82A0]  }
0x14f: {  	v22 =	vld [tilespmem:s17+$0x82B0]  }
0x150: {  	v16 =	vmul.f32 v16, v18;
	v18 =	vld [tilespmem:s17+$0x2B0]  }
0x151: {  	v17 =	vmul.f32 v17, v19;
	_ =	sdelay $0x1  }
0x152: {  	v16 =	vadd.f32 v17, v16;
	v17 =	vmul.f32 v21, v20;
	_ =	sdelay $0x1  }
0x153: {  	v16 =	vadd.f32 v17, v16;
	v17 =	vmul.f32 v22, v18;
	_ =	sdelay $0x1  }
0x154: {  	v16 =	vadd.f32 v17, v16;
	_ =	sdelay $0x1  }
0x155: {  	[tilespmem:$0x10050] =	vst v16  }
0x156: {  	v16 =	vld [tilespmem:s17+$0x8300]  }
0x157: {  	v17 =	vld [tilespmem:s17+$0x8310]  }
0x158: {  	v18 =	vld [tilespmem:s17+$0x310]  }
0x159: {  	v19 =	vld [tilespmem:s17+$0x300]  }
0x15a: {  	v20 =	vld [tilespmem:s17+$0x8320]  }
0x15b: {  	v21 =	vld [tilespmem:s17+$0x320]  }
0x15c: {  	v22 =	vld [tilespmem:s17+$0x8330]  }
0x15d: {  	v17 =	vmul.f32 v17, v18;
	v18 =	vld [tilespmem:s17+$0x330]  }
0x15e: {  	v16 =	vmul.f32 v16, v19;
	_ =	sdelay $0x1  }
0x15f: {  	v16 =	vadd.f32 v17, v16;
	v17 =	vmul.f32 v20, v21;
	_ =	sdelay $0x1  }
0x160: {  	v16 =	vadd.f32 v17, v16;
	v17 =	vmul.f32 v22, v18;
	_ =	sdelay $0x1  }
0x161: {  	v16 =	vadd.f32 v17, v16;
	_ =	sdelay $0x1  }
0x162: {  	[tilespmem:$0x10060] =	vst v16  }
0x163: {  	v16 =	vld [tilespmem:s17+$0x380]  }
0x164: {  	v17 =	vld [tilespmem:s17+$0x8380]  }
0x165: {  	v18 =	vld [tilespmem:s17+$0x8390]  }
0x166: {  	v19 =	vld [tilespmem:s17+$0x390]  }
0x167: {  	v20 =	vld [tilespmem:s17+$0x83A0]  }
0x168: {  	v21 =	vld [tilespmem:s17+$0x3A0]  }
0x169: {  	v16 =	vmul.f32 v17, v16;
	v17 =	vld [tilespmem:s17+$0x83B0]  }
0x16a: {  	v22 =	vld [tilespmem:s17+$0x3B0]  }
0x16b: {  	v18 =	vmul.f32 v18, v19;
	_ =	sdelay $0x1  }
0x16c: {  	v16 =	vadd.f32 v18, v16;
	v18 =	vmul.f32 v20, v21;
	_ =	sdelay $0x1  }
0x16d: {  	v16 =	vadd.f32 v18, v16;
	v17 =	vmul.f32 v17, v22;
	_ =	sdelay $0x1  }
0x16e: {  	v16 =	vadd.f32 v17, v16;
	_ =	sdelay $0x1  }
0x16f: {  	[tilespmem:$0x10070] =	vst v16  }
0x170: {  	v16 =	vld [tilespmem:s17+$0x8400]  }
0x171: {  	v17 =	vld [tilespmem:s17+$0x8410]  }
0x172: {  	v18 =	vld [tilespmem:s17+$0x400]  }
0x173: {  	v19 =	vld [tilespmem:s17+$0x410]  }
0x174: {  	v20 =	vld [tilespmem:s17+$0x8420]  }
0x175: {  	v21 =	vld [tilespmem:s17+$0x420]  }
0x176: {  	v22 =	vld [tilespmem:s17+$0x8430]  }
0x177: {  	v16 =	vmul.f32 v16, v18;
	v18 =	vld [tilespmem:s17+$0x430]  }
0x178: {  	v17 =	vmul.f32 v17, v19;
	_ =	sdelay $0x1  }
0x179: {  	v16 =	vadd.f32 v17, v16;
	v17 =	vmul.f32 v20, v21;
	_ =	sdelay $0x1  }
0x17a: {  	v16 =	vadd.f32 v17, v16;
	v17 =	vmul.f32 v22, v18;
	_ =	sdelay $0x1  }
0x17b: {  	v16 =	vadd.f32 v17, v16;
	_ =	sdelay $0x1  }
0x17c: {  	[tilespmem:$0x10080] =	vst v16  }
0x17d: {  	v16 =	vld [tilespmem:s17+$0x8480]  }
0x17e: {  	v17 =	vld [tilespmem:s17+$0x8490]  }
0x17f: {  	v18 =	vld [tilespmem:s17+$0x490]  }
0x180: {  	v19 =	vld [tilespmem:s17+$0x480]  }
0x181: {  	v20 =	vld [tilespmem:s17+$0x4A0]  }
0x182: {  	v21 =	vld [tilespmem:s17+$0x84A0]  }
0x183: {  	v22 =	vld [tilespmem:s17+$0x4B0]  }
0x184: {  	v17 =	vmul.f32 v17, v18;
	v18 =	vld [tilespmem:s17+$0x84B0]  }
0x185: {  	v16 =	vmul.f32 v16, v19;
	_ =	sdelay $0x1  }
0x186: {  	v16 =	vadd.f32 v17, v16;
	v17 =	vmul.f32 v21, v20;
	_ =	sdelay $0x1  }
0x187: {  	v16 =	vadd.f32 v17, v16;
	v17 =	vmul.f32 v18, v22;
	_ =	sdelay $0x1  }
0x188: {  	v16 =	vadd.f32 v17, v16;
	_ =	sdelay $0x1  }
0x189: {  	[tilespmem:$0x10090] =	vst v16  }
0x18a: {  	v16 =	vld [tilespmem:s17+$0x8510]  }
0x18b: {  	v17 =	vld [tilespmem:s17+$0x8500]  }
0x18c: {  	v18 =	vld [tilespmem:s17+$0x500]  }
0x18d: {  	v19 =	vld [tilespmem:s17+$0x510]  }
0x18e: {  	v20 =	vld [tilespmem:s17+$0x520]  }
0x18f: {  	v21 =	vld [tilespmem:s17+$0x8520]  }
0x190: {  	v22 =	vld [tilespmem:s17+$0x530]  }
0x191: {  	v17 =	vmul.f32 v17, v18;
	v18 =	vld [tilespmem:s17+$0x8530]  }
0x192: {  	v16 =	vmul.f32 v16, v19;
	_ =	sdelay $0x1  }
0x193: {  	v16 =	vadd.f32 v16, v17;
	v17 =	vmul.f32 v21, v20;
	_ =	sdelay $0x1  }
0x194: {  	v16 =	vadd.f32 v17, v16;
	v17 =	vmul.f32 v18, v22;
	_ =	sdelay $0x1  }
0x195: {  	v16 =	vadd.f32 v17, v16;
	_ =	sdelay $0x1  }
0x196: {  	[tilespmem:$0x100A0] =	vst v16  }
0x197: {  	v16 =	vld [tilespmem:s17+$0x8580]  }
0x198: {  	v17 =	vld [tilespmem:s17+$0x8590]  }
0x199: {  	v18 =	vld [tilespmem:s17+$0x580]  }
0x19a: {  	v19 =	vld [tilespmem:s17+$0x590]  }
0x19b: {  	v20 =	vld [tilespmem:s17+$0x5A0]  }
0x19c: {  	v21 =	vld [tilespmem:s17+$0x85A0]  }
0x19d: {  	v22 =	vld [tilespmem:s17+$0x5B0]  }
0x19e: {  	v16 =	vmul.f32 v16, v18;
	v18 =	vld [tilespmem:s17+$0x85B0]  }
0x19f: {  	v17 =	vmul.f32 v17, v19;
	_ =	sdelay $0x1  }
0x1a0: {  	v16 =	vadd.f32 v17, v16;
	v17 =	vmul.f32 v21, v20;
	_ =	sdelay $0x1  }
0x1a1: {  	v16 =	vadd.f32 v17, v16;
	v17 =	vmul.f32 v18, v22;
	_ =	sdelay $0x1  }
0x1a2: {  	v16 =	vadd.f32 v17, v16;
	_ =	sdelay $0x1  }
0x1a3: {  	[tilespmem:$0x100B0] =	vst v16  }
0x1a4: {  	v16 =	vld [tilespmem:s17+$0x8600]  }
0x1a5: {  	v17 =	vld [tilespmem:s17+$0x8610]  }
0x1a6: {  	v18 =	vld [tilespmem:s17+$0x600]  }
0x1a7: {  	v19 =	vld [tilespmem:s17+$0x610]  }
0x1a8: {  	v20 =	vld [tilespmem:s17+$0x620]  }
0x1a9: {  	v21 =	vld [tilespmem:s17+$0x8620]  }
0x1aa: {  	v22 =	vld [tilespmem:s17+$0x630]  }
0x1ab: {  	v16 =	vmul.f32 v16, v18;
	v18 =	vld [tilespmem:s17+$0x8630]  }
0x1ac: {  	v17 =	vmul.f32 v17, v19;
	_ =	sdelay $0x1  }
0x1ad: {  	v16 =	vadd.f32 v17, v16;
	v17 =	vmul.f32 v21, v20;
	_ =	sdelay $0x1  }
0x1ae: {  	v16 =	vadd.f32 v17, v16;
	v17 =	vmul.f32 v18, v22;
	_ =	sdelay $0x1  }
0x1af: {  	v16 =	vadd.f32 v17, v16;
	_ =	sdelay $0x1  }
0x1b0: {  	[tilespmem:$0x100C0] =	vst v16  }
0x1b1: {  	v16 =	vld [tilespmem:s17+$0x8680]  }
0x1b2: {  	v17 =	vld [tilespmem:s17+$0x8690]  }
0x1b3: {  	v18 =	vld [tilespmem:s17+$0x680]  }
0x1b4: {  	v19 =	vld [tilespmem:s17+$0x690]  }
0x1b5: {  	v20 =	vld [tilespmem:s17+$0x6A0]  }
0x1b6: {  	v21 =	vld [tilespmem:s17+$0x86A0]  }
0x1b7: {  	v22 =	vld [tilespmem:s17+$0x6B0]  }
0x1b8: {  	v16 =	vmul.f32 v16, v18;
	v18 =	vld [tilespmem:s17+$0x86B0]  }
0x1b9: {  	v17 =	vmul.f32 v17, v19;
	_ =	sdelay $0x1  }
0x1ba: {  	v16 =	vadd.f32 v17, v16;
	v17 =	vmul.f32 v21, v20;
	_ =	sdelay $0x1  }
0x1bb: {  	v16 =	vadd.f32 v17, v16;
	v17 =	vmul.f32 v18, v22;
	_ =	sdelay $0x1  }
0x1bc: {  	v16 =	vadd.f32 v17, v16;
	_ =	sdelay $0x1  }
0x1bd: {  	[tilespmem:$0x100D0] =	vst v16  }
0x1be: {  	v16 =	vld [tilespmem:s17+$0x8700]  }
0x1bf: {  	v17 =	vld [tilespmem:s17+$0x8710]  }
0x1c0: {  	v18 =	vld [tilespmem:s17+$0x700]  }
0x1c1: {  	v19 =	vld [tilespmem:s17+$0x710]  }
0x1c2: {  	v20 =	vld [tilespmem:s17+$0x720]  }
0x1c3: {  	v21 =	vld [tilespmem:s17+$0x8720]  }
0x1c4: {  	v22 =	vld [tilespmem:s17+$0x730]  }
0x1c5: {  	v16 =	vmul.f32 v16, v18;
	v18 =	vld [tilespmem:s17+$0x8730]  }
0x1c6: {  	v17 =	vmul.f32 v17, v19;
	_ =	sdelay $0x1  }
0x1c7: {  	v16 =	vadd.f32 v17, v16;
	v17 =	vmul.f32 v21, v20;
	_ =	sdelay $0x1  }
0x1c8: {  	v16 =	vadd.f32 v17, v16;
	v17 =	vmul.f32 v18, v22;
	_ =	sdelay $0x1  }
0x1c9: {  	v16 =	vadd.f32 v17, v16;
	_ =	sdelay $0x1  }
0x1ca: {  	[tilespmem:$0x100E0] =	vst v16  }
0x1cb: {  	v16 =	vld [tilespmem:s17+$0x8780]  }
0x1cc: {  	v17 =	vld [tilespmem:s17+$0x780]  }
0x1cd: {  	v18 =	vld [tilespmem:s17+$0x8790]  }
0x1ce: {  	v19 =	vld [tilespmem:s17+$0x790]  }
0x1cf: {  	v20 =	vld [tilespmem:s17+$0x7A0]  }
0x1d0: {  	v21 =	vld [tilespmem:s17+$0x87A0]  }
0x1d1: {  	v16 =	vmul.f32 v16, v17;
	v17 =	vld [tilespmem:s17+$0x7B0]  }
0x1d2: {  	v22 =	vld [tilespmem:s17+$0x87B0]  }
0x1d3: {  	v18 =	vmul.f32 v18, v19;
	_ =	sdelay $0x1  }
0x1d4: {  	v16 =	vadd.f32 v18, v16;
	v18 =	vmul.f32 v21, v20;
	_ =	sdelay $0x1  }
0x1d5: {  	v16 =	vadd.f32 v18, v16;
	v17 =	vmul.f32 v22, v17;
	_ =	sdelay $0x1  }
0x1d6: {  	v16 =	vadd.f32 v17, v16;
	_ =	sdelay $0x1  }
0x1d7: {  	[tilespmem:$0x100F0] =	vst v16  }
0x1d8: {  	v16 =	vld.idx.msk [tilespmem:v0+s11+$0x0], $0xffff  }
0x1d9: {  	v18 =	vld.idx.msk [tilespmem:v1+s11+$0x0], $0xffff  }
0x1da: {  	v19 =	vld.idx.msk [tilespmem:v2+s11+$0x0], $0xffff  }
0x1db: {  	v20 =	vld.idx.msk [tilespmem:v3+s11+$0x0], $0xffff  }
0x1dc: {  	v25 =	vld.idx.msk [tilespmem:v4+s11+$0x0], $0xffff  }
0x1dd: {  	v24 =	vld.idx.msk [tilespmem:v5+s11+$0x0], $0xffff  }
0x1de: {  	v17 =	vld.idx.msk [tilespmem:v6+s11+$0x0], $0xffff  }
0x1df: {  	v16 =	vadd.f32 v18, v16;
	v21 =	vld.idx.msk [tilespmem:v7+s11+$0x0], $0xffff  }
0x1e0: {  	v18 =	vld.idx.msk [tilespmem:v8+s11+$0x0], $0xffff  }
.Ltmp0:
0x1e1: {  	v16 =	vadd.f32 v19, v16;
	v22 =	vld.idx.msk [tilespmem:v9+s11+$0x0], $0xffff;
	(pc) =	sbr.rel @p0 .LBB2_2-.Ltmp0, $4  }
0x1e2: {  	v19 =	vld.idx.msk [tilespmem:v10+s11+$0x0], $0xffff  }
0x1e3: {  	v20 =	vadd.f32 v20, v16;
	v23 =	vld.idx.msk [tilespmem:v11+s11+$0x0], $0xffff  }
0x1e4: {  	v16 =	vld.idx.msk [tilespmem:v12+s11+$0x0], $0xffff  }
0x1e5: {  	v25 =	vadd.f32 v25, v20;
	v20 =	vld.idx.msk [tilespmem:v13+s11+$0x0], $0xffff  }
0x1e6: {  	_ = 	snop  }
0x1e7: {  	v24 =	vadd.f32 v24, v25;
	_ =	sdelay $0x1  }
0x1e8: {  	v17 =	vadd.f32 v17, v24;
	_ =	sdelay $0x1  }
0x1e9: {  	v17 =	vadd.f32 v21, v17;
	_ =	sdelay $0x1  }
0x1ea: {  	v17 =	vadd.f32 v18, v17;
	_ =	sdelay $0x1  }
0x1eb: {  	v17 =	vadd.f32 v22, v17;
	_ =	sdelay $0x1  }
0x1ec: {  	v17 =	vadd.f32 v19, v17;
	_ =	sdelay $0x1  }
0x1ed: {  	v17 =	vadd.f32 v23, v17  }
0x1ee: {  	v18 =	vld.idx.msk [tilespmem:v14+s11+$0x0], $0xffff  }
0x1ef: {  	v16 =	vadd.f32 v16, v17  }
0x1f0: {  	v17 =	vld.idx.msk [tilespmem:v15+s11+$0x0], $0xffff  }
0x1f1: {  	v16 =	vadd.f32 v20, v16;
	_ =	sdelay $0x1  }
0x1f2: {  	v16 =	vadd.f32 v18, v16;
	_ =	sdelay $0x1  }
0x1f3: {  	v16 =	vadd.f32 v17, v16;
	_ =	sdelay $0x1  }
0x1f4: {  	v16 =	vsub.f32 $0.0e+00, v16;
	_ =	sdelay $0x1  }
0x1f5: {  	v16 =	vmul.f32 $1.442695020e+00, v16;
	_ =	sdelay $0x1  }
0x1f6: {  	(erf) = vpow2.f32 v16;
	_ =	sdelay $0x8  }
0x1f7: {  	v16 =	vpop (erf)  }
0x1f8: {  	v16 =	vadd.f32 $1.000000000e+00, v16;
	_ =	sdelay $0x1  }
0x1f9: {  	(erf) = vrcp.f32 v16;
	_ =	sdelay $0x8  }
0x1fa: {  	v16 =	vpop (erf)  }
0x1fb: {  	[tilespmem:s14+$0x0] =	vst v16;
	s14 =	simm.s32 $0x0  }
0x1fc: {  	[tilespmem:s14], [sflag:$0x1] =	stream.linear.gather [hbm4b:s5+s14], $0x8000, $0x38;
	[tilespmem:$0x10300] =	vst v63  }
0x1fd: {  	_ =	swait.ge [sflag:s9], $0x8000  }
0x1fe: {  	[sflag:s9] =	ssyncset.done $0x0  }
0x1ff: {  	[sflag:s9] =	ssyncadd.s32 $0xFFFF8000  }
0x200: {  	[tilespmem:s10], [sflag:$0x1] =	stream.linear.gather [hbm4b:s6+s14], $0x8000, $0x38;
	[tilespmem:$0x10300] =	vst v63  }
0x201: {  	_ =	swait.ge [sflag:s9], $0x8000  }
0x202: {  	[sflag:s9] =	ssyncset.done $0x0  }
0x203: {  	s15 =	simm.s32 $0x400;
	[sflag:s9] =	ssyncadd.s32 $0xFFFF8000  }
0x204: {  	s16 =	simm.s32 $0x8400;
	v16 =	vld [tilespmem:s15+$0xFFFFFC00]  }
0x205: {  	v17 =	vld [tilespmem:s16+$0xFFFFFC10]  }
0x206: {  	v18 =	vld [tilespmem:s15+$0xFFFFFC10]  }
0x207: {  	v19 =	vld [tilespmem:s16+$0xFFFFFC00]  }
0x208: {  	v20 =	vld [tilespmem:s16+$0xFFFFFC20]  }
0x209: {  	v21 =	vld [tilespmem:s15+$0xFFFFFC20]  }
0x20a: {  	v22 =	vld [tilespmem:s16+$0xFFFFFC30]  }
0x20b: {  	v23 =	vld [tilespmem:s15+$0xFFFFFC30]  }
0x20c: {  	v17 =	vmul.f32 v17, v18;
	v16 =	vmul.f32 v19, v16;
	_ =	sdelay $0x1  }
0x20d: {  	v16 =	vadd.f32 v17, v16;
	v17 =	vmul.f32 v20, v21;
	_ =	sdelay $0x1  }
0x20e: {  	v16 =	vadd.f32 v17, v16;
	v17 =	vmul.f32 v22, v23;
	_ =	sdelay $0x1  }
0x20f: {  	v16 =	vadd.f32 v17, v16;
	_ =	sdelay $0x1  }
0x210: {  	[tilespmem:$0x10000] =	vst v16  }
0x211: {  	v16 =	vld [tilespmem:s16+$0xFFFFFC90]  }
0x212: {  	v17 =	vld [tilespmem:s15+$0xFFFFFC80]  }
0x213: {  	v18 =	vld [tilespmem:s15+$0xFFFFFC90]  }
0x214: {  	v19 =	vld [tilespmem:s16+$0xFFFFFC80]  }
0x215: {  	v20 =	vld [tilespmem:s16+$0xFFFFFCA0]  }
0x216: {  	v21 =	vld [tilespmem:s15+$0xFFFFFCA0]  }
0x217: {  	v22 =	vld [tilespmem:s16+$0xFFFFFCB0]  }
0x218: {  	v23 =	vld [tilespmem:s15+$0xFFFFFCB0]  }
0x219: {  	v16 =	vmul.f32 v16, v18;
	v17 =	vmul.f32 v19, v17;
	_ =	sdelay $0x1  }
0x21a: {  	v16 =	vadd.f32 v16, v17;
	v17 =	vmul.f32 v20, v21;
	_ =	sdelay $0x1  }
0x21b: {  	v16 =	vadd.f32 v17, v16;
	v17 =	vmul.f32 v22, v23;
	_ =	sdelay $0x1  }
0x21c: {  	v16 =	vadd.f32 v17, v16;
	_ =	sdelay $0x1  }
0x21d: {  	[tilespmem:$0x10010] =	vst v16  }
0x21e: {  	v16 =	vld [tilespmem:s15+$0xFFFFFD00]  }
0x21f: {  	v17 =	vld [tilespmem:s16+$0xFFFFFD00]  }
0x220: {  	v18 =	vld [tilespmem:s16+$0xFFFFFD10]  }
0x221: {  	v19 =	vld [tilespmem:s15+$0xFFFFFD10]  }
0x222: {  	v20 =	vld [tilespmem:s16+$0xFFFFFD20]  }
0x223: {  	v21 =	vld [tilespmem:s15+$0xFFFFFD20]  }
0x224: {  	v22 =	vld [tilespmem:s16+$0xFFFFFD30]  }
0x225: {  	v23 =	vld [tilespmem:s15+$0xFFFFFD30]  }
0x226: {  	v16 =	vmul.f32 v17, v16;
	v17 =	vmul.f32 v18, v19;
	_ =	sdelay $0x1  }
0x227: {  	v16 =	vadd.f32 v17, v16;
	v17 =	vmul.f32 v20, v21;
	_ =	sdelay $0x1  }
0x228: {  	v16 =	vadd.f32 v17, v16;
	v17 =	vmul.f32 v22, v23;
	_ =	sdelay $0x1  }
0x229: {  	v16 =	vadd.f32 v17, v16;
	_ =	sdelay $0x1  }
0x22a: {  	[tilespmem:$0x10020] =	vst v16  }
0x22b: {  	v16 =	vld [tilespmem:s16+$0xFFFFFD80]  }
0x22c: {  	v17 =	vld [tilespmem:s15+$0xFFFFFD80]  }
0x22d: {  	v18 =	vld [tilespmem:s15+$0xFFFFFD90]  }
0x22e: {  	v19 =	vld [tilespmem:s16+$0xFFFFFD90]  }
0x22f: {  	v20 =	vld [tilespmem:s16+$0xFFFFFDA0]  }
0x230: {  	v21 =	vld [tilespmem:s15+$0xFFFFFDA0]  }
0x231: {  	v22 =	vld [tilespmem:s16+$0xFFFFFDB0]  }
0x232: {  	v23 =	vld [tilespmem:s15+$0xFFFFFDB0]  }
0x233: {  	v16 =	vmul.f32 v16, v17;
	v17 =	vmul.f32 v19, v18;
	_ =	sdelay $0x1  }
0x234: {  	v16 =	vadd.f32 v17, v16;
	v17 =	vmul.f32 v20, v21;
	_ =	sdelay $0x1  }
0x235: {  	v16 =	vadd.f32 v17, v16;
	v17 =	vmul.f32 v22, v23;
	_ =	sdelay $0x1  }
0x236: {  	v16 =	vadd.f32 v17, v16;
	_ =	sdelay $0x1  }
0x237: {  	[tilespmem:$0x10030] =	vst v16  }
0x238: {  	v16 =	vld [tilespmem:s16+$0xFFFFFE10]  }
0x239: {  	v17 =	vld [tilespmem:s15+$0xFFFFFE00]  }
0x23a: {  	v18 =	vld [tilespmem:s16+$0xFFFFFE00]  }
0x23b: {  	v19 =	vld [tilespmem:s15+$0xFFFFFE10]  }
0x23c: {  	v20 =	vld [tilespmem:s16+$0xFFFFFE20]  }
0x23d: {  	v21 =	vld [tilespmem:s15+$0xFFFFFE20]  }
0x23e: {  	v22 =	vld [tilespmem:s16+$0xFFFFFE30]  }
0x23f: {  	v23 =	vld [tilespmem:s15+$0xFFFFFE30]  }
0x240: {  	v17 =	vmul.f32 v18, v17;
	v16 =	vmul.f32 v16, v19;
	_ =	sdelay $0x1  }
0x241: {  	v16 =	vadd.f32 v16, v17;
	v17 =	vmul.f32 v20, v21;
	_ =	sdelay $0x1  }
0x242: {  	v16 =	vadd.f32 v17, v16;
	v17 =	vmul.f32 v22, v23;
	_ =	sdelay $0x1  }
0x243: {  	v16 =	vadd.f32 v17, v16;
	_ =	sdelay $0x1  }
0x244: {  	[tilespmem:$0x10040] =	vst v16  }
0x245: {  	v16 =	vld [tilespmem:s16+$0xFFFFFE90]  }
0x246: {  	v17 =	vld [tilespmem:s15+$0xFFFFFE80]  }
0x247: {  	v18 =	vld [tilespmem:s16+$0xFFFFFE80]  }
0x248: {  	v19 =	vld [tilespmem:s15+$0xFFFFFE90]  }
0x249: {  	v20 =	vld [tilespmem:s16+$0xFFFFFEA0]  }
0x24a: {  	v21 =	vld [tilespmem:s15+$0xFFFFFEA0]  }
0x24b: {  	v22 =	vld [tilespmem:s16+$0xFFFFFEB0]  }
0x24c: {  	v23 =	vld [tilespmem:s15+$0xFFFFFEB0]  }
0x24d: {  	v17 =	vmul.f32 v18, v17;
	v16 =	vmul.f32 v16, v19;
	_ =	sdelay $0x1  }
0x24e: {  	v16 =	vadd.f32 v16, v17;
	v17 =	vmul.f32 v20, v21;
	_ =	sdelay $0x1  }
0x24f: {  	v16 =	vadd.f32 v17, v16;
	v17 =	vmul.f32 v22, v23;
	_ =	sdelay $0x1  }
0x250: {  	v16 =	vadd.f32 v17, v16;
	_ =	sdelay $0x1  }
0x251: {  	[tilespmem:$0x10050] =	vst v16  }
0x252: {  	v16 =	vld [tilespmem:s16+$0xFFFFFF00]  }
0x253: {  	v17 =	vld [tilespmem:s16+$0xFFFFFF10]  }
0x254: {  	v18 =	vld [tilespmem:s15+$0xFFFFFF10]  }
0x255: {  	v19 =	vld [tilespmem:s15+$0xFFFFFF00]  }
0x256: {  	v20 =	vld [tilespmem:s16+$0xFFFFFF20]  }
0x257: {  	v21 =	vld [tilespmem:s15+$0xFFFFFF20]  }
0x258: {  	v22 =	vld [tilespmem:s16+$0xFFFFFF30]  }
0x259: {  	v23 =	vld [tilespmem:s15+$0xFFFFFF30]  }
0x25a: {  	v17 =	vmul.f32 v17, v18;
	v16 =	vmul.f32 v16, v19;
	_ =	sdelay $0x1  }
0x25b: {  	v16 =	vadd.f32 v17, v16;
	v17 =	vmul.f32 v20, v21;
	_ =	sdelay $0x1  }
0x25c: {  	v16 =	vadd.f32 v17, v16;
	v17 =	vmul.f32 v22, v23;
	_ =	sdelay $0x1  }
0x25d: {  	v16 =	vadd.f32 v17, v16;
	_ =	sdelay $0x1  }
0x25e: {  	[tilespmem:$0x10060] =	vst v16  }
0x25f: {  	v16 =	vld [tilespmem:s16+$0xFFFFFF90]  }
0x260: {  	v17 =	vld [tilespmem:s16+$0xFFFFFF80]  }
0x261: {  	v18 =	vld [tilespmem:s15+$0xFFFFFF80]  }
0x262: {  	v19 =	vld [tilespmem:s15+$0xFFFFFF90]  }
0x263: {  	v20 =	vld [tilespmem:s16+$0xFFFFFFA0]  }
0x264: {  	v21 =	vld [tilespmem:s15+$0xFFFFFFA0]  }
0x265: {  	v22 =	vld [tilespmem:s16+$0xFFFFFFB0]  }
0x266: {  	v23 =	vld [tilespmem:s15+$0xFFFFFFB0]  }
0x267: {  	v17 =	vmul.f32 v17, v18;
	v16 =	vmul.f32 v16, v19;
	_ =	sdelay $0x1  }
0x268: {  	v16 =	vadd.f32 v16, v17;
	v17 =	vmul.f32 v20, v21;
	_ =	sdelay $0x1  }
0x269: {  	v16 =	vadd.f32 v17, v16;
	v17 =	vmul.f32 v22, v23;
	_ =	sdelay $0x1  }
0x26a: {  	v16 =	vadd.f32 v17, v16;
	_ =	sdelay $0x1  }
0x26b: {  	[tilespmem:$0x10070] =	vst v16  }
0x26c: {  	v16 =	vld [tilespmem:s16+$0x0]  }
0x26d: {  	v17 =	vld [tilespmem:s16+$0x10]  }
0x26e: {  	v18 =	vld [tilespmem:s15+$0x0]  }
0x26f: {  	v19 =	vld [tilespmem:s15+$0x10]  }
0x270: {  	v20 =	vld [tilespmem:s16+$0x20]  }
0x271: {  	v21 =	vld [tilespmem:s15+$0x20]  }
0x272: {  	v22 =	vld [tilespmem:s16+$0x30]  }
0x273: {  	v23 =	vld [tilespmem:s15+$0x30]  }
0x274: {  	v16 =	vmul.f32 v16, v18;
	v17 =	vmul.f32 v17, v19;
	_ =	sdelay $0x1  }
0x275: {  	v16 =	vadd.f32 v17, v16;
	v17 =	vmul.f32 v20, v21;
	_ =	sdelay $0x1  }
0x276: {  	v16 =	vadd.f32 v17, v16;
	v17 =	vmul.f32 v22, v23;
	_ =	sdelay $0x1  }
0x277: {  	v16 =	vadd.f32 v17, v16;
	_ =	sdelay $0x1  }
0x278: {  	[tilespmem:$0x10080] =	vst v16  }
0x279: {  	v16 =	vld [tilespmem:s16+$0x80]  }
0x27a: {  	v17 =	vld [tilespmem:s16+$0x90]  }
0x27b: {  	v18 =	vld [tilespmem:s15+$0x80]  }
0x27c: {  	v19 =	vld [tilespmem:s15+$0x90]  }
0x27d: {  	v20 =	vld [tilespmem:s15+$0xA0]  }
0x27e: {  	v21 =	vld [tilespmem:s16+$0xA0]  }
0x27f: {  	v22 =	vld [tilespmem:s15+$0xB0]  }
0x280: {  	v23 =	vld [tilespmem:s16+$0xB0]  }
0x281: {  	v16 =	vmul.f32 v16, v18;
	v17 =	vmul.f32 v17, v19;
	_ =	sdelay $0x1  }
0x282: {  	v16 =	vadd.f32 v17, v16;
	v17 =	vmul.f32 v21, v20;
	_ =	sdelay $0x1  }
0x283: {  	v16 =	vadd.f32 v17, v16;
	v17 =	vmul.f32 v23, v22;
	_ =	sdelay $0x1  }
0x284: {  	v16 =	vadd.f32 v17, v16;
	_ =	sdelay $0x1  }
0x285: {  	[tilespmem:$0x10090] =	vst v16  }
0x286: {  	v16 =	vld [tilespmem:s16+$0x100]  }
0x287: {  	v17 =	vld [tilespmem:s16+$0x110]  }
0x288: {  	v18 =	vld [tilespmem:s15+$0x100]  }
0x289: {  	v19 =	vld [tilespmem:s15+$0x110]  }
0x28a: {  	v20 =	vld [tilespmem:s15+$0x120]  }
0x28b: {  	v21 =	vld [tilespmem:s16+$0x120]  }
0x28c: {  	v22 =	vld [tilespmem:s15+$0x130]  }
0x28d: {  	v23 =	vld [tilespmem:s16+$0x130]  }
0x28e: {  	v16 =	vmul.f32 v16, v18;
	v17 =	vmul.f32 v17, v19;
	_ =	sdelay $0x1  }
0x28f: {  	v16 =	vadd.f32 v17, v16;
	v17 =	vmul.f32 v21, v20;
	_ =	sdelay $0x1  }
0x290: {  	v16 =	vadd.f32 v17, v16;
	v17 =	vmul.f32 v23, v22;
	_ =	sdelay $0x1  }
0x291: {  	v16 =	vadd.f32 v17, v16;
	_ =	sdelay $0x1  }
0x292: {  	[tilespmem:$0x100A0] =	vst v16  }
0x293: {  	v16 =	vld [tilespmem:s16+$0x180]  }
0x294: {  	v17 =	vld [tilespmem:s16+$0x190]  }
0x295: {  	v18 =	vld [tilespmem:s15+$0x180]  }
0x296: {  	v19 =	vld [tilespmem:s15+$0x190]  }
0x297: {  	v20 =	vld [tilespmem:s15+$0x1A0]  }
0x298: {  	v21 =	vld [tilespmem:s16+$0x1A0]  }
0x299: {  	v22 =	vld [tilespmem:s15+$0x1B0]  }
0x29a: {  	v23 =	vld [tilespmem:s16+$0x1B0]  }
0x29b: {  	v16 =	vmul.f32 v16, v18;
	v17 =	vmul.f32 v17, v19;
	_ =	sdelay $0x1  }
0x29c: {  	v16 =	vadd.f32 v17, v16;
	v17 =	vmul.f32 v21, v20;
	_ =	sdelay $0x1  }
0x29d: {  	v16 =	vadd.f32 v17, v16;
	v17 =	vmul.f32 v23, v22;
	_ =	sdelay $0x1  }
0x29e: {  	v16 =	vadd.f32 v17, v16;
	_ =	sdelay $0x1  }
0x29f: {  	[tilespmem:$0x100B0] =	vst v16  }
0x2a0: {  	v16 =	vld [tilespmem:s16+$0x200]  }
0x2a1: {  	v17 =	vld [tilespmem:s16+$0x210]  }
0x2a2: {  	v18 =	vld [tilespmem:s15+$0x200]  }
0x2a3: {  	v19 =	vld [tilespmem:s15+$0x210]  }
0x2a4: {  	v20 =	vld [tilespmem:s15+$0x220]  }
0x2a5: {  	v21 =	vld [tilespmem:s16+$0x220]  }
0x2a6: {  	v22 =	vld [tilespmem:s15+$0x230]  }
0x2a7: {  	v23 =	vld [tilespmem:s16+$0x230]  }
0x2a8: {  	v16 =	vmul.f32 v16, v18;
	v17 =	vmul.f32 v17, v19;
	_ =	sdelay $0x1  }
0x2a9: {  	v16 =	vadd.f32 v17, v16;
	v17 =	vmul.f32 v21, v20;
	_ =	sdelay $0x1  }
0x2aa: {  	v16 =	vadd.f32 v17, v16;
	v17 =	vmul.f32 v23, v22;
	_ =	sdelay $0x1  }
0x2ab: {  	v16 =	vadd.f32 v17, v16;
	_ =	sdelay $0x1  }
0x2ac: {  	[tilespmem:$0x100C0] =	vst v16  }
0x2ad: {  	v16 =	vld [tilespmem:s16+$0x280]  }
0x2ae: {  	v17 =	vld [tilespmem:s16+$0x290]  }
0x2af: {  	v18 =	vld [tilespmem:s15+$0x280]  }
0x2b0: {  	v19 =	vld [tilespmem:s15+$0x290]  }
0x2b1: {  	v20 =	vld [tilespmem:s15+$0x2A0]  }
0x2b2: {  	v21 =	vld [tilespmem:s16+$0x2A0]  }
0x2b3: {  	v22 =	vld [tilespmem:s15+$0x2B0]  }
0x2b4: {  	v23 =	vld [tilespmem:s16+$0x2B0]  }
0x2b5: {  	v16 =	vmul.f32 v16, v18;
	v17 =	vmul.f32 v17, v19;
	_ =	sdelay $0x1  }
0x2b6: {  	v16 =	vadd.f32 v17, v16;
	v17 =	vmul.f32 v21, v20;
	_ =	sdelay $0x1  }
0x2b7: {  	v16 =	vadd.f32 v17, v16;
	v17 =	vmul.f32 v23, v22;
	_ =	sdelay $0x1  }
0x2b8: {  	v16 =	vadd.f32 v17, v16;
	_ =	sdelay $0x1  }
0x2b9: {  	[tilespmem:$0x100D0] =	vst v16  }
0x2ba: {  	v16 =	vld [tilespmem:s16+$0x300]  }
0x2bb: {  	v17 =	vld [tilespmem:s16+$0x310]  }
0x2bc: {  	v18 =	vld [tilespmem:s15+$0x310]  }
0x2bd: {  	v19 =	vld [tilespmem:s15+$0x300]  }
0x2be: {  	v20 =	vld [tilespmem:s15+$0x320]  }
0x2bf: {  	v21 =	vld [tilespmem:s16+$0x320]  }
0x2c0: {  	v22 =	vld [tilespmem:s15+$0x330]  }
0x2c1: {  	v23 =	vld [tilespmem:s16+$0x330]  }
0x2c2: {  	v17 =	vmul.f32 v17, v18;
	v16 =	vmul.f32 v16, v19;
	_ =	sdelay $0x1  }
0x2c3: {  	v16 =	vadd.f32 v17, v16;
	v17 =	vmul.f32 v21, v20;
	_ =	sdelay $0x1  }
0x2c4: {  	v16 =	vadd.f32 v17, v16;
	v17 =	vmul.f32 v23, v22;
	_ =	sdelay $0x1  }
0x2c5: {  	v16 =	vadd.f32 v17, v16;
	_ =	sdelay $0x1  }
0x2c6: {  	[tilespmem:$0x100E0] =	vst v16  }
0x2c7: {  	v16 =	vld [tilespmem:s15+$0x380]  }
0x2c8: {  	v17 =	vld [tilespmem:s16+$0x380]  }
0x2c9: {  	v18 =	vld [tilespmem:s16+$0x390]  }
0x2ca: {  	v19 =	vld [tilespmem:s15+$0x390]  }
0x2cb: {  	v20 =	vld [tilespmem:s15+$0x3A0]  }
0x2cc: {  	v21 =	vld [tilespmem:s16+$0x3A0]  }
0x2cd: {  	v22 =	vld [tilespmem:s15+$0x3B0]  }
0x2ce: {  	v23 =	vld [tilespmem:s16+$0x3B0]  }
0x2cf: {  	v16 =	vmul.f32 v17, v16;
	v17 =	vmul.f32 v18, v19;
	_ =	sdelay $0x1  }
0x2d0: {  	v16 =	vadd.f32 v17, v16;
	v17 =	vmul.f32 v21, v20;
	_ =	sdelay $0x1  }
0x2d1: {  	v16 =	vadd.f32 v17, v16;
	v17 =	vmul.f32 v23, v22;
	_ =	sdelay $0x1  }
0x2d2: {  	v16 =	vadd.f32 v17, v16;
	_ =	sdelay $0x1  }
0x2d3: {  	[tilespmem:$0x100F0] =	vst v16  }
0x2d4: {  	v16 =	vld.idx.msk [tilespmem:v0+s11+$0x0], $0xffff  }
0x2d5: {  	v17 =	vld.idx.msk [tilespmem:v1+s11+$0x0], $0xffff  }
0x2d6: {  	v18 =	vld.idx.msk [tilespmem:v2+s11+$0x0], $0xffff  }
0x2d7: {  	v19 =	vld.idx.msk [tilespmem:v3+s11+$0x0], $0xffff  }
0x2d8: {  	v23 =	vld.idx.msk [tilespmem:v4+s11+$0x0], $0xffff  }
0x2d9: {  	v24 =	vld.idx.msk [tilespmem:v5+s11+$0x0], $0xffff  }
0x2da: {  	v25 =	vld.idx.msk [tilespmem:v6+s11+$0x0], $0xffff  }
0x2db: {  	v20 =	vld.idx.msk [tilespmem:v7+s11+$0x0], $0xffff;
	v17 =	vadd.f32 v17, v16  }
0x2dc: {  	v21 =	vld.idx.msk [tilespmem:v9+s11+$0x0], $0xffff  }
0x2dd: {  	v22 =	vld.idx.msk [tilespmem:v11+s11+$0x0], $0xffff;
	v18 =	vadd.f32 v18, v17  }
0x2de: {  	v16 =	vld.idx.msk [tilespmem:v8+s11+$0x0], $0xffff  }
0x2df: {  	v17 =	vld.idx.msk [tilespmem:v10+s11+$0x0], $0xffff;
	v19 =	vadd.f32 v19, v18  }
0x2e0: {  	v18 =	vld.idx.msk [tilespmem:v12+s11+$0x0], $0xffff  }
0x2e1: {  	v26 =	vadd.f32 v23, v19;
	v23 =	vld.idx.msk [tilespmem:v13+s11+$0x0], $0xffff  }
0x2e2: {  	v19 =	vld.idx.msk [tilespmem:v14+s11+$0x0], $0xffff  }
0x2e3: {  	s17 =	simm.s32 $0x10;
	v26 =	vadd.f32 v24, v26;
	v24 =	vld.idx.msk [tilespmem:v15+s11+$0x0], $0xffff  }
.LBB2_4:
0x2e4: {  	_ = 	snop  }
0x2e5: {  	p0 =	sne.s32 s17, $0xF0;
	s15 =	sadd.s32 $0x800, s15;
	s16 =	sadd.s32 $0x800, s16;
	v25 =	vadd.f32 v25, v26  }
0x2e6: {  	s18 =	smov.u32 s17;
	s17 =	sadd.s32 $0x10, s17  }
0x2e7: {  	v20 =	vadd.f32 v20, v25;
	_ =	sdelay $0x1  }
0x2e8: {  	v16 =	vadd.f32 v16, v20;
	_ =	sdelay $0x1  }
0x2e9: {  	v16 =	vadd.f32 v21, v16;
	_ =	sdelay $0x1  }
0x2ea: {  	v16 =	vadd.f32 v17, v16;
	_ =	sdelay $0x1  }
0x2eb: {  	v16 =	vadd.f32 v22, v16;
	_ =	sdelay $0x1  }
0x2ec: {  	v16 =	vadd.f32 v18, v16;
	_ =	sdelay $0x1  }
0x2ed: {  	v16 =	vadd.f32 v23, v16;
	_ =	sdelay $0x1  }
0x2ee: {  	v16 =	vadd.f32 v19, v16;
	_ =	sdelay $0x1  }
0x2ef: {  	v16 =	vadd.f32 v24, v16;
	_ =	sdelay $0x1  }
0x2f0: {  	v16 =	vsub.f32 $0.0e+00, v16;
	_ =	sdelay $0x1  }
0x2f1: {  	v16 =	vmul.f32 $1.442695020e+00, v16;
	_ =	sdelay $0x1  }
0x2f2: {  	(erf) = vpow2.f32 v16;
	_ =	sdelay $0x8  }
0x2f3: {  	v16 =	vpop (erf)  }
0x2f4: {  	v16 =	vadd.f32 $1.000000000e+00, v16;
	_ =	sdelay $0x1  }
0x2f5: {  	(erf) = vrcp.f32 v16;
	_ =	sdelay $0x7  }
0x2f6: {  	s19 =	sand.u32 $0xF0, s14;
	s14 =	smov.u32 s18  }
0x2f7: {  	v16 =	vpop (erf)  }
0x2f8: {  	[tilespmem:s19+$0x10200] =	vst v16  }
0x2f9: {  	v16 =	vld [tilespmem:s15+$0xFFFFFC00]  }
0x2fa: {  	v17 =	vld [tilespmem:s16+$0xFFFFFC10]  }
0x2fb: {  	v18 =	vld [tilespmem:s15+$0xFFFFFC10]  }
0x2fc: {  	v19 =	vld [tilespmem:s16+$0xFFFFFC00]  }
0x2fd: {  	v20 =	vld [tilespmem:s16+$0xFFFFFC20]  }
0x2fe: {  	v21 =	vld [tilespmem:s15+$0xFFFFFC20]  }
0x2ff: {  	v22 =	vld [tilespmem:s16+$0xFFFFFC30]  }
0x300: {  	v17 =	vmul.f32 v17, v18;
	v18 =	vld [tilespmem:s15+$0xFFFFFC30]  }
0x301: {  	v16 =	vmul.f32 v19, v16;
	_ =	sdelay $0x1  }
0x302: {  	v16 =	vadd.f32 v17, v16;
	v17 =	vmul.f32 v20, v21;
	_ =	sdelay $0x1  }
0x303: {  	v16 =	vadd.f32 v17, v16;
	v17 =	vmul.f32 v22, v18;
	_ =	sdelay $0x1  }
0x304: {  	v16 =	vadd.f32 v17, v16;
	_ =	sdelay $0x1  }
0x305: {  	[tilespmem:$0x10000] =	vst v16  }
0x306: {  	v16 =	vld [tilespmem:s16+$0xFFFFFC90]  }
0x307: {  	v17 =	vld [tilespmem:s15+$0xFFFFFC80]  }
0x308: {  	v18 =	vld [tilespmem:s15+$0xFFFFFC90]  }
0x309: {  	v19 =	vld [tilespmem:s16+$0xFFFFFC80]  }
0x30a: {  	v20 =	vld [tilespmem:s16+$0xFFFFFCA0]  }
0x30b: {  	v21 =	vld [tilespmem:s15+$0xFFFFFCA0]  }
0x30c: {  	v22 =	vld [tilespmem:s16+$0xFFFFFCB0]  }
0x30d: {  	v16 =	vmul.f32 v16, v18;
	v18 =	vld [tilespmem:s15+$0xFFFFFCB0]  }
0x30e: {  	v17 =	vmul.f32 v19, v17;
	_ =	sdelay $0x1  }
0x30f: {  	v16 =	vadd.f32 v16, v17;
	v17 =	vmul.f32 v20, v21;
	_ =	sdelay $0x1  }
0x310: {  	v16 =	vadd.f32 v17, v16;
	v17 =	vmul.f32 v22, v18;
	_ =	sdelay $0x1  }
0x311: {  	v16 =	vadd.f32 v17, v16;
	_ =	sdelay $0x1  }
0x312: {  	[tilespmem:$0x10010] =	vst v16  }
0x313: {  	v16 =	vld [tilespmem:s15+$0xFFFFFD00]  }
0x314: {  	v17 =	vld [tilespmem:s16+$0xFFFFFD00]  }
0x315: {  	v18 =	vld [tilespmem:s16+$0xFFFFFD10]  }
0x316: {  	v19 =	vld [tilespmem:s15+$0xFFFFFD10]  }
0x317: {  	v20 =	vld [tilespmem:s16+$0xFFFFFD20]  }
0x318: {  	v21 =	vld [tilespmem:s15+$0xFFFFFD20]  }
0x319: {  	v16 =	vmul.f32 v17, v16;
	v17 =	vld [tilespmem:s16+$0xFFFFFD30]  }
0x31a: {  	v22 =	vld [tilespmem:s15+$0xFFFFFD30]  }
0x31b: {  	v18 =	vmul.f32 v18, v19;
	_ =	sdelay $0x1  }
0x31c: {  	v16 =	vadd.f32 v18, v16;
	v18 =	vmul.f32 v20, v21;
	_ =	sdelay $0x1  }
0x31d: {  	v16 =	vadd.f32 v18, v16;
	v17 =	vmul.f32 v17, v22;
	_ =	sdelay $0x1  }
0x31e: {  	v16 =	vadd.f32 v17, v16;
	_ =	sdelay $0x1  }
0x31f: {  	[tilespmem:$0x10020] =	vst v16  }
0x320: {  	v16 =	vld [tilespmem:s16+$0xFFFFFD80]  }
0x321: {  	v17 =	vld [tilespmem:s15+$0xFFFFFD80]  }
0x322: {  	v18 =	vld [tilespmem:s15+$0xFFFFFD90]  }
0x323: {  	v19 =	vld [tilespmem:s16+$0xFFFFFD90]  }
0x324: {  	v20 =	vld [tilespmem:s16+$0xFFFFFDA0]  }
0x325: {  	v21 =	vld [tilespmem:s15+$0xFFFFFDA0]  }
0x326: {  	v16 =	vmul.f32 v16, v17;
	v17 =	vld [tilespmem:s16+$0xFFFFFDB0]  }
0x327: {  	v22 =	vld [tilespmem:s15+$0xFFFFFDB0]  }
0x328: {  	v18 =	vmul.f32 v19, v18;
	_ =	sdelay $0x1  }
0x329: {  	v16 =	vadd.f32 v18, v16;
	v18 =	vmul.f32 v20, v21;
	_ =	sdelay $0x1  }
0x32a: {  	v16 =	vadd.f32 v18, v16;
	v17 =	vmul.f32 v17, v22;
	_ =	sdelay $0x1  }
0x32b: {  	v16 =	vadd.f32 v17, v16;
	_ =	sdelay $0x1  }
0x32c: {  	[tilespmem:$0x10030] =	vst v16  }
0x32d: {  	v16 =	vld [tilespmem:s16+$0xFFFFFE10]  }
0x32e: {  	v17 =	vld [tilespmem:s15+$0xFFFFFE00]  }
0x32f: {  	v18 =	vld [tilespmem:s16+$0xFFFFFE00]  }
0x330: {  	v19 =	vld [tilespmem:s15+$0xFFFFFE10]  }
0x331: {  	v20 =	vld [tilespmem:s16+$0xFFFFFE20]  }
0x332: {  	v21 =	vld [tilespmem:s15+$0xFFFFFE20]  }
0x333: {  	v22 =	vld [tilespmem:s16+$0xFFFFFE30]  }
0x334: {  	v17 =	vmul.f32 v18, v17;
	v18 =	vld [tilespmem:s15+$0xFFFFFE30]  }
0x335: {  	v16 =	vmul.f32 v16, v19;
	_ =	sdelay $0x1  }
0x336: {  	v16 =	vadd.f32 v16, v17;
	v17 =	vmul.f32 v20, v21;
	_ =	sdelay $0x1  }
0x337: {  	v16 =	vadd.f32 v17, v16;
	v17 =	vmul.f32 v22, v18;
	_ =	sdelay $0x1  }
0x338: {  	v16 =	vadd.f32 v17, v16;
	_ =	sdelay $0x1  }
0x339: {  	[tilespmem:$0x10040] =	vst v16  }
0x33a: {  	v16 =	vld [tilespmem:s16+$0xFFFFFE90]  }
0x33b: {  	v17 =	vld [tilespmem:s15+$0xFFFFFE80]  }
0x33c: {  	v18 =	vld [tilespmem:s16+$0xFFFFFE80]  }
0x33d: {  	v19 =	vld [tilespmem:s15+$0xFFFFFE90]  }
0x33e: {  	v20 =	vld [tilespmem:s16+$0xFFFFFEA0]  }
0x33f: {  	v21 =	vld [tilespmem:s15+$0xFFFFFEA0]  }
0x340: {  	v22 =	vld [tilespmem:s16+$0xFFFFFEB0]  }
0x341: {  	v17 =	vmul.f32 v18, v17;
	v18 =	vld [tilespmem:s15+$0xFFFFFEB0]  }
0x342: {  	v16 =	vmul.f32 v16, v19;
	_ =	sdelay $0x1  }
0x343: {  	v16 =	vadd.f32 v16, v17;
	v17 =	vmul.f32 v20, v21;
	_ =	sdelay $0x1  }
0x344: {  	v16 =	vadd.f32 v17, v16;
	v17 =	vmul.f32 v22, v18;
	_ =	sdelay $0x1  }
0x345: {  	v16 =	vadd.f32 v17, v16;
	_ =	sdelay $0x1  }
0x346: {  	[tilespmem:$0x10050] =	vst v16  }
0x347: {  	v16 =	vld [tilespmem:s16+$0xFFFFFF00]  }
0x348: {  	v17 =	vld [tilespmem:s16+$0xFFFFFF10]  }
0x349: {  	v18 =	vld [tilespmem:s15+$0xFFFFFF10]  }
0x34a: {  	v19 =	vld [tilespmem:s15+$0xFFFFFF00]  }
0x34b: {  	v20 =	vld [tilespmem:s16+$0xFFFFFF20]  }
0x34c: {  	v21 =	vld [tilespmem:s15+$0xFFFFFF20]  }
0x34d: {  	v22 =	vld [tilespmem:s16+$0xFFFFFF30]  }
0x34e: {  	v17 =	vmul.f32 v17, v18;
	v18 =	vld [tilespmem:s15+$0xFFFFFF30]  }
0x34f: {  	v16 =	vmul.f32 v16, v19;
	_ =	sdelay $0x1  }
0x350: {  	v16 =	vadd.f32 v17, v16;
	v17 =	vmul.f32 v20, v21;
	_ =	sdelay $0x1  }
0x351: {  	v16 =	vadd.f32 v17, v16;
	v17 =	vmul.f32 v22, v18;
	_ =	sdelay $0x1  }
0x352: {  	v16 =	vadd.f32 v17, v16;
	_ =	sdelay $0x1  }
0x353: {  	[tilespmem:$0x10060] =	vst v16  }
0x354: {  	v16 =	vld [tilespmem:s16+$0xFFFFFF90]  }
0x355: {  	v17 =	vld [tilespmem:s16+$0xFFFFFF80]  }
0x356: {  	v18 =	vld [tilespmem:s15+$0xFFFFFF80]  }
0x357: {  	v19 =	vld [tilespmem:s15+$0xFFFFFF90]  }
0x358: {  	v20 =	vld [tilespmem:s16+$0xFFFFFFA0]  }
0x359: {  	v21 =	vld [tilespmem:s15+$0xFFFFFFA0]  }
0x35a: {  	v22 =	vld [tilespmem:s16+$0xFFFFFFB0]  }
0x35b: {  	v17 =	vmul.f32 v17, v18;
	v18 =	vld [tilespmem:s15+$0xFFFFFFB0]  }
0x35c: {  	v16 =	vmul.f32 v16, v19;
	_ =	sdelay $0x1  }
0x35d: {  	v16 =	vadd.f32 v16, v17;
	v17 =	vmul.f32 v20, v21;
	_ =	sdelay $0x1  }
0x35e: {  	v16 =	vadd.f32 v17, v16;
	v17 =	vmul.f32 v22, v18;
	_ =	sdelay $0x1  }
0x35f: {  	v16 =	vadd.f32 v17, v16;
	_ =	sdelay $0x1  }
0x360: {  	[tilespmem:$0x10070] =	vst v16  }
0x361: {  	v16 =	vld [tilespmem:s16+$0x0]  }
0x362: {  	v17 =	vld [tilespmem:s16+$0x10]  }
0x363: {  	v18 =	vld [tilespmem:s15+$0x0]  }
0x364: {  	v19 =	vld [tilespmem:s15+$0x10]  }
0x365: {  	v20 =	vld [tilespmem:s16+$0x20]  }
0x366: {  	v21 =	vld [tilespmem:s15+$0x20]  }
0x367: {  	v22 =	vld [tilespmem:s16+$0x30]  }
0x368: {  	v16 =	vmul.f32 v16, v18;
	v18 =	vld [tilespmem:s15+$0x30]  }
0x369: {  	v17 =	vmul.f32 v17, v19;
	_ =	sdelay $0x1  }
0x36a: {  	v16 =	vadd.f32 v17, v16;
	v17 =	vmul.f32 v20, v21;
	_ =	sdelay $0x1  }
0x36b: {  	v16 =	vadd.f32 v17, v16;
	v17 =	vmul.f32 v22, v18;
	_ =	sdelay $0x1  }
0x36c: {  	v16 =	vadd.f32 v17, v16;
	_ =	sdelay $0x1  }
0x36d: {  	[tilespmem:$0x10080] =	vst v16  }
0x36e: {  	v16 =	vld [tilespmem:s16+$0x80]  }
0x36f: {  	v17 =	vld [tilespmem:s16+$0x90]  }
0x370: {  	v18 =	vld [tilespmem:s15+$0x80]  }
0x371: {  	v19 =	vld [tilespmem:s15+$0x90]  }
0x372: {  	v20 =	vld [tilespmem:s15+$0xA0]  }
0x373: {  	v21 =	vld [tilespmem:s16+$0xA0]  }
0x374: {  	v22 =	vld [tilespmem:s15+$0xB0]  }
0x375: {  	v16 =	vmul.f32 v16, v18;
	v18 =	vld [tilespmem:s16+$0xB0]  }
0x376: {  	v17 =	vmul.f32 v17, v19;
	_ =	sdelay $0x1  }
0x377: {  	v16 =	vadd.f32 v17, v16;
	v17 =	vmul.f32 v21, v20;
	_ =	sdelay $0x1  }
0x378: {  	v16 =	vadd.f32 v17, v16;
	v17 =	vmul.f32 v18, v22;
	_ =	sdelay $0x1  }
0x379: {  	v16 =	vadd.f32 v17, v16;
	_ =	sdelay $0x1  }
0x37a: {  	[tilespmem:$0x10090] =	vst v16  }
0x37b: {  	v16 =	vld [tilespmem:s16+$0x100]  }
0x37c: {  	v17 =	vld [tilespmem:s16+$0x110]  }
0x37d: {  	v18 =	vld [tilespmem:s15+$0x100]  }
0x37e: {  	v19 =	vld [tilespmem:s15+$0x110]  }
0x37f: {  	v20 =	vld [tilespmem:s15+$0x120]  }
0x380: {  	v21 =	vld [tilespmem:s16+$0x120]  }
0x381: {  	v22 =	vld [tilespmem:s15+$0x130]  }
0x382: {  	v16 =	vmul.f32 v16, v18;
	v18 =	vld [tilespmem:s16+$0x130]  }
0x383: {  	v17 =	vmul.f32 v17, v19;
	_ =	sdelay $0x1  }
0x384: {  	v16 =	vadd.f32 v17, v16;
	v17 =	vmul.f32 v21, v20;
	_ =	sdelay $0x1  }
0x385: {  	v16 =	vadd.f32 v17, v16;
	v17 =	vmul.f32 v18, v22;
	_ =	sdelay $0x1  }
0x386: {  	v16 =	vadd.f32 v17, v16;
	_ =	sdelay $0x1  }
0x387: {  	[tilespmem:$0x100A0] =	vst v16  }
0x388: {  	v16 =	vld [tilespmem:s16+$0x180]  }
0x389: {  	v17 =	vld [tilespmem:s16+$0x190]  }
0x38a: {  	v18 =	vld [tilespmem:s15+$0x180]  }
0x38b: {  	v19 =	vld [tilespmem:s15+$0x190]  }
0x38c: {  	v20 =	vld [tilespmem:s15+$0x1A0]  }
0x38d: {  	v21 =	vld [tilespmem:s16+$0x1A0]  }
0x38e: {  	v22 =	vld [tilespmem:s15+$0x1B0]  }
0x38f: {  	v16 =	vmul.f32 v16, v18;
	v18 =	vld [tilespmem:s16+$0x1B0]  }
0x390: {  	v17 =	vmul.f32 v17, v19;
	_ =	sdelay $0x1  }
0x391: {  	v16 =	vadd.f32 v17, v16;
	v17 =	vmul.f32 v21, v20;
	_ =	sdelay $0x1  }
0x392: {  	v16 =	vadd.f32 v17, v16;
	v17 =	vmul.f32 v18, v22;
	_ =	sdelay $0x1  }
0x393: {  	v16 =	vadd.f32 v17, v16;
	_ =	sdelay $0x1  }
0x394: {  	[tilespmem:$0x100B0] =	vst v16  }
0x395: {  	v16 =	vld [tilespmem:s16+$0x200]  }
0x396: {  	v17 =	vld [tilespmem:s16+$0x210]  }
0x397: {  	v18 =	vld [tilespmem:s15+$0x200]  }
0x398: {  	v19 =	vld [tilespmem:s15+$0x210]  }
0x399: {  	v20 =	vld [tilespmem:s15+$0x220]  }
0x39a: {  	v21 =	vld [tilespmem:s16+$0x220]  }
0x39b: {  	v22 =	vld [tilespmem:s15+$0x230]  }
0x39c: {  	v16 =	vmul.f32 v16, v18;
	v18 =	vld [tilespmem:s16+$0x230]  }
0x39d: {  	v17 =	vmul.f32 v17, v19;
	_ =	sdelay $0x1  }
0x39e: {  	v16 =	vadd.f32 v17, v16;
	v17 =	vmul.f32 v21, v20;
	_ =	sdelay $0x1  }
0x39f: {  	v16 =	vadd.f32 v17, v16;
	v17 =	vmul.f32 v18, v22;
	_ =	sdelay $0x1  }
0x3a0: {  	v16 =	vadd.f32 v17, v16;
	_ =	sdelay $0x1  }
0x3a1: {  	[tilespmem:$0x100C0] =	vst v16  }
0x3a2: {  	v16 =	vld [tilespmem:s16+$0x280]  }
0x3a3: {  	v17 =	vld [tilespmem:s16+$0x290]  }
0x3a4: {  	v18 =	vld [tilespmem:s15+$0x280]  }
0x3a5: {  	v19 =	vld [tilespmem:s15+$0x290]  }
0x3a6: {  	v20 =	vld [tilespmem:s15+$0x2A0]  }
0x3a7: {  	v21 =	vld [tilespmem:s16+$0x2A0]  }
0x3a8: {  	v22 =	vld [tilespmem:s15+$0x2B0]  }
0x3a9: {  	v16 =	vmul.f32 v16, v18;
	v18 =	vld [tilespmem:s16+$0x2B0]  }
0x3aa: {  	v17 =	vmul.f32 v17, v19;
	_ =	sdelay $0x1  }
0x3ab: {  	v16 =	vadd.f32 v17, v16;
	v17 =	vmul.f32 v21, v20;
	_ =	sdelay $0x1  }
0x3ac: {  	v16 =	vadd.f32 v17, v16;
	v17 =	vmul.f32 v18, v22;
	_ =	sdelay $0x1  }
0x3ad: {  	v16 =	vadd.f32 v17, v16;
	_ =	sdelay $0x1  }
0x3ae: {  	[tilespmem:$0x100D0] =	vst v16  }
0x3af: {  	v16 =	vld [tilespmem:s16+$0x300]  }
0x3b0: {  	v17 =	vld [tilespmem:s16+$0x310]  }
0x3b1: {  	v18 =	vld [tilespmem:s15+$0x310]  }
0x3b2: {  	v19 =	vld [tilespmem:s15+$0x300]  }
0x3b3: {  	v20 =	vld [tilespmem:s15+$0x320]  }
0x3b4: {  	v21 =	vld [tilespmem:s16+$0x320]  }
0x3b5: {  	v22 =	vld [tilespmem:s15+$0x330]  }
0x3b6: {  	v17 =	vmul.f32 v17, v18;
	v18 =	vld [tilespmem:s16+$0x330]  }
0x3b7: {  	v16 =	vmul.f32 v16, v19;
	_ =	sdelay $0x1  }
0x3b8: {  	v16 =	vadd.f32 v17, v16;
	v17 =	vmul.f32 v21, v20;
	_ =	sdelay $0x1  }
0x3b9: {  	v16 =	vadd.f32 v17, v16;
	v17 =	vmul.f32 v18, v22;
	_ =	sdelay $0x1  }
0x3ba: {  	v16 =	vadd.f32 v17, v16;
	_ =	sdelay $0x1  }
0x3bb: {  	[tilespmem:$0x100E0] =	vst v16  }
0x3bc: {  	v16 =	vld [tilespmem:s15+$0x380]  }
0x3bd: {  	v17 =	vld [tilespmem:s16+$0x380]  }
0x3be: {  	v18 =	vld [tilespmem:s16+$0x390]  }
0x3bf: {  	v19 =	vld [tilespmem:s15+$0x390]  }
0x3c0: {  	v20 =	vld [tilespmem:s15+$0x3A0]  }
0x3c1: {  	v21 =	vld [tilespmem:s16+$0x3A0]  }
0x3c2: {  	v16 =	vmul.f32 v17, v16;
	v17 =	vld [tilespmem:s15+$0x3B0]  }
0x3c3: {  	v22 =	vld [tilespmem:s16+$0x3B0]  }
0x3c4: {  	v18 =	vmul.f32 v18, v19;
	_ =	sdelay $0x1  }
0x3c5: {  	v16 =	vadd.f32 v18, v16;
	v18 =	vmul.f32 v21, v20;
	_ =	sdelay $0x1  }
0x3c6: {  	v16 =	vadd.f32 v18, v16;
	v17 =	vmul.f32 v22, v17;
	_ =	sdelay $0x1  }
0x3c7: {  	v16 =	vadd.f32 v17, v16;
	_ =	sdelay $0x1  }
0x3c8: {  	[tilespmem:$0x100F0] =	vst v16  }
0x3c9: {  	v16 =	vld.idx.msk [tilespmem:v0+s11+$0x0], $0xffff  }
0x3ca: {  	v17 =	vld.idx.msk [tilespmem:v1+s11+$0x0], $0xffff  }
0x3cb: {  	v18 =	vld.idx.msk [tilespmem:v2+s11+$0x0], $0xffff  }
0x3cc: {  	v19 =	vld.idx.msk [tilespmem:v3+s11+$0x0], $0xffff  }
0x3cd: {  	v23 =	vld.idx.msk [tilespmem:v4+s11+$0x0], $0xffff  }
0x3ce: {  	v24 =	vld.idx.msk [tilespmem:v5+s11+$0x0], $0xffff  }
0x3cf: {  	v25 =	vld.idx.msk [tilespmem:v6+s11+$0x0], $0xffff  }
0x3d0: {  	v17 =	vadd.f32 v17, v16;
	v20 =	vld.idx.msk [tilespmem:v7+s11+$0x0], $0xffff  }
0x3d1: {  	v16 =	vld.idx.msk [tilespmem:v8+s11+$0x0], $0xffff  }
0x3d2: {  	v18 =	vadd.f32 v18, v17;
	v21 =	vld.idx.msk [tilespmem:v9+s11+$0x0], $0xffff  }
0x3d3: {  	v17 =	vld.idx.msk [tilespmem:v10+s11+$0x0], $0xffff  }
.Ltmp1:
0x3d4: {  	v19 =	vadd.f32 v19, v18;
	v22 =	vld.idx.msk [tilespmem:v11+s11+$0x0], $0xffff;
	(pc) =	sbr.rel @p0 .LBB2_4-.Ltmp1, $4  }
0x3d5: {  	v18 =	vld.idx.msk [tilespmem:v12+s11+$0x0], $0xffff  }
0x3d6: {  	v26 =	vadd.f32 v23, v19;
	v23 =	vld.idx.msk [tilespmem:v13+s11+$0x0], $0xffff  }
0x3d7: {  	v19 =	vld.idx.msk [tilespmem:v14+s11+$0x0], $0xffff  }
0x3d8: {  	v26 =	vadd.f32 v24, v26;
	v24 =	vld.idx.msk [tilespmem:v15+s11+$0x0], $0xffff  }
0x3d9: {  	_ = 	snop  }
0x3da: {  	v25 =	vadd.f32 v25, v26;
	_ =	sdelay $0x1  }
0x3db: {  	v20 =	vadd.f32 v20, v25;
	_ =	sdelay $0x1  }
0x3dc: {  	v16 =	vadd.f32 v16, v20;
	_ =	sdelay $0x1  }
0x3dd: {  	v16 =	vadd.f32 v21, v16;
	_ =	sdelay $0x1  }
0x3de: {  	v16 =	vadd.f32 v17, v16;
	_ =	sdelay $0x1  }
0x3df: {  	v16 =	vadd.f32 v22, v16;
	_ =	sdelay $0x1  }
0x3e0: {  	v16 =	vadd.f32 v18, v16;
	_ =	sdelay $0x1  }
0x3e1: {  	v16 =	vadd.f32 v23, v16;
	_ =	sdelay $0x1  }
0x3e2: {  	v16 =	vadd.f32 v19, v16;
	_ =	sdelay $0x1  }
0x3e3: {  	v16 =	vadd.f32 v24, v16;
	_ =	sdelay $0x1  }
0x3e4: {  	v16 =	vsub.f32 $0.0e+00, v16;
	_ =	sdelay $0x1  }
0x3e5: {  	v16 =	vmul.f32 $1.442695020e+00, v16;
	_ =	sdelay $0x1  }
0x3e6: {  	(erf) = vpow2.f32 v16;
	_ =	sdelay $0x8  }
0x3e7: {  	v16 =	vpop (erf)  }
0x3e8: {  	v16 =	vadd.f32 $1.000000000e+00, v16;
	_ =	sdelay $0x1  }
0x3e9: {  	(erf) = vrcp.f32 v16;
	_ =	sdelay $0x7  }
0x3ea: {  	s13 =	sadd.s32 $0x1, s13  }
0x3eb: {  	s14 =	sand.u32 $0xF0, s14;
	p0 =	sne.s32 s13, s8;
	v16 =	vpop (erf)  }
.Ltmp2:
0x3ec: {  	[tilespmem:s14+$0x10200] =	vst v16;
	(pc) =	sbr.rel @p0 .LBB2_1-.Ltmp2, $4  }
0x3ed: {  	[hbm4b:s7+s2] =	stream.linear.scatter [tilespmem:s12], [sflag:$0x1], $0x200, $0x38;
	[tilespmem:$0x10300] =	vst v63  }
0x3ee: {  	_ =	swait.ge [sflag:s9], $0x200  }
0x3ef: {  	[sflag:s9] =	ssyncset.done $0x0  }
0x3f0: {  	[sflag:s9] =	ssyncadd.s32 $0xFFFFFE00  }
0x3f1: {  	_ =	sfence.sel $0x180000  }
0x3f2: {  	[bflag:$0x0] =	sbarrier.arrive $0xFFFF  }
0x3f3: {  	p0 =	sne.s32 s1, $0x0;
	_ =	strace $0x9000004A  }
0x3f4: {  	s0 =	sadd.s32 @!p0 $0x100000, s0;
	[bflag:$0x2] =	sbarrier.arrive $0xFFFF  }
0x3f5: {  	[sflag:s0] =	ssyncadd.tile.s32 @!p0 $0x1;
	_ =	shalt  }
.Lfunc_end2:
_tile_overlayer_lowered:
.L_overlay_start_2:
0x3f6: {  	(tag) =	ssettag $0x2  }
0x3f7: {  	s0 =	rddreg [dreg:$0x0];
	s2 =	stileid.u32  }
0x3f8: {  	s1 =	rddreg [dreg:$0x1];
	p0 =	sne.s32 s2, $0x0  }
0x3f9: {  	s3 =	rddreg [dreg:$0x2];
	[bflag:$0x3] =	sbarrier.arrive $0xFFFF;
	s2 =	simm.s32 @!p0 $0x1C01  }
0x3fa: {  	[timem:s3], [sflag:s2] =	dma.local @!p0 [hbm:s0], s1  }
0x3fb: {  	s0 =	simm.s32 @!p0 $0x1  }
0x3fc: {  	_ =	swait.ge @!p0 [sflag:s0], s1  }
0x3fd: {  	s1 =	ssub.s32 @!p0 $0x0, s1;
	[sflag:s0] =	ssyncset.done @!p0 $0x0  }
0x3fe: {  	[sflag:s0] =	ssyncadd.s32 @!p0 s1  }
0x3ff: {  	[bflag:$0x3] =	sbarrier.arrive $0xFFFF  }
0x400: {  	_ =	shalt  }

</sc_bundles>
